<compile_context>
chip_gen: v7x
topology: tpu7x:2x2x1
jax: 0.10.2.dev20260603
libtpu: 0.0.44.dev20260713+nightly
codegen_flags: <defaults>
</compile_context>

<pallas_src>
import functools

import jax
import jax.numpy as jnp
from jax import lax
from jax.experimental import pallas as pl
from jax.experimental.pallas import tpu as pltpu
from jax.experimental.pallas import tpu_sc as plsc

N = 10000
D = 128
E = 320000

NW = 32
NB = 320
NPAD = NW * NB
C = 12800
NCH = E // C
NPAIR = NCH // 2
NG = C // 16
G = 128

_MESH = plsc.VectorSubcoreMesh(
    core_axis_name="c", subcore_axis_name="s", num_cores=2, num_subcores=16)


def _seg_max_body(h_hbm, src_hbm, dst_hbm, out_hbm,
                  dstv, srcv, sbuf, dbuf, rows0, acc, sd0, sd1, sg0):
    w = lax.axis_index("s") * 2 + lax.axis_index("c")
    lo = w * NB
    hi = jnp.minimum(lo + NB, N)

    def init_acc(i, _):
        row = acc.at[i]
        for r in range(D // 16):
            row[pl.ds(r * 16, 16)] = jnp.full((16,), -jnp.inf, jnp.float32)
        return 0
    lax.fori_loop(0, NB, init_acc, 0)

    def init_b(i, _):
        sbuf[pl.ds(i * 16, 16)] = jnp.zeros((16,), jnp.int32)
        return 0
    lax.fori_loop(0, (C + 16) // 16, init_b, 0)

    def fire(cbase, boff, sem):
        pltpu.async_copy(dst_hbm.at[pl.ds(cbase, C)],
                         dstv.at[pl.ds(boff, C)], sem)
        pltpu.async_copy(src_hbm.at[pl.ds(cbase, C)],
                         srcv.at[pl.ds(boff, C)], sem)

    def wait(cbase, boff, sem):
        pltpu.make_async_copy(dst_hbm.at[pl.ds(cbase, C)],
                              dstv.at[pl.ds(boff, C)], sem).wait()
        pltpu.make_async_copy(src_hbm.at[pl.ds(cbase, C)],
                              srcv.at[pl.ds(boff, C)], sem).wait()

    def scan_process(boff):
        def scan_g(g, off):
            d = dstv[pl.ds(boff + g * 16, 16)]
            s = srcv[pl.ds(boff + g * 16, 16)]
            m = (d >= lo) & (d < hi)
            pos = off + plsc.cumsum(m.astype(jnp.int32)) - 1
            plsc.store_scatter(sbuf, [pos], s, mask=m)
            plsc.store_scatter(dbuf, [pos], d - lo, mask=m)
            return off + plsc.all_reduce_population_count(m)[0]
        total = lax.fori_loop(0, NG, scan_g, jnp.int32(0))

        nsb = (total + (2 * G - 1)) // (2 * G)

        def blk(b, _):
            bbase = b * 2 * G
            pltpu.async_copy(h_hbm.at[sbuf.at[pl.ds(bbase, G)]],
                             rows0.at[pl.ds(0, G)], sg0)
            pltpu.async_copy(h_hbm.at[sbuf.at[pl.ds(bbase + G, G)]],
                             rows0.at[pl.ds(G, G)], sg0)
            pltpu.make_async_copy(h_hbm.at[sbuf.at[pl.ds(bbase, G)]],
                                  rows0.at[pl.ds(0, G)], sg0).wait()
            pltpu.make_async_copy(h_hbm.at[sbuf.at[pl.ds(bbase + G, G)]],
                                  rows0.at[pl.ds(G, G)], sg0).wait()

            def edge(e, _):
                rel = e - bbase
                ldst = dbuf[pl.ds(e, 16)][0]
                arow = acc.at[ldst]
                rrow = rows0.at[rel]
                for r in range(D // 16):
                    a = arow[pl.ds(r * 16, 16)]
                    v = rrow[pl.ds(r * 16, 16)]
                    arow[pl.ds(r * 16, 16)] = jnp.maximum(a, v)
                return 0
            lax.fori_loop(bbase, jnp.minimum(total, bbase + 2 * G), edge, 0)
            return 0
        lax.fori_loop(0, nsb, blk, 0)

    def chunk(c, _):
        fire(c * C, 0, sd0)
        wait(c * C, 0, sd0)
        scan_process(0)
        return 0
    lax.fori_loop(0, NCH, chunk, 0)

    pltpu.sync_copy(acc, out_hbm.at[pl.ds(lo, NB)])


@functools.partial(
    pl.kernel,
    out_type=jax.ShapeDtypeStruct((NPAD, D), jnp.float32),
    mesh=_MESH,
    compiler_params=pltpu.CompilerParams(needs_layout_passes=False),
    scratch_types=[
        pltpu.VMEM((C,), jnp.int32),
        pltpu.VMEM((C,), jnp.int32),
        pltpu.VMEM((C + 16,), jnp.int32),
        pltpu.VMEM((C + 16,), jnp.int32),
        pltpu.VMEM((2 * G, D), jnp.float32),
        pltpu.VMEM((NB, D), jnp.float32),
        pltpu.SemaphoreType.DMA,
        pltpu.SemaphoreType.DMA,
        pltpu.SemaphoreType.DMA,
    ],
)
def _seg_max(h_hbm, src_hbm, dst_hbm, out_hbm,
             dstv, srcv, sbuf, dbuf, rows0, acc, sd0, sd1, sg0):
    _seg_max_body(h_hbm, src_hbm, dst_hbm, out_hbm,
                  dstv, srcv, sbuf, dbuf, rows0, acc, sd0, sd1, sg0)


BR = 2000


def _tc_layer_kernel(h_ref, a_ref, wl_ref, bl_ref, wr_ref, o_ref):
    a = a_ref[...]
    a = jnp.where(jnp.isfinite(a), a, 0.0)
    o = jnp.dot(a, wl_ref[...], preferred_element_type=jnp.float32)
    o = o + jnp.dot(h_ref[...], wr_ref[...], preferred_element_type=jnp.float32)
    o = o + bl_ref[...]
    o_ref[...] = jnp.maximum(o, 0.0)


def _tc_layer(h, aggp, wlt, bl, wrt):
    return pl.pallas_call(
        _tc_layer_kernel,
        grid=(N // BR,),
        in_specs=[
            pl.BlockSpec((BR, D), lambda i: (i, 0)),
            pl.BlockSpec((BR, D), lambda i: (i, 0)),
            pl.BlockSpec((D, D), lambda i: (0, 0)),
            pl.BlockSpec((1, D), lambda i: (0, 0)),
            pl.BlockSpec((D, D), lambda i: (0, 0)),
        ],
        out_specs=pl.BlockSpec((BR, D), lambda i: (i, 0)),
        out_shape=jax.ShapeDtypeStruct((N, D), jnp.float32),
    )(h, aggp, wlt, bl, wrt)


def _tc_final_kernel(h_ref, wt_ref, b_ref, q_ref, o_ref):
    g = jnp.dot(h_ref[...], wt_ref[...], preferred_element_type=jnp.float32)
    g = g + b_ref[...]
    q = q_ref[...]
    qn = jnp.sqrt(jnp.sum(q * q))
    nrm = jnp.sqrt(jnp.sum(g * g, axis=1, keepdims=True))
    s = jnp.dot(g, q.T, preferred_element_type=jnp.float32)
    o_ref[...] = s / (jnp.maximum(nrm, 1e-12) * jnp.maximum(qn, 1e-12))


def _tc_final(h, wlint, blin, q):
    return pl.pallas_call(
        _tc_final_kernel,
        grid=(N // BR,),
        in_specs=[
            pl.BlockSpec((BR, D), lambda i: (i, 0)),
            pl.BlockSpec((D, D), lambda i: (0, 0)),
            pl.BlockSpec((1, D), lambda i: (0, 0)),
            pl.BlockSpec((1, D), lambda i: (0, 0)),
        ],
        out_specs=pl.BlockSpec((BR, 1), lambda i: (i, 0)),
        out_shape=jax.ShapeDtypeStruct((N, 1), jnp.float32),
    )(h, wlint, blin, q)


def kernel(x, edge_index, query,
           W_l0, b_l0, W_r0, W_l1, b_l1, W_r1, W_l2, b_l2, W_r2,
           W_lin, b_lin):
    src = edge_index[0].astype(jnp.int32)
    dst = edge_index[1].astype(jnp.int32)
    params = [(W_l0, b_l0, W_r0), (W_l1, b_l1, W_r1), (W_l2, b_l2, W_r2)]
    h = x
    for (wl, bl, wr) in params:
        aggp = _seg_max(h, src, dst)
        h = _tc_layer(h, aggp[:N], wl.T, bl.reshape(1, D), wr.T)
    scores = _tc_final(h, W_lin.T, b_lin.reshape(1, D), query.reshape(1, D))
    return scores[:, 0]

# --- scband reference (transcript-rebuilt; emitter-appended) ---
"""Pipeline reference for scband-sagereranker-14405320311458 (READ-ONLY COPY).

The authoritative reference and input builder live on the scoring server;
editing this copy changes nothing except your own understanding.
"""

import jax, jax.numpy as jnp
import numpy as np

N = 10000
E = 320000
D = 128
L = 3

def setup_inputs(seed: int = 0) -> dict:
    key = jax.random.key(seed)
    ks = jax.random.split(key, 20)
    inp = {}
    inp['x'] = jax.random.normal(ks[0], (N, D), dtype=jnp.float32)
    inp['edge_index'] = jax.random.randint(ks[1], (2, E), 0, N, dtype=jnp.int64)
    inp['query'] = jax.random.normal(ks[2], (D,), dtype=jnp.float32)
    # SAGEConv params per layer: lin_l (aggregated neighbors, with bias), lin_r (root, no bias)
    scale = 1.0 / np.sqrt(D)
    for i in range(L):
        inp[f'W_l{i}'] = jax.random.normal(ks[3 + 3 * i], (D, D), dtype=jnp.float32) * scale
        inp[f'b_l{i}'] = jnp.zeros((D,), dtype=jnp.float32)
        inp[f'W_r{i}'] = jax.random.normal(ks[4 + 3 * i], (D, D), dtype=jnp.float32) * scale
    inp['W_lin'] = jax.random.normal(ks[15], (D, D), dtype=jnp.float32) * scale
    inp['b_lin'] = jnp.zeros((D,), dtype=jnp.float32)
    return inp

def _sage_conv_max(x, src, dst, W_l, b_l, W_r):
    msgs = jnp.take(x, src, axis=0)
    agg = jax.ops.segment_max(msgs, dst, num_segments=x.shape[0])
    agg = jnp.where(jnp.isfinite(agg), agg, 0.0)
    return agg @ W_l.T + b_l + x @ W_r.T

def reference(x, edge_index, query, W_l0, b_l0, W_r0, W_l1, b_l1, W_r1, W_l2, b_l2, W_r2, W_lin, b_lin):
    src = edge_index[0]
    dst = edge_index[1]
    h = x
    params = [(W_l0, b_l0, W_r0), (W_l1, b_l1, W_r1), (W_l2, b_l2, W_r2)]
    for (Wl, bl, Wr) in params:
        h = _sage_conv_max(h, src, dst, Wl, bl, Wr)
        h = jax.nn.relu(h)
    h = h @ W_lin.T + b_lin
    # RerankingDecoder cosine scoring
    hn = h / jnp.maximum(jnp.linalg.norm(h, axis=1, keepdims=True), 1e-12)
    qn = query / jnp.maximum(jnp.linalg.norm(query), 1e-12)
    scores = hn @ qn
    return scores

if __name__ == "__main__":
    import jax
    _d = setup_inputs()
    print(jax.jit(kernel)(*tuple(_d.values())))

</pallas_src>

<mosaic_0001>
#map = affine_map<(d0, d1) -> (0, 0)>
#map1 = affine_map<(d0, d1) -> (0)>
module attributes {stable_mosaic.version = 14 : i64} {
  func.func @_seg_max(%arg0: i32, %arg1: i32, %arg2: memref<10000x128xf32, #tpu.memory_space<hbm>>, %arg3: memref<320000xi32, #tpu.memory_space<hbm>>, %arg4: memref<320000xi32, #tpu.memory_space<hbm>>, %arg5: memref<10240x128xf32, #tpu.memory_space<hbm>>, %arg6: memref<12800xi32, #tpu.memory_space<vmem>>, %arg7: memref<12800xi32, #tpu.memory_space<vmem>>, %arg8: memref<12816xi32, #tpu.memory_space<vmem>>, %arg9: memref<12816xi32, #tpu.memory_space<vmem>>, %arg10: memref<256x128xf32, #tpu.memory_space<vmem>>, %arg11: memref<320x128xf32, #tpu.memory_space<vmem>>, %arg12: memref<!tpu.dma_semaphore, #tpu.memory_space<semaphore_mem>>, %arg13: memref<!tpu.dma_semaphore, #tpu.memory_space<semaphore_mem>>, %arg14: memref<!tpu.dma_semaphore, #tpu.memory_space<semaphore_mem>>) attributes {dimension_semantics = [#tpu.dimension_semantics<core_parallel>, #tpu.dimension_semantics<subcore_parallel>], iteration_bounds = array<i64: 2, 16>, scalar_prefetch = 0 : i64, scratch_operands = 9 : i64, tpu.core_type = #tpu.core_type<sc_vector_subcore>, window_params = [{transform_indices = #map}, {transform_indices = #map1}, {transform_indices = #map1}, {transform_indices = #map}]} {
    %mul3A = arith.constant 2 : i32
    %mul3A_0 = arith.muli %arg1, %mul3A : i32
    %add3A = arith.addi %mul3A_0, %arg0 : i32
    %mul3A_1 = arith.constant 320 : i32
    %mul3A_2 = arith.muli %add3A, %mul3A_1 : i32
    %add3A_3 = arith.constant 320 : i32
    %add3A_4 = arith.addi %mul3A_2, %add3A_3 : i32
    %min3A = arith.constant 10000 : i32
    %min3A_5 = arith.minsi %add3A_4, %min3A : i32
    %scan3A = arith.constant 0 : i32
    %scan3A_6 = arith.constant 0 : i32
    %scan3A_7 = arith.constant 320 : i32
    %scan3A_8 = arith.addi %scan3A_6, %scan3A_7 : i32
    %scan3A_9 = arith.constant 1 : i32
    %scan3A_10 = scf.for %scan3A_26 = %scan3A_6 to %scan3A_8 step %scan3A_9 iter_args(%scan3A_27 = %scan3A) -> (i32)  : i32 {
      %broadcast_in_dim3A = arith.constant 0xFF800000 : f32
      %broadcast_in_dim3A_28 = vector.broadcast %broadcast_in_dim3A : f32 to vector<16xf32>
      %swap3A = arith.constant 0 : i32
      %swap3A_29 = tpu.memref_slice %arg11[%scan3A_26, %swap3A] : memref<320x128xf32, #tpu.memory_space<vmem>> -> memref<1x128xf32, #tpu.memory_space<vmem>>
      %swap3A_30 = tpu.memref_squeeze %swap3A_29 : memref<1x128xf32, #tpu.memory_space<vmem>> -> memref<128xf32, #tpu.memory_space<vmem>>
      %swap3A_31 = arith.constant 0 : index
      %swap3A_32 = tpu.vector_load %swap3A_30[%swap3A_31] {strides = array<i32>} : memref<128xf32, #tpu.memory_space<vmem>>, vector<16xf32>,
      tpu.vector_store %swap3A_30[%swap3A_31], %broadcast_in_dim3A_28 {strides = array<i32>} : memref<128xf32, #tpu.memory_space<vmem>>, vector<16xf32>,
      %broadcast_in_dim3A_33 = arith.constant 0xFF800000 : f32
      %broadcast_in_dim3A_34 = vector.broadcast %broadcast_in_dim3A_33 : f32 to vector<16xf32>
      %swap3A_35 = arith.constant 0 : i32
      %swap3A_36 = tpu.memref_slice %arg11[%scan3A_26, %swap3A_35] : memref<320x128xf32, #tpu.memory_space<vmem>> -> memref<1x128xf32, #tpu.memory_space<vmem>>
      %swap3A_37 = tpu.memref_squeeze %swap3A_36 : memref<1x128xf32, #tpu.memory_space<vmem>> -> memref<128xf32, #tpu.memory_space<vmem>>
      %swap3A_38 = arith.constant 16 : index
      %swap3A_39 = tpu.vector_load %swap3A_37[%swap3A_38] {strides = array<i32>} : memref<128xf32, #tpu.memory_space<vmem>>, vector<16xf32>,
      tpu.vector_store %swap3A_37[%swap3A_38], %broadcast_in_dim3A_34 {strides = array<i32>} : memref<128xf32, #tpu.memory_space<vmem>>, vector<16xf32>,
      %broadcast_in_dim3A_40 = arith.constant 0xFF800000 : f32
      %broadcast_in_dim3A_41 = vector.broadcast %broadcast_in_dim3A_40 : f32 to vector<16xf32>
      %swap3A_42 = arith.constant 0 : i32
      %swap3A_43 = tpu.memref_slice %arg11[%scan3A_26, %swap3A_42] : memref<320x128xf32, #tpu.memory_space<vmem>> -> memref<1x128xf32, #tpu.memory_space<vmem>>
      %swap3A_44 = tpu.memref_squeeze %swap3A_43 : memref<1x128xf32, #tpu.memory_space<vmem>> -> memref<128xf32, #tpu.memory_space<vmem>>
      %swap3A_45 = arith.constant 32 : index
      %swap3A_46 = tpu.vector_load %swap3A_44[%swap3A_45] {strides = array<i32>} : memref<128xf32, #tpu.memory_space<vmem>>, vector<16xf32>,
      tpu.vector_store %swap3A_44[%swap3A_45], %broadcast_in_dim3A_41 {strides = array<i32>} : memref<128xf32, #tpu.memory_space<vmem>>, vector<16xf32>,
      %broadcast_in_dim3A_47 = arith.constant 0xFF800000 : f32
      %broadcast_in_dim3A_48 = vector.broadcast %broadcast_in_dim3A_47 : f32 to vector<16xf32>
      %swap3A_49 = arith.constant 0 : i32
      %swap3A_50 = tpu.memref_slice %arg11[%scan3A_26, %swap3A_49] : memref<320x128xf32, #tpu.memory_space<vmem>> -> memref<1x128xf32, #tpu.memory_space<vmem>>
      %swap3A_51 = tpu.memref_squeeze %swap3A_50 : memref<1x128xf32, #tpu.memory_space<vmem>> -> memref<128xf32, #tpu.memory_space<vmem>>
      %swap3A_52 = arith.constant 48 : index
      %swap3A_53 = tpu.vector_load %swap3A_51[%swap3A_52] {strides = array<i32>} : memref<128xf32, #tpu.memory_space<vmem>>, vector<16xf32>,
      tpu.vector_store %swap3A_51[%swap3A_52], %broadcast_in_dim3A_48 {strides = array<i32>} : memref<128xf32, #tpu.memory_space<vmem>>, vector<16xf32>,
      %broadcast_in_dim3A_54 = arith.constant 0xFF800000 : f32
      %broadcast_in_dim3A_55 = vector.broadcast %broadcast_in_dim3A_54 : f32 to vector<16xf32>
      %swap3A_56 = arith.constant 0 : i32
      %swap3A_57 = tpu.memref_slice %arg11[%scan3A_26, %swap3A_56] : memref<320x128xf32, #tpu.memory_space<vmem>> -> memref<1x128xf32, #tpu.memory_space<vmem>>
      %swap3A_58 = tpu.memref_squeeze %swap3A_57 : memref<1x128xf32, #tpu.memory_space<vmem>> -> memref<128xf32, #tpu.memory_space<vmem>>
      %swap3A_59 = arith.constant 64 : index
      %swap3A_60 = tpu.vector_load %swap3A_58[%swap3A_59] {strides = array<i32>} : memref<128xf32, #tpu.memory_space<vmem>>, vector<16xf32>,
      tpu.vector_store %swap3A_58[%swap3A_59], %broadcast_in_dim3A_55 {strides = array<i32>} : memref<128xf32, #tpu.memory_space<vmem>>, vector<16xf32>,
      %broadcast_in_dim3A_61 = arith.constant 0xFF800000 : f32
      %broadcast_in_dim3A_62 = vector.broadcast %broadcast_in_dim3A_61 : f32 to vector<16xf32>
      %swap3A_63 = arith.constant 0 : i32
      %swap3A_64 = tpu.memref_slice %arg11[%scan3A_26, %swap3A_63] : memref<320x128xf32, #tpu.memory_space<vmem>> -> memref<1x128xf32, #tpu.memory_space<vmem>>
      %swap3A_65 = tpu.memref_squeeze %swap3A_64 : memref<1x128xf32, #tpu.memory_space<vmem>> -> memref<128xf32, #tpu.memory_space<vmem>>
      %swap3A_66 = arith.constant 80 : index
      %swap3A_67 = tpu.vector_load %swap3A_65[%swap3A_66] {strides = array<i32>} : memref<128xf32, #tpu.memory_space<vmem>>, vector<16xf32>,
      tpu.vector_store %swap3A_65[%swap3A_66], %broadcast_in_dim3A_62 {strides = array<i32>} : memref<128xf32, #tpu.memory_space<vmem>>, vector<16xf32>,
      %broadcast_in_dim3A_68 = arith.constant 0xFF800000 : f32
      %broadcast_in_dim3A_69 = vector.broadcast %broadcast_in_dim3A_68 : f32 to vector<16xf32>
      %swap3A_70 = arith.constant 0 : i32
      %swap3A_71 = tpu.memref_slice %arg11[%scan3A_26, %swap3A_70] : memref<320x128xf32, #tpu.memory_space<vmem>> -> memref<1x128xf32, #tpu.memory_space<vmem>>
      %swap3A_72 = tpu.memref_squeeze %swap3A_71 : memref<1x128xf32, #tpu.memory_space<vmem>> -> memref<128xf32, #tpu.memory_space<vmem>>
      %swap3A_73 = arith.constant 96 : index
      %swap3A_74 = tpu.vector_load %swap3A_72[%swap3A_73] {strides = array<i32>} : memref<128xf32, #tpu.memory_space<vmem>>, vector<16xf32>,
      tpu.vector_store %swap3A_72[%swap3A_73], %broadcast_in_dim3A_69 {strides = array<i32>} : memref<128xf32, #tpu.memory_space<vmem>>, vector<16xf32>,
      %broadcast_in_dim3A_75 = arith.constant 0xFF800000 : f32
      %broadcast_in_dim3A_76 = vector.broadcast %broadcast_in_dim3A_75 : f32 to vector<16xf32>
      %swap3A_77 = arith.constant 0 : i32
      %swap3A_78 = tpu.memref_slice %arg11[%scan3A_26, %swap3A_77] : memref<320x128xf32, #tpu.memory_space<vmem>> -> memref<1x128xf32, #tpu.memory_space<vmem>>
      %swap3A_79 = tpu.memref_squeeze %swap3A_78 : memref<1x128xf32, #tpu.memory_space<vmem>> -> memref<128xf32, #tpu.memory_space<vmem>>
      %swap3A_80 = arith.constant 112 : index
      %swap3A_81 = tpu.vector_load %swap3A_79[%swap3A_80] {strides = array<i32>} : memref<128xf32, #tpu.memory_space<vmem>>, vector<16xf32>,
      tpu.vector_store %swap3A_79[%swap3A_80], %broadcast_in_dim3A_76 {strides = array<i32>} : memref<128xf32, #tpu.memory_space<vmem>>, vector<16xf32>,
      %scan3A_82 = arith.constant 0 : i32
      scf.yield %scan3A_82 : i32
    }
    %scan3A_11 = arith.constant 320 : i32
    %scan3A_12 = arith.constant 0 : i32
    %scan3A_13 = arith.constant 0 : i32
    %scan3A_14 = arith.constant 801 : i32
    %scan3A_15 = arith.addi %scan3A_13, %scan3A_14 : i32
    %scan3A_16 = arith.constant 1 : i32
    %scan3A_17 = scf.for %scan3A_26 = %scan3A_13 to %scan3A_15 step %scan3A_16 iter_args(%scan3A_27 = %scan3A_12) -> (i32)  : i32 {
      %broadcast_in_dim3A = arith.constant 0 : i32
      %broadcast_in_dim3A_28 = vector.broadcast %broadcast_in_dim3A : i32 to vector<16xi32>
      %mul3A_29 = arith.constant 16 : i32
      %mul3A_30 = arith.muli %scan3A_26, %mul3A_29 : i32
      %swap3A = arith.index_cast %mul3A_30 : i32 to index
      %swap3A_31 = tpu.vector_load %arg8[%swap3A] {strides = array<i32>} : memref<12816xi32, #tpu.memory_space<vmem>>, vector<16xi32>,
      tpu.vector_store %arg8[%swap3A], %broadcast_in_dim3A_28 {strides = array<i32>} : memref<12816xi32, #tpu.memory_space<vmem>>, vector<16xi32>,
      %scan3A_32 = arith.constant 0 : i32
      scf.yield %scan3A_32 : i32
    }
    %scan3A_18 = arith.constant 801 : i32
    %scan3A_19 = arith.constant 0 : i32
    %scan3A_20 = arith.constant 0 : i32
    %scan3A_21 = arith.constant 25 : i32
    %scan3A_22 = arith.addi %scan3A_20, %scan3A_21 : i32
    %scan3A_23 = arith.constant 1 : i32
    %scan3A_24 = scf.for %scan3A_26 = %scan3A_20 to %scan3A_22 step %scan3A_23 iter_args(%scan3A_27 = %scan3A_19) -> (i32)  : i32 {
      %mul3A_28 = arith.constant 12800 : i32
      %mul3A_29 = arith.muli %scan3A_26, %mul3A_28 : i32
      %dma_start3A = arith.constant 0 : i32
      %dma_start3A_30 = tpu.memref_slice %arg6[%dma_start3A] : memref<12800xi32, #tpu.memory_space<vmem>> -> memref<12800xi32, #tpu.memory_space<vmem>>
      %dma_start3A_31 = tpu.memref_slice %arg4[%mul3A_29] : memref<320000xi32, #tpu.memory_space<hbm>> -> memref<12800xi32, #tpu.memory_space<hbm>>
      %dma_start3A_32 = arith.constant 0 : i32
      %dma_start3A_33 = tpu.memref_slice %arg6[%dma_start3A_32] : memref<12800xi32, #tpu.memory_space<vmem>> -> memref<12800xi32, #tpu.memory_space<vmem>>
      %dma_start3A_34 = tpu.memref_slice %arg4[%mul3A_29] : memref<320000xi32, #tpu.memory_space<hbm>> -> memref<12800xi32, #tpu.memory_space<hbm>>
      tpu.enqueue_dma source(%dma_start3A_34 : memref<12800xi32, #tpu.memory_space<hbm>>) target(%dma_start3A_33 : memref<12800xi32, #tpu.memory_space<vmem>>) target_semaphore(%arg12 : memref<!tpu.dma_semaphore, #tpu.memory_space<semaphore_mem>>)
      %dma_start3A_35 = arith.constant 0 : i32
      %dma_start3A_36 = tpu.memref_slice %arg7[%dma_start3A_35] : memref<12800xi32, #tpu.memory_space<vmem>> -> memref<12800xi32, #tpu.memory_space<vmem>>
      %dma_start3A_37 = tpu.memref_slice %arg3[%mul3A_29] : memref<320000xi32, #tpu.memory_space<hbm>> -> memref<12800xi32, #tpu.memory_space<hbm>>
      %dma_start3A_38 = arith.constant 0 : i32
      %dma_start3A_39 = tpu.memref_slice %arg7[%dma_start3A_38] : memref<12800xi32, #tpu.memory_space<vmem>> -> memref<12800xi32, #tpu.memory_space<vmem>>
      %dma_start3A_40 = tpu.memref_slice %arg3[%mul3A_29] : memref<320000xi32, #tpu.memory_space<hbm>> -> memref<12800xi32, #tpu.memory_space<hbm>>
      tpu.enqueue_dma source(%dma_start3A_40 : memref<12800xi32, #tpu.memory_space<hbm>>) target(%dma_start3A_39 : memref<12800xi32, #tpu.memory_space<vmem>>) target_semaphore(%arg12 : memref<!tpu.dma_semaphore, #tpu.memory_space<semaphore_mem>>)
      %mul3A_41 = arith.constant 12800 : i32
      %mul3A_42 = arith.muli %scan3A_26, %mul3A_41 : i32
      %dma_wait3A = arith.constant 0 : i32
      %dma_wait3A_43 = tpu.memref_slice %arg6[%dma_wait3A] : memref<12800xi32, #tpu.memory_space<vmem>> -> memref<12800xi32, #tpu.memory_space<vmem>>
      %dma_wait3A_44 = tpu.memref_slice %arg4[%mul3A_42] : memref<320000xi32, #tpu.memory_space<hbm>> -> memref<12800xi32, #tpu.memory_space<hbm>>
      %dma_wait3A_45 = arith.constant 0 : i32
      %dma_wait3A_46 = tpu.memref_slice %arg6[%dma_wait3A_45] : memref<12800xi32, #tpu.memory_space<vmem>> -> memref<12800xi32, #tpu.memory_space<vmem>>
      %dma_wait3A_47 = tpu.memref_slice %arg4[%mul3A_42] : memref<320000xi32, #tpu.memory_space<hbm>> -> memref<12800xi32, #tpu.memory_space<hbm>>
      tpu.wait_dma2 semaphore(%arg12 : memref<!tpu.dma_semaphore, #tpu.memory_space<semaphore_mem>>) src(%dma_wait3A_47 : memref<12800xi32, #tpu.memory_space<hbm>>) dst(%dma_wait3A_46 : memref<12800xi32, #tpu.memory_space<vmem>>)
      %dma_wait3A_48 = arith.constant 0 : i32
      %dma_wait3A_49 = tpu.memref_slice %arg7[%dma_wait3A_48] : memref<12800xi32, #tpu.memory_space<vmem>> -> memref<12800xi32, #tpu.memory_space<vmem>>
      %dma_wait3A_50 = tpu.memref_slice %arg3[%mul3A_42] : memref<320000xi32, #tpu.memory_space<hbm>> -> memref<12800xi32, #tpu.memory_space<hbm>>
      %dma_wait3A_51 = arith.constant 0 : i32
      %dma_wait3A_52 = tpu.memref_slice %arg7[%dma_wait3A_51] : memref<12800xi32, #tpu.memory_space<vmem>> -> memref<12800xi32, #tpu.memory_space<vmem>>
      %dma_wait3A_53 = tpu.memref_slice %arg3[%mul3A_42] : memref<320000xi32, #tpu.memory_space<hbm>> -> memref<12800xi32, #tpu.memory_space<hbm>>
      tpu.wait_dma2 semaphore(%arg12 : memref<!tpu.dma_semaphore, #tpu.memory_space<semaphore_mem>>) src(%dma_wait3A_53 : memref<12800xi32, #tpu.memory_space<hbm>>) dst(%dma_wait3A_52 : memref<12800xi32, #tpu.memory_space<vmem>>)
      %scan3A_54 = arith.constant 0 : i32
      %scan3A_55 = arith.constant 0 : i32
      %scan3A_56 = arith.constant 800 : i32
      %scan3A_57 = arith.addi %scan3A_55, %scan3A_56 : i32
      %scan3A_58 = arith.constant 1 : i32
      %scan3A_59 = scf.for %scan3A_91 = %scan3A_55 to %scan3A_57 step %scan3A_58 iter_args(%scan3A_92 = %scan3A_54) -> (i32)  : i32 {
        %mul3A_93 = arith.constant 16 : i32
        %mul3A_94 = arith.muli %scan3A_91, %mul3A_93 : i32
        %add3A_95 = arith.constant 0 : i32
        %add3A_96 = arith.addi %add3A_95, %mul3A_94 : i32
        %get3A = arith.index_cast %add3A_96 : i32 to index
        %get3A_97 = tpu.vector_load %arg6[%get3A] {strides = array<i32>} : memref<12800xi32, #tpu.memory_space<vmem>>, vector<16xi32>,
        %mul3A_98 = arith.constant 16 : i32
        %mul3A_99 = arith.muli %scan3A_91, %mul3A_98 : i32
        %add3A_100 = arith.constant 0 : i32
        %add3A_101 = arith.addi %add3A_100, %mul3A_99 : i32
        %get3A_102 = arith.index_cast %add3A_101 : i32 to index
        %get3A_103 = tpu.vector_load %arg7[%get3A_102] {strides = array<i32>} : memref<12800xi32, #tpu.memory_space<vmem>>, vector<16xi32>,
        %ge3A = vector.broadcast %mul3A_2 : i32 to vector<16xi32>
        %ge3A_104 = arith.cmpi sge, %get3A_97, %ge3A : vector<16xi32>
        %lt3A = vector.broadcast %min3A_5 : i32 to vector<16xi32>
        %lt3A_105 = arith.cmpi slt, %get3A_97, %lt3A : vector<16xi32>
        %and3A_106 = arith.andi %ge3A_104, %lt3A_105 : vector<16xi1>
        %convert_element_type3A = arith.extui %and3A_106 : vector<16xi1> to vector<16xi32>
        %broadcast_in_dim3A = arith.constant true
        %broadcast_in_dim3A_107 = vector.broadcast %broadcast_in_dim3A : i1 to vector<16xi1>
        %masked_cumsum3A = tpu.scan <sum>, %convert_element_type3A masked %broadcast_in_dim3A_107 : vector<16xi32>, vector<16xi1> -> vector<16xi32>
        %add3A_108 = vector.broadcast %scan3A_92 : i32 to vector<16xi32>
        %add3A_109 = arith.addi %add3A_108, %masked_cumsum3A : vector<16xi32>
        %sub3A_110 = arith.constant 1 : i32
        %sub3A_111 = vector.broadcast %sub3A_110 : i32 to vector<16xi32>
        %sub3A_112 = arith.subi %add3A_109, %sub3A_111 : vector<16xi32>
        tpu.vector_store_idx %arg8[%sub3A_112], %get3A_103 masked %and3A_106 : memref<12816xi32, #tpu.memory_space<vmem>>[vector<16xi32>], vector<16xi32>, vector<16xi1>
        %sub3A_113 = vector.broadcast %mul3A_2 : i32 to vector<16xi32>
        %sub3A_114 = arith.subi %get3A_97, %sub3A_113 : vector<16xi32>
        tpu.vector_store_idx %arg9[%sub3A_112], %sub3A_114 masked %and3A_106 : memref<12816xi32, #tpu.memory_space<vmem>>[vector<16xi32>], vector<16xi32>, vector<16xi1>
        %all_reduce_population_count3A = tpu.all_reduce %and3A_106 {dim = 0 : i64, kind = #tpu.reduction_kind<sum>} : vector<16xi1> -> vector<16xi32>
        %slice3A = vector.extract_strided_slice %all_reduce_population_count3A {offsets = [0], sizes = [1], strides = [1]} : vector<16xi32> to vector<1xi32>
        %squeeze3A = vector.extract %slice3A[0] : i32 from vector<1xi32>
        %add3A_115 = arith.addi %scan3A_92, %squeeze3A : i32
        scf.yield %add3A_115 : i32
      }
      %scan3A_60 = arith.constant 800 : i32
      %add3A_61 = arith.constant 255 : i32
      %add3A_62 = arith.addi %scan3A_59, %add3A_61 : i32
      %jit3A = arith.constant 256 : i32
      %div3A = arith.divsi %add3A_62, %jit3A : i32
      %sign3A = arith.constant 0 : i32
      %sign3A_63 = arith.cmpi sgt, %add3A_62, %sign3A : i32
      %sign3A_64 = arith.extui %sign3A_63 : i1 to i32
      %sign3A_65 = arith.constant 0 : i32
      %sign3A_66 = arith.cmpi slt, %add3A_62, %sign3A_65 : i32
      %sign3A_67 = arith.extui %sign3A_66 : i1 to i32
      %sign3A_68 = arith.subi %sign3A_64, %sign3A_67 : i32
      %sign3A_69 = arith.constant 0 : i32
      %sign3A_70 = arith.cmpi sgt, %jit3A, %sign3A_69 : i32
      %sign3A_71 = arith.extui %sign3A_70 : i1 to i32
      %sign3A_72 = arith.constant 0 : i32
      %sign3A_73 = arith.cmpi slt, %jit3A, %sign3A_72 : i32
      %sign3A_74 = arith.extui %sign3A_73 : i1 to i32
      %sign3A_75 = arith.subi %sign3A_71, %sign3A_74 : i32
      %ne3A = arith.cmpi ne, %sign3A_68, %sign3A_75 : i32
      %rem3A = arith.remsi %add3A_62, %jit3A : i32
      %ne3A_76 = arith.constant 0 : i32
      %ne3A_77 = arith.cmpi ne, %rem3A, %ne3A_76 : i32
      %and3A = arith.andi %ne3A, %ne3A_77 : i1
      %sub3A = arith.constant 1 : i32
      %sub3A_78 = arith.subi %div3A, %sub3A : i32
      %select_n3A = arith.select %and3A, %sub3A_78, %div3A : i32
      %while3A = arith.constant 0 : i32
      %while3A_79 = arith.constant 0 : i32
      %while3A_80 = arith.subi %select_n3A, %while3A : i32
      %while3A_81 = arith.addi %while3A, %while3A_80 : i32
      %while3A_82 = arith.constant 1 : i32
      %while3A_83 = arith.divsi %while3A_80, %while3A_82 : i32
      %while3A_84 = arith.muli %while3A_83, %while3A_82 : i32
      %while3A_85 = arith.addi %while3A, %while3A_84 : i32
      %while3A_86 = arith.constant 1 : i32
      %while3A_87 = scf.for %while3A_91 = %while3A to %while3A_85 step %while3A_86 iter_args(%while3A_92 = %while3A_79) -> (i32)  : i32 {
        %mul3A_93 = arith.constant 2 : i32
        %mul3A_94 = arith.muli %while3A_91, %mul3A_93 : i32
        %mul3A_95 = arith.constant 128 : i32
        %mul3A_96 = arith.muli %mul3A_94, %mul3A_95 : i32
        %dma_start3A_97 = arith.constant 0 : i32
        %dma_start3A_98 = arith.constant 0 : i32
        %dma_start3A_99 = tpu.memref_slice %arg10[%dma_start3A_97, %dma_start3A_98] : memref<256x128xf32, #tpu.memory_space<vmem>> -> memref<128x128xf32, #tpu.memory_space<vmem>>
        %dma_start3A_100 = tpu.memref_slice %arg8[%mul3A_96] : memref<12816xi32, #tpu.memory_space<vmem>> -> memref<128xi32, #tpu.memory_space<vmem>>
        %dma_start3A_101 = arith.constant 0 : i32
        %dma_start3A_102 = arith.constant 0 : i32
        %dma_start3A_103 = tpu.memref_slice %arg2[%dma_start3A_101, %dma_start3A_102] : memref<10000x128xf32, #tpu.memory_space<hbm>> -> memref<10000x128xf32, #tpu.memory_space<hbm>>
        tpu.enqueue_indirect_dma source(%dma_start3A_103 : memref<10000x128xf32, #tpu.memory_space<hbm>>) target(%dma_start3A_99 : memref<128x128xf32, #tpu.memory_space<vmem>>) offsets(%dma_start3A_100 : memref<128xi32, #tpu.memory_space<vmem>>) semaphore(%arg14 : memref<!tpu.dma_semaphore, #tpu.memory_space<semaphore_mem>>)
        %add3A_104 = arith.constant 128 : i32
        %add3A_105 = arith.addi %mul3A_96, %add3A_104 : i32
        %dma_start3A_106 = arith.constant 128 : i32
        %dma_start3A_107 = arith.constant 0 : i32
        %dma_start3A_108 = tpu.memref_slice %arg10[%dma_start3A_106, %dma_start3A_107] : memref<256x128xf32, #tpu.memory_space<vmem>> -> memref<128x128xf32, #tpu.memory_space<vmem>>
        %dma_start3A_109 = tpu.memref_slice %arg8[%add3A_105] : memref<12816xi32, #tpu.memory_space<vmem>> -> memref<128xi32, #tpu.memory_space<vmem>>
        %dma_start3A_110 = arith.constant 0 : i32
        %dma_start3A_111 = arith.constant 0 : i32
        %dma_start3A_112 = tpu.memref_slice %arg2[%dma_start3A_110, %dma_start3A_111] : memref<10000x128xf32, #tpu.memory_space<hbm>> -> memref<10000x128xf32, #tpu.memory_space<hbm>>
        tpu.enqueue_indirect_dma source(%dma_start3A_112 : memref<10000x128xf32, #tpu.memory_space<hbm>>) target(%dma_start3A_108 : memref<128x128xf32, #tpu.memory_space<vmem>>) offsets(%dma_start3A_109 : memref<128xi32, #tpu.memory_space<vmem>>) semaphore(%arg14 : memref<!tpu.dma_semaphore, #tpu.memory_space<semaphore_mem>>)
        %dma_wait3A_113 = arith.constant 0 : i32
        %dma_wait3A_114 = arith.constant 0 : i32
        %dma_wait3A_115 = tpu.memref_slice %arg10[%dma_wait3A_113, %dma_wait3A_114] : memref<256x128xf32, #tpu.memory_space<vmem>> -> memref<128x128xf32, #tpu.memory_space<vmem>>
        %dma_wait3A_116 = tpu.memref_slice %arg8[%mul3A_96] : memref<12816xi32, #tpu.memory_space<vmem>> -> memref<128xi32, #tpu.memory_space<vmem>>
        %dma_wait3A_117 = arith.constant 0 : i32
        %dma_wait3A_118 = arith.constant 0 : i32
        %dma_wait3A_119 = tpu.memref_slice %arg2[%dma_wait3A_117, %dma_wait3A_118] : memref<10000x128xf32, #tpu.memory_space<hbm>> -> memref<10000x128xf32, #tpu.memory_space<hbm>>
        tpu.wait_indirect_dma semaphore(%arg14 : memref<!tpu.dma_semaphore, #tpu.memory_space<semaphore_mem>>) src(%dma_wait3A_119 : memref<10000x128xf32, #tpu.memory_space<hbm>>) dst(%dma_wait3A_115 : memref<128x128xf32, #tpu.memory_space<vmem>>)
        %add3A_120 = arith.constant 128 : i32
        %add3A_121 = arith.addi %mul3A_96, %add3A_120 : i32
        %dma_wait3A_122 = arith.constant 128 : i32
        %dma_wait3A_123 = arith.constant 0 : i32
        %dma_wait3A_124 = tpu.memref_slice %arg10[%dma_wait3A_122, %dma_wait3A_123] : memref<256x128xf32, #tpu.memory_space<vmem>> -> memref<128x128xf32, #tpu.memory_space<vmem>>
        %dma_wait3A_125 = tpu.memref_slice %arg8[%add3A_121] : memref<12816xi32, #tpu.memory_space<vmem>> -> memref<128xi32, #tpu.memory_space<vmem>>
        %dma_wait3A_126 = arith.constant 0 : i32
        %dma_wait3A_127 = arith.constant 0 : i32
        %dma_wait3A_128 = tpu.memref_slice %arg2[%dma_wait3A_126, %dma_wait3A_127] : memref<10000x128xf32, #tpu.memory_space<hbm>> -> memref<10000x128xf32, #tpu.memory_space<hbm>>
        tpu.wait_indirect_dma semaphore(%arg14 : memref<!tpu.dma_semaphore, #tpu.memory_space<semaphore_mem>>) src(%dma_wait3A_128 : memref<10000x128xf32, #tpu.memory_space<hbm>>) dst(%dma_wait3A_124 : memref<128x128xf32, #tpu.memory_space<vmem>>)
        %add3A_129 = arith.constant 256 : i32
        %add3A_130 = arith.addi %mul3A_96, %add3A_129 : i32
        %min3A_131 = arith.minsi %scan3A_59, %add3A_130 : i32
        %while3A_132 = arith.constant 0 : i32
        %while3A_133 = arith.subi %min3A_131, %mul3A_96 : i32
        %while3A_134 = arith.addi %mul3A_96, %while3A_133 : i32
        %while3A_135 = arith.constant 1 : i32
        %while3A_136 = arith.divsi %while3A_133, %while3A_135 : i32
        %while3A_137 = arith.muli %while3A_136, %while3A_135 : i32
        %while3A_138 = arith.addi %mul3A_96, %while3A_137 : i32
        %while3A_139 = arith.constant 1 : i32
        %while3A_140 = scf.for %while3A_144 = %mul3A_96 to %while3A_138 step %while3A_139 iter_args(%while3A_145 = %while3A_132) -> (i32)  : i32 {
          %sub3A_146 = arith.subi %while3A_144, %mul3A_96 : i32
          %get3A = arith.index_cast %while3A_144 : i32 to index
          %get3A_147 = tpu.vector_load %arg9[%get3A] {strides = array<i32>} : memref<12816xi32, #tpu.memory_space<vmem>>, vector<16xi32>,
          %slice3A = vector.extract_strided_slice %get3A_147 {offsets = [0], sizes = [1], strides = [1]} : vector<16xi32> to vector<1xi32>
          %squeeze3A = vector.extract %slice3A[0] : i32 from vector<1xi32>
          %get3A_148 = arith.constant 0 : i32
          %get3A_149 = tpu.memref_slice %arg11[%squeeze3A, %get3A_148] : memref<320x128xf32, #tpu.memory_space<vmem>> -> memref<1x128xf32, #tpu.memory_space<vmem>>
          %get3A_150 = tpu.memref_squeeze %get3A_149 : memref<1x128xf32, #tpu.memory_space<vmem>> -> memref<128xf32, #tpu.memory_space<vmem>>
          %get3A_151 = arith.constant 0 : index
          %get3A_152 = tpu.vector_load %get3A_150[%get3A_151] {strides = array<i32>} : memref<128xf32, #tpu.memory_space<vmem>>, vector<16xf32>,
          %get3A_153 = arith.constant 0 : i32
          %get3A_154 = tpu.memref_slice %arg10[%sub3A_146, %get3A_153] : memref<256x128xf32, #tpu.memory_space<vmem>> -> memref<1x128xf32, #tpu.memory_space<vmem>>
          %get3A_155 = tpu.memref_squeeze %get3A_154 : memref<1x128xf32, #tpu.memory_space<vmem>> -> memref<128xf32, #tpu.memory_space<vmem>>
          %get3A_156 = arith.constant 0 : index
          %get3A_157 = tpu.vector_load %get3A_155[%get3A_156] {strides = array<i32>} : memref<128xf32, #tpu.memory_space<vmem>>, vector<16xf32>,
          %max3A = arith.maximumf %get3A_152, %get3A_157 : vector<16xf32>
          %swap3A = arith.constant 0 : i32
          %swap3A_158 = tpu.memref_slice %arg11[%squeeze3A, %swap3A] : memref<320x128xf32, #tpu.memory_space<vmem>> -> memref<1x128xf32, #tpu.memory_space<vmem>>
          %swap3A_159 = tpu.memref_squeeze %swap3A_158 : memref<1x128xf32, #tpu.memory_space<vmem>> -> memref<128xf32, #tpu.memory_space<vmem>>
          %swap3A_160 = arith.constant 0 : index
          %swap3A_161 = tpu.vector_load %swap3A_159[%swap3A_160] {strides = array<i32>} : memref<128xf32, #tpu.memory_space<vmem>>, vector<16xf32>,
          tpu.vector_store %swap3A_159[%swap3A_160], %max3A {strides = array<i32>} : memref<128xf32, #tpu.memory_space<vmem>>, vector<16xf32>,
          %get3A_162 = arith.constant 0 : i32
          %get3A_163 = tpu.memref_slice %arg11[%squeeze3A, %get3A_162] : memref<320x128xf32, #tpu.memory_space<vmem>> -> memref<1x128xf32, #tpu.memory_space<vmem>>
          %get3A_164 = tpu.memref_squeeze %get3A_163 : memref<1x128xf32, #tpu.memory_space<vmem>> -> memref<128xf32, #tpu.memory_space<vmem>>
          %get3A_165 = arith.constant 16 : index
          %get3A_166 = tpu.vector_load %get3A_164[%get3A_165] {strides = array<i32>} : memref<128xf32, #tpu.memory_space<vmem>>, vector<16xf32>,
          %get3A_167 = arith.constant 0 : i32
          %get3A_168 = tpu.memref_slice %arg10[%sub3A_146, %get3A_167] : memref<256x128xf32, #tpu.memory_space<vmem>> -> memref<1x128xf32, #tpu.memory_space<vmem>>
          %get3A_169 = tpu.memref_squeeze %get3A_168 : memref<1x128xf32, #tpu.memory_space<vmem>> -> memref<128xf32, #tpu.memory_space<vmem>>
          %get3A_170 = arith.constant 16 : index
          %get3A_171 = tpu.vector_load %get3A_169[%get3A_170] {strides = array<i32>} : memref<128xf32, #tpu.memory_space<vmem>>, vector<16xf32>,
          %max3A_172 = arith.maximumf %get3A_166, %get3A_171 : vector<16xf32>
          %swap3A_173 = arith.constant 0 : i32
          %swap3A_174 = tpu.memref_slice %arg11[%squeeze3A, %swap3A_173] : memref<320x128xf32, #tpu.memory_space<vmem>> -> memref<1x128xf32, #tpu.memory_space<vmem>>
          %swap3A_175 = tpu.memref_squeeze %swap3A_174 : memref<1x128xf32, #tpu.memory_space<vmem>> -> memref<128xf32, #tpu.memory_space<vmem>>
          %swap3A_176 = arith.constant 16 : index
          %swap3A_177 = tpu.vector_load %swap3A_175[%swap3A_176] {strides = array<i32>} : memref<128xf32, #tpu.memory_space<vmem>>, vector<16xf32>,
          tpu.vector_store %swap3A_175[%swap3A_176], %max3A_172 {strides = array<i32>} : memref<128xf32, #tpu.memory_space<vmem>>, vector<16xf32>,
          %get3A_178 = arith.constant 0 : i32
          %get3A_179 = tpu.memref_slice %arg11[%squeeze3A, %get3A_178] : memref<320x128xf32, #tpu.memory_space<vmem>> -> memref<1x128xf32, #tpu.memory_space<vmem>>
          %get3A_180 = tpu.memref_squeeze %get3A_179 : memref<1x128xf32, #tpu.memory_space<vmem>> -> memref<128xf32, #tpu.memory_space<vmem>>
          %get3A_181 = arith.constant 32 : index
          %get3A_182 = tpu.vector_load %get3A_180[%get3A_181] {strides = array<i32>} : memref<128xf32, #tpu.memory_space<vmem>>, vector<16xf32>,
          %get3A_183 = arith.constant 0 : i32
          %get3A_184 = tpu.memref_slice %arg10[%sub3A_146, %get3A_183] : memref<256x128xf32, #tpu.memory_space<vmem>> -> memref<1x128xf32, #tpu.memory_space<vmem>>
          %get3A_185 = tpu.memref_squeeze %get3A_184 : memref<1x128xf32, #tpu.memory_space<vmem>> -> memref<128xf32, #tpu.memory_space<vmem>>
          %get3A_186 = arith.constant 32 : index
          %get3A_187 = tpu.vector_load %get3A_185[%get3A_186] {strides = array<i32>} : memref<128xf32, #tpu.memory_space<vmem>>, vector<16xf32>,
          %max3A_188 = arith.maximumf %get3A_182, %get3A_187 : vector<16xf32>
          %swap3A_189 = arith.constant 0 : i32
          %swap3A_190 = tpu.memref_slice %arg11[%squeeze3A, %swap3A_189] : memref<320x128xf32, #tpu.memory_space<vmem>> -> memref<1x128xf32, #tpu.memory_space<vmem>>
          %swap3A_191 = tpu.memref_squeeze %swap3A_190 : memref<1x128xf32, #tpu.memory_space<vmem>> -> memref<128xf32, #tpu.memory_space<vmem>>
          %swap3A_192 = arith.constant 32 : index
          %swap3A_193 = tpu.vector_load %swap3A_191[%swap3A_192] {strides = array<i32>} : memref<128xf32, #tpu.memory_space<vmem>>, vector<16xf32>,
          tpu.vector_store %swap3A_191[%swap3A_192], %max3A_188 {strides = array<i32>} : memref<128xf32, #tpu.memory_space<vmem>>, vector<16xf32>,
          %get3A_194 = arith.constant 0 : i32
          %get3A_195 = tpu.memref_slice %arg11[%squeeze3A, %get3A_194] : memref<320x128xf32, #tpu.memory_space<vmem>> -> memref<1x128xf32, #tpu.memory_space<vmem>>
          %get3A_196 = tpu.memref_squeeze %get3A_195 : memref<1x128xf32, #tpu.memory_space<vmem>> -> memref<128xf32, #tpu.memory_space<vmem>>
          %get3A_197 = arith.constant 48 : index
          %get3A_198 = tpu.vector_load %get3A_196[%get3A_197] {strides = array<i32>} : memref<128xf32, #tpu.memory_space<vmem>>, vector<16xf32>,
          %get3A_199 = arith.constant 0 : i32
          %get3A_200 = tpu.memref_slice %arg10[%sub3A_146, %get3A_199] : memref<256x128xf32, #tpu.memory_space<vmem>> -> memref<1x128xf32, #tpu.memory_space<vmem>>
          %get3A_201 = tpu.memref_squeeze %get3A_200 : memref<1x128xf32, #tpu.memory_space<vmem>> -> memref<128xf32, #tpu.memory_space<vmem>>
          %get3A_202 = arith.constant 48 : index
          %get3A_203 = tpu.vector_load %get3A_201[%get3A_202] {strides = array<i32>} : memref<128xf32, #tpu.memory_space<vmem>>, vector<16xf32>,
          %max3A_204 = arith.maximumf %get3A_198, %get3A_203 : vector<16xf32>
          %swap3A_205 = arith.constant 0 : i32
          %swap3A_206 = tpu.memref_slice %arg11[%squeeze3A, %swap3A_205] : memref<320x128xf32, #tpu.memory_space<vmem>> -> memref<1x128xf32, #tpu.memory_space<vmem>>
          %swap3A_207 = tpu.memref_squeeze %swap3A_206 : memref<1x128xf32, #tpu.memory_space<vmem>> -> memref<128xf32, #tpu.memory_space<vmem>>
          %swap3A_208 = arith.constant 48 : index
          %swap3A_209 = tpu.vector_load %swap3A_207[%swap3A_208] {strides = array<i32>} : memref<128xf32, #tpu.memory_space<vmem>>, vector<16xf32>,
          tpu.vector_store %swap3A_207[%swap3A_208], %max3A_204 {strides = array<i32>} : memref<128xf32, #tpu.memory_space<vmem>>, vector<16xf32>,
          %get3A_210 = arith.constant 0 : i32
          %get3A_211 = tpu.memref_slice %arg11[%squeeze3A, %get3A_210] : memref<320x128xf32, #tpu.memory_space<vmem>> -> memref<1x128xf32, #tpu.memory_space<vmem>>
          %get3A_212 = tpu.memref_squeeze %get3A_211 : memref<1x128xf32, #tpu.memory_space<vmem>> -> memref<128xf32, #tpu.memory_space<vmem>>
          %get3A_213 = arith.constant 64 : index
          %get3A_214 = tpu.vector_load %get3A_212[%get3A_213] {strides = array<i32>} : memref<128xf32, #tpu.memory_space<vmem>>, vector<16xf32>,
          %get3A_215 = arith.constant 0 : i32
          %get3A_216 = tpu.memref_slice %arg10[%sub3A_146, %get3A_215] : memref<256x128xf32, #tpu.memory_space<vmem>> -> memref<1x128xf32, #tpu.memory_space<vmem>>
          %get3A_217 = tpu.memref_squeeze %get3A_216 : memref<1x128xf32, #tpu.memory_space<vmem>> -> memref<128xf32, #tpu.memory_space<vmem>>
          %get3A_218 = arith.constant 64 : index
          %get3A_219 = tpu.vector_load %get3A_217[%get3A_218] {strides = array<i32>} : memref<128xf32, #tpu.memory_space<vmem>>, vector<16xf32>,
          %max3A_220 = arith.maximumf %get3A_214, %get3A_219 : vector<16xf32>
          %swap3A_221 = arith.constant 0 : i32
          %swap3A_222 = tpu.memref_slice %arg11[%squeeze3A, %swap3A_221] : memref<320x128xf32, #tpu.memory_space<vmem>> -> memref<1x128xf32, #tpu.memory_space<vmem>>
          %swap3A_223 = tpu.memref_squeeze %swap3A_222 : memref<1x128xf32, #tpu.memory_space<vmem>> -> memref<128xf32, #tpu.memory_space<vmem>>
          %swap3A_224 = arith.constant 64 : index
          %swap3A_225 = tpu.vector_load %swap3A_223[%swap3A_224] {strides = array<i32>} : memref<128xf32, #tpu.memory_space<vmem>>, vector<16xf32>,
          tpu.vector_store %swap3A_223[%swap3A_224], %max3A_220 {strides = array<i32>} : memref<128xf32, #tpu.memory_space<vmem>>, vector<16xf32>,
          %get3A_226 = arith.constant 0 : i32
          %get3A_227 = tpu.memref_slice %arg11[%squeeze3A, %get3A_226] : memref<320x128xf32, #tpu.memory_space<vmem>> -> memref<1x128xf32, #tpu.memory_space<vmem>>
          %get3A_228 = tpu.memref_squeeze %get3A_227 : memref<1x128xf32, #tpu.memory_space<vmem>> -> memref<128xf32, #tpu.memory_space<vmem>>
          %get3A_229 = arith.constant 80 : index
          %get3A_230 = tpu.vector_load %get3A_228[%get3A_229] {strides = array<i32>} : memref<128xf32, #tpu.memory_space<vmem>>, vector<16xf32>,
          %get3A_231 = arith.constant 0 : i32
          %get3A_232 = tpu.memref_slice %arg10[%sub3A_146, %get3A_231] : memref<256x128xf32, #tpu.memory_space<vmem>> -> memref<1x128xf32, #tpu.memory_space<vmem>>
          %get3A_233 = tpu.memref_squeeze %get3A_232 : memref<1x128xf32, #tpu.memory_space<vmem>> -> memref<128xf32, #tpu.memory_space<vmem>>
          %get3A_234 = arith.constant 80 : index
          %get3A_235 = tpu.vector_load %get3A_233[%get3A_234] {strides = array<i32>} : memref<128xf32, #tpu.memory_space<vmem>>, vector<16xf32>,
          %max3A_236 = arith.maximumf %get3A_230, %get3A_235 : vector<16xf32>
          %swap3A_237 = arith.constant 0 : i32
          %swap3A_238 = tpu.memref_slice %arg11[%squeeze3A, %swap3A_237] : memref<320x128xf32, #tpu.memory_space<vmem>> -> memref<1x128xf32, #tpu.memory_space<vmem>>
          %swap3A_239 = tpu.memref_squeeze %swap3A_238 : memref<1x128xf32, #tpu.memory_space<vmem>> -> memref<128xf32, #tpu.memory_space<vmem>>
          %swap3A_240 = arith.constant 80 : index
          %swap3A_241 = tpu.vector_load %swap3A_239[%swap3A_240] {strides = array<i32>} : memref<128xf32, #tpu.memory_space<vmem>>, vector<16xf32>,
          tpu.vector_store %swap3A_239[%swap3A_240], %max3A_236 {strides = array<i32>} : memref<128xf32, #tpu.memory_space<vmem>>, vector<16xf32>,
          %get3A_242 = arith.constant 0 : i32
          %get3A_243 = tpu.memref_slice %arg11[%squeeze3A, %get3A_242] : memref<320x128xf32, #tpu.memory_space<vmem>> -> memref<1x128xf32, #tpu.memory_space<vmem>>
          %get3A_244 = tpu.memref_squeeze %get3A_243 : memref<1x128xf32, #tpu.memory_space<vmem>> -> memref<128xf32, #tpu.memory_space<vmem>>
          %get3A_245 = arith.constant 96 : index
          %get3A_246 = tpu.vector_load %get3A_244[%get3A_245] {strides = array<i32>} : memref<128xf32, #tpu.memory_space<vmem>>, vector<16xf32>,
          %get3A_247 = arith.constant 0 : i32
          %get3A_248 = tpu.memref_slice %arg10[%sub3A_146, %get3A_247] : memref<256x128xf32, #tpu.memory_space<vmem>> -> memref<1x128xf32, #tpu.memory_space<vmem>>
          %get3A_249 = tpu.memref_squeeze %get3A_248 : memref<1x128xf32, #tpu.memory_space<vmem>> -> memref<128xf32, #tpu.memory_space<vmem>>
          %get3A_250 = arith.constant 96 : index
          %get3A_251 = tpu.vector_load %get3A_249[%get3A_250] {strides = array<i32>} : memref<128xf32, #tpu.memory_space<vmem>>, vector<16xf32>,
          %max3A_252 = arith.maximumf %get3A_246, %get3A_251 : vector<16xf32>
          %swap3A_253 = arith.constant 0 : i32
          %swap3A_254 = tpu.memref_slice %arg11[%squeeze3A, %swap3A_253] : memref<320x128xf32, #tpu.memory_space<vmem>> -> memref<1x128xf32, #tpu.memory_space<vmem>>
          %swap3A_255 = tpu.memref_squeeze %swap3A_254 : memref<1x128xf32, #tpu.memory_space<vmem>> -> memref<128xf32, #tpu.memory_space<vmem>>
          %swap3A_256 = arith.constant 96 : index
          %swap3A_257 = tpu.vector_load %swap3A_255[%swap3A_256] {strides = array<i32>} : memref<128xf32, #tpu.memory_space<vmem>>, vector<16xf32>,
          tpu.vector_store %swap3A_255[%swap3A_256], %max3A_252 {strides = array<i32>} : memref<128xf32, #tpu.memory_space<vmem>>, vector<16xf32>,
          %get3A_258 = arith.constant 0 : i32
          %get3A_259 = tpu.memref_slice %arg11[%squeeze3A, %get3A_258] : memref<320x128xf32, #tpu.memory_space<vmem>> -> memref<1x128xf32, #tpu.memory_space<vmem>>
          %get3A_260 = tpu.memref_squeeze %get3A_259 : memref<1x128xf32, #tpu.memory_space<vmem>> -> memref<128xf32, #tpu.memory_space<vmem>>
          %get3A_261 = arith.constant 112 : index
          %get3A_262 = tpu.vector_load %get3A_260[%get3A_261] {strides = array<i32>} : memref<128xf32, #tpu.memory_space<vmem>>, vector<16xf32>,
          %get3A_263 = arith.constant 0 : i32
          %get3A_264 = tpu.memref_slice %arg10[%sub3A_146, %get3A_263] : memref<256x128xf32, #tpu.memory_space<vmem>> -> memref<1x128xf32, #tpu.memory_space<vmem>>
          %get3A_265 = tpu.memref_squeeze %get3A_264 : memref<1x128xf32, #tpu.memory_space<vmem>> -> memref<128xf32, #tpu.memory_space<vmem>>
          %get3A_266 = arith.constant 112 : index
          %get3A_267 = tpu.vector_load %get3A_265[%get3A_266] {strides = array<i32>} : memref<128xf32, #tpu.memory_space<vmem>>, vector<16xf32>,
          %max3A_268 = arith.maximumf %get3A_262, %get3A_267 : vector<16xf32>
          %swap3A_269 = arith.constant 0 : i32
          %swap3A_270 = tpu.memref_slice %arg11[%squeeze3A, %swap3A_269] : memref<320x128xf32, #tpu.memory_space<vmem>> -> memref<1x128xf32, #tpu.memory_space<vmem>>
          %swap3A_271 = tpu.memref_squeeze %swap3A_270 : memref<1x128xf32, #tpu.memory_space<vmem>> -> memref<128xf32, #tpu.memory_space<vmem>>
          %swap3A_272 = arith.constant 112 : index
          %swap3A_273 = tpu.vector_load %swap3A_271[%swap3A_272] {strides = array<i32>} : memref<128xf32, #tpu.memory_space<vmem>>, vector<16xf32>,
          tpu.vector_store %swap3A_271[%swap3A_272], %max3A_268 {strides = array<i32>} : memref<128xf32, #tpu.memory_space<vmem>>, vector<16xf32>,
          %while3A_274 = arith.constant 0 : i32
          scf.yield %while3A_274 : i32
        }
        %while3A_141 = arith.constant 1 : i32
        %while3A_142 = scf.for %while3A_144 = %while3A_138 to %while3A_134 step %while3A_141 iter_args(%while3A_145 = %while3A_140) -> (i32)  : i32 {
          %sub3A_146 = arith.subi %while3A_144, %mul3A_96 : i32
          %get3A = arith.index_cast %while3A_144 : i32 to index
          %get3A_147 = tpu.vector_load %arg9[%get3A] {strides = array<i32>} : memref<12816xi32, #tpu.memory_space<vmem>>, vector<16xi32>,
          %slice3A = vector.extract_strided_slice %get3A_147 {offsets = [0], sizes = [1], strides = [1]} : vector<16xi32> to vector<1xi32>
          %squeeze3A = vector.extract %slice3A[0] : i32 from vector<1xi32>
          %get3A_148 = arith.constant 0 : i32
          %get3A_149 = tpu.memref_slice %arg11[%squeeze3A, %get3A_148] : memref<320x128xf32, #tpu.memory_space<vmem>> -> memref<1x128xf32, #tpu.memory_space<vmem>>
          %get3A_150 = tpu.memref_squeeze %get3A_149 : memref<1x128xf32, #tpu.memory_space<vmem>> -> memref<128xf32, #tpu.memory_space<vmem>>
          %get3A_151 = arith.constant 0 : index
          %get3A_152 = tpu.vector_load %get3A_150[%get3A_151] {strides = array<i32>} : memref<128xf32, #tpu.memory_space<vmem>>, vector<16xf32>,
          %get3A_153 = arith.constant 0 : i32
          %get3A_154 = tpu.memref_slice %arg10[%sub3A_146, %get3A_153] : memref<256x128xf32, #tpu.memory_space<vmem>> -> memref<1x128xf32, #tpu.memory_space<vmem>>
          %get3A_155 = tpu.memref_squeeze %get3A_154 : memref<1x128xf32, #tpu.memory_space<vmem>> -> memref<128xf32, #tpu.memory_space<vmem>>
          %get3A_156 = arith.constant 0 : index
          %get3A_157 = tpu.vector_load %get3A_155[%get3A_156] {strides = array<i32>} : memref<128xf32, #tpu.memory_space<vmem>>, vector<16xf32>,
          %max3A = arith.maximumf %get3A_152, %get3A_157 : vector<16xf32>
          %swap3A = arith.constant 0 : i32
          %swap3A_158 = tpu.memref_slice %arg11[%squeeze3A, %swap3A] : memref<320x128xf32, #tpu.memory_space<vmem>> -> memref<1x128xf32, #tpu.memory_space<vmem>>
          %swap3A_159 = tpu.memref_squeeze %swap3A_158 : memref<1x128xf32, #tpu.memory_space<vmem>> -> memref<128xf32, #tpu.memory_space<vmem>>
          %swap3A_160 = arith.constant 0 : index
          %swap3A_161 = tpu.vector_load %swap3A_159[%swap3A_160] {strides = array<i32>} : memref<128xf32, #tpu.memory_space<vmem>>, vector<16xf32>,
          tpu.vector_store %swap3A_159[%swap3A_160], %max3A {strides = array<i32>} : memref<128xf32, #tpu.memory_space<vmem>>, vector<16xf32>,
          %get3A_162 = arith.constant 0 : i32
          %get3A_163 = tpu.memref_slice %arg11[%squeeze3A, %get3A_162] : memref<320x128xf32, #tpu.memory_space<vmem>> -> memref<1x128xf32, #tpu.memory_space<vmem>>
          %get3A_164 = tpu.memref_squeeze %get3A_163 : memref<1x128xf32, #tpu.memory_space<vmem>> -> memref<128xf32, #tpu.memory_space<vmem>>
          %get3A_165 = arith.constant 16 : index
          %get3A_166 = tpu.vector_load %get3A_164[%get3A_165] {strides = array<i32>} : memref<128xf32, #tpu.memory_space<vmem>>, vector<16xf32>,
          %get3A_167 = arith.constant 0 : i32
          %get3A_168 = tpu.memref_slice %arg10[%sub3A_146, %get3A_167] : memref<256x128xf32, #tpu.memory_space<vmem>> -> memref<1x128xf32, #tpu.memory_space<vmem>>
          %get3A_169 = tpu.memref_squeeze %get3A_168 : memref<1x128xf32, #tpu.memory_space<vmem>> -> memref<128xf32, #tpu.memory_space<vmem>>
          %get3A_170 = arith.constant 16 : index
          %get3A_171 = tpu.vector_load %get3A_169[%get3A_170] {strides = array<i32>} : memref<128xf32, #tpu.memory_space<vmem>>, vector<16xf32>,
          %max3A_172 = arith.maximumf %get3A_166, %get3A_171 : vector<16xf32>
          %swap3A_173 = arith.constant 0 : i32
          %swap3A_174 = tpu.memref_slice %arg11[%squeeze3A, %swap3A_173] : memref<320x128xf32, #tpu.memory_space<vmem>> -> memref<1x128xf32, #tpu.memory_space<vmem>>
          %swap3A_175 = tpu.memref_squeeze %swap3A_174 : memref<1x128xf32, #tpu.memory_space<vmem>> -> memref<128xf32, #tpu.memory_space<vmem>>
          %swap3A_176 = arith.constant 16 : index
          %swap3A_177 = tpu.vector_load %swap3A_175[%swap3A_176] {strides = array<i32>} : memref<128xf32, #tpu.memory_space<vmem>>, vector<16xf32>,
          tpu.vector_store %swap3A_175[%swap3A_176], %max3A_172 {strides = array<i32>} : memref<128xf32, #tpu.memory_space<vmem>>, vector<16xf32>,
          %get3A_178 = arith.constant 0 : i32
          %get3A_179 = tpu.memref_slice %arg11[%squeeze3A, %get3A_178] : memref<320x128xf32, #tpu.memory_space<vmem>> -> memref<1x128xf32, #tpu.memory_space<vmem>>
          %get3A_180 = tpu.memref_squeeze %get3A_179 : memref<1x128xf32, #tpu.memory_space<vmem>> -> memref<128xf32, #tpu.memory_space<vmem>>
          %get3A_181 = arith.constant 32 : index
          %get3A_182 = tpu.vector_load %get3A_180[%get3A_181] {strides = array<i32>} : memref<128xf32, #tpu.memory_space<vmem>>, vector<16xf32>,
          %get3A_183 = arith.constant 0 : i32
          %get3A_184 = tpu.memref_slice %arg10[%sub3A_146, %get3A_183] : memref<256x128xf32, #tpu.memory_space<vmem>> -> memref<1x128xf32, #tpu.memory_space<vmem>>
          %get3A_185 = tpu.memref_squeeze %get3A_184 : memref<1x128xf32, #tpu.memory_space<vmem>> -> memref<128xf32, #tpu.memory_space<vmem>>
          %get3A_186 = arith.constant 32 : index
          %get3A_187 = tpu.vector_load %get3A_185[%get3A_186] {strides = array<i32>} : memref<128xf32, #tpu.memory_space<vmem>>, vector<16xf32>,
          %max3A_188 = arith.maximumf %get3A_182, %get3A_187 : vector<16xf32>
          %swap3A_189 = arith.constant 0 : i32
          %swap3A_190 = tpu.memref_slice %arg11[%squeeze3A, %swap3A_189] : memref<320x128xf32, #tpu.memory_space<vmem>> -> memref<1x128xf32, #tpu.memory_space<vmem>>
          %swap3A_191 = tpu.memref_squeeze %swap3A_190 : memref<1x128xf32, #tpu.memory_space<vmem>> -> memref<128xf32, #tpu.memory_space<vmem>>
          %swap3A_192 = arith.constant 32 : index
          %swap3A_193 = tpu.vector_load %swap3A_191[%swap3A_192] {strides = array<i32>} : memref<128xf32, #tpu.memory_space<vmem>>, vector<16xf32>,
          tpu.vector_store %swap3A_191[%swap3A_192], %max3A_188 {strides = array<i32>} : memref<128xf32, #tpu.memory_space<vmem>>, vector<16xf32>,
          %get3A_194 = arith.constant 0 : i32
          %get3A_195 = tpu.memref_slice %arg11[%squeeze3A, %get3A_194] : memref<320x128xf32, #tpu.memory_space<vmem>> -> memref<1x128xf32, #tpu.memory_space<vmem>>
          %get3A_196 = tpu.memref_squeeze %get3A_195 : memref<1x128xf32, #tpu.memory_space<vmem>> -> memref<128xf32, #tpu.memory_space<vmem>>
          %get3A_197 = arith.constant 48 : index
          %get3A_198 = tpu.vector_load %get3A_196[%get3A_197] {strides = array<i32>} : memref<128xf32, #tpu.memory_space<vmem>>, vector<16xf32>,
          %get3A_199 = arith.constant 0 : i32
          %get3A_200 = tpu.memref_slice %arg10[%sub3A_146, %get3A_199] : memref<256x128xf32, #tpu.memory_space<vmem>> -> memref<1x128xf32, #tpu.memory_space<vmem>>
          %get3A_201 = tpu.memref_squeeze %get3A_200 : memref<1x128xf32, #tpu.memory_space<vmem>> -> memref<128xf32, #tpu.memory_space<vmem>>
          %get3A_202 = arith.constant 48 : index
          %get3A_203 = tpu.vector_load %get3A_201[%get3A_202] {strides = array<i32>} : memref<128xf32, #tpu.memory_space<vmem>>, vector<16xf32>,
          %max3A_204 = arith.maximumf %get3A_198, %get3A_203 : vector<16xf32>
          %swap3A_205 = arith.constant 0 : i32
          %swap3A_206 = tpu.memref_slice %arg11[%squeeze3A, %swap3A_205] : memref<320x128xf32, #tpu.memory_space<vmem>> -> memref<1x128xf32, #tpu.memory_space<vmem>>
          %swap3A_207 = tpu.memref_squeeze %swap3A_206 : memref<1x128xf32, #tpu.memory_space<vmem>> -> memref<128xf32, #tpu.memory_space<vmem>>
          %swap3A_208 = arith.constant 48 : index
          %swap3A_209 = tpu.vector_load %swap3A_207[%swap3A_208] {strides = array<i32>} : memref<128xf32, #tpu.memory_space<vmem>>, vector<16xf32>,
          tpu.vector_store %swap3A_207[%swap3A_208], %max3A_204 {strides = array<i32>} : memref<128xf32, #tpu.memory_space<vmem>>, vector<16xf32>,
          %get3A_210 = arith.constant 0 : i32
          %get3A_211 = tpu.memref_slice %arg11[%squeeze3A, %get3A_210] : memref<320x128xf32, #tpu.memory_space<vmem>> -> memref<1x128xf32, #tpu.memory_space<vmem>>
          %get3A_212 = tpu.memref_squeeze %get3A_211 : memref<1x128xf32, #tpu.memory_space<vmem>> -> memref<128xf32, #tpu.memory_space<vmem>>
          %get3A_213 = arith.constant 64 : index
          %get3A_214 = tpu.vector_load %get3A_212[%get3A_213] {strides = array<i32>} : memref<128xf32, #tpu.memory_space<vmem>>, vector<16xf32>,
          %get3A_215 = arith.constant 0 : i32
          %get3A_216 = tpu.memref_slice %arg10[%sub3A_146, %get3A_215] : memref<256x128xf32, #tpu.memory_space<vmem>> -> memref<1x128xf32, #tpu.memory_space<vmem>>
          %get3A_217 = tpu.memref_squeeze %get3A_216 : memref<1x128xf32, #tpu.memory_space<vmem>> -> memref<128xf32, #tpu.memory_space<vmem>>
          %get3A_218 = arith.constant 64 : index
          %get3A_219 = tpu.vector_load %get3A_217[%get3A_218] {strides = array<i32>} : memref<128xf32, #tpu.memory_space<vmem>>, vector<16xf32>,
          %max3A_220 = arith.maximumf %get3A_214, %get3A_219 : vector<16xf32>
          %swap3A_221 = arith.constant 0 : i32
          %swap3A_222 = tpu.memref_slice %arg11[%squeeze3A, %swap3A_221] : memref<320x128xf32, #tpu.memory_space<vmem>> -> memref<1x128xf32, #tpu.memory_space<vmem>>
          %swap3A_223 = tpu.memref_squeeze %swap3A_222 : memref<1x128xf32, #tpu.memory_space<vmem>> -> memref<128xf32, #tpu.memory_space<vmem>>
          %swap3A_224 = arith.constant 64 : index
          %swap3A_225 = tpu.vector_load %swap3A_223[%swap3A_224] {strides = array<i32>} : memref<128xf32, #tpu.memory_space<vmem>>, vector<16xf32>,
          tpu.vector_store %swap3A_223[%swap3A_224], %max3A_220 {strides = array<i32>} : memref<128xf32, #tpu.memory_space<vmem>>, vector<16xf32>,
          %get3A_226 = arith.constant 0 : i32
          %get3A_227 = tpu.memref_slice %arg11[%squeeze3A, %get3A_226] : memref<320x128xf32, #tpu.memory_space<vmem>> -> memref<1x128xf32, #tpu.memory_space<vmem>>
          %get3A_228 = tpu.memref_squeeze %get3A_227 : memref<1x128xf32, #tpu.memory_space<vmem>> -> memref<128xf32, #tpu.memory_space<vmem>>
          %get3A_229 = arith.constant 80 : index
          %get3A_230 = tpu.vector_load %get3A_228[%get3A_229] {strides = array<i32>} : memref<128xf32, #tpu.memory_space<vmem>>, vector<16xf32>,
          %get3A_231 = arith.constant 0 : i32
          %get3A_232 = tpu.memref_slice %arg10[%sub3A_146, %get3A_231] : memref<256x128xf32, #tpu.memory_space<vmem>> -> memref<1x128xf32, #tpu.memory_space<vmem>>
          %get3A_233 = tpu.memref_squeeze %get3A_232 : memref<1x128xf32, #tpu.memory_space<vmem>> -> memref<128xf32, #tpu.memory_space<vmem>>
          %get3A_234 = arith.constant 80 : index
          %get3A_235 = tpu.vector_load %get3A_233[%get3A_234] {strides = array<i32>} : memref<128xf32, #tpu.memory_space<vmem>>, vector<16xf32>,
          %max3A_236 = arith.maximumf %get3A_230, %get3A_235 : vector<16xf32>
          %swap3A_237 = arith.constant 0 : i32
          %swap3A_238 = tpu.memref_slice %arg11[%squeeze3A, %swap3A_237] : memref<320x128xf32, #tpu.memory_space<vmem>> -> memref<1x128xf32, #tpu.memory_space<vmem>>
          %swap3A_239 = tpu.memref_squeeze %swap3A_238 : memref<1x128xf32, #tpu.memory_space<vmem>> -> memref<128xf32, #tpu.memory_space<vmem>>
          %swap3A_240 = arith.constant 80 : index
          %swap3A_241 = tpu.vector_load %swap3A_239[%swap3A_240] {strides = array<i32>} : memref<128xf32, #tpu.memory_space<vmem>>, vector<16xf32>,
          tpu.vector_store %swap3A_239[%swap3A_240], %max3A_236 {strides = array<i32>} : memref<128xf32, #tpu.memory_space<vmem>>, vector<16xf32>,
          %get3A_242 = arith.constant 0 : i32
          %get3A_243 = tpu.memref_slice %arg11[%squeeze3A, %get3A_242] : memref<320x128xf32, #tpu.memory_space<vmem>> -> memref<1x128xf32, #tpu.memory_space<vmem>>
          %get3A_244 = tpu.memref_squeeze %get3A_243 : memref<1x128xf32, #tpu.memory_space<vmem>> -> memref<128xf32, #tpu.memory_space<vmem>>
          %get3A_245 = arith.constant 96 : index
          %get3A_246 = tpu.vector_load %get3A_244[%get3A_245] {strides = array<i32>} : memref<128xf32, #tpu.memory_space<vmem>>, vector<16xf32>,
          %get3A_247 = arith.constant 0 : i32
          %get3A_248 = tpu.memref_slice %arg10[%sub3A_146, %get3A_247] : memref<256x128xf32, #tpu.memory_space<vmem>> -> memref<1x128xf32, #tpu.memory_space<vmem>>
          %get3A_249 = tpu.memref_squeeze %get3A_248 : memref<1x128xf32, #tpu.memory_space<vmem>> -> memref<128xf32, #tpu.memory_space<vmem>>
          %get3A_250 = arith.constant 96 : index
          %get3A_251 = tpu.vector_load %get3A_249[%get3A_250] {strides = array<i32>} : memref<128xf32, #tpu.memory_space<vmem>>, vector<16xf32>,
          %max3A_252 = arith.maximumf %get3A_246, %get3A_251 : vector<16xf32>
          %swap3A_253 = arith.constant 0 : i32
          %swap3A_254 = tpu.memref_slice %arg11[%squeeze3A, %swap3A_253] : memref<320x128xf32, #tpu.memory_space<vmem>> -> memref<1x128xf32, #tpu.memory_space<vmem>>
          %swap3A_255 = tpu.memref_squeeze %swap3A_254 : memref<1x128xf32, #tpu.memory_space<vmem>> -> memref<128xf32, #tpu.memory_space<vmem>>
          %swap3A_256 = arith.constant 96 : index
          %swap3A_257 = tpu.vector_load %swap3A_255[%swap3A_256] {strides = array<i32>} : memref<128xf32, #tpu.memory_space<vmem>>, vector<16xf32>,
          tpu.vector_store %swap3A_255[%swap3A_256], %max3A_252 {strides = array<i32>} : memref<128xf32, #tpu.memory_space<vmem>>, vector<16xf32>,
          %get3A_258 = arith.constant 0 : i32
          %get3A_259 = tpu.memref_slice %arg11[%squeeze3A, %get3A_258] : memref<320x128xf32, #tpu.memory_space<vmem>> -> memref<1x128xf32, #tpu.memory_space<vmem>>
          %get3A_260 = tpu.memref_squeeze %get3A_259 : memref<1x128xf32, #tpu.memory_space<vmem>> -> memref<128xf32, #tpu.memory_space<vmem>>
          %get3A_261 = arith.constant 112 : index
          %get3A_262 = tpu.vector_load %get3A_260[%get3A_261] {strides = array<i32>} : memref<128xf32, #tpu.memory_space<vmem>>, vector<16xf32>,
          %get3A_263 = arith.constant 0 : i32
          %get3A_264 = tpu.memref_slice %arg10[%sub3A_146, %get3A_263] : memref<256x128xf32, #tpu.memory_space<vmem>> -> memref<1x128xf32, #tpu.memory_space<vmem>>
          %get3A_265 = tpu.memref_squeeze %get3A_264 : memref<1x128xf32, #tpu.memory_space<vmem>> -> memref<128xf32, #tpu.memory_space<vmem>>
          %get3A_266 = arith.constant 112 : index
          %get3A_267 = tpu.vector_load %get3A_265[%get3A_266] {strides = array<i32>} : memref<128xf32, #tpu.memory_space<vmem>>, vector<16xf32>,
          %max3A_268 = arith.maximumf %get3A_262, %get3A_267 : vector<16xf32>
          %swap3A_269 = arith.constant 0 : i32
          %swap3A_270 = tpu.memref_slice %arg11[%squeeze3A, %swap3A_269] : memref<320x128xf32, #tpu.memory_space<vmem>> -> memref<1x128xf32, #tpu.memory_space<vmem>>
          %swap3A_271 = tpu.memref_squeeze %swap3A_270 : memref<1x128xf32, #tpu.memory_space<vmem>> -> memref<128xf32, #tpu.memory_space<vmem>>
          %swap3A_272 = arith.constant 112 : index
          %swap3A_273 = tpu.vector_load %swap3A_271[%swap3A_272] {strides = array<i32>} : memref<128xf32, #tpu.memory_space<vmem>>, vector<16xf32>,
          tpu.vector_store %swap3A_271[%swap3A_272], %max3A_268 {strides = array<i32>} : memref<128xf32, #tpu.memory_space<vmem>>, vector<16xf32>,
          %while3A_274 = arith.constant 0 : i32
          scf.yield %while3A_274 : i32
        }
        %while3A_143 = arith.constant 0 : i32
        scf.yield %while3A_143 : i32
      }
      %while3A_88 = arith.constant 1 : i32
      %while3A_89 = scf.for %while3A_91 = %while3A_85 to %while3A_81 step %while3A_88 iter_args(%while3A_92 = %while3A_87) -> (i32)  : i32 {
        %mul3A_93 = arith.constant 2 : i32
        %mul3A_94 = arith.muli %while3A_91, %mul3A_93 : i32
        %mul3A_95 = arith.constant 128 : i32
        %mul3A_96 = arith.muli %mul3A_94, %mul3A_95 : i32
        %dma_start3A_97 = arith.constant 0 : i32
        %dma_start3A_98 = arith.constant 0 : i32
        %dma_start3A_99 = tpu.memref_slice %arg10[%dma_start3A_97, %dma_start3A_98] : memref<256x128xf32, #tpu.memory_space<vmem>> -> memref<128x128xf32, #tpu.memory_space<vmem>>
        %dma_start3A_100 = tpu.memref_slice %arg8[%mul3A_96] : memref<12816xi32, #tpu.memory_space<vmem>> -> memref<128xi32, #tpu.memory_space<vmem>>
        %dma_start3A_101 = arith.constant 0 : i32
        %dma_start3A_102 = arith.constant 0 : i32
        %dma_start3A_103 = tpu.memref_slice %arg2[%dma_start3A_101, %dma_start3A_102] : memref<10000x128xf32, #tpu.memory_space<hbm>> -> memref<10000x128xf32, #tpu.memory_space<hbm>>
        tpu.enqueue_indirect_dma source(%dma_start3A_103 : memref<10000x128xf32, #tpu.memory_space<hbm>>) target(%dma_start3A_99 : memref<128x128xf32, #tpu.memory_space<vmem>>) offsets(%dma_start3A_100 : memref<128xi32, #tpu.memory_space<vmem>>) semaphore(%arg14 : memref<!tpu.dma_semaphore, #tpu.memory_space<semaphore_mem>>)
        %add3A_104 = arith.constant 128 : i32
        %add3A_105 = arith.addi %mul3A_96, %add3A_104 : i32
        %dma_start3A_106 = arith.constant 128 : i32
        %dma_start3A_107 = arith.constant 0 : i32
        %dma_start3A_108 = tpu.memref_slice %arg10[%dma_start3A_106, %dma_start3A_107] : memref<256x128xf32, #tpu.memory_space<vmem>> -> memref<128x128xf32, #tpu.memory_space<vmem>>
        %dma_start3A_109 = tpu.memref_slice %arg8[%add3A_105] : memref<12816xi32, #tpu.memory_space<vmem>> -> memref<128xi32, #tpu.memory_space<vmem>>
        %dma_start3A_110 = arith.constant 0 : i32
        %dma_start3A_111 = arith.constant 0 : i32
        %dma_start3A_112 = tpu.memref_slice %arg2[%dma_start3A_110, %dma_start3A_111] : memref<10000x128xf32, #tpu.memory_space<hbm>> -> memref<10000x128xf32, #tpu.memory_space<hbm>>
        tpu.enqueue_indirect_dma source(%dma_start3A_112 : memref<10000x128xf32, #tpu.memory_space<hbm>>) target(%dma_start3A_108 : memref<128x128xf32, #tpu.memory_space<vmem>>) offsets(%dma_start3A_109 : memref<128xi32, #tpu.memory_space<vmem>>) semaphore(%arg14 : memref<!tpu.dma_semaphore, #tpu.memory_space<semaphore_mem>>)
        %dma_wait3A_113 = arith.constant 0 : i32
        %dma_wait3A_114 = arith.constant 0 : i32
        %dma_wait3A_115 = tpu.memref_slice %arg10[%dma_wait3A_113, %dma_wait3A_114] : memref<256x128xf32, #tpu.memory_space<vmem>> -> memref<128x128xf32, #tpu.memory_space<vmem>>
        %dma_wait3A_116 = tpu.memref_slice %arg8[%mul3A_96] : memref<12816xi32, #tpu.memory_space<vmem>> -> memref<128xi32, #tpu.memory_space<vmem>>
        %dma_wait3A_117 = arith.constant 0 : i32
        %dma_wait3A_118 = arith.constant 0 : i32
        %dma_wait3A_119 = tpu.memref_slice %arg2[%dma_wait3A_117, %dma_wait3A_118] : memref<10000x128xf32, #tpu.memory_space<hbm>> -> memref<10000x128xf32, #tpu.memory_space<hbm>>
        tpu.wait_indirect_dma semaphore(%arg14 : memref<!tpu.dma_semaphore, #tpu.memory_space<semaphore_mem>>) src(%dma_wait3A_119 : memref<10000x128xf32, #tpu.memory_space<hbm>>) dst(%dma_wait3A_115 : memref<128x128xf32, #tpu.memory_space<vmem>>)
        %add3A_120 = arith.constant 128 : i32
        %add3A_121 = arith.addi %mul3A_96, %add3A_120 : i32
        %dma_wait3A_122 = arith.constant 128 : i32
        %dma_wait3A_123 = arith.constant 0 : i32
        %dma_wait3A_124 = tpu.memref_slice %arg10[%dma_wait3A_122, %dma_wait3A_123] : memref<256x128xf32, #tpu.memory_space<vmem>> -> memref<128x128xf32, #tpu.memory_space<vmem>>
        %dma_wait3A_125 = tpu.memref_slice %arg8[%add3A_121] : memref<12816xi32, #tpu.memory_space<vmem>> -> memref<128xi32, #tpu.memory_space<vmem>>
        %dma_wait3A_126 = arith.constant 0 : i32
        %dma_wait3A_127 = arith.constant 0 : i32
        %dma_wait3A_128 = tpu.memref_slice %arg2[%dma_wait3A_126, %dma_wait3A_127] : memref<10000x128xf32, #tpu.memory_space<hbm>> -> memref<10000x128xf32, #tpu.memory_space<hbm>>
        tpu.wait_indirect_dma semaphore(%arg14 : memref<!tpu.dma_semaphore, #tpu.memory_space<semaphore_mem>>) src(%dma_wait3A_128 : memref<10000x128xf32, #tpu.memory_space<hbm>>) dst(%dma_wait3A_124 : memref<128x128xf32, #tpu.memory_space<vmem>>)
        %add3A_129 = arith.constant 256 : i32
        %add3A_130 = arith.addi %mul3A_96, %add3A_129 : i32
        %min3A_131 = arith.minsi %scan3A_59, %add3A_130 : i32
        %while3A_132 = arith.constant 0 : i32
        %while3A_133 = arith.subi %min3A_131, %mul3A_96 : i32
        %while3A_134 = arith.addi %mul3A_96, %while3A_133 : i32
        %while3A_135 = arith.constant 1 : i32
        %while3A_136 = arith.divsi %while3A_133, %while3A_135 : i32
        %while3A_137 = arith.muli %while3A_136, %while3A_135 : i32
        %while3A_138 = arith.addi %mul3A_96, %while3A_137 : i32
        %while3A_139 = arith.constant 1 : i32
        %while3A_140 = scf.for %while3A_144 = %mul3A_96 to %while3A_138 step %while3A_139 iter_args(%while3A_145 = %while3A_132) -> (i32)  : i32 {
          %sub3A_146 = arith.subi %while3A_144, %mul3A_96 : i32
          %get3A = arith.index_cast %while3A_144 : i32 to index
          %get3A_147 = tpu.vector_load %arg9[%get3A] {strides = array<i32>} : memref<12816xi32, #tpu.memory_space<vmem>>, vector<16xi32>,
          %slice3A = vector.extract_strided_slice %get3A_147 {offsets = [0], sizes = [1], strides = [1]} : vector<16xi32> to vector<1xi32>
          %squeeze3A = vector.extract %slice3A[0] : i32 from vector<1xi32>
          %get3A_148 = arith.constant 0 : i32
          %get3A_149 = tpu.memref_slice %arg11[%squeeze3A, %get3A_148] : memref<320x128xf32, #tpu.memory_space<vmem>> -> memref<1x128xf32, #tpu.memory_space<vmem>>
          %get3A_150 = tpu.memref_squeeze %get3A_149 : memref<1x128xf32, #tpu.memory_space<vmem>> -> memref<128xf32, #tpu.memory_space<vmem>>
          %get3A_151 = arith.constant 0 : index
          %get3A_152 = tpu.vector_load %get3A_150[%get3A_151] {strides = array<i32>} : memref<128xf32, #tpu.memory_space<vmem>>, vector<16xf32>,
          %get3A_153 = arith.constant 0 : i32
          %get3A_154 = tpu.memref_slice %arg10[%sub3A_146, %get3A_153] : memref<256x128xf32, #tpu.memory_space<vmem>> -> memref<1x128xf32, #tpu.memory_space<vmem>>
          %get3A_155 = tpu.memref_squeeze %get3A_154 : memref<1x128xf32, #tpu.memory_space<vmem>> -> memref<128xf32, #tpu.memory_space<vmem>>
          %get3A_156 = arith.constant 0 : index
          %get3A_157 = tpu.vector_load %get3A_155[%get3A_156] {strides = array<i32>} : memref<128xf32, #tpu.memory_space<vmem>>, vector<16xf32>,
          %max3A = arith.maximumf %get3A_152, %get3A_157 : vector<16xf32>
          %swap3A = arith.constant 0 : i32
          %swap3A_158 = tpu.memref_slice %arg11[%squeeze3A, %swap3A] : memref<320x128xf32, #tpu.memory_space<vmem>> -> memref<1x128xf32, #tpu.memory_space<vmem>>
          %swap3A_159 = tpu.memref_squeeze %swap3A_158 : memref<1x128xf32, #tpu.memory_space<vmem>> -> memref<128xf32, #tpu.memory_space<vmem>>
          %swap3A_160 = arith.constant 0 : index
          %swap3A_161 = tpu.vector_load %swap3A_159[%swap3A_160] {strides = array<i32>} : memref<128xf32, #tpu.memory_space<vmem>>, vector<16xf32>,
          tpu.vector_store %swap3A_159[%swap3A_160], %max3A {strides = array<i32>} : memref<128xf32, #tpu.memory_space<vmem>>, vector<16xf32>,
          %get3A_162 = arith.constant 0 : i32
          %get3A_163 = tpu.memref_slice %arg11[%squeeze3A, %get3A_162] : memref<320x128xf32, #tpu.memory_space<vmem>> -> memref<1x128xf32, #tpu.memory_space<vmem>>
          %get3A_164 = tpu.memref_squeeze %get3A_163 : memref<1x128xf32, #tpu.memory_space<vmem>> -> memref<128xf32, #tpu.memory_space<vmem>>
          %get3A_165 = arith.constant 16 : index
          %get3A_166 = tpu.vector_load %get3A_164[%get3A_165] {strides = array<i32>} : memref<128xf32, #tpu.memory_space<vmem>>, vector<16xf32>,
          %get3A_167 = arith.constant 0 : i32
          %get3A_168 = tpu.memref_slice %arg10[%sub3A_146, %get3A_167] : memref<256x128xf32, #tpu.memory_space<vmem>> -> memref<1x128xf32, #tpu.memory_space<vmem>>
          %get3A_169 = tpu.memref_squeeze %get3A_168 : memref<1x128xf32, #tpu.memory_space<vmem>> -> memref<128xf32, #tpu.memory_space<vmem>>
          %get3A_170 = arith.constant 16 : index
          %get3A_171 = tpu.vector_load %get3A_169[%get3A_170] {strides = array<i32>} : memref<128xf32, #tpu.memory_space<vmem>>, vector<16xf32>,
          %max3A_172 = arith.maximumf %get3A_166, %get3A_171 : vector<16xf32>
          %swap3A_173 = arith.constant 0 : i32
          %swap3A_174 = tpu.memref_slice %arg11[%squeeze3A, %swap3A_173] : memref<320x128xf32, #tpu.memory_space<vmem>> -> memref<1x128xf32, #tpu.memory_space<vmem>>
          %swap3A_175 = tpu.memref_squeeze %swap3A_174 : memref<1x128xf32, #tpu.memory_space<vmem>> -> memref<128xf32, #tpu.memory_space<vmem>>
          %swap3A_176 = arith.constant 16 : index
          %swap3A_177 = tpu.vector_load %swap3A_175[%swap3A_176] {strides = array<i32>} : memref<128xf32, #tpu.memory_space<vmem>>, vector<16xf32>,
          tpu.vector_store %swap3A_175[%swap3A_176], %max3A_172 {strides = array<i32>} : memref<128xf32, #tpu.memory_space<vmem>>, vector<16xf32>,
          %get3A_178 = arith.constant 0 : i32
          %get3A_179 = tpu.memref_slice %arg11[%squeeze3A, %get3A_178] : memref<320x128xf32, #tpu.memory_space<vmem>> -> memref<1x128xf32, #tpu.memory_space<vmem>>
          %get3A_180 = tpu.memref_squeeze %get3A_179 : memref<1x128xf32, #tpu.memory_space<vmem>> -> memref<128xf32, #tpu.memory_space<vmem>>
          %get3A_181 = arith.constant 32 : index
          %get3A_182 = tpu.vector_load %get3A_180[%get3A_181] {strides = array<i32>} : memref<128xf32, #tpu.memory_space<vmem>>, vector<16xf32>,
          %get3A_183 = arith.constant 0 : i32
          %get3A_184 = tpu.memref_slice %arg10[%sub3A_146, %get3A_183] : memref<256x128xf32, #tpu.memory_space<vmem>> -> memref<1x128xf32, #tpu.memory_space<vmem>>
          %get3A_185 = tpu.memref_squeeze %get3A_184 : memref<1x128xf32, #tpu.memory_space<vmem>> -> memref<128xf32, #tpu.memory_space<vmem>>
          %get3A_186 = arith.constant 32 : index
          %get3A_187 = tpu.vector_load %get3A_185[%get3A_186] {strides = array<i32>} : memref<128xf32, #tpu.memory_space<vmem>>, vector<16xf32>,
          %max3A_188 = arith.maximumf %get3A_182, %get3A_187 : vector<16xf32>
          %swap3A_189 = arith.constant 0 : i32
          %swap3A_190 = tpu.memref_slice %arg11[%squeeze3A, %swap3A_189] : memref<320x128xf32, #tpu.memory_space<vmem>> -> memref<1x128xf32, #tpu.memory_space<vmem>>
          %swap3A_191 = tpu.memref_squeeze %swap3A_190 : memref<1x128xf32, #tpu.memory_space<vmem>> -> memref<128xf32, #tpu.memory_space<vmem>>
          %swap3A_192 = arith.constant 32 : index
          %swap3A_193 = tpu.vector_load %swap3A_191[%swap3A_192] {strides = array<i32>} : memref<128xf32, #tpu.memory_space<vmem>>, vector<16xf32>,
          tpu.vector_store %swap3A_191[%swap3A_192], %max3A_188 {strides = array<i32>} : memref<128xf32, #tpu.memory_space<vmem>>, vector<16xf32>,
          %get3A_194 = arith.constant 0 : i32
          %get3A_195 = tpu.memref_slice %arg11[%squeeze3A, %get3A_194] : memref<320x128xf32, #tpu.memory_space<vmem>> -> memref<1x128xf32, #tpu.memory_space<vmem>>
          %get3A_196 = tpu.memref_squeeze %get3A_195 : memref<1x128xf32, #tpu.memory_space<vmem>> -> memref<128xf32, #tpu.memory_space<vmem>>
          %get3A_197 = arith.constant 48 : index
          %get3A_198 = tpu.vector_load %get3A_196[%get3A_197] {strides = array<i32>} : memref<128xf32, #tpu.memory_space<vmem>>, vector<16xf32>,
          %get3A_199 = arith.constant 0 : i32
          %get3A_200 = tpu.memref_slice %arg10[%sub3A_146, %get3A_199] : memref<256x128xf32, #tpu.memory_space<vmem>> -> memref<1x128xf32, #tpu.memory_space<vmem>>
          %get3A_201 = tpu.memref_squeeze %get3A_200 : memref<1x128xf32, #tpu.memory_space<vmem>> -> memref<128xf32, #tpu.memory_space<vmem>>
          %get3A_202 = arith.constant 48 : index
          %get3A_203 = tpu.vector_load %get3A_201[%get3A_202] {strides = array<i32>} : memref<128xf32, #tpu.memory_space<vmem>>, vector<16xf32>,
          %max3A_204 = arith.maximumf %get3A_198, %get3A_203 : vector<16xf32>
          %swap3A_205 = arith.constant 0 : i32
          %swap3A_206 = tpu.memref_slice %arg11[%squeeze3A, %swap3A_205] : memref<320x128xf32, #tpu.memory_space<vmem>> -> memref<1x128xf32, #tpu.memory_space<vmem>>
          %swap3A_207 = tpu.memref_squeeze %swap3A_206 : memref<1x128xf32, #tpu.memory_space<vmem>> -> memref<128xf32, #tpu.memory_space<vmem>>
          %swap3A_208 = arith.constant 48 : index
          %swap3A_209 = tpu.vector_load %swap3A_207[%swap3A_208] {strides = array<i32>} : memref<128xf32, #tpu.memory_space<vmem>>, vector<16xf32>,
          tpu.vector_store %swap3A_207[%swap3A_208], %max3A_204 {strides = array<i32>} : memref<128xf32, #tpu.memory_space<vmem>>, vector<16xf32>,
          %get3A_210 = arith.constant 0 : i32
          %get3A_211 = tpu.memref_slice %arg11[%squeeze3A, %get3A_210] : memref<320x128xf32, #tpu.memory_space<vmem>> -> memref<1x128xf32, #tpu.memory_space<vmem>>
          %get3A_212 = tpu.memref_squeeze %get3A_211 : memref<1x128xf32, #tpu.memory_space<vmem>> -> memref<128xf32, #tpu.memory_space<vmem>>
          %get3A_213 = arith.constant 64 : index
          %get3A_214 = tpu.vector_load %get3A_212[%get3A_213] {strides = array<i32>} : memref<128xf32, #tpu.memory_space<vmem>>, vector<16xf32>,
          %get3A_215 = arith.constant 0 : i32
          %get3A_216 = tpu.memref_slice %arg10[%sub3A_146, %get3A_215] : memref<256x128xf32, #tpu.memory_space<vmem>> -> memref<1x128xf32, #tpu.memory_space<vmem>>
          %get3A_217 = tpu.memref_squeeze %get3A_216 : memref<1x128xf32, #tpu.memory_space<vmem>> -> memref<128xf32, #tpu.memory_space<vmem>>
          %get3A_218 = arith.constant 64 : index
          %get3A_219 = tpu.vector_load %get3A_217[%get3A_218] {strides = array<i32>} : memref<128xf32, #tpu.memory_space<vmem>>, vector<16xf32>,
          %max3A_220 = arith.maximumf %get3A_214, %get3A_219 : vector<16xf32>
          %swap3A_221 = arith.constant 0 : i32
          %swap3A_222 = tpu.memref_slice %arg11[%squeeze3A, %swap3A_221] : memref<320x128xf32, #tpu.memory_space<vmem>> -> memref<1x128xf32, #tpu.memory_space<vmem>>
          %swap3A_223 = tpu.memref_squeeze %swap3A_222 : memref<1x128xf32, #tpu.memory_space<vmem>> -> memref<128xf32, #tpu.memory_space<vmem>>
          %swap3A_224 = arith.constant 64 : index
          %swap3A_225 = tpu.vector_load %swap3A_223[%swap3A_224] {strides = array<i32>} : memref<128xf32, #tpu.memory_space<vmem>>, vector<16xf32>,
          tpu.vector_store %swap3A_223[%swap3A_224], %max3A_220 {strides = array<i32>} : memref<128xf32, #tpu.memory_space<vmem>>, vector<16xf32>,
          %get3A_226 = arith.constant 0 : i32
          %get3A_227 = tpu.memref_slice %arg11[%squeeze3A, %get3A_226] : memref<320x128xf32, #tpu.memory_space<vmem>> -> memref<1x128xf32, #tpu.memory_space<vmem>>
          %get3A_228 = tpu.memref_squeeze %get3A_227 : memref<1x128xf32, #tpu.memory_space<vmem>> -> memref<128xf32, #tpu.memory_space<vmem>>
          %get3A_229 = arith.constant 80 : index
          %get3A_230 = tpu.vector_load %get3A_228[%get3A_229] {strides = array<i32>} : memref<128xf32, #tpu.memory_space<vmem>>, vector<16xf32>,
          %get3A_231 = arith.constant 0 : i32
          %get3A_232 = tpu.memref_slice %arg10[%sub3A_146, %get3A_231] : memref<256x128xf32, #tpu.memory_space<vmem>> -> memref<1x128xf32, #tpu.memory_space<vmem>>
          %get3A_233 = tpu.memref_squeeze %get3A_232 : memref<1x128xf32, #tpu.memory_space<vmem>> -> memref<128xf32, #tpu.memory_space<vmem>>
          %get3A_234 = arith.constant 80 : index
          %get3A_235 = tpu.vector_load %get3A_233[%get3A_234] {strides = array<i32>} : memref<128xf32, #tpu.memory_space<vmem>>, vector<16xf32>,
          %max3A_236 = arith.maximumf %get3A_230, %get3A_235 : vector<16xf32>
          %swap3A_237 = arith.constant 0 : i32
          %swap3A_238 = tpu.memref_slice %arg11[%squeeze3A, %swap3A_237] : memref<320x128xf32, #tpu.memory_space<vmem>> -> memref<1x128xf32, #tpu.memory_space<vmem>>
          %swap3A_239 = tpu.memref_squeeze %swap3A_238 : memref<1x128xf32, #tpu.memory_space<vmem>> -> memref<128xf32, #tpu.memory_space<vmem>>
          %swap3A_240 = arith.constant 80 : index
          %swap3A_241 = tpu.vector_load %swap3A_239[%swap3A_240] {strides = array<i32>} : memref<128xf32, #tpu.memory_space<vmem>>, vector<16xf32>,
          tpu.vector_store %swap3A_239[%swap3A_240], %max3A_236 {strides = array<i32>} : memref<128xf32, #tpu.memory_space<vmem>>, vector<16xf32>,
          %get3A_242 = arith.constant 0 : i32
          %get3A_243 = tpu.memref_slice %arg11[%squeeze3A, %get3A_242] : memref<320x128xf32, #tpu.memory_space<vmem>> -> memref<1x128xf32, #tpu.memory_space<vmem>>
          %get3A_244 = tpu.memref_squeeze %get3A_243 : memref<1x128xf32, #tpu.memory_space<vmem>> -> memref<128xf32, #tpu.memory_space<vmem>>
          %get3A_245 = arith.constant 96 : index
          %get3A_246 = tpu.vector_load %get3A_244[%get3A_245] {strides = array<i32>} : memref<128xf32, #tpu.memory_space<vmem>>, vector<16xf32>,
          %get3A_247 = arith.constant 0 : i32
          %get3A_248 = tpu.memref_slice %arg10[%sub3A_146, %get3A_247] : memref<256x128xf32, #tpu.memory_space<vmem>> -> memref<1x128xf32, #tpu.memory_space<vmem>>
          %get3A_249 = tpu.memref_squeeze %get3A_248 : memref<1x128xf32, #tpu.memory_space<vmem>> -> memref<128xf32, #tpu.memory_space<vmem>>
          %get3A_250 = arith.constant 96 : index
          %get3A_251 = tpu.vector_load %get3A_249[%get3A_250] {strides = array<i32>} : memref<128xf32, #tpu.memory_space<vmem>>, vector<16xf32>,
          %max3A_252 = arith.maximumf %get3A_246, %get3A_251 : vector<16xf32>
          %swap3A_253 = arith.constant 0 : i32
          %swap3A_254 = tpu.memref_slice %arg11[%squeeze3A, %swap3A_253] : memref<320x128xf32, #tpu.memory_space<vmem>> -> memref<1x128xf32, #tpu.memory_space<vmem>>
          %swap3A_255 = tpu.memref_squeeze %swap3A_254 : memref<1x128xf32, #tpu.memory_space<vmem>> -> memref<128xf32, #tpu.memory_space<vmem>>
          %swap3A_256 = arith.constant 96 : index
          %swap3A_257 = tpu.vector_load %swap3A_255[%swap3A_256] {strides = array<i32>} : memref<128xf32, #tpu.memory_space<vmem>>, vector<16xf32>,
          tpu.vector_store %swap3A_255[%swap3A_256], %max3A_252 {strides = array<i32>} : memref<128xf32, #tpu.memory_space<vmem>>, vector<16xf32>,
          %get3A_258 = arith.constant 0 : i32
          %get3A_259 = tpu.memref_slice %arg11[%squeeze3A, %get3A_258] : memref<320x128xf32, #tpu.memory_space<vmem>> -> memref<1x128xf32, #tpu.memory_space<vmem>>
          %get3A_260 = tpu.memref_squeeze %get3A_259 : memref<1x128xf32, #tpu.memory_space<vmem>> -> memref<128xf32, #tpu.memory_space<vmem>>
          %get3A_261 = arith.constant 112 : index
          %get3A_262 = tpu.vector_load %get3A_260[%get3A_261] {strides = array<i32>} : memref<128xf32, #tpu.memory_space<vmem>>, vector<16xf32>,
          %get3A_263 = arith.constant 0 : i32
          %get3A_264 = tpu.memref_slice %arg10[%sub3A_146, %get3A_263] : memref<256x128xf32, #tpu.memory_space<vmem>> -> memref<1x128xf32, #tpu.memory_space<vmem>>
          %get3A_265 = tpu.memref_squeeze %get3A_264 : memref<1x128xf32, #tpu.memory_space<vmem>> -> memref<128xf32, #tpu.memory_space<vmem>>
          %get3A_266 = arith.constant 112 : index
          %get3A_267 = tpu.vector_load %get3A_265[%get3A_266] {strides = array<i32>} : memref<128xf32, #tpu.memory_space<vmem>>, vector<16xf32>,
          %max3A_268 = arith.maximumf %get3A_262, %get3A_267 : vector<16xf32>
          %swap3A_269 = arith.constant 0 : i32
          %swap3A_270 = tpu.memref_slice %arg11[%squeeze3A, %swap3A_269] : memref<320x128xf32, #tpu.memory_space<vmem>> -> memref<1x128xf32, #tpu.memory_space<vmem>>
          %swap3A_271 = tpu.memref_squeeze %swap3A_270 : memref<1x128xf32, #tpu.memory_space<vmem>> -> memref<128xf32, #tpu.memory_space<vmem>>
          %swap3A_272 = arith.constant 112 : index
          %swap3A_273 = tpu.vector_load %swap3A_271[%swap3A_272] {strides = array<i32>} : memref<128xf32, #tpu.memory_space<vmem>>, vector<16xf32>,
          tpu.vector_store %swap3A_271[%swap3A_272], %max3A_268 {strides = array<i32>} : memref<128xf32, #tpu.memory_space<vmem>>, vector<16xf32>,
          %while3A_274 = arith.constant 0 : i32
          scf.yield %while3A_274 : i32
        }
        %while3A_141 = arith.constant 1 : i32
        %while3A_142 = scf.for %while3A_144 = %while3A_138 to %while3A_134 step %while3A_141 iter_args(%while3A_145 = %while3A_140) -> (i32)  : i32 {
          %sub3A_146 = arith.subi %while3A_144, %mul3A_96 : i32
          %get3A = arith.index_cast %while3A_144 : i32 to index
          %get3A_147 = tpu.vector_load %arg9[%get3A] {strides = array<i32>} : memref<12816xi32, #tpu.memory_space<vmem>>, vector<16xi32>,
          %slice3A = vector.extract_strided_slice %get3A_147 {offsets = [0], sizes = [1], strides = [1]} : vector<16xi32> to vector<1xi32>
          %squeeze3A = vector.extract %slice3A[0] : i32 from vector<1xi32>
          %get3A_148 = arith.constant 0 : i32
          %get3A_149 = tpu.memref_slice %arg11[%squeeze3A, %get3A_148] : memref<320x128xf32, #tpu.memory_space<vmem>> -> memref<1x128xf32, #tpu.memory_space<vmem>>
          %get3A_150 = tpu.memref_squeeze %get3A_149 : memref<1x128xf32, #tpu.memory_space<vmem>> -> memref<128xf32, #tpu.memory_space<vmem>>
          %get3A_151 = arith.constant 0 : index
          %get3A_152 = tpu.vector_load %get3A_150[%get3A_151] {strides = array<i32>} : memref<128xf32, #tpu.memory_space<vmem>>, vector<16xf32>,
          %get3A_153 = arith.constant 0 : i32
          %get3A_154 = tpu.memref_slice %arg10[%sub3A_146, %get3A_153] : memref<256x128xf32, #tpu.memory_space<vmem>> -> memref<1x128xf32, #tpu.memory_space<vmem>>
          %get3A_155 = tpu.memref_squeeze %get3A_154 : memref<1x128xf32, #tpu.memory_space<vmem>> -> memref<128xf32, #tpu.memory_space<vmem>>
          %get3A_156 = arith.constant 0 : index
          %get3A_157 = tpu.vector_load %get3A_155[%get3A_156] {strides = array<i32>} : memref<128xf32, #tpu.memory_space<vmem>>, vector<16xf32>,
          %max3A = arith.maximumf %get3A_152, %get3A_157 : vector<16xf32>
          %swap3A = arith.constant 0 : i32
          %swap3A_158 = tpu.memref_slice %arg11[%squeeze3A, %swap3A] : memref<320x128xf32, #tpu.memory_space<vmem>> -> memref<1x128xf32, #tpu.memory_space<vmem>>
          %swap3A_159 = tpu.memref_squeeze %swap3A_158 : memref<1x128xf32, #tpu.memory_space<vmem>> -> memref<128xf32, #tpu.memory_space<vmem>>
          %swap3A_160 = arith.constant 0 : index
          %swap3A_161 = tpu.vector_load %swap3A_159[%swap3A_160] {strides = array<i32>} : memref<128xf32, #tpu.memory_space<vmem>>, vector<16xf32>,
          tpu.vector_store %swap3A_159[%swap3A_160], %max3A {strides = array<i32>} : memref<128xf32, #tpu.memory_space<vmem>>, vector<16xf32>,
          %get3A_162 = arith.constant 0 : i32
          %get3A_163 = tpu.memref_slice %arg11[%squeeze3A, %get3A_162] : memref<320x128xf32, #tpu.memory_space<vmem>> -> memref<1x128xf32, #tpu.memory_space<vmem>>
          %get3A_164 = tpu.memref_squeeze %get3A_163 : memref<1x128xf32, #tpu.memory_space<vmem>> -> memref<128xf32, #tpu.memory_space<vmem>>
          %get3A_165 = arith.constant 16 : index
          %get3A_166 = tpu.vector_load %get3A_164[%get3A_165] {strides = array<i32>} : memref<128xf32, #tpu.memory_space<vmem>>, vector<16xf32>,
          %get3A_167 = arith.constant 0 : i32
          %get3A_168 = tpu.memref_slice %arg10[%sub3A_146, %get3A_167] : memref<256x128xf32, #tpu.memory_space<vmem>> -> memref<1x128xf32, #tpu.memory_space<vmem>>
          %get3A_169 = tpu.memref_squeeze %get3A_168 : memref<1x128xf32, #tpu.memory_space<vmem>> -> memref<128xf32, #tpu.memory_space<vmem>>
          %get3A_170 = arith.constant 16 : index
          %get3A_171 = tpu.vector_load %get3A_169[%get3A_170] {strides = array<i32>} : memref<128xf32, #tpu.memory_space<vmem>>, vector<16xf32>,
          %max3A_172 = arith.maximumf %get3A_166, %get3A_171 : vector<16xf32>
          %swap3A_173 = arith.constant 0 : i32
          %swap3A_174 = tpu.memref_slice %arg11[%squeeze3A, %swap3A_173] : memref<320x128xf32, #tpu.memory_space<vmem>> -> memref<1x128xf32, #tpu.memory_space<vmem>>
          %swap3A_175 = tpu.memref_squeeze %swap3A_174 : memref<1x128xf32, #tpu.memory_space<vmem>> -> memref<128xf32, #tpu.memory_space<vmem>>
          %swap3A_176 = arith.constant 16 : index
          %swap3A_177 = tpu.vector_load %swap3A_175[%swap3A_176] {strides = array<i32>} : memref<128xf32, #tpu.memory_space<vmem>>, vector<16xf32>,
          tpu.vector_store %swap3A_175[%swap3A_176], %max3A_172 {strides = array<i32>} : memref<128xf32, #tpu.memory_space<vmem>>, vector<16xf32>,
          %get3A_178 = arith.constant 0 : i32
          %get3A_179 = tpu.memref_slice %arg11[%squeeze3A, %get3A_178] : memref<320x128xf32, #tpu.memory_space<vmem>> -> memref<1x128xf32, #tpu.memory_space<vmem>>
          %get3A_180 = tpu.memref_squeeze %get3A_179 : memref<1x128xf32, #tpu.memory_space<vmem>> -> memref<128xf32, #tpu.memory_space<vmem>>
          %get3A_181 = arith.constant 32 : index
          %get3A_182 = tpu.vector_load %get3A_180[%get3A_181] {strides = array<i32>} : memref<128xf32, #tpu.memory_space<vmem>>, vector<16xf32>,
          %get3A_183 = arith.constant 0 : i32
          %get3A_184 = tpu.memref_slice %arg10[%sub3A_146, %get3A_183] : memref<256x128xf32, #tpu.memory_space<vmem>> -> memref<1x128xf32, #tpu.memory_space<vmem>>
          %get3A_185 = tpu.memref_squeeze %get3A_184 : memref<1x128xf32, #tpu.memory_space<vmem>> -> memref<128xf32, #tpu.memory_space<vmem>>
          %get3A_186 = arith.constant 32 : index
          %get3A_187 = tpu.vector_load %get3A_185[%get3A_186] {strides = array<i32>} : memref<128xf32, #tpu.memory_space<vmem>>, vector<16xf32>,
          %max3A_188 = arith.maximumf %get3A_182, %get3A_187 : vector<16xf32>
          %swap3A_189 = arith.constant 0 : i32
          %swap3A_190 = tpu.memref_slice %arg11[%squeeze3A, %swap3A_189] : memref<320x128xf32, #tpu.memory_space<vmem>> -> memref<1x128xf32, #tpu.memory_space<vmem>>
          %swap3A_191 = tpu.memref_squeeze %swap3A_190 : memref<1x128xf32, #tpu.memory_space<vmem>> -> memref<128xf32, #tpu.memory_space<vmem>>
          %swap3A_192 = arith.constant 32 : index
          %swap3A_193 = tpu.vector_load %swap3A_191[%swap3A_192] {strides = array<i32>} : memref<128xf32, #tpu.memory_space<vmem>>, vector<16xf32>,
          tpu.vector_store %swap3A_191[%swap3A_192], %max3A_188 {strides = array<i32>} : memref<128xf32, #tpu.memory_space<vmem>>, vector<16xf32>,
          %get3A_194 = arith.constant 0 : i32
          %get3A_195 = tpu.memref_slice %arg11[%squeeze3A, %get3A_194] : memref<320x128xf32, #tpu.memory_space<vmem>> -> memref<1x128xf32, #tpu.memory_space<vmem>>
          %get3A_196 = tpu.memref_squeeze %get3A_195 : memref<1x128xf32, #tpu.memory_space<vmem>> -> memref<128xf32, #tpu.memory_space<vmem>>
          %get3A_197 = arith.constant 48 : index
          %get3A_198 = tpu.vector_load %get3A_196[%get3A_197] {strides = array<i32>} : memref<128xf32, #tpu.memory_space<vmem>>, vector<16xf32>,
          %get3A_199 = arith.constant 0 : i32
          %get3A_200 = tpu.memref_slice %arg10[%sub3A_146, %get3A_199] : memref<256x128xf32, #tpu.memory_space<vmem>> -> memref<1x128xf32, #tpu.memory_space<vmem>>
          %get3A_201 = tpu.memref_squeeze %get3A_200 : memref<1x128xf32, #tpu.memory_space<vmem>> -> memref<128xf32, #tpu.memory_space<vmem>>
          %get3A_202 = arith.constant 48 : index
          %get3A_203 = tpu.vector_load %get3A_201[%get3A_202] {strides = array<i32>} : memref<128xf32, #tpu.memory_space<vmem>>, vector<16xf32>,
          %max3A_204 = arith.maximumf %get3A_198, %get3A_203 : vector<16xf32>
          %swap3A_205 = arith.constant 0 : i32
          %swap3A_206 = tpu.memref_slice %arg11[%squeeze3A, %swap3A_205] : memref<320x128xf32, #tpu.memory_space<vmem>> -> memref<1x128xf32, #tpu.memory_space<vmem>>
          %swap3A_207 = tpu.memref_squeeze %swap3A_206 : memref<1x128xf32, #tpu.memory_space<vmem>> -> memref<128xf32, #tpu.memory_space<vmem>>
          %swap3A_208 = arith.constant 48 : index
          %swap3A_209 = tpu.vector_load %swap3A_207[%swap3A_208] {strides = array<i32>} : memref<128xf32, #tpu.memory_space<vmem>>, vector<16xf32>,
          tpu.vector_store %swap3A_207[%swap3A_208], %max3A_204 {strides = array<i32>} : memref<128xf32, #tpu.memory_space<vmem>>, vector<16xf32>,
          %get3A_210 = arith.constant 0 : i32
          %get3A_211 = tpu.memref_slice %arg11[%squeeze3A, %get3A_210] : memref<320x128xf32, #tpu.memory_space<vmem>> -> memref<1x128xf32, #tpu.memory_space<vmem>>
          %get3A_212 = tpu.memref_squeeze %get3A_211 : memref<1x128xf32, #tpu.memory_space<vmem>> -> memref<128xf32, #tpu.memory_space<vmem>>
          %get3A_213 = arith.constant 64 : index
          %get3A_214 = tpu.vector_load %get3A_212[%get3A_213] {strides = array<i32>} : memref<128xf32, #tpu.memory_space<vmem>>, vector<16xf32>,
          %get3A_215 = arith.constant 0 : i32
          %get3A_216 = tpu.memref_slice %arg10[%sub3A_146, %get3A_215] : memref<256x128xf32, #tpu.memory_space<vmem>> -> memref<1x128xf32, #tpu.memory_space<vmem>>
          %get3A_217 = tpu.memref_squeeze %get3A_216 : memref<1x128xf32, #tpu.memory_space<vmem>> -> memref<128xf32, #tpu.memory_space<vmem>>
          %get3A_218 = arith.constant 64 : index
          %get3A_219 = tpu.vector_load %get3A_217[%get3A_218] {strides = array<i32>} : memref<128xf32, #tpu.memory_space<vmem>>, vector<16xf32>,
          %max3A_220 = arith.maximumf %get3A_214, %get3A_219 : vector<16xf32>
          %swap3A_221 = arith.constant 0 : i32
          %swap3A_222 = tpu.memref_slice %arg11[%squeeze3A, %swap3A_221] : memref<320x128xf32, #tpu.memory_space<vmem>> -> memref<1x128xf32, #tpu.memory_space<vmem>>
          %swap3A_223 = tpu.memref_squeeze %swap3A_222 : memref<1x128xf32, #tpu.memory_space<vmem>> -> memref<128xf32, #tpu.memory_space<vmem>>
          %swap3A_224 = arith.constant 64 : index
          %swap3A_225 = tpu.vector_load %swap3A_223[%swap3A_224] {strides = array<i32>} : memref<128xf32, #tpu.memory_space<vmem>>, vector<16xf32>,
          tpu.vector_store %swap3A_223[%swap3A_224], %max3A_220 {strides = array<i32>} : memref<128xf32, #tpu.memory_space<vmem>>, vector<16xf32>,
          %get3A_226 = arith.constant 0 : i32
          %get3A_227 = tpu.memref_slice %arg11[%squeeze3A, %get3A_226] : memref<320x128xf32, #tpu.memory_space<vmem>> -> memref<1x128xf32, #tpu.memory_space<vmem>>
          %get3A_228 = tpu.memref_squeeze %get3A_227 : memref<1x128xf32, #tpu.memory_space<vmem>> -> memref<128xf32, #tpu.memory_space<vmem>>
          %get3A_229 = arith.constant 80 : index
          %get3A_230 = tpu.vector_load %get3A_228[%get3A_229] {strides = array<i32>} : memref<128xf32, #tpu.memory_space<vmem>>, vector<16xf32>,
          %get3A_231 = arith.constant 0 : i32
          %get3A_232 = tpu.memref_slice %arg10[%sub3A_146, %get3A_231] : memref<256x128xf32, #tpu.memory_space<vmem>> -> memref<1x128xf32, #tpu.memory_space<vmem>>
          %get3A_233 = tpu.memref_squeeze %get3A_232 : memref<1x128xf32, #tpu.memory_space<vmem>> -> memref<128xf32, #tpu.memory_space<vmem>>
          %get3A_234 = arith.constant 80 : index
          %get3A_235 = tpu.vector_load %get3A_233[%get3A_234] {strides = array<i32>} : memref<128xf32, #tpu.memory_space<vmem>>, vector<16xf32>,
          %max3A_236 = arith.maximumf %get3A_230, %get3A_235 : vector<16xf32>
          %swap3A_237 = arith.constant 0 : i32
          %swap3A_238 = tpu.memref_slice %arg11[%squeeze3A, %swap3A_237] : memref<320x128xf32, #tpu.memory_space<vmem>> -> memref<1x128xf32, #tpu.memory_space<vmem>>
          %swap3A_239 = tpu.memref_squeeze %swap3A_238 : memref<1x128xf32, #tpu.memory_space<vmem>> -> memref<128xf32, #tpu.memory_space<vmem>>
          %swap3A_240 = arith.constant 80 : index
          %swap3A_241 = tpu.vector_load %swap3A_239[%swap3A_240] {strides = array<i32>} : memref<128xf32, #tpu.memory_space<vmem>>, vector<16xf32>,
          tpu.vector_store %swap3A_239[%swap3A_240], %max3A_236 {strides = array<i32>} : memref<128xf32, #tpu.memory_space<vmem>>, vector<16xf32>,
          %get3A_242 = arith.constant 0 : i32
          %get3A_243 = tpu.memref_slice %arg11[%squeeze3A, %get3A_242] : memref<320x128xf32, #tpu.memory_space<vmem>> -> memref<1x128xf32, #tpu.memory_space<vmem>>
          %get3A_244 = tpu.memref_squeeze %get3A_243 : memref<1x128xf32, #tpu.memory_space<vmem>> -> memref<128xf32, #tpu.memory_space<vmem>>
          %get3A_245 = arith.constant 96 : index
          %get3A_246 = tpu.vector_load %get3A_244[%get3A_245] {strides = array<i32>} : memref<128xf32, #tpu.memory_space<vmem>>, vector<16xf32>,
          %get3A_247 = arith.constant 0 : i32
          %get3A_248 = tpu.memref_slice %arg10[%sub3A_146, %get3A_247] : memref<256x128xf32, #tpu.memory_space<vmem>> -> memref<1x128xf32, #tpu.memory_space<vmem>>
          %get3A_249 = tpu.memref_squeeze %get3A_248 : memref<1x128xf32, #tpu.memory_space<vmem>> -> memref<128xf32, #tpu.memory_space<vmem>>
          %get3A_250 = arith.constant 96 : index
          %get3A_251 = tpu.vector_load %get3A_249[%get3A_250] {strides = array<i32>} : memref<128xf32, #tpu.memory_space<vmem>>, vector<16xf32>,
          %max3A_252 = arith.maximumf %get3A_246, %get3A_251 : vector<16xf32>
          %swap3A_253 = arith.constant 0 : i32
          %swap3A_254 = tpu.memref_slice %arg11[%squeeze3A, %swap3A_253] : memref<320x128xf32, #tpu.memory_space<vmem>> -> memref<1x128xf32, #tpu.memory_space<vmem>>
          %swap3A_255 = tpu.memref_squeeze %swap3A_254 : memref<1x128xf32, #tpu.memory_space<vmem>> -> memref<128xf32, #tpu.memory_space<vmem>>
          %swap3A_256 = arith.constant 96 : index
          %swap3A_257 = tpu.vector_load %swap3A_255[%swap3A_256] {strides = array<i32>} : memref<128xf32, #tpu.memory_space<vmem>>, vector<16xf32>,
          tpu.vector_store %swap3A_255[%swap3A_256], %max3A_252 {strides = array<i32>} : memref<128xf32, #tpu.memory_space<vmem>>, vector<16xf32>,
          %get3A_258 = arith.constant 0 : i32
          %get3A_259 = tpu.memref_slice %arg11[%squeeze3A, %get3A_258] : memref<320x128xf32, #tpu.memory_space<vmem>> -> memref<1x128xf32, #tpu.memory_space<vmem>>
          %get3A_260 = tpu.memref_squeeze %get3A_259 : memref<1x128xf32, #tpu.memory_space<vmem>> -> memref<128xf32, #tpu.memory_space<vmem>>
          %get3A_261 = arith.constant 112 : index
          %get3A_262 = tpu.vector_load %get3A_260[%get3A_261] {strides = array<i32>} : memref<128xf32, #tpu.memory_space<vmem>>, vector<16xf32>,
          %get3A_263 = arith.constant 0 : i32
          %get3A_264 = tpu.memref_slice %arg10[%sub3A_146, %get3A_263] : memref<256x128xf32, #tpu.memory_space<vmem>> -> memref<1x128xf32, #tpu.memory_space<vmem>>
          %get3A_265 = tpu.memref_squeeze %get3A_264 : memref<1x128xf32, #tpu.memory_space<vmem>> -> memref<128xf32, #tpu.memory_space<vmem>>
          %get3A_266 = arith.constant 112 : index
          %get3A_267 = tpu.vector_load %get3A_265[%get3A_266] {strides = array<i32>} : memref<128xf32, #tpu.memory_space<vmem>>, vector<16xf32>,
          %max3A_268 = arith.maximumf %get3A_262, %get3A_267 : vector<16xf32>
          %swap3A_269 = arith.constant 0 : i32
          %swap3A_270 = tpu.memref_slice %arg11[%squeeze3A, %swap3A_269] : memref<320x128xf32, #tpu.memory_space<vmem>> -> memref<1x128xf32, #tpu.memory_space<vmem>>
          %swap3A_271 = tpu.memref_squeeze %swap3A_270 : memref<1x128xf32, #tpu.memory_space<vmem>> -> memref<128xf32, #tpu.memory_space<vmem>>
          %swap3A_272 = arith.constant 112 : index
          %swap3A_273 = tpu.vector_load %swap3A_271[%swap3A_272] {strides = array<i32>} : memref<128xf32, #tpu.memory_space<vmem>>, vector<16xf32>,
          tpu.vector_store %swap3A_271[%swap3A_272], %max3A_268 {strides = array<i32>} : memref<128xf32, #tpu.memory_space<vmem>>, vector<16xf32>,
          %while3A_274 = arith.constant 0 : i32
          scf.yield %while3A_274 : i32
        }
        %while3A_143 = arith.constant 0 : i32
        scf.yield %while3A_143 : i32
      }
      %scan3A_90 = arith.constant 0 : i32
      scf.yield %scan3A_90 : i32
    }
    %scan3A_25 = arith.constant 25 : i32
    "tpu.region"() ({
      %run_scoped3A = tpu.sem_alloc : memref<!tpu.dma_semaphore, #tpu.memory_space<semaphore_mem>>
      %dma_start3A = arith.constant 0 : i32
      %dma_start3A_26 = tpu.memref_slice %arg5[%mul3A_2, %dma_start3A] : memref<10240x128xf32, #tpu.memory_space<hbm>> -> memref<320x128xf32, #tpu.memory_space<hbm>>
      %dma_start3A_27 = arith.constant 0 : i32
      %dma_start3A_28 = tpu.memref_slice %arg5[%mul3A_2, %dma_start3A_27] : memref<10240x128xf32, #tpu.memory_space<hbm>> -> memref<320x128xf32, #tpu.memory_space<hbm>>
      tpu.enqueue_dma source(%arg11 : memref<320x128xf32, #tpu.memory_space<vmem>>) target(%dma_start3A_28 : memref<320x128xf32, #tpu.memory_space<hbm>>) target_semaphore(%run_scoped3A : memref<!tpu.dma_semaphore, #tpu.memory_space<semaphore_mem>>)
      %dma_wait3A = arith.constant 0 : i32
      %dma_wait3A_29 = tpu.memref_slice %arg5[%mul3A_2, %dma_wait3A] : memref<10240x128xf32, #tpu.memory_space<hbm>> -> memref<320x128xf32, #tpu.memory_space<hbm>>
      %dma_wait3A_30 = arith.constant 0 : i32
      %dma_wait3A_31 = tpu.memref_slice %arg5[%mul3A_2, %dma_wait3A_30] : memref<10240x128xf32, #tpu.memory_space<hbm>> -> memref<320x128xf32, #tpu.memory_space<hbm>>
      tpu.wait_dma2 semaphore(%run_scoped3A : memref<!tpu.dma_semaphore, #tpu.memory_space<semaphore_mem>>) src(%arg11 : memref<320x128xf32, #tpu.memory_space<vmem>>) dst(%dma_wait3A_31 : memref<320x128xf32, #tpu.memory_space<hbm>>)
      tpu.yield
    }) : () -> ()
    return
  }
}

#map = affine_map<(d0, d1) -> (0, 0)>
#map1 = affine_map<(d0, d1) -> (0)>
module attributes {stable_mosaic.version = 14 : i64} {
  func.func @_seg_max(%arg0: i32, %arg1: i32, %arg2: memref<10000x128xf32, #tpu.memory_space<hbm>>, %arg3: memref<320000xi32, #tpu.memory_space<hbm>>, %arg4: memref<320000xi32, #tpu.memory_space<hbm>>, %arg5: memref<10240x128xf32, #tpu.memory_space<hbm>>, %arg6: memref<12800xi32, #tpu.memory_space<vmem>>, %arg7: memref<12800xi32, #tpu.memory_space<vmem>>, %arg8: memref<12816xi32, #tpu.memory_space<vmem>>, %arg9: memref<12816xi32, #tpu.memory_space<vmem>>, %arg10: memref<256x128xf32, #tpu.memory_space<vmem>>, %arg11: memref<320x128xf32, #tpu.memory_space<vmem>>, %arg12: memref<!tpu.dma_semaphore, #tpu.memory_space<semaphore_mem>>, %arg13: memref<!tpu.dma_semaphore, #tpu.memory_space<semaphore_mem>>, %arg14: memref<!tpu.dma_semaphore, #tpu.memory_space<semaphore_mem>>) attributes {dimension_semantics = [#tpu.dimension_semantics<core_parallel>, #tpu.dimension_semantics<subcore_parallel>], iteration_bounds = array<i64: 2, 16>, scalar_prefetch = 0 : i64, scratch_operands = 9 : i64, tpu.core_type = #tpu.core_type<sc_vector_subcore>, window_params = [{transform_indices = #map}, {transform_indices = #map1}, {transform_indices = #map1}, {transform_indices = #map}]} {
    %mul3A = arith.constant 2 : i32
    %mul3A_0 = arith.muli %arg1, %mul3A : i32
    %add3A = arith.addi %mul3A_0, %arg0 : i32
    %mul3A_1 = arith.constant 320 : i32
    %mul3A_2 = arith.muli %add3A, %mul3A_1 : i32
    %add3A_3 = arith.constant 320 : i32
    %add3A_4 = arith.addi %mul3A_2, %add3A_3 : i32
    %min3A = arith.constant 10000 : i32
    %min3A_5 = arith.minsi %add3A_4, %min3A : i32
    %scan3A = arith.constant 0 : i32
    %scan3A_6 = arith.constant 0 : i32
    %scan3A_7 = arith.constant 320 : i32
    %scan3A_8 = arith.addi %scan3A_6, %scan3A_7 : i32
    %scan3A_9 = arith.constant 1 : i32
    %scan3A_10 = scf.for %scan3A_26 = %scan3A_6 to %scan3A_8 step %scan3A_9 iter_args(%scan3A_27 = %scan3A) -> (i32)  : i32 {
      %broadcast_in_dim3A = arith.constant 0xFF800000 : f32
      %broadcast_in_dim3A_28 = vector.broadcast %broadcast_in_dim3A : f32 to vector<16xf32>
      %swap3A = arith.constant 0 : i32
      %swap3A_29 = tpu.memref_slice %arg11[%scan3A_26, %swap3A] : memref<320x128xf32, #tpu.memory_space<vmem>> -> memref<1x128xf32, #tpu.memory_space<vmem>>
      %swap3A_30 = tpu.memref_squeeze %swap3A_29 : memref<1x128xf32, #tpu.memory_space<vmem>> -> memref<128xf32, #tpu.memory_space<vmem>>
      %swap3A_31 = arith.constant 0 : index
      %swap3A_32 = tpu.vector_load %swap3A_30[%swap3A_31] {strides = array<i32>} : memref<128xf32, #tpu.memory_space<vmem>>, vector<16xf32>,
      tpu.vector_store %swap3A_30[%swap3A_31], %broadcast_in_dim3A_28 {strides = array<i32>} : memref<128xf32, #tpu.memory_space<vmem>>, vector<16xf32>,
      %broadcast_in_dim3A_33 = arith.constant 0xFF800000 : f32
      %broadcast_in_dim3A_34 = vector.broadcast %broadcast_in_dim3A_33 : f32 to vector<16xf32>
      %swap3A_35 = arith.constant 0 : i32
      %swap3A_36 = tpu.memref_slice %arg11[%scan3A_26, %swap3A_35] : memref<320x128xf32, #tpu.memory_space<vmem>> -> memref<1x128xf32, #tpu.memory_space<vmem>>
      %swap3A_37 = tpu.memref_squeeze %swap3A_36 : memref<1x128xf32, #tpu.memory_space<vmem>> -> memref<128xf32, #tpu.memory_space<vmem>>
      %swap3A_38 = arith.constant 16 : index
      %swap3A_39 = tpu.vector_load %swap3A_37[%swap3A_38] {strides = array<i32>} : memref<128xf32, #tpu.memory_space<vmem>>, vector<16xf32>,
      tpu.vector_store %swap3A_37[%swap3A_38], %broadcast_in_dim3A_34 {strides = array<i32>} : memref<128xf32, #tpu.memory_space<vmem>>, vector<16xf32>,
      %broadcast_in_dim3A_40 = arith.constant 0xFF800000 : f32
      %broadcast_in_dim3A_41 = vector.broadcast %broadcast_in_dim3A_40 : f32 to vector<16xf32>
      %swap3A_42 = arith.constant 0 : i32
      %swap3A_43 = tpu.memref_slice %arg11[%scan3A_26, %swap3A_42] : memref<320x128xf32, #tpu.memory_space<vmem>> -> memref<1x128xf32, #tpu.memory_space<vmem>>
      %swap3A_44 = tpu.memref_squeeze %swap3A_43 : memref<1x128xf32, #tpu.memory_space<vmem>> -> memref<128xf32, #tpu.memory_space<vmem>>
      %swap3A_45 = arith.constant 32 : index
      %swap3A_46 = tpu.vector_load %swap3A_44[%swap3A_45] {strides = array<i32>} : memref<128xf32, #tpu.memory_space<vmem>>, vector<16xf32>,
      tpu.vector_store %swap3A_44[%swap3A_45], %broadcast_in_dim3A_41 {strides = array<i32>} : memref<128xf32, #tpu.memory_space<vmem>>, vector<16xf32>,
      %broadcast_in_dim3A_47 = arith.constant 0xFF800000 : f32
      %broadcast_in_dim3A_48 = vector.broadcast %broadcast_in_dim3A_47 : f32 to vector<16xf32>
      %swap3A_49 = arith.constant 0 : i32
      %swap3A_50 = tpu.memref_slice %arg11[%scan3A_26, %swap3A_49] : memref<320x128xf32, #tpu.memory_space<vmem>> -> memref<1x128xf32, #tpu.memory_space<vmem>>
      %swap3A_51 = tpu.memref_squeeze %swap3A_50 : memref<1x128xf32, #tpu.memory_space<vmem>> -> memref<128xf32, #tpu.memory_space<vmem>>
      %swap3A_52 = arith.constant 48 : index
      %swap3A_53 = tpu.vector_load %swap3A_51[%swap3A_52] {strides = array<i32>} : memref<128xf32, #tpu.memory_space<vmem>>, vector<16xf32>,
      tpu.vector_store %swap3A_51[%swap3A_52], %broadcast_in_dim3A_48 {strides = array<i32>} : memref<128xf32, #tpu.memory_space<vmem>>, vector<16xf32>,
      %broadcast_in_dim3A_54 = arith.constant 0xFF800000 : f32
      %broadcast_in_dim3A_55 = vector.broadcast %broadcast_in_dim3A_54 : f32 to vector<16xf32>
      %swap3A_56 = arith.constant 0 : i32
      %swap3A_57 = tpu.memref_slice %arg11[%scan3A_26, %swap3A_56] : memref<320x128xf32, #tpu.memory_space<vmem>> -> memref<1x128xf32, #tpu.memory_space<vmem>>
      %swap3A_58 = tpu.memref_squeeze %swap3A_57 : memref<1x128xf32, #tpu.memory_space<vmem>> -> memref<128xf32, #tpu.memory_space<vmem>>
      %swap3A_59 = arith.constant 64 : index
      %swap3A_60 = tpu.vector_load %swap3A_58[%swap3A_59] {strides = array<i32>} : memref<128xf32, #tpu.memory_space<vmem>>, vector<16xf32>,
      tpu.vector_store %swap3A_58[%swap3A_59], %broadcast_in_dim3A_55 {strides = array<i32>} : memref<128xf32, #tpu.memory_space<vmem>>, vector<16xf32>,
      %broadcast_in_dim3A_61 = arith.constant 0xFF800000 : f32
      %broadcast_in_dim3A_62 = vector.broadcast %broadcast_in_dim3A_61 : f32 to vector<16xf32>
      %swap3A_63 = arith.constant 0 : i32
      %swap3A_64 = tpu.memref_slice %arg11[%scan3A_26, %swap3A_63] : memref<320x128xf32, #tpu.memory_space<vmem>> -> memref<1x128xf32, #tpu.memory_space<vmem>>
      %swap3A_65 = tpu.memref_squeeze %swap3A_64 : memref<1x128xf32, #tpu.memory_space<vmem>> -> memref<128xf32, #tpu.memory_space<vmem>>
      %swap3A_66 = arith.constant 80 : index
      %swap3A_67 = tpu.vector_load %swap3A_65[%swap3A_66] {strides = array<i32>} : memref<128xf32, #tpu.memory_space<vmem>>, vector<16xf32>,
      tpu.vector_store %swap3A_65[%swap3A_66], %broadcast_in_dim3A_62 {strides = array<i32>} : memref<128xf32, #tpu.memory_space<vmem>>, vector<16xf32>,
      %broadcast_in_dim3A_68 = arith.constant 0xFF800000 : f32
      %broadcast_in_dim3A_69 = vector.broadcast %broadcast_in_dim3A_68 : f32 to vector<16xf32>
      %swap3A_70 = arith.constant 0 : i32
      %swap3A_71 = tpu.memref_slice %arg11[%scan3A_26, %swap3A_70] : memref<320x128xf32, #tpu.memory_space<vmem>> -> memref<1x128xf32, #tpu.memory_space<vmem>>
      %swap3A_72 = tpu.memref_squeeze %swap3A_71 : memref<1x128xf32, #tpu.memory_space<vmem>> -> memref<128xf32, #tpu.memory_space<vmem>>
      %swap3A_73 = arith.constant 96 : index
      %swap3A_74 = tpu.vector_load %swap3A_72[%swap3A_73] {strides = array<i32>} : memref<128xf32, #tpu.memory_space<vmem>>, vector<16xf32>,
      tpu.vector_store %swap3A_72[%swap3A_73], %broadcast_in_dim3A_69 {strides = array<i32>} : memref<128xf32, #tpu.memory_space<vmem>>, vector<16xf32>,
      %broadcast_in_dim3A_75 = arith.constant 0xFF800000 : f32
      %broadcast_in_dim3A_76 = vector.broadcast %broadcast_in_dim3A_75 : f32 to vector<16xf32>
      %swap3A_77 = arith.constant 0 : i32
      %swap3A_78 = tpu.memref_slice %arg11[%scan3A_26, %swap3A_77] : memref<320x128xf32, #tpu.memory_space<vmem>> -> memref<1x128xf32, #tpu.memory_space<vmem>>
      %swap3A_79 = tpu.memref_squeeze %swap3A_78 : memref<1x128xf32, #tpu.memory_space<vmem>> -> memref<128xf32, #tpu.memory_space<vmem>>
      %swap3A_80 = arith.constant 112 : index
      %swap3A_81 = tpu.vector_load %swap3A_79[%swap3A_80] {strides = array<i32>} : memref<128xf32, #tpu.memory_space<vmem>>, vector<16xf32>,
      tpu.vector_store %swap3A_79[%swap3A_80], %broadcast_in_dim3A_76 {strides = array<i32>} : memref<128xf32, #tpu.memory_space<vmem>>, vector<16xf32>,
      %scan3A_82 = arith.constant 0 : i32
      scf.yield %scan3A_82 : i32
    }
    %scan3A_11 = arith.constant 320 : i32
    %scan3A_12 = arith.constant 0 : i32
    %scan3A_13 = arith.constant 0 : i32
    %scan3A_14 = arith.constant 801 : i32
    %scan3A_15 = arith.addi %scan3A_13, %scan3A_14 : i32
    %scan3A_16 = arith.constant 1 : i32
    %scan3A_17 = scf.for %scan3A_26 = %scan3A_13 to %scan3A_15 step %scan3A_16 iter_args(%scan3A_27 = %scan3A_12) -> (i32)  : i32 {
      %broadcast_in_dim3A = arith.constant 0 : i32
      %broadcast_in_dim3A_28 = vector.broadcast %broadcast_in_dim3A : i32 to vector<16xi32>
      %mul3A_29 = arith.constant 16 : i32
      %mul3A_30 = arith.muli %scan3A_26, %mul3A_29 : i32
      %swap3A = arith.index_cast %mul3A_30 : i32 to index
      %swap3A_31 = tpu.vector_load %arg8[%swap3A] {strides = array<i32>} : memref<12816xi32, #tpu.memory_space<vmem>>, vector<16xi32>,
      tpu.vector_store %arg8[%swap3A], %broadcast_in_dim3A_28 {strides = array<i32>} : memref<12816xi32, #tpu.memory_space<vmem>>, vector<16xi32>,
      %scan3A_32 = arith.constant 0 : i32
      scf.yield %scan3A_32 : i32
    }
    %scan3A_18 = arith.constant 801 : i32
    %scan3A_19 = arith.constant 0 : i32
    %scan3A_20 = arith.constant 0 : i32
    %scan3A_21 = arith.constant 25 : i32
    %scan3A_22 = arith.addi %scan3A_20, %scan3A_21 : i32
    %scan3A_23 = arith.constant 1 : i32
    %scan3A_24 = scf.for %scan3A_26 = %scan3A_20 to %scan3A_22 step %scan3A_23 iter_args(%scan3A_27 = %scan3A_19) -> (i32)  : i32 {
      %mul3A_28 = arith.constant 12800 : i32
      %mul3A_29 = arith.muli %scan3A_26, %mul3A_28 : i32
      %dma_start3A = arith.constant 0 : i32
      %dma_start3A_30 = tpu.memref_slice %arg6[%dma_start3A] : memref<12800xi32, #tpu.memory_space<vmem>> -> memref<12800xi32, #tpu.memory_space<vmem>>
      %dma_start3A_31 = tpu.memref_slice %arg4[%mul3A_29] : memref<320000xi32, #tpu.memory_space<hbm>> -> memref<12800xi32, #tpu.memory_space<hbm>>
      %dma_start3A_32 = arith.constant 0 : i32
      %dma_start3A_33 = tpu.memref_slice %arg6[%dma_start3A_32] : memref<12800xi32, #tpu.memory_space<vmem>> -> memref<12800xi32, #tpu.memory_space<vmem>>
      %dma_start3A_34 = tpu.memref_slice %arg4[%mul3A_29] : memref<320000xi32, #tpu.memory_space<hbm>> -> memref<12800xi32, #tpu.memory_space<hbm>>
      tpu.enqueue_dma source(%dma_start3A_34 : memref<12800xi32, #tpu.memory_space<hbm>>) target(%dma_start3A_33 : memref<12800xi32, #tpu.memory_space<vmem>>) target_semaphore(%arg12 : memref<!tpu.dma_semaphore, #tpu.memory_space<semaphore_mem>>)
      %dma_start3A_35 = arith.constant 0 : i32
      %dma_start3A_36 = tpu.memref_slice %arg7[%dma_start3A_35] : memref<12800xi32, #tpu.memory_space<vmem>> -> memref<12800xi32, #tpu.memory_space<vmem>>
      %dma_start3A_37 = tpu.memref_slice %arg3[%mul3A_29] : memref<320000xi32, #tpu.memory_space<hbm>> -> memref<12800xi32, #tpu.memory_space<hbm>>
      %dma_start3A_38 = arith.constant 0 : i32
      %dma_start3A_39 = tpu.memref_slice %arg7[%dma_start3A_38] : memref<12800xi32, #tpu.memory_space<vmem>> -> memref<12800xi32, #tpu.memory_space<vmem>>
      %dma_start3A_40 = tpu.memref_slice %arg3[%mul3A_29] : memref<320000xi32, #tpu.memory_space<hbm>> -> memref<12800xi32, #tpu.memory_space<hbm>>
      tpu.enqueue_dma source(%dma_start3A_40 : memref<12800xi32, #tpu.memory_space<hbm>>) target(%dma_start3A_39 : memref<12800xi32, #tpu.memory_space<vmem>>) target_semaphore(%arg12 : memref<!tpu.dma_semaphore, #tpu.memory_space<semaphore_mem>>)
      %mul3A_41 = arith.constant 12800 : i32
      %mul3A_42 = arith.muli %scan3A_26, %mul3A_41 : i32
      %dma_wait3A = arith.constant 0 : i32
      %dma_wait3A_43 = tpu.memref_slice %arg6[%dma_wait3A] : memref<12800xi32, #tpu.memory_space<vmem>> -> memref<12800xi32, #tpu.memory_space<vmem>>
      %dma_wait3A_44 = tpu.memref_slice %arg4[%mul3A_42] : memref<320000xi32, #tpu.memory_space<hbm>> -> memref<12800xi32, #tpu.memory_space<hbm>>
      %dma_wait3A_45 = arith.constant 0 : i32
      %dma_wait3A_46 = tpu.memref_slice %arg6[%dma_wait3A_45] : memref<12800xi32, #tpu.memory_space<vmem>> -> memref<12800xi32, #tpu.memory_space<vmem>>
      %dma_wait3A_47 = tpu.memref_slice %arg4[%mul3A_42] : memref<320000xi32, #tpu.memory_space<hbm>> -> memref<12800xi32, #tpu.memory_space<hbm>>
      tpu.wait_dma2 semaphore(%arg12 : memref<!tpu.dma_semaphore, #tpu.memory_space<semaphore_mem>>) src(%dma_wait3A_47 : memref<12800xi32, #tpu.memory_space<hbm>>) dst(%dma_wait3A_46 : memref<12800xi32, #tpu.memory_space<vmem>>)
      %dma_wait3A_48 = arith.constant 0 : i32
      %dma_wait3A_49 = tpu.memref_slice %arg7[%dma_wait3A_48] : memref<12800xi32, #tpu.memory_space<vmem>> -> memref<12800xi32, #tpu.memory_space<vmem>>
      %dma_wait3A_50 = tpu.memref_slice %arg3[%mul3A_42] : memref<320000xi32, #tpu.memory_space<hbm>> -> memref<12800xi32, #tpu.memory_space<hbm>>
      %dma_wait3A_51 = arith.constant 0 : i32
      %dma_wait3A_52 = tpu.memref_slice %arg7[%dma_wait3A_51] : memref<12800xi32, #tpu.memory_space<vmem>> -> memref<12800xi32, #tpu.memory_space<vmem>>
      %dma_wait3A_53 = tpu.memref_slice %arg3[%mul3A_42] : memref<320000xi32, #tpu.memory_space<hbm>> -> memref<12800xi32, #tpu.memory_space<hbm>>
      tpu.wait_dma2 semaphore(%arg12 : memref<!tpu.dma_semaphore, #tpu.memory_space<semaphore_mem>>) src(%dma_wait3A_53 : memref<12800xi32, #tpu.memory_space<hbm>>) dst(%dma_wait3A_52 : memref<12800xi32, #tpu.memory_space<vmem>>)
      %scan3A_54 = arith.constant 0 : i32
      %scan3A_55 = arith.constant 0 : i32
      %scan3A_56 = arith.constant 800 : i32
      %scan3A_57 = arith.addi %scan3A_55, %scan3A_56 : i32
      %scan3A_58 = arith.constant 1 : i32
      %scan3A_59 = scf.for %scan3A_91 = %scan3A_55 to %scan3A_57 step %scan3A_58 iter_args(%scan3A_92 = %scan3A_54) -> (i32)  : i32 {
        %mul3A_93 = arith.constant 16 : i32
        %mul3A_94 = arith.muli %scan3A_91, %mul3A_93 : i32
        %add3A_95 = arith.constant 0 : i32
        %add3A_96 = arith.addi %add3A_95, %mul3A_94 : i32
        %get3A = arith.index_cast %add3A_96 : i32 to index
        %get3A_97 = tpu.vector_load %arg6[%get3A] {strides = array<i32>} : memref<12800xi32, #tpu.memory_space<vmem>>, vector<16xi32>,
        %mul3A_98 = arith.constant 16 : i32
        %mul3A_99 = arith.muli %scan3A_91, %mul3A_98 : i32
        %add3A_100 = arith.constant 0 : i32
        %add3A_101 = arith.addi %add3A_100, %mul3A_99 : i32
        %get3A_102 = arith.index_cast %add3A_101 : i32 to index
        %get3A_103 = tpu.vector_load %arg7[%get3A_102] {strides = array<i32>} : memref<12800xi32, #tpu.memory_space<vmem>>, vector<16xi32>,
        %ge3A = vector.broadcast %mul3A_2 : i32 to vector<16xi32>
        %ge3A_104 = arith.cmpi sge, %get3A_97, %ge3A : vector<16xi32>
        %lt3A = vector.broadcast %min3A_5 : i32 to vector<16xi32>
        %lt3A_105 = arith.cmpi slt, %get3A_97, %lt3A : vector<16xi32>
        %and3A_106 = arith.andi %ge3A_104, %lt3A_105 : vector<16xi1>
        %convert_element_type3A = arith.extui %and3A_106 : vector<16xi1> to vector<16xi32>
        %broadcast_in_dim3A = arith.constant true
        %broadcast_in_dim3A_107 = vector.broadcast %broadcast_in_dim3A : i1 to vector<16xi1>
        %masked_cumsum3A = tpu.scan <sum>, %convert_element_type3A masked %broadcast_in_dim3A_107 : vector<16xi32>, vector<16xi1> -> vector<16xi32>
        %add3A_108 = vector.broadcast %scan3A_92 : i32 to vector<16xi32>
        %add3A_109 = arith.addi %add3A_108, %masked_cumsum3A : vector<16xi32>
        %sub3A_110 = arith.constant 1 : i32
        %sub3A_111 = vector.broadcast %sub3A_110 : i32 to vector<16xi32>
        %sub3A_112 = arith.subi %add3A_109, %sub3A_111 : vector<16xi32>
        tpu.vector_store_idx %arg8[%sub3A_112], %get3A_103 masked %and3A_106 : memref<12816xi32, #tpu.memory_space<vmem>>[vector<16xi32>], vector<16xi32>, vector<16xi1>
        %sub3A_113 = vector.broadcast %mul3A_2 : i32 to vector<16xi32>
        %sub3A_114 = arith.subi %get3A_97, %sub3A_113 : vector<16xi32>
        tpu.vector_store_idx %arg9[%sub3A_112], %sub3A_114 masked %and3A_106 : memref<12816xi32, #tpu.memory_space<vmem>>[vector<16xi32>], vector<16xi32>, vector<16xi1>
        %all_reduce_population_count3A = tpu.all_reduce %and3A_106 {dim = 0 : i64, kind = #tpu.reduction_kind<sum>} : vector<16xi1> -> vector<16xi32>
        %slice3A = vector.extract_strided_slice %all_reduce_population_count3A {offsets = [0], sizes = [1], strides = [1]} : vector<16xi32> to vector<1xi32>
        %squeeze3A = vector.extract %slice3A[0] : i32 from vector<1xi32>
        %add3A_115 = arith.addi %scan3A_92, %squeeze3A : i32
        scf.yield %add3A_115 : i32
      }
      %scan3A_60 = arith.constant 800 : i32
      %add3A_61 = arith.constant 255 : i32
      %add3A_62 = arith.addi %scan3A_59, %add3A_61 : i32
      %jit3A = arith.constant 256 : i32
      %div3A = arith.divsi %add3A_62, %jit3A : i32
      %sign3A = arith.constant 0 : i32
      %sign3A_63 = arith.cmpi sgt, %add3A_62, %sign3A : i32
      %sign3A_64 = arith.extui %sign3A_63 : i1 to i32
      %sign3A_65 = arith.constant 0 : i32
      %sign3A_66 = arith.cmpi slt, %add3A_62, %sign3A_65 : i32
      %sign3A_67 = arith.extui %sign3A_66 : i1 to i32
      %sign3A_68 = arith.subi %sign3A_64, %sign3A_67 : i32
      %sign3A_69 = arith.constant 0 : i32
      %sign3A_70 = arith.cmpi sgt, %jit3A, %sign3A_69 : i32
      %sign3A_71 = arith.extui %sign3A_70 : i1 to i32
      %sign3A_72 = arith.constant 0 : i32
      %sign3A_73 = arith.cmpi slt, %jit3A, %sign3A_72 : i32
      %sign3A_74 = arith.extui %sign3A_73 : i1 to i32
      %sign3A_75 = arith.subi %sign3A_71, %sign3A_74 : i32
      %ne3A = arith.cmpi ne, %sign3A_68, %sign3A_75 : i32
      %rem3A = arith.remsi %add3A_62, %jit3A : i32
      %ne3A_76 = arith.constant 0 : i32
      %ne3A_77 = arith.cmpi ne, %rem3A, %ne3A_76 : i32
      %and3A = arith.andi %ne3A, %ne3A_77 : i1
      %sub3A = arith.constant 1 : i32
      %sub3A_78 = arith.subi %div3A, %sub3A : i32
      %select_n3A = arith.select %and3A, %sub3A_78, %div3A : i32
      %while3A = arith.constant 0 : i32
      %while3A_79 = arith.constant 0 : i32
      %while3A_80 = arith.subi %select_n3A, %while3A : i32
      %while3A_81 = arith.addi %while3A, %while3A_80 : i32
      %while3A_82 = arith.constant 1 : i32
      %while3A_83 = arith.divsi %while3A_80, %while3A_82 : i32
      %while3A_84 = arith.muli %while3A_83, %while3A_82 : i32
      %while3A_85 = arith.addi %while3A, %while3A_84 : i32
      %while3A_86 = arith.constant 1 : i32
      %while3A_87 = scf.for %while3A_91 = %while3A to %while3A_85 step %while3A_86 iter_args(%while3A_92 = %while3A_79) -> (i32)  : i32 {
        %mul3A_93 = arith.constant 2 : i32
        %mul3A_94 = arith.muli %while3A_91, %mul3A_93 : i32
        %mul3A_95 = arith.constant 128 : i32
        %mul3A_96 = arith.muli %mul3A_94, %mul3A_95 : i32
        %dma_start3A_97 = arith.constant 0 : i32
        %dma_start3A_98 = arith.constant 0 : i32
        %dma_start3A_99 = tpu.memref_slice %arg10[%dma_start3A_97, %dma_start3A_98] : memref<256x128xf32, #tpu.memory_space<vmem>> -> memref<128x128xf32, #tpu.memory_space<vmem>>
        %dma_start3A_100 = tpu.memref_slice %arg8[%mul3A_96] : memref<12816xi32, #tpu.memory_space<vmem>> -> memref<128xi32, #tpu.memory_space<vmem>>
        %dma_start3A_101 = arith.constant 0 : i32
        %dma_start3A_102 = arith.constant 0 : i32
        %dma_start3A_103 = tpu.memref_slice %arg2[%dma_start3A_101, %dma_start3A_102] : memref<10000x128xf32, #tpu.memory_space<hbm>> -> memref<10000x128xf32, #tpu.memory_space<hbm>>
        tpu.enqueue_indirect_dma source(%dma_start3A_103 : memref<10000x128xf32, #tpu.memory_space<hbm>>) target(%dma_start3A_99 : memref<128x128xf32, #tpu.memory_space<vmem>>) offsets(%dma_start3A_100 : memref<128xi32, #tpu.memory_space<vmem>>) semaphore(%arg14 : memref<!tpu.dma_semaphore, #tpu.memory_space<semaphore_mem>>)
        %add3A_104 = arith.constant 128 : i32
        %add3A_105 = arith.addi %mul3A_96, %add3A_104 : i32
        %dma_start3A_106 = arith.constant 128 : i32
        %dma_start3A_107 = arith.constant 0 : i32
        %dma_start3A_108 = tpu.memref_slice %arg10[%dma_start3A_106, %dma_start3A_107] : memref<256x128xf32, #tpu.memory_space<vmem>> -> memref<128x128xf32, #tpu.memory_space<vmem>>
        %dma_start3A_109 = tpu.memref_slice %arg8[%add3A_105] : memref<12816xi32, #tpu.memory_space<vmem>> -> memref<128xi32, #tpu.memory_space<vmem>>
        %dma_start3A_110 = arith.constant 0 : i32
        %dma_start3A_111 = arith.constant 0 : i32
        %dma_start3A_112 = tpu.memref_slice %arg2[%dma_start3A_110, %dma_start3A_111] : memref<10000x128xf32, #tpu.memory_space<hbm>> -> memref<10000x128xf32, #tpu.memory_space<hbm>>
        tpu.enqueue_indirect_dma source(%dma_start3A_112 : memref<10000x128xf32, #tpu.memory_space<hbm>>) target(%dma_start3A_108 : memref<128x128xf32, #tpu.memory_space<vmem>>) offsets(%dma_start3A_109 : memref<128xi32, #tpu.memory_space<vmem>>) semaphore(%arg14 : memref<!tpu.dma_semaphore, #tpu.memory_space<semaphore_mem>>)
        %dma_wait3A_113 = arith.constant 0 : i32
        %dma_wait3A_114 = arith.constant 0 : i32
        %dma_wait3A_115 = tpu.memref_slice %arg10[%dma_wait3A_113, %dma_wait3A_114] : memref<256x128xf32, #tpu.memory_space<vmem>> -> memref<128x128xf32, #tpu.memory_space<vmem>>
        %dma_wait3A_116 = tpu.memref_slice %arg8[%mul3A_96] : memref<12816xi32, #tpu.memory_space<vmem>> -> memref<128xi32, #tpu.memory_space<vmem>>
        %dma_wait3A_117 = arith.constant 0 : i32
        %dma_wait3A_118 = arith.constant 0 : i32
        %dma_wait3A_119 = tpu.memref_slice %arg2[%dma_wait3A_117, %dma_wait3A_118] : memref<10000x128xf32, #tpu.memory_space<hbm>> -> memref<10000x128xf32, #tpu.memory_space<hbm>>
        tpu.wait_indirect_dma semaphore(%arg14 : memref<!tpu.dma_semaphore, #tpu.memory_space<semaphore_mem>>) src(%dma_wait3A_119 : memref<10000x128xf32, #tpu.memory_space<hbm>>) dst(%dma_wait3A_115 : memref<128x128xf32, #tpu.memory_space<vmem>>)
        %add3A_120 = arith.constant 128 : i32
        %add3A_121 = arith.addi %mul3A_96, %add3A_120 : i32
        %dma_wait3A_122 = arith.constant 128 : i32
        %dma_wait3A_123 = arith.constant 0 : i32
        %dma_wait3A_124 = tpu.memref_slice %arg10[%dma_wait3A_122, %dma_wait3A_123] : memref<256x128xf32, #tpu.memory_space<vmem>> -> memref<128x128xf32, #tpu.memory_space<vmem>>
        %dma_wait3A_125 = tpu.memref_slice %arg8[%add3A_121] : memref<12816xi32, #tpu.memory_space<vmem>> -> memref<128xi32, #tpu.memory_space<vmem>>
        %dma_wait3A_126 = arith.constant 0 : i32
        %dma_wait3A_127 = arith.constant 0 : i32
        %dma_wait3A_128 = tpu.memref_slice %arg2[%dma_wait3A_126, %dma_wait3A_127] : memref<10000x128xf32, #tpu.memory_space<hbm>> -> memref<10000x128xf32, #tpu.memory_space<hbm>>
        tpu.wait_indirect_dma semaphore(%arg14 : memref<!tpu.dma_semaphore, #tpu.memory_space<semaphore_mem>>) src(%dma_wait3A_128 : memref<10000x128xf32, #tpu.memory_space<hbm>>) dst(%dma_wait3A_124 : memref<128x128xf32, #tpu.memory_space<vmem>>)
        %add3A_129 = arith.constant 256 : i32
        %add3A_130 = arith.addi %mul3A_96, %add3A_129 : i32
        %min3A_131 = arith.minsi %scan3A_59, %add3A_130 : i32
        %while3A_132 = arith.constant 0 : i32
        %while3A_133 = arith.subi %min3A_131, %mul3A_96 : i32
        %while3A_134 = arith.addi %mul3A_96, %while3A_133 : i32
        %while3A_135 = arith.constant 1 : i32
        %while3A_136 = arith.divsi %while3A_133, %while3A_135 : i32
        %while3A_137 = arith.muli %while3A_136, %while3A_135 : i32
        %while3A_138 = arith.addi %mul3A_96, %while3A_137 : i32
        %while3A_139 = arith.constant 1 : i32
        %while3A_140 = scf.for %while3A_144 = %mul3A_96 to %while3A_138 step %while3A_139 iter_args(%while3A_145 = %while3A_132) -> (i32)  : i32 {
          %sub3A_146 = arith.subi %while3A_144, %mul3A_96 : i32
          %get3A = arith.index_cast %while3A_144 : i32 to index
          %get3A_147 = tpu.vector_load %arg9[%get3A] {strides = array<i32>} : memref<12816xi32, #tpu.memory_space<vmem>>, vector<16xi32>,
          %slice3A = vector.extract_strided_slice %get3A_147 {offsets = [0], sizes = [1], strides = [1]} : vector<16xi32> to vector<1xi32>
          %squeeze3A = vector.extract %slice3A[0] : i32 from vector<1xi32>
          %get3A_148 = arith.constant 0 : i32
          %get3A_149 = tpu.memref_slice %arg11[%squeeze3A, %get3A_148] : memref<320x128xf32, #tpu.memory_space<vmem>> -> memref<1x128xf32, #tpu.memory_space<vmem>>
          %get3A_150 = tpu.memref_squeeze %get3A_149 : memref<1x128xf32, #tpu.memory_space<vmem>> -> memref<128xf32, #tpu.memory_space<vmem>>
          %get3A_151 = arith.constant 0 : index
          %get3A_152 = tpu.vector_load %get3A_150[%get3A_151] {strides = array<i32>} : memref<128xf32, #tpu.memory_space<vmem>>, vector<16xf32>,
          %get3A_153 = arith.constant 0 : i32
          %get3A_154 = tpu.memref_slice %arg10[%sub3A_146, %get3A_153] : memref<256x128xf32, #tpu.memory_space<vmem>> -> memref<1x128xf32, #tpu.memory_space<vmem>>
          %get3A_155 = tpu.memref_squeeze %get3A_154 : memref<1x128xf32, #tpu.memory_space<vmem>> -> memref<128xf32, #tpu.memory_space<vmem>>
          %get3A_156 = arith.constant 0 : index
          %get3A_157 = tpu.vector_load %get3A_155[%get3A_156] {strides = array<i32>} : memref<128xf32, #tpu.memory_space<vmem>>, vector<16xf32>,
          %max3A = arith.maximumf %get3A_152, %get3A_157 : vector<16xf32>
          %swap3A = arith.constant 0 : i32
          %swap3A_158 = tpu.memref_slice %arg11[%squeeze3A, %swap3A] : memref<320x128xf32, #tpu.memory_space<vmem>> -> memref<1x128xf32, #tpu.memory_space<vmem>>
          %swap3A_159 = tpu.memref_squeeze %swap3A_158 : memref<1x128xf32, #tpu.memory_space<vmem>> -> memref<128xf32, #tpu.memory_space<vmem>>
          %swap3A_160 = arith.constant 0 : index
          %swap3A_161 = tpu.vector_load %swap3A_159[%swap3A_160] {strides = array<i32>} : memref<128xf32, #tpu.memory_space<vmem>>, vector<16xf32>,
          tpu.vector_store %swap3A_159[%swap3A_160], %max3A {strides = array<i32>} : memref<128xf32, #tpu.memory_space<vmem>>, vector<16xf32>,
          %get3A_162 = arith.constant 0 : i32
          %get3A_163 = tpu.memref_slice %arg11[%squeeze3A, %get3A_162] : memref<320x128xf32, #tpu.memory_space<vmem>> -> memref<1x128xf32, #tpu.memory_space<vmem>>
          %get3A_164 = tpu.memref_squeeze %get3A_163 : memref<1x128xf32, #tpu.memory_space<vmem>> -> memref<128xf32, #tpu.memory_space<vmem>>
          %get3A_165 = arith.constant 16 : index
          %get3A_166 = tpu.vector_load %get3A_164[%get3A_165] {strides = array<i32>} : memref<128xf32, #tpu.memory_space<vmem>>, vector<16xf32>,
          %get3A_167 = arith.constant 0 : i32
          %get3A_168 = tpu.memref_slice %arg10[%sub3A_146, %get3A_167] : memref<256x128xf32, #tpu.memory_space<vmem>> -> memref<1x128xf32, #tpu.memory_space<vmem>>
          %get3A_169 = tpu.memref_squeeze %get3A_168 : memref<1x128xf32, #tpu.memory_space<vmem>> -> memref<128xf32, #tpu.memory_space<vmem>>
          %get3A_170 = arith.constant 16 : index
          %get3A_171 = tpu.vector_load %get3A_169[%get3A_170] {strides = array<i32>} : memref<128xf32, #tpu.memory_space<vmem>>, vector<16xf32>,
          %max3A_172 = arith.maximumf %get3A_166, %get3A_171 : vector<16xf32>
          %swap3A_173 = arith.constant 0 : i32
          %swap3A_174 = tpu.memref_slice %arg11[%squeeze3A, %swap3A_173] : memref<320x128xf32, #tpu.memory_space<vmem>> -> memref<1x128xf32, #tpu.memory_space<vmem>>
          %swap3A_175 = tpu.memref_squeeze %swap3A_174 : memref<1x128xf32, #tpu.memory_space<vmem>> -> memref<128xf32, #tpu.memory_space<vmem>>
          %swap3A_176 = arith.constant 16 : index
          %swap3A_177 = tpu.vector_load %swap3A_175[%swap3A_176] {strides = array<i32>} : memref<128xf32, #tpu.memory_space<vmem>>, vector<16xf32>,
          tpu.vector_store %swap3A_175[%swap3A_176], %max3A_172 {strides = array<i32>} : memref<128xf32, #tpu.memory_space<vmem>>, vector<16xf32>,
          %get3A_178 = arith.constant 0 : i32
          %get3A_179 = tpu.memref_slice %arg11[%squeeze3A, %get3A_178] : memref<320x128xf32, #tpu.memory_space<vmem>> -> memref<1x128xf32, #tpu.memory_space<vmem>>
          %get3A_180 = tpu.memref_squeeze %get3A_179 : memref<1x128xf32, #tpu.memory_space<vmem>> -> memref<128xf32, #tpu.memory_space<vmem>>
          %get3A_181 = arith.constant 32 : index
          %get3A_182 = tpu.vector_load %get3A_180[%get3A_181] {strides = array<i32>} : memref<128xf32, #tpu.memory_space<vmem>>, vector<16xf32>,
          %get3A_183 = arith.constant 0 : i32
          %get3A_184 = tpu.memref_slice %arg10[%sub3A_146, %get3A_183] : memref<256x128xf32, #tpu.memory_space<vmem>> -> memref<1x128xf32, #tpu.memory_space<vmem>>
          %get3A_185 = tpu.memref_squeeze %get3A_184 : memref<1x128xf32, #tpu.memory_space<vmem>> -> memref<128xf32, #tpu.memory_space<vmem>>
          %get3A_186 = arith.constant 32 : index
          %get3A_187 = tpu.vector_load %get3A_185[%get3A_186] {strides = array<i32>} : memref<128xf32, #tpu.memory_space<vmem>>, vector<16xf32>,
          %max3A_188 = arith.maximumf %get3A_182, %get3A_187 : vector<16xf32>
          %swap3A_189 = arith.constant 0 : i32
          %swap3A_190 = tpu.memref_slice %arg11[%squeeze3A, %swap3A_189] : memref<320x128xf32, #tpu.memory_space<vmem>> -> memref<1x128xf32, #tpu.memory_space<vmem>>
          %swap3A_191 = tpu.memref_squeeze %swap3A_190 : memref<1x128xf32, #tpu.memory_space<vmem>> -> memref<128xf32, #tpu.memory_space<vmem>>
          %swap3A_192 = arith.constant 32 : index
          %swap3A_193 = tpu.vector_load %swap3A_191[%swap3A_192] {strides = array<i32>} : memref<128xf32, #tpu.memory_space<vmem>>, vector<16xf32>,
          tpu.vector_store %swap3A_191[%swap3A_192], %max3A_188 {strides = array<i32>} : memref<128xf32, #tpu.memory_space<vmem>>, vector<16xf32>,
          %get3A_194 = arith.constant 0 : i32
          %get3A_195 = tpu.memref_slice %arg11[%squeeze3A, %get3A_194] : memref<320x128xf32, #tpu.memory_space<vmem>> -> memref<1x128xf32, #tpu.memory_space<vmem>>
          %get3A_196 = tpu.memref_squeeze %get3A_195 : memref<1x128xf32, #tpu.memory_space<vmem>> -> memref<128xf32, #tpu.memory_space<vmem>>
          %get3A_197 = arith.constant 48 : index
          %get3A_198 = tpu.vector_load %get3A_196[%get3A_197] {strides = array<i32>} : memref<128xf32, #tpu.memory_space<vmem>>, vector<16xf32>,
          %get3A_199 = arith.constant 0 : i32
          %get3A_200 = tpu.memref_slice %arg10[%sub3A_146, %get3A_199] : memref<256x128xf32, #tpu.memory_space<vmem>> -> memref<1x128xf32, #tpu.memory_space<vmem>>
          %get3A_201 = tpu.memref_squeeze %get3A_200 : memref<1x128xf32, #tpu.memory_space<vmem>> -> memref<128xf32, #tpu.memory_space<vmem>>
          %get3A_202 = arith.constant 48 : index
          %get3A_203 = tpu.vector_load %get3A_201[%get3A_202] {strides = array<i32>} : memref<128xf32, #tpu.memory_space<vmem>>, vector<16xf32>,
          %max3A_204 = arith.maximumf %get3A_198, %get3A_203 : vector<16xf32>
          %swap3A_205 = arith.constant 0 : i32
          %swap3A_206 = tpu.memref_slice %arg11[%squeeze3A, %swap3A_205] : memref<320x128xf32, #tpu.memory_space<vmem>> -> memref<1x128xf32, #tpu.memory_space<vmem>>
          %swap3A_207 = tpu.memref_squeeze %swap3A_206 : memref<1x128xf32, #tpu.memory_space<vmem>> -> memref<128xf32, #tpu.memory_space<vmem>>
          %swap3A_208 = arith.constant 48 : index
          %swap3A_209 = tpu.vector_load %swap3A_207[%swap3A_208] {strides = array<i32>} : memref<128xf32, #tpu.memory_space<vmem>>, vector<16xf32>,
          tpu.vector_store %swap3A_207[%swap3A_208], %max3A_204 {strides = array<i32>} : memref<128xf32, #tpu.memory_space<vmem>>, vector<16xf32>,
          %get3A_210 = arith.constant 0 : i32
          %get3A_211 = tpu.memref_slice %arg11[%squeeze3A, %get3A_210] : memref<320x128xf32, #tpu.memory_space<vmem>> -> memref<1x128xf32, #tpu.memory_space<vmem>>
          %get3A_212 = tpu.memref_squeeze %get3A_211 : memref<1x128xf32, #tpu.memory_space<vmem>> -> memref<128xf32, #tpu.memory_space<vmem>>
          %get3A_213 = arith.constant 64 : index
          %get3A_214 = tpu.vector_load %get3A_212[%get3A_213] {strides = array<i32>} : memref<128xf32, #tpu.memory_space<vmem>>, vector<16xf32>,
          %get3A_215 = arith.constant 0 : i32
          %get3A_216 = tpu.memref_slice %arg10[%sub3A_146, %get3A_215] : memref<256x128xf32, #tpu.memory_space<vmem>> -> memref<1x128xf32, #tpu.memory_space<vmem>>
          %get3A_217 = tpu.memref_squeeze %get3A_216 : memref<1x128xf32, #tpu.memory_space<vmem>> -> memref<128xf32, #tpu.memory_space<vmem>>
          %get3A_218 = arith.constant 64 : index
          %get3A_219 = tpu.vector_load %get3A_217[%get3A_218] {strides = array<i32>} : memref<128xf32, #tpu.memory_space<vmem>>, vector<16xf32>,
          %max3A_220 = arith.maximumf %get3A_214, %get3A_219 : vector<16xf32>
          %swap3A_221 = arith.constant 0 : i32
          %swap3A_222 = tpu.memref_slice %arg11[%squeeze3A, %swap3A_221] : memref<320x128xf32, #tpu.memory_space<vmem>> -> memref<1x128xf32, #tpu.memory_space<vmem>>
          %swap3A_223 = tpu.memref_squeeze %swap3A_222 : memref<1x128xf32, #tpu.memory_space<vmem>> -> memref<128xf32, #tpu.memory_space<vmem>>
          %swap3A_224 = arith.constant 64 : index
          %swap3A_225 = tpu.vector_load %swap3A_223[%swap3A_224] {strides = array<i32>} : memref<128xf32, #tpu.memory_space<vmem>>, vector<16xf32>,
          tpu.vector_store %swap3A_223[%swap3A_224], %max3A_220 {strides = array<i32>} : memref<128xf32, #tpu.memory_space<vmem>>, vector<16xf32>,
          %get3A_226 = arith.constant 0 : i32
          %get3A_227 = tpu.memref_slice %arg11[%squeeze3A, %get3A_226] : memref<320x128xf32, #tpu.memory_space<vmem>> -> memref<1x128xf32, #tpu.memory_space<vmem>>
          %get3A_228 = tpu.memref_squeeze %get3A_227 : memref<1x128xf32, #tpu.memory_space<vmem>> -> memref<128xf32, #tpu.memory_space<vmem>>
          %get3A_229 = arith.constant 80 : index
          %get3A_230 = tpu.vector_load %get3A_228[%get3A_229] {strides = array<i32>} : memref<128xf32, #tpu.memory_space<vmem>>, vector<16xf32>,
          %get3A_231 = arith.constant 0 : i32
          %get3A_232 = tpu.memref_slice %arg10[%sub3A_146, %get3A_231] : memref<256x128xf32, #tpu.memory_space<vmem>> -> memref<1x128xf32, #tpu.memory_space<vmem>>
          %get3A_233 = tpu.memref_squeeze %get3A_232 : memref<1x128xf32, #tpu.memory_space<vmem>> -> memref<128xf32, #tpu.memory_space<vmem>>
          %get3A_234 = arith.constant 80 : index
          %get3A_235 = tpu.vector_load %get3A_233[%get3A_234] {strides = array<i32>} : memref<128xf32, #tpu.memory_space<vmem>>, vector<16xf32>,
          %max3A_236 = arith.maximumf %get3A_230, %get3A_235 : vector<16xf32>
          %swap3A_237 = arith.constant 0 : i32
          %swap3A_238 = tpu.memref_slice %arg11[%squeeze3A, %swap3A_237] : memref<320x128xf32, #tpu.memory_space<vmem>> -> memref<1x128xf32, #tpu.memory_space<vmem>>
          %swap3A_239 = tpu.memref_squeeze %swap3A_238 : memref<1x128xf32, #tpu.memory_space<vmem>> -> memref<128xf32, #tpu.memory_space<vmem>>
          %swap3A_240 = arith.constant 80 : index
          %swap3A_241 = tpu.vector_load %swap3A_239[%swap3A_240] {strides = array<i32>} : memref<128xf32, #tpu.memory_space<vmem>>, vector<16xf32>,
          tpu.vector_store %swap3A_239[%swap3A_240], %max3A_236 {strides = array<i32>} : memref<128xf32, #tpu.memory_space<vmem>>, vector<16xf32>,
          %get3A_242 = arith.constant 0 : i32
          %get3A_243 = tpu.memref_slice %arg11[%squeeze3A, %get3A_242] : memref<320x128xf32, #tpu.memory_space<vmem>> -> memref<1x128xf32, #tpu.memory_space<vmem>>
          %get3A_244 = tpu.memref_squeeze %get3A_243 : memref<1x128xf32, #tpu.memory_space<vmem>> -> memref<128xf32, #tpu.memory_space<vmem>>
          %get3A_245 = arith.constant 96 : index
          %get3A_246 = tpu.vector_load %get3A_244[%get3A_245] {strides = array<i32>} : memref<128xf32, #tpu.memory_space<vmem>>, vector<16xf32>,
          %get3A_247 = arith.constant 0 : i32
          %get3A_248 = tpu.memref_slice %arg10[%sub3A_146, %get3A_247] : memref<256x128xf32, #tpu.memory_space<vmem>> -> memref<1x128xf32, #tpu.memory_space<vmem>>
          %get3A_249 = tpu.memref_squeeze %get3A_248 : memref<1x128xf32, #tpu.memory_space<vmem>> -> memref<128xf32, #tpu.memory_space<vmem>>
          %get3A_250 = arith.constant 96 : index
          %get3A_251 = tpu.vector_load %get3A_249[%get3A_250] {strides = array<i32>} : memref<128xf32, #tpu.memory_space<vmem>>, vector<16xf32>,
          %max3A_252 = arith.maximumf %get3A_246, %get3A_251 : vector<16xf32>
          %swap3A_253 = arith.constant 0 : i32
          %swap3A_254 = tpu.memref_slice %arg11[%squeeze3A, %swap3A_253] : memref<320x128xf32, #tpu.memory_space<vmem>> -> memref<1x128xf32, #tpu.memory_space<vmem>>
          %swap3A_255 = tpu.memref_squeeze %swap3A_254 : memref<1x128xf32, #tpu.memory_space<vmem>> -> memref<128xf32, #tpu.memory_space<vmem>>
          %swap3A_256 = arith.constant 96 : index
          %swap3A_257 = tpu.vector_load %swap3A_255[%swap3A_256] {strides = array<i32>} : memref<128xf32, #tpu.memory_space<vmem>>, vector<16xf32>,
          tpu.vector_store %swap3A_255[%swap3A_256], %max3A_252 {strides = array<i32>} : memref<128xf32, #tpu.memory_space<vmem>>, vector<16xf32>,
          %get3A_258 = arith.constant 0 : i32
          %get3A_259 = tpu.memref_slice %arg11[%squeeze3A, %get3A_258] : memref<320x128xf32, #tpu.memory_space<vmem>> -> memref<1x128xf32, #tpu.memory_space<vmem>>
          %get3A_260 = tpu.memref_squeeze %get3A_259 : memref<1x128xf32, #tpu.memory_space<vmem>> -> memref<128xf32, #tpu.memory_space<vmem>>
          %get3A_261 = arith.constant 112 : index
          %get3A_262 = tpu.vector_load %get3A_260[%get3A_261] {strides = array<i32>} : memref<128xf32, #tpu.memory_space<vmem>>, vector<16xf32>,
          %get3A_263 = arith.constant 0 : i32
          %get3A_264 = tpu.memref_slice %arg10[%sub3A_146, %get3A_263] : memref<256x128xf32, #tpu.memory_space<vmem>> -> memref<1x128xf32, #tpu.memory_space<vmem>>
          %get3A_265 = tpu.memref_squeeze %get3A_264 : memref<1x128xf32, #tpu.memory_space<vmem>> -> memref<128xf32, #tpu.memory_space<vmem>>
          %get3A_266 = arith.constant 112 : index
          %get3A_267 = tpu.vector_load %get3A_265[%get3A_266] {strides = array<i32>} : memref<128xf32, #tpu.memory_space<vmem>>, vector<16xf32>,
          %max3A_268 = arith.maximumf %get3A_262, %get3A_267 : vector<16xf32>
          %swap3A_269 = arith.constant 0 : i32
          %swap3A_270 = tpu.memref_slice %arg11[%squeeze3A, %swap3A_269] : memref<320x128xf32, #tpu.memory_space<vmem>> -> memref<1x128xf32, #tpu.memory_space<vmem>>
          %swap3A_271 = tpu.memref_squeeze %swap3A_270 : memref<1x128xf32, #tpu.memory_space<vmem>> -> memref<128xf32, #tpu.memory_space<vmem>>
          %swap3A_272 = arith.constant 112 : index
          %swap3A_273 = tpu.vector_load %swap3A_271[%swap3A_272] {strides = array<i32>} : memref<128xf32, #tpu.memory_space<vmem>>, vector<16xf32>,
          tpu.vector_store %swap3A_271[%swap3A_272], %max3A_268 {strides = array<i32>} : memref<128xf32, #tpu.memory_space<vmem>>, vector<16xf32>,
          %while3A_274 = arith.constant 0 : i32
          scf.yield %while3A_274 : i32
        }
        %while3A_141 = arith.constant 1 : i32
        %while3A_142 = scf.for %while3A_144 = %while3A_138 to %while3A_134 step %while3A_141 iter_args(%while3A_145 = %while3A_140) -> (i32)  : i32 {
          %sub3A_146 = arith.subi %while3A_144, %mul3A_96 : i32
          %get3A = arith.index_cast %while3A_144 : i32 to index
          %get3A_147 = tpu.vector_load %arg9[%get3A] {strides = array<i32>} : memref<12816xi32, #tpu.memory_space<vmem>>, vector<16xi32>,
          %slice3A = vector.extract_strided_slice %get3A_147 {offsets = [0], sizes = [1], strides = [1]} : vector<16xi32> to vector<1xi32>
          %squeeze3A = vector.extract %slice3A[0] : i32 from vector<1xi32>
          %get3A_148 = arith.constant 0 : i32
          %get3A_149 = tpu.memref_slice %arg11[%squeeze3A, %get3A_148] : memref<320x128xf32, #tpu.memory_space<vmem>> -> memref<1x128xf32, #tpu.memory_space<vmem>>
          %get3A_150 = tpu.memref_squeeze %get3A_149 : memref<1x128xf32, #tpu.memory_space<vmem>> -> memref<128xf32, #tpu.memory_space<vmem>>
          %get3A_151 = arith.constant 0 : index
          %get3A_152 = tpu.vector_load %get3A_150[%get3A_151] {strides = array<i32>} : memref<128xf32, #tpu.memory_space<vmem>>, vector<16xf32>,
          %get3A_153 = arith.constant 0 : i32
          %get3A_154 = tpu.memref_slice %arg10[%sub3A_146, %get3A_153] : memref<256x128xf32, #tpu.memory_space<vmem>> -> memref<1x128xf32, #tpu.memory_space<vmem>>
          %get3A_155 = tpu.memref_squeeze %get3A_154 : memref<1x128xf32, #tpu.memory_space<vmem>> -> memref<128xf32, #tpu.memory_space<vmem>>
          %get3A_156 = arith.constant 0 : index
          %get3A_157 = tpu.vector_load %get3A_155[%get3A_156] {strides = array<i32>} : memref<128xf32, #tpu.memory_space<vmem>>, vector<16xf32>,
          %max3A = arith.maximumf %get3A_152, %get3A_157 : vector<16xf32>
          %swap3A = arith.constant 0 : i32
          %swap3A_158 = tpu.memref_slice %arg11[%squeeze3A, %swap3A] : memref<320x128xf32, #tpu.memory_space<vmem>> -> memref<1x128xf32, #tpu.memory_space<vmem>>
          %swap3A_159 = tpu.memref_squeeze %swap3A_158 : memref<1x128xf32, #tpu.memory_space<vmem>> -> memref<128xf32, #tpu.memory_space<vmem>>
          %swap3A_160 = arith.constant 0 : index
          %swap3A_161 = tpu.vector_load %swap3A_159[%swap3A_160] {strides = array<i32>} : memref<128xf32, #tpu.memory_space<vmem>>, vector<16xf32>,
          tpu.vector_store %swap3A_159[%swap3A_160], %max3A {strides = array<i32>} : memref<128xf32, #tpu.memory_space<vmem>>, vector<16xf32>,
          %get3A_162 = arith.constant 0 : i32
          %get3A_163 = tpu.memref_slice %arg11[%squeeze3A, %get3A_162] : memref<320x128xf32, #tpu.memory_space<vmem>> -> memref<1x128xf32, #tpu.memory_space<vmem>>
          %get3A_164 = tpu.memref_squeeze %get3A_163 : memref<1x128xf32, #tpu.memory_space<vmem>> -> memref<128xf32, #tpu.memory_space<vmem>>
          %get3A_165 = arith.constant 16 : index
          %get3A_166 = tpu.vector_load %get3A_164[%get3A_165] {strides = array<i32>} : memref<128xf32, #tpu.memory_space<vmem>>, vector<16xf32>,
          %get3A_167 = arith.constant 0 : i32
          %get3A_168 = tpu.memref_slice %arg10[%sub3A_146, %get3A_167] : memref<256x128xf32, #tpu.memory_space<vmem>> -> memref<1x128xf32, #tpu.memory_space<vmem>>
          %get3A_169 = tpu.memref_squeeze %get3A_168 : memref<1x128xf32, #tpu.memory_space<vmem>> -> memref<128xf32, #tpu.memory_space<vmem>>
          %get3A_170 = arith.constant 16 : index
          %get3A_171 = tpu.vector_load %get3A_169[%get3A_170] {strides = array<i32>} : memref<128xf32, #tpu.memory_space<vmem>>, vector<16xf32>,
          %max3A_172 = arith.maximumf %get3A_166, %get3A_171 : vector<16xf32>
          %swap3A_173 = arith.constant 0 : i32
          %swap3A_174 = tpu.memref_slice %arg11[%squeeze3A, %swap3A_173] : memref<320x128xf32, #tpu.memory_space<vmem>> -> memref<1x128xf32, #tpu.memory_space<vmem>>
          %swap3A_175 = tpu.memref_squeeze %swap3A_174 : memref<1x128xf32, #tpu.memory_space<vmem>> -> memref<128xf32, #tpu.memory_space<vmem>>
          %swap3A_176 = arith.constant 16 : index
          %swap3A_177 = tpu.vector_load %swap3A_175[%swap3A_176] {strides = array<i32>} : memref<128xf32, #tpu.memory_space<vmem>>, vector<16xf32>,
          tpu.vector_store %swap3A_175[%swap3A_176], %max3A_172 {strides = array<i32>} : memref<128xf32, #tpu.memory_space<vmem>>, vector<16xf32>,
          %get3A_178 = arith.constant 0 : i32
          %get3A_179 = tpu.memref_slice %arg11[%squeeze3A, %get3A_178] : memref<320x128xf32, #tpu.memory_space<vmem>> -> memref<1x128xf32, #tpu.memory_space<vmem>>
          %get3A_180 = tpu.memref_squeeze %get3A_179 : memref<1x128xf32, #tpu.memory_space<vmem>> -> memref<128xf32, #tpu.memory_space<vmem>>
          %get3A_181 = arith.constant 32 : index
          %get3A_182 = tpu.vector_load %get3A_180[%get3A_181] {strides = array<i32>} : memref<128xf32, #tpu.memory_space<vmem>>, vector<16xf32>,
          %get3A_183 = arith.constant 0 : i32
          %get3A_184 = tpu.memref_slice %arg10[%sub3A_146, %get3A_183] : memref<256x128xf32, #tpu.memory_space<vmem>> -> memref<1x128xf32, #tpu.memory_space<vmem>>
          %get3A_185 = tpu.memref_squeeze %get3A_184 : memref<1x128xf32, #tpu.memory_space<vmem>> -> memref<128xf32, #tpu.memory_space<vmem>>
          %get3A_186 = arith.constant 32 : index
          %get3A_187 = tpu.vector_load %get3A_185[%get3A_186] {strides = array<i32>} : memref<128xf32, #tpu.memory_space<vmem>>, vector<16xf32>,
          %max3A_188 = arith.maximumf %get3A_182, %get3A_187 : vector<16xf32>
          %swap3A_189 = arith.constant 0 : i32
          %swap3A_190 = tpu.memref_slice %arg11[%squeeze3A, %swap3A_189] : memref<320x128xf32, #tpu.memory_space<vmem>> -> memref<1x128xf32, #tpu.memory_space<vmem>>
          %swap3A_191 = tpu.memref_squeeze %swap3A_190 : memref<1x128xf32, #tpu.memory_space<vmem>> -> memref<128xf32, #tpu.memory_space<vmem>>
          %swap3A_192 = arith.constant 32 : index
          %swap3A_193 = tpu.vector_load %swap3A_191[%swap3A_192] {strides = array<i32>} : memref<128xf32, #tpu.memory_space<vmem>>, vector<16xf32>,
          tpu.vector_store %swap3A_191[%swap3A_192], %max3A_188 {strides = array<i32>} : memref<128xf32, #tpu.memory_space<vmem>>, vector<16xf32>,
          %get3A_194 = arith.constant 0 : i32
          %get3A_195 = tpu.memref_slice %arg11[%squeeze3A, %get3A_194] : memref<320x128xf32, #tpu.memory_space<vmem>> -> memref<1x128xf32, #tpu.memory_space<vmem>>
          %get3A_196 = tpu.memref_squeeze %get3A_195 : memref<1x128xf32, #tpu.memory_space<vmem>> -> memref<128xf32, #tpu.memory_space<vmem>>
          %get3A_197 = arith.constant 48 : index
          %get3A_198 = tpu.vector_load %get3A_196[%get3A_197] {strides = array<i32>} : memref<128xf32, #tpu.memory_space<vmem>>, vector<16xf32>,
          %get3A_199 = arith.constant 0 : i32
          %get3A_200 = tpu.memref_slice %arg10[%sub3A_146, %get3A_199] : memref<256x128xf32, #tpu.memory_space<vmem>> -> memref<1x128xf32, #tpu.memory_space<vmem>>
          %get3A_201 = tpu.memref_squeeze %get3A_200 : memref<1x128xf32, #tpu.memory_space<vmem>> -> memref<128xf32, #tpu.memory_space<vmem>>
          %get3A_202 = arith.constant 48 : index
          %get3A_203 = tpu.vector_load %get3A_201[%get3A_202] {strides = array<i32>} : memref<128xf32, #tpu.memory_space<vmem>>, vector<16xf32>,
          %max3A_204 = arith.maximumf %get3A_198, %get3A_203 : vector<16xf32>
          %swap3A_205 = arith.constant 0 : i32
          %swap3A_206 = tpu.memref_slice %arg11[%squeeze3A, %swap3A_205] : memref<320x128xf32, #tpu.memory_space<vmem>> -> memref<1x128xf32, #tpu.memory_space<vmem>>
          %swap3A_207 = tpu.memref_squeeze %swap3A_206 : memref<1x128xf32, #tpu.memory_space<vmem>> -> memref<128xf32, #tpu.memory_space<vmem>>
          %swap3A_208 = arith.constant 48 : index
          %swap3A_209 = tpu.vector_load %swap3A_207[%swap3A_208] {strides = array<i32>} : memref<128xf32, #tpu.memory_space<vmem>>, vector<16xf32>,
          tpu.vector_store %swap3A_207[%swap3A_208], %max3A_204 {strides = array<i32>} : memref<128xf32, #tpu.memory_space<vmem>>, vector<16xf32>,
          %get3A_210 = arith.constant 0 : i32
          %get3A_211 = tpu.memref_slice %arg11[%squeeze3A, %get3A_210] : memref<320x128xf32, #tpu.memory_space<vmem>> -> memref<1x128xf32, #tpu.memory_space<vmem>>
          %get3A_212 = tpu.memref_squeeze %get3A_211 : memref<1x128xf32, #tpu.memory_space<vmem>> -> memref<128xf32, #tpu.memory_space<vmem>>
          %get3A_213 = arith.constant 64 : index
          %get3A_214 = tpu.vector_load %get3A_212[%get3A_213] {strides = array<i32>} : memref<128xf32, #tpu.memory_space<vmem>>, vector<16xf32>,
          %get3A_215 = arith.constant 0 : i32
          %get3A_216 = tpu.memref_slice %arg10[%sub3A_146, %get3A_215] : memref<256x128xf32, #tpu.memory_space<vmem>> -> memref<1x128xf32, #tpu.memory_space<vmem>>
          %get3A_217 = tpu.memref_squeeze %get3A_216 : memref<1x128xf32, #tpu.memory_space<vmem>> -> memref<128xf32, #tpu.memory_space<vmem>>
          %get3A_218 = arith.constant 64 : index
          %get3A_219 = tpu.vector_load %get3A_217[%get3A_218] {strides = array<i32>} : memref<128xf32, #tpu.memory_space<vmem>>, vector<16xf32>,
          %max3A_220 = arith.maximumf %get3A_214, %get3A_219 : vector<16xf32>
          %swap3A_221 = arith.constant 0 : i32
          %swap3A_222 = tpu.memref_slice %arg11[%squeeze3A, %swap3A_221] : memref<320x128xf32, #tpu.memory_space<vmem>> -> memref<1x128xf32, #tpu.memory_space<vmem>>
          %swap3A_223 = tpu.memref_squeeze %swap3A_222 : memref<1x128xf32, #tpu.memory_space<vmem>> -> memref<128xf32, #tpu.memory_space<vmem>>
          %swap3A_224 = arith.constant 64 : index
          %swap3A_225 = tpu.vector_load %swap3A_223[%swap3A_224] {strides = array<i32>} : memref<128xf32, #tpu.memory_space<vmem>>, vector<16xf32>,
          tpu.vector_store %swap3A_223[%swap3A_224], %max3A_220 {strides = array<i32>} : memref<128xf32, #tpu.memory_space<vmem>>, vector<16xf32>,
          %get3A_226 = arith.constant 0 : i32
          %get3A_227 = tpu.memref_slice %arg11[%squeeze3A, %get3A_226] : memref<320x128xf32, #tpu.memory_space<vmem>> -> memref<1x128xf32, #tpu.memory_space<vmem>>
          %get3A_228 = tpu.memref_squeeze %get3A_227 : memref<1x128xf32, #tpu.memory_space<vmem>> -> memref<128xf32, #tpu.memory_space<vmem>>
          %get3A_229 = arith.constant 80 : index
          %get3A_230 = tpu.vector_load %get3A_228[%get3A_229] {strides = array<i32>} : memref<128xf32, #tpu.memory_space<vmem>>, vector<16xf32>,
          %get3A_231 = arith.constant 0 : i32
          %get3A_232 = tpu.memref_slice %arg10[%sub3A_146, %get3A_231] : memref<256x128xf32, #tpu.memory_space<vmem>> -> memref<1x128xf32, #tpu.memory_space<vmem>>
          %get3A_233 = tpu.memref_squeeze %get3A_232 : memref<1x128xf32, #tpu.memory_space<vmem>> -> memref<128xf32, #tpu.memory_space<vmem>>
          %get3A_234 = arith.constant 80 : index
          %get3A_235 = tpu.vector_load %get3A_233[%get3A_234] {strides = array<i32>} : memref<128xf32, #tpu.memory_space<vmem>>, vector<16xf32>,
          %max3A_236 = arith.maximumf %get3A_230, %get3A_235 : vector<16xf32>
          %swap3A_237 = arith.constant 0 : i32
          %swap3A_238 = tpu.memref_slice %arg11[%squeeze3A, %swap3A_237] : memref<320x128xf32, #tpu.memory_space<vmem>> -> memref<1x128xf32, #tpu.memory_space<vmem>>
          %swap3A_239 = tpu.memref_squeeze %swap3A_238 : memref<1x128xf32, #tpu.memory_space<vmem>> -> memref<128xf32, #tpu.memory_space<vmem>>
          %swap3A_240 = arith.constant 80 : index
          %swap3A_241 = tpu.vector_load %swap3A_239[%swap3A_240] {strides = array<i32>} : memref<128xf32, #tpu.memory_space<vmem>>, vector<16xf32>,
          tpu.vector_store %swap3A_239[%swap3A_240], %max3A_236 {strides = array<i32>} : memref<128xf32, #tpu.memory_space<vmem>>, vector<16xf32>,
          %get3A_242 = arith.constant 0 : i32
          %get3A_243 = tpu.memref_slice %arg11[%squeeze3A, %get3A_242] : memref<320x128xf32, #tpu.memory_space<vmem>> -> memref<1x128xf32, #tpu.memory_space<vmem>>
          %get3A_244 = tpu.memref_squeeze %get3A_243 : memref<1x128xf32, #tpu.memory_space<vmem>> -> memref<128xf32, #tpu.memory_space<vmem>>
          %get3A_245 = arith.constant 96 : index
          %get3A_246 = tpu.vector_load %get3A_244[%get3A_245] {strides = array<i32>} : memref<128xf32, #tpu.memory_space<vmem>>, vector<16xf32>,
          %get3A_247 = arith.constant 0 : i32
          %get3A_248 = tpu.memref_slice %arg10[%sub3A_146, %get3A_247] : memref<256x128xf32, #tpu.memory_space<vmem>> -> memref<1x128xf32, #tpu.memory_space<vmem>>
          %get3A_249 = tpu.memref_squeeze %get3A_248 : memref<1x128xf32, #tpu.memory_space<vmem>> -> memref<128xf32, #tpu.memory_space<vmem>>
          %get3A_250 = arith.constant 96 : index
          %get3A_251 = tpu.vector_load %get3A_249[%get3A_250] {strides = array<i32>} : memref<128xf32, #tpu.memory_space<vmem>>, vector<16xf32>,
          %max3A_252 = arith.maximumf %get3A_246, %get3A_251 : vector<16xf32>
          %swap3A_253 = arith.constant 0 : i32
          %swap3A_254 = tpu.memref_slice %arg11[%squeeze3A, %swap3A_253] : memref<320x128xf32, #tpu.memory_space<vmem>> -> memref<1x128xf32, #tpu.memory_space<vmem>>
          %swap3A_255 = tpu.memref_squeeze %swap3A_254 : memref<1x128xf32, #tpu.memory_space<vmem>> -> memref<128xf32, #tpu.memory_space<vmem>>
          %swap3A_256 = arith.constant 96 : index
          %swap3A_257 = tpu.vector_load %swap3A_255[%swap3A_256] {strides = array<i32>} : memref<128xf32, #tpu.memory_space<vmem>>, vector<16xf32>,
          tpu.vector_store %swap3A_255[%swap3A_256], %max3A_252 {strides = array<i32>} : memref<128xf32, #tpu.memory_space<vmem>>, vector<16xf32>,
          %get3A_258 = arith.constant 0 : i32
          %get3A_259 = tpu.memref_slice %arg11[%squeeze3A, %get3A_258] : memref<320x128xf32, #tpu.memory_space<vmem>> -> memref<1x128xf32, #tpu.memory_space<vmem>>
          %get3A_260 = tpu.memref_squeeze %get3A_259 : memref<1x128xf32, #tpu.memory_space<vmem>> -> memref<128xf32, #tpu.memory_space<vmem>>
          %get3A_261 = arith.constant 112 : index
          %get3A_262 = tpu.vector_load %get3A_260[%get3A_261] {strides = array<i32>} : memref<128xf32, #tpu.memory_space<vmem>>, vector<16xf32>,
          %get3A_263 = arith.constant 0 : i32
          %get3A_264 = tpu.memref_slice %arg10[%sub3A_146, %get3A_263] : memref<256x128xf32, #tpu.memory_space<vmem>> -> memref<1x128xf32, #tpu.memory_space<vmem>>
          %get3A_265 = tpu.memref_squeeze %get3A_264 : memref<1x128xf32, #tpu.memory_space<vmem>> -> memref<128xf32, #tpu.memory_space<vmem>>
          %get3A_266 = arith.constant 112 : index
          %get3A_267 = tpu.vector_load %get3A_265[%get3A_266] {strides = array<i32>} : memref<128xf32, #tpu.memory_space<vmem>>, vector<16xf32>,
          %max3A_268 = arith.maximumf %get3A_262, %get3A_267 : vector<16xf32>
          %swap3A_269 = arith.constant 0 : i32
          %swap3A_270 = tpu.memref_slice %arg11[%squeeze3A, %swap3A_269] : memref<320x128xf32, #tpu.memory_space<vmem>> -> memref<1x128xf32, #tpu.memory_space<vmem>>
          %swap3A_271 = tpu.memref_squeeze %swap3A_270 : memref<1x128xf32, #tpu.memory_space<vmem>> -> memref<128xf32, #tpu.memory_space<vmem>>
          %swap3A_272 = arith.constant 112 : index
          %swap3A_273 = tpu.vector_load %swap3A_271[%swap3A_272] {strides = array<i32>} : memref<128xf32, #tpu.memory_space<vmem>>, vector<16xf32>,
          tpu.vector_store %swap3A_271[%swap3A_272], %max3A_268 {strides = array<i32>} : memref<128xf32, #tpu.memory_space<vmem>>, vector<16xf32>,
          %while3A_274 = arith.constant 0 : i32
          scf.yield %while3A_274 : i32
        }
        %while3A_143 = arith.constant 0 : i32
        scf.yield %while3A_143 : i32
      }
      %while3A_88 = arith.constant 1 : i32
      %while3A_89 = scf.for %while3A_91 = %while3A_85 to %while3A_81 step %while3A_88 iter_args(%while3A_92 = %while3A_87) -> (i32)  : i32 {
        %mul3A_93 = arith.constant 2 : i32
        %mul3A_94 = arith.muli %while3A_91, %mul3A_93 : i32
        %mul3A_95 = arith.constant 128 : i32
        %mul3A_96 = arith.muli %mul3A_94, %mul3A_95 : i32
        %dma_start3A_97 = arith.constant 0 : i32
        %dma_start3A_98 = arith.constant 0 : i32
        %dma_start3A_99 = tpu.memref_slice %arg10[%dma_start3A_97, %dma_start3A_98] : memref<256x128xf32, #tpu.memory_space<vmem>> -> memref<128x128xf32, #tpu.memory_space<vmem>>
        %dma_start3A_100 = tpu.memref_slice %arg8[%mul3A_96] : memref<12816xi32, #tpu.memory_space<vmem>> -> memref<128xi32, #tpu.memory_space<vmem>>
        %dma_start3A_101 = arith.constant 0 : i32
        %dma_start3A_102 = arith.constant 0 : i32
        %dma_start3A_103 = tpu.memref_slice %arg2[%dma_start3A_101, %dma_start3A_102] : memref<10000x128xf32, #tpu.memory_space<hbm>> -> memref<10000x128xf32, #tpu.memory_space<hbm>>
        tpu.enqueue_indirect_dma source(%dma_start3A_103 : memref<10000x128xf32, #tpu.memory_space<hbm>>) target(%dma_start3A_99 : memref<128x128xf32, #tpu.memory_space<vmem>>) offsets(%dma_start3A_100 : memref<128xi32, #tpu.memory_space<vmem>>) semaphore(%arg14 : memref<!tpu.dma_semaphore, #tpu.memory_space<semaphore_mem>>)
        %add3A_104 = arith.constant 128 : i32
        %add3A_105 = arith.addi %mul3A_96, %add3A_104 : i32
        %dma_start3A_106 = arith.constant 128 : i32
        %dma_start3A_107 = arith.constant 0 : i32
        %dma_start3A_108 = tpu.memref_slice %arg10[%dma_start3A_106, %dma_start3A_107] : memref<256x128xf32, #tpu.memory_space<vmem>> -> memref<128x128xf32, #tpu.memory_space<vmem>>
        %dma_start3A_109 = tpu.memref_slice %arg8[%add3A_105] : memref<12816xi32, #tpu.memory_space<vmem>> -> memref<128xi32, #tpu.memory_space<vmem>>
        %dma_start3A_110 = arith.constant 0 : i32
        %dma_start3A_111 = arith.constant 0 : i32
        %dma_start3A_112 = tpu.memref_slice %arg2[%dma_start3A_110, %dma_start3A_111] : memref<10000x128xf32, #tpu.memory_space<hbm>> -> memref<10000x128xf32, #tpu.memory_space<hbm>>
        tpu.enqueue_indirect_dma source(%dma_start3A_112 : memref<10000x128xf32, #tpu.memory_space<hbm>>) target(%dma_start3A_108 : memref<128x128xf32, #tpu.memory_space<vmem>>) offsets(%dma_start3A_109 : memref<128xi32, #tpu.memory_space<vmem>>) semaphore(%arg14 : memref<!tpu.dma_semaphore, #tpu.memory_space<semaphore_mem>>)
        %dma_wait3A_113 = arith.constant 0 : i32
        %dma_wait3A_114 = arith.constant 0 : i32
        %dma_wait3A_115 = tpu.memref_slice %arg10[%dma_wait3A_113, %dma_wait3A_114] : memref<256x128xf32, #tpu.memory_space<vmem>> -> memref<128x128xf32, #tpu.memory_space<vmem>>
        %dma_wait3A_116 = tpu.memref_slice %arg8[%mul3A_96] : memref<12816xi32, #tpu.memory_space<vmem>> -> memref<128xi32, #tpu.memory_space<vmem>>
        %dma_wait3A_117 = arith.constant 0 : i32
        %dma_wait3A_118 = arith.constant 0 : i32
        %dma_wait3A_119 = tpu.memref_slice %arg2[%dma_wait3A_117, %dma_wait3A_118] : memref<10000x128xf32, #tpu.memory_space<hbm>> -> memref<10000x128xf32, #tpu.memory_space<hbm>>
        tpu.wait_indirect_dma semaphore(%arg14 : memref<!tpu.dma_semaphore, #tpu.memory_space<semaphore_mem>>) src(%dma_wait3A_119 : memref<10000x128xf32, #tpu.memory_space<hbm>>) dst(%dma_wait3A_115 : memref<128x128xf32, #tpu.memory_space<vmem>>)
        %add3A_120 = arith.constant 128 : i32
        %add3A_121 = arith.addi %mul3A_96, %add3A_120 : i32
        %dma_wait3A_122 = arith.constant 128 : i32
        %dma_wait3A_123 = arith.constant 0 : i32
        %dma_wait3A_124 = tpu.memref_slice %arg10[%dma_wait3A_122, %dma_wait3A_123] : memref<256x128xf32, #tpu.memory_space<vmem>> -> memref<128x128xf32, #tpu.memory_space<vmem>>
        %dma_wait3A_125 = tpu.memref_slice %arg8[%add3A_121] : memref<12816xi32, #tpu.memory_space<vmem>> -> memref<128xi32, #tpu.memory_space<vmem>>
        %dma_wait3A_126 = arith.constant 0 : i32
        %dma_wait3A_127 = arith.constant 0 : i32
        %dma_wait3A_128 = tpu.memref_slice %arg2[%dma_wait3A_126, %dma_wait3A_127] : memref<10000x128xf32, #tpu.memory_space<hbm>> -> memref<10000x128xf32, #tpu.memory_space<hbm>>
        tpu.wait_indirect_dma semaphore(%arg14 : memref<!tpu.dma_semaphore, #tpu.memory_space<semaphore_mem>>) src(%dma_wait3A_128 : memref<10000x128xf32, #tpu.memory_space<hbm>>) dst(%dma_wait3A_124 : memref<128x128xf32, #tpu.memory_space<vmem>>)
        %add3A_129 = arith.constant 256 : i32
        %add3A_130 = arith.addi %mul3A_96, %add3A_129 : i32
        %min3A_131 = arith.minsi %scan3A_59, %add3A_130 : i32
        %while3A_132 = arith.constant 0 : i32
        %while3A_133 = arith.subi %min3A_131, %mul3A_96 : i32
        %while3A_134 = arith.addi %mul3A_96, %while3A_133 : i32
        %while3A_135 = arith.constant 1 : i32
        %while3A_136 = arith.divsi %while3A_133, %while3A_135 : i32
        %while3A_137 = arith.muli %while3A_136, %while3A_135 : i32
        %while3A_138 = arith.addi %mul3A_96, %while3A_137 : i32
        %while3A_139 = arith.constant 1 : i32
        %while3A_140 = scf.for %while3A_144 = %mul3A_96 to %while3A_138 step %while3A_139 iter_args(%while3A_145 = %while3A_132) -> (i32)  : i32 {
          %sub3A_146 = arith.subi %while3A_144, %mul3A_96 : i32
          %get3A = arith.index_cast %while3A_144 : i32 to index
          %get3A_147 = tpu.vector_load %arg9[%get3A] {strides = array<i32>} : memref<12816xi32, #tpu.memory_space<vmem>>, vector<16xi32>,
          %slice3A = vector.extract_strided_slice %get3A_147 {offsets = [0], sizes = [1], strides = [1]} : vector<16xi32> to vector<1xi32>
          %squeeze3A = vector.extract %slice3A[0] : i32 from vector<1xi32>
          %get3A_148 = arith.constant 0 : i32
          %get3A_149 = tpu.memref_slice %arg11[%squeeze3A, %get3A_148] : memref<320x128xf32, #tpu.memory_space<vmem>> -> memref<1x128xf32, #tpu.memory_space<vmem>>
          %get3A_150 = tpu.memref_squeeze %get3A_149 : memref<1x128xf32, #tpu.memory_space<vmem>> -> memref<128xf32, #tpu.memory_space<vmem>>
          %get3A_151 = arith.constant 0 : index
          %get3A_152 = tpu.vector_load %get3A_150[%get3A_151] {strides = array<i32>} : memref<128xf32, #tpu.memory_space<vmem>>, vector<16xf32>,
          %get3A_153 = arith.constant 0 : i32
          %get3A_154 = tpu.memref_slice %arg10[%sub3A_146, %get3A_153] : memref<256x128xf32, #tpu.memory_space<vmem>> -> memref<1x128xf32, #tpu.memory_space<vmem>>
          %get3A_155 = tpu.memref_squeeze %get3A_154 : memref<1x128xf32, #tpu.memory_space<vmem>> -> memref<128xf32, #tpu.memory_space<vmem>>
          %get3A_156 = arith.constant 0 : index
          %get3A_157 = tpu.vector_load %get3A_155[%get3A_156] {strides = array<i32>} : memref<128xf32, #tpu.memory_space<vmem>>, vector<16xf32>,
          %max3A = arith.maximumf %get3A_152, %get3A_157 : vector<16xf32>
          %swap3A = arith.constant 0 : i32
          %swap3A_158 = tpu.memref_slice %arg11[%squeeze3A, %swap3A] : memref<320x128xf32, #tpu.memory_space<vmem>> -> memref<1x128xf32, #tpu.memory_space<vmem>>
          %swap3A_159 = tpu.memref_squeeze %swap3A_158 : memref<1x128xf32, #tpu.memory_space<vmem>> -> memref<128xf32, #tpu.memory_space<vmem>>
          %swap3A_160 = arith.constant 0 : index
          %swap3A_161 = tpu.vector_load %swap3A_159[%swap3A_160] {strides = array<i32>} : memref<128xf32, #tpu.memory_space<vmem>>, vector<16xf32>,
          tpu.vector_store %swap3A_159[%swap3A_160], %max3A {strides = array<i32>} : memref<128xf32, #tpu.memory_space<vmem>>, vector<16xf32>,
          %get3A_162 = arith.constant 0 : i32
          %get3A_163 = tpu.memref_slice %arg11[%squeeze3A, %get3A_162] : memref<320x128xf32, #tpu.memory_space<vmem>> -> memref<1x128xf32, #tpu.memory_space<vmem>>
          %get3A_164 = tpu.memref_squeeze %get3A_163 : memref<1x128xf32, #tpu.memory_space<vmem>> -> memref<128xf32, #tpu.memory_space<vmem>>
          %get3A_165 = arith.constant 16 : index
          %get3A_166 = tpu.vector_load %get3A_164[%get3A_165] {strides = array<i32>} : memref<128xf32, #tpu.memory_space<vmem>>, vector<16xf32>,
          %get3A_167 = arith.constant 0 : i32
          %get3A_168 = tpu.memref_slice %arg10[%sub3A_146, %get3A_167] : memref<256x128xf32, #tpu.memory_space<vmem>> -> memref<1x128xf32, #tpu.memory_space<vmem>>
          %get3A_169 = tpu.memref_squeeze %get3A_168 : memref<1x128xf32, #tpu.memory_space<vmem>> -> memref<128xf32, #tpu.memory_space<vmem>>
          %get3A_170 = arith.constant 16 : index
          %get3A_171 = tpu.vector_load %get3A_169[%get3A_170] {strides = array<i32>} : memref<128xf32, #tpu.memory_space<vmem>>, vector<16xf32>,
          %max3A_172 = arith.maximumf %get3A_166, %get3A_171 : vector<16xf32>
          %swap3A_173 = arith.constant 0 : i32
          %swap3A_174 = tpu.memref_slice %arg11[%squeeze3A, %swap3A_173] : memref<320x128xf32, #tpu.memory_space<vmem>> -> memref<1x128xf32, #tpu.memory_space<vmem>>
          %swap3A_175 = tpu.memref_squeeze %swap3A_174 : memref<1x128xf32, #tpu.memory_space<vmem>> -> memref<128xf32, #tpu.memory_space<vmem>>
          %swap3A_176 = arith.constant 16 : index
          %swap3A_177 = tpu.vector_load %swap3A_175[%swap3A_176] {strides = array<i32>} : memref<128xf32, #tpu.memory_space<vmem>>, vector<16xf32>,
          tpu.vector_store %swap3A_175[%swap3A_176], %max3A_172 {strides = array<i32>} : memref<128xf32, #tpu.memory_space<vmem>>, vector<16xf32>,
          %get3A_178 = arith.constant 0 : i32
          %get3A_179 = tpu.memref_slice %arg11[%squeeze3A, %get3A_178] : memref<320x128xf32, #tpu.memory_space<vmem>> -> memref<1x128xf32, #tpu.memory_space<vmem>>
          %get3A_180 = tpu.memref_squeeze %get3A_179 : memref<1x128xf32, #tpu.memory_space<vmem>> -> memref<128xf32, #tpu.memory_space<vmem>>
          %get3A_181 = arith.constant 32 : index
          %get3A_182 = tpu.vector_load %get3A_180[%get3A_181] {strides = array<i32>} : memref<128xf32, #tpu.memory_space<vmem>>, vector<16xf32>,
          %get3A_183 = arith.constant 0 : i32
          %get3A_184 = tpu.memref_slice %arg10[%sub3A_146, %get3A_183] : memref<256x128xf32, #tpu.memory_space<vmem>> -> memref<1x128xf32, #tpu.memory_space<vmem>>
          %get3A_185 = tpu.memref_squeeze %get3A_184 : memref<1x128xf32, #tpu.memory_space<vmem>> -> memref<128xf32, #tpu.memory_space<vmem>>
          %get3A_186 = arith.constant 32 : index
          %get3A_187 = tpu.vector_load %get3A_185[%get3A_186] {strides = array<i32>} : memref<128xf32, #tpu.memory_space<vmem>>, vector<16xf32>,
          %max3A_188 = arith.maximumf %get3A_182, %get3A_187 : vector<16xf32>
          %swap3A_189 = arith.constant 0 : i32
          %swap3A_190 = tpu.memref_slice %arg11[%squeeze3A, %swap3A_189] : memref<320x128xf32, #tpu.memory_space<vmem>> -> memref<1x128xf32, #tpu.memory_space<vmem>>
          %swap3A_191 = tpu.memref_squeeze %swap3A_190 : memref<1x128xf32, #tpu.memory_space<vmem>> -> memref<128xf32, #tpu.memory_space<vmem>>
          %swap3A_192 = arith.constant 32 : index
          %swap3A_193 = tpu.vector_load %swap3A_191[%swap3A_192] {strides = array<i32>} : memref<128xf32, #tpu.memory_space<vmem>>, vector<16xf32>,
          tpu.vector_store %swap3A_191[%swap3A_192], %max3A_188 {strides = array<i32>} : memref<128xf32, #tpu.memory_space<vmem>>, vector<16xf32>,
          %get3A_194 = arith.constant 0 : i32
          %get3A_195 = tpu.memref_slice %arg11[%squeeze3A, %get3A_194] : memref<320x128xf32, #tpu.memory_space<vmem>> -> memref<1x128xf32, #tpu.memory_space<vmem>>
          %get3A_196 = tpu.memref_squeeze %get3A_195 : memref<1x128xf32, #tpu.memory_space<vmem>> -> memref<128xf32, #tpu.memory_space<vmem>>
          %get3A_197 = arith.constant 48 : index
          %get3A_198 = tpu.vector_load %get3A_196[%get3A_197] {strides = array<i32>} : memref<128xf32, #tpu.memory_space<vmem>>, vector<16xf32>,
          %get3A_199 = arith.constant 0 : i32
          %get3A_200 = tpu.memref_slice %arg10[%sub3A_146, %get3A_199] : memref<256x128xf32, #tpu.memory_space<vmem>> -> memref<1x128xf32, #tpu.memory_space<vmem>>
          %get3A_201 = tpu.memref_squeeze %get3A_200 : memref<1x128xf32, #tpu.memory_space<vmem>> -> memref<128xf32, #tpu.memory_space<vmem>>
          %get3A_202 = arith.constant 48 : index
          %get3A_203 = tpu.vector_load %get3A_201[%get3A_202] {strides = array<i32>} : memref<128xf32, #tpu.memory_space<vmem>>, vector<16xf32>,
          %max3A_204 = arith.maximumf %get3A_198, %get3A_203 : vector<16xf32>
          %swap3A_205 = arith.constant 0 : i32
          %swap3A_206 = tpu.memref_slice %arg11[%squeeze3A, %swap3A_205] : memref<320x128xf32, #tpu.memory_space<vmem>> -> memref<1x128xf32, #tpu.memory_space<vmem>>
          %swap3A_207 = tpu.memref_squeeze %swap3A_206 : memref<1x128xf32, #tpu.memory_space<vmem>> -> memref<128xf32, #tpu.memory_space<vmem>>
          %swap3A_208 = arith.constant 48 : index
          %swap3A_209 = tpu.vector_load %swap3A_207[%swap3A_208] {strides = array<i32>} : memref<128xf32, #tpu.memory_space<vmem>>, vector<16xf32>,
          tpu.vector_store %swap3A_207[%swap3A_208], %max3A_204 {strides = array<i32>} : memref<128xf32, #tpu.memory_space<vmem>>, vector<16xf32>,
          %get3A_210 = arith.constant 0 : i32
          %get3A_211 = tpu.memref_slice %arg11[%squeeze3A, %get3A_210] : memref<320x128xf32, #tpu.memory_space<vmem>> -> memref<1x128xf32, #tpu.memory_space<vmem>>
          %get3A_212 = tpu.memref_squeeze %get3A_211 : memref<1x128xf32, #tpu.memory_space<vmem>> -> memref<128xf32, #tpu.memory_space<vmem>>
          %get3A_213 = arith.constant 64 : index
          %get3A_214 = tpu.vector_load %get3A_212[%get3A_213] {strides = array<i32>} : memref<128xf32, #tpu.memory_space<vmem>>, vector<16xf32>,
          %get3A_215 = arith.constant 0 : i32
          %get3A_216 = tpu.memref_slice %arg10[%sub3A_146, %get3A_215] : memref<256x128xf32, #tpu.memory_space<vmem>> -> memref<1x128xf32, #tpu.memory_space<vmem>>
          %get3A_217 = tpu.memref_squeeze %get3A_216 : memref<1x128xf32, #tpu.memory_space<vmem>> -> memref<128xf32, #tpu.memory_space<vmem>>
          %get3A_218 = arith.constant 64 : index
          %get3A_219 = tpu.vector_load %get3A_217[%get3A_218] {strides = array<i32>} : memref<128xf32, #tpu.memory_space<vmem>>, vector<16xf32>,
          %max3A_220 = arith.maximumf %get3A_214, %get3A_219 : vector<16xf32>
          %swap3A_221 = arith.constant 0 : i32
          %swap3A_222 = tpu.memref_slice %arg11[%squeeze3A, %swap3A_221] : memref<320x128xf32, #tpu.memory_space<vmem>> -> memref<1x128xf32, #tpu.memory_space<vmem>>
          %swap3A_223 = tpu.memref_squeeze %swap3A_222 : memref<1x128xf32, #tpu.memory_space<vmem>> -> memref<128xf32, #tpu.memory_space<vmem>>
          %swap3A_224 = arith.constant 64 : index
          %swap3A_225 = tpu.vector_load %swap3A_223[%swap3A_224] {strides = array<i32>} : memref<128xf32, #tpu.memory_space<vmem>>, vector<16xf32>,
          tpu.vector_store %swap3A_223[%swap3A_224], %max3A_220 {strides = array<i32>} : memref<128xf32, #tpu.memory_space<vmem>>, vector<16xf32>,
          %get3A_226 = arith.constant 0 : i32
          %get3A_227 = tpu.memref_slice %arg11[%squeeze3A, %get3A_226] : memref<320x128xf32, #tpu.memory_space<vmem>> -> memref<1x128xf32, #tpu.memory_space<vmem>>
          %get3A_228 = tpu.memref_squeeze %get3A_227 : memref<1x128xf32, #tpu.memory_space<vmem>> -> memref<128xf32, #tpu.memory_space<vmem>>
          %get3A_229 = arith.constant 80 : index
          %get3A_230 = tpu.vector_load %get3A_228[%get3A_229] {strides = array<i32>} : memref<128xf32, #tpu.memory_space<vmem>>, vector<16xf32>,
          %get3A_231 = arith.constant 0 : i32
          %get3A_232 = tpu.memref_slice %arg10[%sub3A_146, %get3A_231] : memref<256x128xf32, #tpu.memory_space<vmem>> -> memref<1x128xf32, #tpu.memory_space<vmem>>
          %get3A_233 = tpu.memref_squeeze %get3A_232 : memref<1x128xf32, #tpu.memory_space<vmem>> -> memref<128xf32, #tpu.memory_space<vmem>>
          %get3A_234 = arith.constant 80 : index
          %get3A_235 = tpu.vector_load %get3A_233[%get3A_234] {strides = array<i32>} : memref<128xf32, #tpu.memory_space<vmem>>, vector<16xf32>,
          %max3A_236 = arith.maximumf %get3A_230, %get3A_235 : vector<16xf32>
          %swap3A_237 = arith.constant 0 : i32
          %swap3A_238 = tpu.memref_slice %arg11[%squeeze3A, %swap3A_237] : memref<320x128xf32, #tpu.memory_space<vmem>> -> memref<1x128xf32, #tpu.memory_space<vmem>>
          %swap3A_239 = tpu.memref_squeeze %swap3A_238 : memref<1x128xf32, #tpu.memory_space<vmem>> -> memref<128xf32, #tpu.memory_space<vmem>>
          %swap3A_240 = arith.constant 80 : index
          %swap3A_241 = tpu.vector_load %swap3A_239[%swap3A_240] {strides = array<i32>} : memref<128xf32, #tpu.memory_space<vmem>>, vector<16xf32>,
          tpu.vector_store %swap3A_239[%swap3A_240], %max3A_236 {strides = array<i32>} : memref<128xf32, #tpu.memory_space<vmem>>, vector<16xf32>,
          %get3A_242 = arith.constant 0 : i32
          %get3A_243 = tpu.memref_slice %arg11[%squeeze3A, %get3A_242] : memref<320x128xf32, #tpu.memory_space<vmem>> -> memref<1x128xf32, #tpu.memory_space<vmem>>
          %get3A_244 = tpu.memref_squeeze %get3A_243 : memref<1x128xf32, #tpu.memory_space<vmem>> -> memref<128xf32, #tpu.memory_space<vmem>>
          %get3A_245 = arith.constant 96 : index
          %get3A_246 = tpu.vector_load %get3A_244[%get3A_245] {strides = array<i32>} : memref<128xf32, #tpu.memory_space<vmem>>, vector<16xf32>,
          %get3A_247 = arith.constant 0 : i32
          %get3A_248 = tpu.memref_slice %arg10[%sub3A_146, %get3A_247] : memref<256x128xf32, #tpu.memory_space<vmem>> -> memref<1x128xf32, #tpu.memory_space<vmem>>
          %get3A_249 = tpu.memref_squeeze %get3A_248 : memref<1x128xf32, #tpu.memory_space<vmem>> -> memref<128xf32, #tpu.memory_space<vmem>>
          %get3A_250 = arith.constant 96 : index
          %get3A_251 = tpu.vector_load %get3A_249[%get3A_250] {strides = array<i32>} : memref<128xf32, #tpu.memory_space<vmem>>, vector<16xf32>,
          %max3A_252 = arith.maximumf %get3A_246, %get3A_251 : vector<16xf32>
          %swap3A_253 = arith.constant 0 : i32
          %swap3A_254 = tpu.memref_slice %arg11[%squeeze3A, %swap3A_253] : memref<320x128xf32, #tpu.memory_space<vmem>> -> memref<1x128xf32, #tpu.memory_space<vmem>>
          %swap3A_255 = tpu.memref_squeeze %swap3A_254 : memref<1x128xf32, #tpu.memory_space<vmem>> -> memref<128xf32, #tpu.memory_space<vmem>>
          %swap3A_256 = arith.constant 96 : index
          %swap3A_257 = tpu.vector_load %swap3A_255[%swap3A_256] {strides = array<i32>} : memref<128xf32, #tpu.memory_space<vmem>>, vector<16xf32>,
          tpu.vector_store %swap3A_255[%swap3A_256], %max3A_252 {strides = array<i32>} : memref<128xf32, #tpu.memory_space<vmem>>, vector<16xf32>,
          %get3A_258 = arith.constant 0 : i32
          %get3A_259 = tpu.memref_slice %arg11[%squeeze3A, %get3A_258] : memref<320x128xf32, #tpu.memory_space<vmem>> -> memref<1x128xf32, #tpu.memory_space<vmem>>
          %get3A_260 = tpu.memref_squeeze %get3A_259 : memref<1x128xf32, #tpu.memory_space<vmem>> -> memref<128xf32, #tpu.memory_space<vmem>>
          %get3A_261 = arith.constant 112 : index
          %get3A_262 = tpu.vector_load %get3A_260[%get3A_261] {strides = array<i32>} : memref<128xf32, #tpu.memory_space<vmem>>, vector<16xf32>,
          %get3A_263 = arith.constant 0 : i32
          %get3A_264 = tpu.memref_slice %arg10[%sub3A_146, %get3A_263] : memref<256x128xf32, #tpu.memory_space<vmem>> -> memref<1x128xf32, #tpu.memory_space<vmem>>
          %get3A_265 = tpu.memref_squeeze %get3A_264 : memref<1x128xf32, #tpu.memory_space<vmem>> -> memref<128xf32, #tpu.memory_space<vmem>>
          %get3A_266 = arith.constant 112 : index
          %get3A_267 = tpu.vector_load %get3A_265[%get3A_266] {strides = array<i32>} : memref<128xf32, #tpu.memory_space<vmem>>, vector<16xf32>,
          %max3A_268 = arith.maximumf %get3A_262, %get3A_267 : vector<16xf32>
          %swap3A_269 = arith.constant 0 : i32
          %swap3A_270 = tpu.memref_slice %arg11[%squeeze3A, %swap3A_269] : memref<320x128xf32, #tpu.memory_space<vmem>> -> memref<1x128xf32, #tpu.memory_space<vmem>>
          %swap3A_271 = tpu.memref_squeeze %swap3A_270 : memref<1x128xf32, #tpu.memory_space<vmem>> -> memref<128xf32, #tpu.memory_space<vmem>>
          %swap3A_272 = arith.constant 112 : index
          %swap3A_273 = tpu.vector_load %swap3A_271[%swap3A_272] {strides = array<i32>} : memref<128xf32, #tpu.memory_space<vmem>>, vector<16xf32>,
          tpu.vector_store %swap3A_271[%swap3A_272], %max3A_268 {strides = array<i32>} : memref<128xf32, #tpu.memory_space<vmem>>, vector<16xf32>,
          %while3A_274 = arith.constant 0 : i32
          scf.yield %while3A_274 : i32
        }
        %while3A_141 = arith.constant 1 : i32
        %while3A_142 = scf.for %while3A_144 = %while3A_138 to %while3A_134 step %while3A_141 iter_args(%while3A_145 = %while3A_140) -> (i32)  : i32 {
          %sub3A_146 = arith.subi %while3A_144, %mul3A_96 : i32
          %get3A = arith.index_cast %while3A_144 : i32 to index
          %get3A_147 = tpu.vector_load %arg9[%get3A] {strides = array<i32>} : memref<12816xi32, #tpu.memory_space<vmem>>, vector<16xi32>,
          %slice3A = vector.extract_strided_slice %get3A_147 {offsets = [0], sizes = [1], strides = [1]} : vector<16xi32> to vector<1xi32>
          %squeeze3A = vector.extract %slice3A[0] : i32 from vector<1xi32>
          %get3A_148 = arith.constant 0 : i32
          %get3A_149 = tpu.memref_slice %arg11[%squeeze3A, %get3A_148] : memref<320x128xf32, #tpu.memory_space<vmem>> -> memref<1x128xf32, #tpu.memory_space<vmem>>
          %get3A_150 = tpu.memref_squeeze %get3A_149 : memref<1x128xf32, #tpu.memory_space<vmem>> -> memref<128xf32, #tpu.memory_space<vmem>>
          %get3A_151 = arith.constant 0 : index
          %get3A_152 = tpu.vector_load %get3A_150[%get3A_151] {strides = array<i32>} : memref<128xf32, #tpu.memory_space<vmem>>, vector<16xf32>,
          %get3A_153 = arith.constant 0 : i32
          %get3A_154 = tpu.memref_slice %arg10[%sub3A_146, %get3A_153] : memref<256x128xf32, #tpu.memory_space<vmem>> -> memref<1x128xf32, #tpu.memory_space<vmem>>
          %get3A_155 = tpu.memref_squeeze %get3A_154 : memref<1x128xf32, #tpu.memory_space<vmem>> -> memref<128xf32, #tpu.memory_space<vmem>>
          %get3A_156 = arith.constant 0 : index
          %get3A_157 = tpu.vector_load %get3A_155[%get3A_156] {strides = array<i32>} : memref<128xf32, #tpu.memory_space<vmem>>, vector<16xf32>,
          %max3A = arith.maximumf %get3A_152, %get3A_157 : vector<16xf32>
          %swap3A = arith.constant 0 : i32
          %swap3A_158 = tpu.memref_slice %arg11[%squeeze3A, %swap3A] : memref<320x128xf32, #tpu.memory_space<vmem>> -> memref<1x128xf32, #tpu.memory_space<vmem>>
          %swap3A_159 = tpu.memref_squeeze %swap3A_158 : memref<1x128xf32, #tpu.memory_space<vmem>> -> memref<128xf32, #tpu.memory_space<vmem>>
          %swap3A_160 = arith.constant 0 : index
          %swap3A_161 = tpu.vector_load %swap3A_159[%swap3A_160] {strides = array<i32>} : memref<128xf32, #tpu.memory_space<vmem>>, vector<16xf32>,
          tpu.vector_store %swap3A_159[%swap3A_160], %max3A {strides = array<i32>} : memref<128xf32, #tpu.memory_space<vmem>>, vector<16xf32>,
          %get3A_162 = arith.constant 0 : i32
          %get3A_163 = tpu.memref_slice %arg11[%squeeze3A, %get3A_162] : memref<320x128xf32, #tpu.memory_space<vmem>> -> memref<1x128xf32, #tpu.memory_space<vmem>>
          %get3A_164 = tpu.memref_squeeze %get3A_163 : memref<1x128xf32, #tpu.memory_space<vmem>> -> memref<128xf32, #tpu.memory_space<vmem>>
          %get3A_165 = arith.constant 16 : index
          %get3A_166 = tpu.vector_load %get3A_164[%get3A_165] {strides = array<i32>} : memref<128xf32, #tpu.memory_space<vmem>>, vector<16xf32>,
          %get3A_167 = arith.constant 0 : i32
          %get3A_168 = tpu.memref_slice %arg10[%sub3A_146, %get3A_167] : memref<256x128xf32, #tpu.memory_space<vmem>> -> memref<1x128xf32, #tpu.memory_space<vmem>>
          %get3A_169 = tpu.memref_squeeze %get3A_168 : memref<1x128xf32, #tpu.memory_space<vmem>> -> memref<128xf32, #tpu.memory_space<vmem>>
          %get3A_170 = arith.constant 16 : index
          %get3A_171 = tpu.vector_load %get3A_169[%get3A_170] {strides = array<i32>} : memref<128xf32, #tpu.memory_space<vmem>>, vector<16xf32>,
          %max3A_172 = arith.maximumf %get3A_166, %get3A_171 : vector<16xf32>
          %swap3A_173 = arith.constant 0 : i32
          %swap3A_174 = tpu.memref_slice %arg11[%squeeze3A, %swap3A_173] : memref<320x128xf32, #tpu.memory_space<vmem>> -> memref<1x128xf32, #tpu.memory_space<vmem>>
          %swap3A_175 = tpu.memref_squeeze %swap3A_174 : memref<1x128xf32, #tpu.memory_space<vmem>> -> memref<128xf32, #tpu.memory_space<vmem>>
          %swap3A_176 = arith.constant 16 : index
          %swap3A_177 = tpu.vector_load %swap3A_175[%swap3A_176] {strides = array<i32>} : memref<128xf32, #tpu.memory_space<vmem>>, vector<16xf32>,
          tpu.vector_store %swap3A_175[%swap3A_176], %max3A_172 {strides = array<i32>} : memref<128xf32, #tpu.memory_space<vmem>>, vector<16xf32>,
          %get3A_178 = arith.constant 0 : i32
          %get3A_179 = tpu.memref_slice %arg11[%squeeze3A, %get3A_178] : memref<320x128xf32, #tpu.memory_space<vmem>> -> memref<1x128xf32, #tpu.memory_space<vmem>>
          %get3A_180 = tpu.memref_squeeze %get3A_179 : memref<1x128xf32, #tpu.memory_space<vmem>> -> memref<128xf32, #tpu.memory_space<vmem>>
          %get3A_181 = arith.constant 32 : index
          %get3A_182 = tpu.vector_load %get3A_180[%get3A_181] {strides = array<i32>} : memref<128xf32, #tpu.memory_space<vmem>>, vector<16xf32>,
          %get3A_183 = arith.constant 0 : i32
          %get3A_184 = tpu.memref_slice %arg10[%sub3A_146, %get3A_183] : memref<256x128xf32, #tpu.memory_space<vmem>> -> memref<1x128xf32, #tpu.memory_space<vmem>>
          %get3A_185 = tpu.memref_squeeze %get3A_184 : memref<1x128xf32, #tpu.memory_space<vmem>> -> memref<128xf32, #tpu.memory_space<vmem>>
          %get3A_186 = arith.constant 32 : index
          %get3A_187 = tpu.vector_load %get3A_185[%get3A_186] {strides = array<i32>} : memref<128xf32, #tpu.memory_space<vmem>>, vector<16xf32>,
          %max3A_188 = arith.maximumf %get3A_182, %get3A_187 : vector<16xf32>
          %swap3A_189 = arith.constant 0 : i32
          %swap3A_190 = tpu.memref_slice %arg11[%squeeze3A, %swap3A_189] : memref<320x128xf32, #tpu.memory_space<vmem>> -> memref<1x128xf32, #tpu.memory_space<vmem>>
          %swap3A_191 = tpu.memref_squeeze %swap3A_190 : memref<1x128xf32, #tpu.memory_space<vmem>> -> memref<128xf32, #tpu.memory_space<vmem>>
          %swap3A_192 = arith.constant 32 : index
          %swap3A_193 = tpu.vector_load %swap3A_191[%swap3A_192] {strides = array<i32>} : memref<128xf32, #tpu.memory_space<vmem>>, vector<16xf32>,
          tpu.vector_store %swap3A_191[%swap3A_192], %max3A_188 {strides = array<i32>} : memref<128xf32, #tpu.memory_space<vmem>>, vector<16xf32>,
          %get3A_194 = arith.constant 0 : i32
          %get3A_195 = tpu.memref_slice %arg11[%squeeze3A, %get3A_194] : memref<320x128xf32, #tpu.memory_space<vmem>> -> memref<1x128xf32, #tpu.memory_space<vmem>>
          %get3A_196 = tpu.memref_squeeze %get3A_195 : memref<1x128xf32, #tpu.memory_space<vmem>> -> memref<128xf32, #tpu.memory_space<vmem>>
          %get3A_197 = arith.constant 48 : index
          %get3A_198 = tpu.vector_load %get3A_196[%get3A_197] {strides = array<i32>} : memref<128xf32, #tpu.memory_space<vmem>>, vector<16xf32>,
          %get3A_199 = arith.constant 0 : i32
          %get3A_200 = tpu.memref_slice %arg10[%sub3A_146, %get3A_199] : memref<256x128xf32, #tpu.memory_space<vmem>> -> memref<1x128xf32, #tpu.memory_space<vmem>>
          %get3A_201 = tpu.memref_squeeze %get3A_200 : memref<1x128xf32, #tpu.memory_space<vmem>> -> memref<128xf32, #tpu.memory_space<vmem>>
          %get3A_202 = arith.constant 48 : index
          %get3A_203 = tpu.vector_load %get3A_201[%get3A_202] {strides = array<i32>} : memref<128xf32, #tpu.memory_space<vmem>>, vector<16xf32>,
          %max3A_204 = arith.maximumf %get3A_198, %get3A_203 : vector<16xf32>
          %swap3A_205 = arith.constant 0 : i32
          %swap3A_206 = tpu.memref_slice %arg11[%squeeze3A, %swap3A_205] : memref<320x128xf32, #tpu.memory_space<vmem>> -> memref<1x128xf32, #tpu.memory_space<vmem>>
          %swap3A_207 = tpu.memref_squeeze %swap3A_206 : memref<1x128xf32, #tpu.memory_space<vmem>> -> memref<128xf32, #tpu.memory_space<vmem>>
          %swap3A_208 = arith.constant 48 : index
          %swap3A_209 = tpu.vector_load %swap3A_207[%swap3A_208] {strides = array<i32>} : memref<128xf32, #tpu.memory_space<vmem>>, vector<16xf32>,
          tpu.vector_store %swap3A_207[%swap3A_208], %max3A_204 {strides = array<i32>} : memref<128xf32, #tpu.memory_space<vmem>>, vector<16xf32>,
          %get3A_210 = arith.constant 0 : i32
          %get3A_211 = tpu.memref_slice %arg11[%squeeze3A, %get3A_210] : memref<320x128xf32, #tpu.memory_space<vmem>> -> memref<1x128xf32, #tpu.memory_space<vmem>>
          %get3A_212 = tpu.memref_squeeze %get3A_211 : memref<1x128xf32, #tpu.memory_space<vmem>> -> memref<128xf32, #tpu.memory_space<vmem>>
          %get3A_213 = arith.constant 64 : index
          %get3A_214 = tpu.vector_load %get3A_212[%get3A_213] {strides = array<i32>} : memref<128xf32, #tpu.memory_space<vmem>>, vector<16xf32>,
          %get3A_215 = arith.constant 0 : i32
          %get3A_216 = tpu.memref_slice %arg10[%sub3A_146, %get3A_215] : memref<256x128xf32, #tpu.memory_space<vmem>> -> memref<1x128xf32, #tpu.memory_space<vmem>>
          %get3A_217 = tpu.memref_squeeze %get3A_216 : memref<1x128xf32, #tpu.memory_space<vmem>> -> memref<128xf32, #tpu.memory_space<vmem>>
          %get3A_218 = arith.constant 64 : index
          %get3A_219 = tpu.vector_load %get3A_217[%get3A_218] {strides = array<i32>} : memref<128xf32, #tpu.memory_space<vmem>>, vector<16xf32>,
          %max3A_220 = arith.maximumf %get3A_214, %get3A_219 : vector<16xf32>
          %swap3A_221 = arith.constant 0 : i32
          %swap3A_222 = tpu.memref_slice %arg11[%squeeze3A, %swap3A_221] : memref<320x128xf32, #tpu.memory_space<vmem>> -> memref<1x128xf32, #tpu.memory_space<vmem>>
          %swap3A_223 = tpu.memref_squeeze %swap3A_222 : memref<1x128xf32, #tpu.memory_space<vmem>> -> memref<128xf32, #tpu.memory_space<vmem>>
          %swap3A_224 = arith.constant 64 : index
          %swap3A_225 = tpu.vector_load %swap3A_223[%swap3A_224] {strides = array<i32>} : memref<128xf32, #tpu.memory_space<vmem>>, vector<16xf32>,
          tpu.vector_store %swap3A_223[%swap3A_224], %max3A_220 {strides = array<i32>} : memref<128xf32, #tpu.memory_space<vmem>>, vector<16xf32>,
          %get3A_226 = arith.constant 0 : i32
          %get3A_227 = tpu.memref_slice %arg11[%squeeze3A, %get3A_226] : memref<320x128xf32, #tpu.memory_space<vmem>> -> memref<1x128xf32, #tpu.memory_space<vmem>>
          %get3A_228 = tpu.memref_squeeze %get3A_227 : memref<1x128xf32, #tpu.memory_space<vmem>> -> memref<128xf32, #tpu.memory_space<vmem>>
          %get3A_229 = arith.constant 80 : index
          %get3A_230 = tpu.vector_load %get3A_228[%get3A_229] {strides = array<i32>} : memref<128xf32, #tpu.memory_space<vmem>>, vector<16xf32>,
          %get3A_231 = arith.constant 0 : i32
          %get3A_232 = tpu.memref_slice %arg10[%sub3A_146, %get3A_231] : memref<256x128xf32, #tpu.memory_space<vmem>> -> memref<1x128xf32, #tpu.memory_space<vmem>>
          %get3A_233 = tpu.memref_squeeze %get3A_232 : memref<1x128xf32, #tpu.memory_space<vmem>> -> memref<128xf32, #tpu.memory_space<vmem>>
          %get3A_234 = arith.constant 80 : index
          %get3A_235 = tpu.vector_load %get3A_233[%get3A_234] {strides = array<i32>} : memref<128xf32, #tpu.memory_space<vmem>>, vector<16xf32>,
          %max3A_236 = arith.maximumf %get3A_230, %get3A_235 : vector<16xf32>
          %swap3A_237 = arith.constant 0 : i32
          %swap3A_238 = tpu.memref_slice %arg11[%squeeze3A, %swap3A_237] : memref<320x128xf32, #tpu.memory_space<vmem>> -> memref<1x128xf32, #tpu.memory_space<vmem>>
          %swap3A_239 = tpu.memref_squeeze %swap3A_238 : memref<1x128xf32, #tpu.memory_space<vmem>> -> memref<128xf32, #tpu.memory_space<vmem>>
          %swap3A_240 = arith.constant 80 : index
          %swap3A_241 = tpu.vector_load %swap3A_239[%swap3A_240] {strides = array<i32>} : memref<128xf32, #tpu.memory_space<vmem>>, vector<16xf32>,
          tpu.vector_store %swap3A_239[%swap3A_240], %max3A_236 {strides = array<i32>} : memref<128xf32, #tpu.memory_space<vmem>>, vector<16xf32>,
          %get3A_242 = arith.constant 0 : i32
          %get3A_243 = tpu.memref_slice %arg11[%squeeze3A, %get3A_242] : memref<320x128xf32, #tpu.memory_space<vmem>> -> memref<1x128xf32, #tpu.memory_space<vmem>>
          %get3A_244 = tpu.memref_squeeze %get3A_243 : memref<1x128xf32, #tpu.memory_space<vmem>> -> memref<128xf32, #tpu.memory_space<vmem>>
          %get3A_245 = arith.constant 96 : index
          %get3A_246 = tpu.vector_load %get3A_244[%get3A_245] {strides = array<i32>} : memref<128xf32, #tpu.memory_space<vmem>>, vector<16xf32>,
          %get3A_247 = arith.constant 0 : i32
          %get3A_248 = tpu.memref_slice %arg10[%sub3A_146, %get3A_247] : memref<256x128xf32, #tpu.memory_space<vmem>> -> memref<1x128xf32, #tpu.memory_space<vmem>>
          %get3A_249 = tpu.memref_squeeze %get3A_248 : memref<1x128xf32, #tpu.memory_space<vmem>> -> memref<128xf32, #tpu.memory_space<vmem>>
          %get3A_250 = arith.constant 96 : index
          %get3A_251 = tpu.vector_load %get3A_249[%get3A_250] {strides = array<i32>} : memref<128xf32, #tpu.memory_space<vmem>>, vector<16xf32>,
          %max3A_252 = arith.maximumf %get3A_246, %get3A_251 : vector<16xf32>
          %swap3A_253 = arith.constant 0 : i32
          %swap3A_254 = tpu.memref_slice %arg11[%squeeze3A, %swap3A_253] : memref<320x128xf32, #tpu.memory_space<vmem>> -> memref<1x128xf32, #tpu.memory_space<vmem>>
          %swap3A_255 = tpu.memref_squeeze %swap3A_254 : memref<1x128xf32, #tpu.memory_space<vmem>> -> memref<128xf32, #tpu.memory_space<vmem>>
          %swap3A_256 = arith.constant 96 : index
          %swap3A_257 = tpu.vector_load %swap3A_255[%swap3A_256] {strides = array<i32>} : memref<128xf32, #tpu.memory_space<vmem>>, vector<16xf32>,
          tpu.vector_store %swap3A_255[%swap3A_256], %max3A_252 {strides = array<i32>} : memref<128xf32, #tpu.memory_space<vmem>>, vector<16xf32>,
          %get3A_258 = arith.constant 0 : i32
          %get3A_259 = tpu.memref_slice %arg11[%squeeze3A, %get3A_258] : memref<320x128xf32, #tpu.memory_space<vmem>> -> memref<1x128xf32, #tpu.memory_space<vmem>>
          %get3A_260 = tpu.memref_squeeze %get3A_259 : memref<1x128xf32, #tpu.memory_space<vmem>> -> memref<128xf32, #tpu.memory_space<vmem>>
          %get3A_261 = arith.constant 112 : index
          %get3A_262 = tpu.vector_load %get3A_260[%get3A_261] {strides = array<i32>} : memref<128xf32, #tpu.memory_space<vmem>>, vector<16xf32>,
          %get3A_263 = arith.constant 0 : i32
          %get3A_264 = tpu.memref_slice %arg10[%sub3A_146, %get3A_263] : memref<256x128xf32, #tpu.memory_space<vmem>> -> memref<1x128xf32, #tpu.memory_space<vmem>>
          %get3A_265 = tpu.memref_squeeze %get3A_264 : memref<1x128xf32, #tpu.memory_space<vmem>> -> memref<128xf32, #tpu.memory_space<vmem>>
          %get3A_266 = arith.constant 112 : index
          %get3A_267 = tpu.vector_load %get3A_265[%get3A_266] {strides = array<i32>} : memref<128xf32, #tpu.memory_space<vmem>>, vector<16xf32>,
          %max3A_268 = arith.maximumf %get3A_262, %get3A_267 : vector<16xf32>
          %swap3A_269 = arith.constant 0 : i32
          %swap3A_270 = tpu.memref_slice %arg11[%squeeze3A, %swap3A_269] : memref<320x128xf32, #tpu.memory_space<vmem>> -> memref<1x128xf32, #tpu.memory_space<vmem>>
          %swap3A_271 = tpu.memref_squeeze %swap3A_270 : memref<1x128xf32, #tpu.memory_space<vmem>> -> memref<128xf32, #tpu.memory_space<vmem>>
          %swap3A_272 = arith.constant 112 : index
          %swap3A_273 = tpu.vector_load %swap3A_271[%swap3A_272] {strides = array<i32>} : memref<128xf32, #tpu.memory_space<vmem>>, vector<16xf32>,
          tpu.vector_store %swap3A_271[%swap3A_272], %max3A_268 {strides = array<i32>} : memref<128xf32, #tpu.memory_space<vmem>>, vector<16xf32>,
          %while3A_274 = arith.constant 0 : i32
          scf.yield %while3A_274 : i32
        }
        %while3A_143 = arith.constant 0 : i32
        scf.yield %while3A_143 : i32
      }
      %scan3A_90 = arith.constant 0 : i32
      scf.yield %scan3A_90 : i32
    }
    %scan3A_25 = arith.constant 25 : i32
    "tpu.region"() ({
      %run_scoped3A = tpu.sem_alloc : memref<!tpu.dma_semaphore, #tpu.memory_space<semaphore_mem>>
      %dma_start3A = arith.constant 0 : i32
      %dma_start3A_26 = tpu.memref_slice %arg5[%mul3A_2, %dma_start3A] : memref<10240x128xf32, #tpu.memory_space<hbm>> -> memref<320x128xf32, #tpu.memory_space<hbm>>
      %dma_start3A_27 = arith.constant 0 : i32
      %dma_start3A_28 = tpu.memref_slice %arg5[%mul3A_2, %dma_start3A_27] : memref<10240x128xf32, #tpu.memory_space<hbm>> -> memref<320x128xf32, #tpu.memory_space<hbm>>
      tpu.enqueue_dma source(%arg11 : memref<320x128xf32, #tpu.memory_space<vmem>>) target(%dma_start3A_28 : memref<320x128xf32, #tpu.memory_space<hbm>>) target_semaphore(%run_scoped3A : memref<!tpu.dma_semaphore, #tpu.memory_space<semaphore_mem>>)
      %dma_wait3A = arith.constant 0 : i32
      %dma_wait3A_29 = tpu.memref_slice %arg5[%mul3A_2, %dma_wait3A] : memref<10240x128xf32, #tpu.memory_space<hbm>> -> memref<320x128xf32, #tpu.memory_space<hbm>>
      %dma_wait3A_30 = arith.constant 0 : i32
      %dma_wait3A_31 = tpu.memref_slice %arg5[%mul3A_2, %dma_wait3A_30] : memref<10240x128xf32, #tpu.memory_space<hbm>> -> memref<320x128xf32, #tpu.memory_space<hbm>>
      tpu.wait_dma2 semaphore(%run_scoped3A : memref<!tpu.dma_semaphore, #tpu.memory_space<semaphore_mem>>) src(%arg11 : memref<320x128xf32, #tpu.memory_space<vmem>>) dst(%dma_wait3A_31 : memref<320x128xf32, #tpu.memory_space<hbm>>)
      tpu.yield
    }) : () -> ()
    return
  }
}

#map = affine_map<(d0, d1) -> (0, 0)>
#map1 = affine_map<(d0, d1) -> (0)>
module attributes {stable_mosaic.version = 14 : i64} {
  func.func @_seg_max(%arg0: i32, %arg1: i32, %arg2: memref<10000x128xf32, #tpu.memory_space<hbm>>, %arg3: memref<320000xi32, #tpu.memory_space<hbm>>, %arg4: memref<320000xi32, #tpu.memory_space<hbm>>, %arg5: memref<10240x128xf32, #tpu.memory_space<hbm>>, %arg6: memref<12800xi32, #tpu.memory_space<vmem>>, %arg7: memref<12800xi32, #tpu.memory_space<vmem>>, %arg8: memref<12816xi32, #tpu.memory_space<vmem>>, %arg9: memref<12816xi32, #tpu.memory_space<vmem>>, %arg10: memref<256x128xf32, #tpu.memory_space<vmem>>, %arg11: memref<320x128xf32, #tpu.memory_space<vmem>>, %arg12: memref<!tpu.dma_semaphore, #tpu.memory_space<semaphore_mem>>, %arg13: memref<!tpu.dma_semaphore, #tpu.memory_space<semaphore_mem>>, %arg14: memref<!tpu.dma_semaphore, #tpu.memory_space<semaphore_mem>>) attributes {dimension_semantics = [#tpu.dimension_semantics<core_parallel>, #tpu.dimension_semantics<subcore_parallel>], iteration_bounds = array<i64: 2, 16>, scalar_prefetch = 0 : i64, scratch_operands = 9 : i64, tpu.core_type = #tpu.core_type<sc_vector_subcore>, window_params = [{transform_indices = #map}, {transform_indices = #map1}, {transform_indices = #map1}, {transform_indices = #map}]} {
    %mul3A = arith.constant 2 : i32
    %mul3A_0 = arith.muli %arg1, %mul3A : i32
    %add3A = arith.addi %mul3A_0, %arg0 : i32
    %mul3A_1 = arith.constant 320 : i32
    %mul3A_2 = arith.muli %add3A, %mul3A_1 : i32
    %add3A_3 = arith.constant 320 : i32
    %add3A_4 = arith.addi %mul3A_2, %add3A_3 : i32
    %min3A = arith.constant 10000 : i32
    %min3A_5 = arith.minsi %add3A_4, %min3A : i32
    %scan3A = arith.constant 0 : i32
    %scan3A_6 = arith.constant 0 : i32
    %scan3A_7 = arith.constant 320 : i32
    %scan3A_8 = arith.addi %scan3A_6, %scan3A_7 : i32
    %scan3A_9 = arith.constant 1 : i32
    %scan3A_10 = scf.for %scan3A_26 = %scan3A_6 to %scan3A_8 step %scan3A_9 iter_args(%scan3A_27 = %scan3A) -> (i32)  : i32 {
      %broadcast_in_dim3A = arith.constant 0xFF800000 : f32
      %broadcast_in_dim3A_28 = vector.broadcast %broadcast_in_dim3A : f32 to vector<16xf32>
      %swap3A = arith.constant 0 : i32
      %swap3A_29 = tpu.memref_slice %arg11[%scan3A_26, %swap3A] : memref<320x128xf32, #tpu.memory_space<vmem>> -> memref<1x128xf32, #tpu.memory_space<vmem>>
      %swap3A_30 = tpu.memref_squeeze %swap3A_29 : memref<1x128xf32, #tpu.memory_space<vmem>> -> memref<128xf32, #tpu.memory_space<vmem>>
      %swap3A_31 = arith.constant 0 : index
      %swap3A_32 = tpu.vector_load %swap3A_30[%swap3A_31] {strides = array<i32>} : memref<128xf32, #tpu.memory_space<vmem>>, vector<16xf32>,
      tpu.vector_store %swap3A_30[%swap3A_31], %broadcast_in_dim3A_28 {strides = array<i32>} : memref<128xf32, #tpu.memory_space<vmem>>, vector<16xf32>,
      %broadcast_in_dim3A_33 = arith.constant 0xFF800000 : f32
      %broadcast_in_dim3A_34 = vector.broadcast %broadcast_in_dim3A_33 : f32 to vector<16xf32>
      %swap3A_35 = arith.constant 0 : i32
      %swap3A_36 = tpu.memref_slice %arg11[%scan3A_26, %swap3A_35] : memref<320x128xf32, #tpu.memory_space<vmem>> -> memref<1x128xf32, #tpu.memory_space<vmem>>
      %swap3A_37 = tpu.memref_squeeze %swap3A_36 : memref<1x128xf32, #tpu.memory_space<vmem>> -> memref<128xf32, #tpu.memory_space<vmem>>
      %swap3A_38 = arith.constant 16 : index
      %swap3A_39 = tpu.vector_load %swap3A_37[%swap3A_38] {strides = array<i32>} : memref<128xf32, #tpu.memory_space<vmem>>, vector<16xf32>,
      tpu.vector_store %swap3A_37[%swap3A_38], %broadcast_in_dim3A_34 {strides = array<i32>} : memref<128xf32, #tpu.memory_space<vmem>>, vector<16xf32>,
      %broadcast_in_dim3A_40 = arith.constant 0xFF800000 : f32
      %broadcast_in_dim3A_41 = vector.broadcast %broadcast_in_dim3A_40 : f32 to vector<16xf32>
      %swap3A_42 = arith.constant 0 : i32
      %swap3A_43 = tpu.memref_slice %arg11[%scan3A_26, %swap3A_42] : memref<320x128xf32, #tpu.memory_space<vmem>> -> memref<1x128xf32, #tpu.memory_space<vmem>>
      %swap3A_44 = tpu.memref_squeeze %swap3A_43 : memref<1x128xf32, #tpu.memory_space<vmem>> -> memref<128xf32, #tpu.memory_space<vmem>>
      %swap3A_45 = arith.constant 32 : index
      %swap3A_46 = tpu.vector_load %swap3A_44[%swap3A_45] {strides = array<i32>} : memref<128xf32, #tpu.memory_space<vmem>>, vector<16xf32>,
      tpu.vector_store %swap3A_44[%swap3A_45], %broadcast_in_dim3A_41 {strides = array<i32>} : memref<128xf32, #tpu.memory_space<vmem>>, vector<16xf32>,
      %broadcast_in_dim3A_47 = arith.constant 0xFF800000 : f32
      %broadcast_in_dim3A_48 = vector.broadcast %broadcast_in_dim3A_47 : f32 to vector<16xf32>
      %swap3A_49 = arith.constant 0 : i32
      %swap3A_50 = tpu.memref_slice %arg11[%scan3A_26, %swap3A_49] : memref<320x128xf32, #tpu.memory_space<vmem>> -> memref<1x128xf32, #tpu.memory_space<vmem>>
      %swap3A_51 = tpu.memref_squeeze %swap3A_50 : memref<1x128xf32, #tpu.memory_space<vmem>> -> memref<128xf32, #tpu.memory_space<vmem>>
      %swap3A_52 = arith.constant 48 : index
      %swap3A_53 = tpu.vector_load %swap3A_51[%swap3A_52] {strides = array<i32>} : memref<128xf32, #tpu.memory_space<vmem>>, vector<16xf32>,
      tpu.vector_store %swap3A_51[%swap3A_52], %broadcast_in_dim3A_48 {strides = array<i32>} : memref<128xf32, #tpu.memory_space<vmem>>, vector<16xf32>,
      %broadcast_in_dim3A_54 = arith.constant 0xFF800000 : f32
      %broadcast_in_dim3A_55 = vector.broadcast %broadcast_in_dim3A_54 : f32 to vector<16xf32>
      %swap3A_56 = arith.constant 0 : i32
      %swap3A_57 = tpu.memref_slice %arg11[%scan3A_26, %swap3A_56] : memref<320x128xf32, #tpu.memory_space<vmem>> -> memref<1x128xf32, #tpu.memory_space<vmem>>
      %swap3A_58 = tpu.memref_squeeze %swap3A_57 : memref<1x128xf32, #tpu.memory_space<vmem>> -> memref<128xf32, #tpu.memory_space<vmem>>
      %swap3A_59 = arith.constant 64 : index
      %swap3A_60 = tpu.vector_load %swap3A_58[%swap3A_59] {strides = array<i32>} : memref<128xf32, #tpu.memory_space<vmem>>, vector<16xf32>,
      tpu.vector_store %swap3A_58[%swap3A_59], %broadcast_in_dim3A_55 {strides = array<i32>} : memref<128xf32, #tpu.memory_space<vmem>>, vector<16xf32>,
      %broadcast_in_dim3A_61 = arith.constant 0xFF800000 : f32
      %broadcast_in_dim3A_62 = vector.broadcast %broadcast_in_dim3A_61 : f32 to vector<16xf32>
      %swap3A_63 = arith.constant 0 : i32
      %swap3A_64 = tpu.memref_slice %arg11[%scan3A_26, %swap3A_63] : memref<320x128xf32, #tpu.memory_space<vmem>> -> memref<1x128xf32, #tpu.memory_space<vmem>>
      %swap3A_65 = tpu.memref_squeeze %swap3A_64 : memref<1x128xf32, #tpu.memory_space<vmem>> -> memref<128xf32, #tpu.memory_space<vmem>>
      %swap3A_66 = arith.constant 80 : index
      %swap3A_67 = tpu.vector_load %swap3A_65[%swap3A_66] {strides = array<i32>} : memref<128xf32, #tpu.memory_space<vmem>>, vector<16xf32>,
      tpu.vector_store %swap3A_65[%swap3A_66], %broadcast_in_dim3A_62 {strides = array<i32>} : memref<128xf32, #tpu.memory_space<vmem>>, vector<16xf32>,
      %broadcast_in_dim3A_68 = arith.constant 0xFF800000 : f32
      %broadcast_in_dim3A_69 = vector.broadcast %broadcast_in_dim3A_68 : f32 to vector<16xf32>
      %swap3A_70 = arith.constant 0 : i32
      %swap3A_71 = tpu.memref_slice %arg11[%scan3A_26, %swap3A_70] : memref<320x128xf32, #tpu.memory_space<vmem>> -> memref<1x128xf32, #tpu.memory_space<vmem>>
      %swap3A_72 = tpu.memref_squeeze %swap3A_71 : memref<1x128xf32, #tpu.memory_space<vmem>> -> memref<128xf32, #tpu.memory_space<vmem>>
      %swap3A_73 = arith.constant 96 : index
      %swap3A_74 = tpu.vector_load %swap3A_72[%swap3A_73] {strides = array<i32>} : memref<128xf32, #tpu.memory_space<vmem>>, vector<16xf32>,
      tpu.vector_store %swap3A_72[%swap3A_73], %broadcast_in_dim3A_69 {strides = array<i32>} : memref<128xf32, #tpu.memory_space<vmem>>, vector<16xf32>,
      %broadcast_in_dim3A_75 = arith.constant 0xFF800000 : f32
      %broadcast_in_dim3A_76 = vector.broadcast %broadcast_in_dim3A_75 : f32 to vector<16xf32>
      %swap3A_77 = arith.constant 0 : i32
      %swap3A_78 = tpu.memref_slice %arg11[%scan3A_26, %swap3A_77] : memref<320x128xf32, #tpu.memory_space<vmem>> -> memref<1x128xf32, #tpu.memory_space<vmem>>
      %swap3A_79 = tpu.memref_squeeze %swap3A_78 : memref<1x128xf32, #tpu.memory_space<vmem>> -> memref<128xf32, #tpu.memory_space<vmem>>
      %swap3A_80 = arith.constant 112 : index
      %swap3A_81 = tpu.vector_load %swap3A_79[%swap3A_80] {strides = array<i32>} : memref<128xf32, #tpu.memory_space<vmem>>, vector<16xf32>,
      tpu.vector_store %swap3A_79[%swap3A_80], %broadcast_in_dim3A_76 {strides = array<i32>} : memref<128xf32, #tpu.memory_space<vmem>>, vector<16xf32>,
      %scan3A_82 = arith.constant 0 : i32
      scf.yield %scan3A_82 : i32
    }
    %scan3A_11 = arith.constant 320 : i32
    %scan3A_12 = arith.constant 0 : i32
    %scan3A_13 = arith.constant 0 : i32
    %scan3A_14 = arith.constant 801 : i32
    %scan3A_15 = arith.addi %scan3A_13, %scan3A_14 : i32
    %scan3A_16 = arith.constant 1 : i32
    %scan3A_17 = scf.for %scan3A_26 = %scan3A_13 to %scan3A_15 step %scan3A_16 iter_args(%scan3A_27 = %scan3A_12) -> (i32)  : i32 {
      %broadcast_in_dim3A = arith.constant 0 : i32
      %broadcast_in_dim3A_28 = vector.broadcast %broadcast_in_dim3A : i32 to vector<16xi32>
      %mul3A_29 = arith.constant 16 : i32
      %mul3A_30 = arith.muli %scan3A_26, %mul3A_29 : i32
      %swap3A = arith.index_cast %mul3A_30 : i32 to index
      %swap3A_31 = tpu.vector_load %arg8[%swap3A] {strides = array<i32>} : memref<12816xi32, #tpu.memory_space<vmem>>, vector<16xi32>,
      tpu.vector_store %arg8[%swap3A], %broadcast_in_dim3A_28 {strides = array<i32>} : memref<12816xi32, #tpu.memory_space<vmem>>, vector<16xi32>,
      %scan3A_32 = arith.constant 0 : i32
      scf.yield %scan3A_32 : i32
    }
    %scan3A_18 = arith.constant 801 : i32
    %scan3A_19 = arith.constant 0 : i32
    %scan3A_20 = arith.constant 0 : i32
    %scan3A_21 = arith.constant 25 : i32
    %scan3A_22 = arith.addi %scan3A_20, %scan3A_21 : i32
    %scan3A_23 = arith.constant 1 : i32
    %scan3A_24 = scf.for %scan3A_26 = %scan3A_20 to %scan3A_22 step %scan3A_23 iter_args(%scan3A_27 = %scan3A_19) -> (i32)  : i32 {
      %mul3A_28 = arith.constant 12800 : i32
      %mul3A_29 = arith.muli %scan3A_26, %mul3A_28 : i32
      %dma_start3A = arith.constant 0 : i32
      %dma_start3A_30 = tpu.memref_slice %arg6[%dma_start3A] : memref<12800xi32, #tpu.memory_space<vmem>> -> memref<12800xi32, #tpu.memory_space<vmem>>
      %dma_start3A_31 = tpu.memref_slice %arg4[%mul3A_29] : memref<320000xi32, #tpu.memory_space<hbm>> -> memref<12800xi32, #tpu.memory_space<hbm>>
      %dma_start3A_32 = arith.constant 0 : i32
      %dma_start3A_33 = tpu.memref_slice %arg6[%dma_start3A_32] : memref<12800xi32, #tpu.memory_space<vmem>> -> memref<12800xi32, #tpu.memory_space<vmem>>
      %dma_start3A_34 = tpu.memref_slice %arg4[%mul3A_29] : memref<320000xi32, #tpu.memory_space<hbm>> -> memref<12800xi32, #tpu.memory_space<hbm>>
      tpu.enqueue_dma source(%dma_start3A_34 : memref<12800xi32, #tpu.memory_space<hbm>>) target(%dma_start3A_33 : memref<12800xi32, #tpu.memory_space<vmem>>) target_semaphore(%arg12 : memref<!tpu.dma_semaphore, #tpu.memory_space<semaphore_mem>>)
      %dma_start3A_35 = arith.constant 0 : i32
      %dma_start3A_36 = tpu.memref_slice %arg7[%dma_start3A_35] : memref<12800xi32, #tpu.memory_space<vmem>> -> memref<12800xi32, #tpu.memory_space<vmem>>
      %dma_start3A_37 = tpu.memref_slice %arg3[%mul3A_29] : memref<320000xi32, #tpu.memory_space<hbm>> -> memref<12800xi32, #tpu.memory_space<hbm>>
      %dma_start3A_38 = arith.constant 0 : i32
      %dma_start3A_39 = tpu.memref_slice %arg7[%dma_start3A_38] : memref<12800xi32, #tpu.memory_space<vmem>> -> memref<12800xi32, #tpu.memory_space<vmem>>
      %dma_start3A_40 = tpu.memref_slice %arg3[%mul3A_29] : memref<320000xi32, #tpu.memory_space<hbm>> -> memref<12800xi32, #tpu.memory_space<hbm>>
      tpu.enqueue_dma source(%dma_start3A_40 : memref<12800xi32, #tpu.memory_space<hbm>>) target(%dma_start3A_39 : memref<12800xi32, #tpu.memory_space<vmem>>) target_semaphore(%arg12 : memref<!tpu.dma_semaphore, #tpu.memory_space<semaphore_mem>>)
      %mul3A_41 = arith.constant 12800 : i32
      %mul3A_42 = arith.muli %scan3A_26, %mul3A_41 : i32
      %dma_wait3A = arith.constant 0 : i32
      %dma_wait3A_43 = tpu.memref_slice %arg6[%dma_wait3A] : memref<12800xi32, #tpu.memory_space<vmem>> -> memref<12800xi32, #tpu.memory_space<vmem>>
      %dma_wait3A_44 = tpu.memref_slice %arg4[%mul3A_42] : memref<320000xi32, #tpu.memory_space<hbm>> -> memref<12800xi32, #tpu.memory_space<hbm>>
      %dma_wait3A_45 = arith.constant 0 : i32
      %dma_wait3A_46 = tpu.memref_slice %arg6[%dma_wait3A_45] : memref<12800xi32, #tpu.memory_space<vmem>> -> memref<12800xi32, #tpu.memory_space<vmem>>
      %dma_wait3A_47 = tpu.memref_slice %arg4[%mul3A_42] : memref<320000xi32, #tpu.memory_space<hbm>> -> memref<12800xi32, #tpu.memory_space<hbm>>
      tpu.wait_dma2 semaphore(%arg12 : memref<!tpu.dma_semaphore, #tpu.memory_space<semaphore_mem>>) src(%dma_wait3A_47 : memref<12800xi32, #tpu.memory_space<hbm>>) dst(%dma_wait3A_46 : memref<12800xi32, #tpu.memory_space<vmem>>)
      %dma_wait3A_48 = arith.constant 0 : i32
      %dma_wait3A_49 = tpu.memref_slice %arg7[%dma_wait3A_48] : memref<12800xi32, #tpu.memory_space<vmem>> -> memref<12800xi32, #tpu.memory_space<vmem>>
      %dma_wait3A_50 = tpu.memref_slice %arg3[%mul3A_42] : memref<320000xi32, #tpu.memory_space<hbm>> -> memref<12800xi32, #tpu.memory_space<hbm>>
      %dma_wait3A_51 = arith.constant 0 : i32
      %dma_wait3A_52 = tpu.memref_slice %arg7[%dma_wait3A_51] : memref<12800xi32, #tpu.memory_space<vmem>> -> memref<12800xi32, #tpu.memory_space<vmem>>
      %dma_wait3A_53 = tpu.memref_slice %arg3[%mul3A_42] : memref<320000xi32, #tpu.memory_space<hbm>> -> memref<12800xi32, #tpu.memory_space<hbm>>
      tpu.wait_dma2 semaphore(%arg12 : memref<!tpu.dma_semaphore, #tpu.memory_space<semaphore_mem>>) src(%dma_wait3A_53 : memref<12800xi32, #tpu.memory_space<hbm>>) dst(%dma_wait3A_52 : memref<12800xi32, #tpu.memory_space<vmem>>)
      %scan3A_54 = arith.constant 0 : i32
      %scan3A_55 = arith.constant 0 : i32
      %scan3A_56 = arith.constant 800 : i32
      %scan3A_57 = arith.addi %scan3A_55, %scan3A_56 : i32
      %scan3A_58 = arith.constant 1 : i32
      %scan3A_59 = scf.for %scan3A_91 = %scan3A_55 to %scan3A_57 step %scan3A_58 iter_args(%scan3A_92 = %scan3A_54) -> (i32)  : i32 {
        %mul3A_93 = arith.constant 16 : i32
        %mul3A_94 = arith.muli %scan3A_91, %mul3A_93 : i32
        %add3A_95 = arith.constant 0 : i32
        %add3A_96 = arith.addi %add3A_95, %mul3A_94 : i32
        %get3A = arith.index_cast %add3A_96 : i32 to index
        %get3A_97 = tpu.vector_load %arg6[%get3A] {strides = array<i32>} : memref<12800xi32, #tpu.memory_space<vmem>>, vector<16xi32>,
        %mul3A_98 = arith.constant 16 : i32
        %mul3A_99 = arith.muli %scan3A_91, %mul3A_98 : i32
        %add3A_100 = arith.constant 0 : i32
        %add3A_101 = arith.addi %add3A_100, %mul3A_99 : i32
        %get3A_102 = arith.index_cast %add3A_101 : i32 to index
        %get3A_103 = tpu.vector_load %arg7[%get3A_102] {strides = array<i32>} : memref<12800xi32, #tpu.memory_space<vmem>>, vector<16xi32>,
        %ge3A = vector.broadcast %mul3A_2 : i32 to vector<16xi32>
        %ge3A_104 = arith.cmpi sge, %get3A_97, %ge3A : vector<16xi32>
        %lt3A = vector.broadcast %min3A_5 : i32 to vector<16xi32>
        %lt3A_105 = arith.cmpi slt, %get3A_97, %lt3A : vector<16xi32>
        %and3A_106 = arith.andi %ge3A_104, %lt3A_105 : vector<16xi1>
        %convert_element_type3A = arith.extui %and3A_106 : vector<16xi1> to vector<16xi32>
        %broadcast_in_dim3A = arith.constant true
        %broadcast_in_dim3A_107 = vector.broadcast %broadcast_in_dim3A : i1 to vector<16xi1>
        %masked_cumsum3A = tpu.scan <sum>, %convert_element_type3A masked %broadcast_in_dim3A_107 : vector<16xi32>, vector<16xi1> -> vector<16xi32>
        %add3A_108 = vector.broadcast %scan3A_92 : i32 to vector<16xi32>
        %add3A_109 = arith.addi %add3A_108, %masked_cumsum3A : vector<16xi32>
        %sub3A_110 = arith.constant 1 : i32
        %sub3A_111 = vector.broadcast %sub3A_110 : i32 to vector<16xi32>
        %sub3A_112 = arith.subi %add3A_109, %sub3A_111 : vector<16xi32>
        tpu.vector_store_idx %arg8[%sub3A_112], %get3A_103 masked %and3A_106 : memref<12816xi32, #tpu.memory_space<vmem>>[vector<16xi32>], vector<16xi32>, vector<16xi1>
        %sub3A_113 = vector.broadcast %mul3A_2 : i32 to vector<16xi32>
        %sub3A_114 = arith.subi %get3A_97, %sub3A_113 : vector<16xi32>
        tpu.vector_store_idx %arg9[%sub3A_112], %sub3A_114 masked %and3A_106 : memref<12816xi32, #tpu.memory_space<vmem>>[vector<16xi32>], vector<16xi32>, vector<16xi1>
        %all_reduce_population_count3A = tpu.all_reduce %and3A_106 {dim = 0 : i64, kind = #tpu.reduction_kind<sum>} : vector<16xi1> -> vector<16xi32>
        %slice3A = vector.extract_strided_slice %all_reduce_population_count3A {offsets = [0], sizes = [1], strides = [1]} : vector<16xi32> to vector<1xi32>
        %squeeze3A = vector.extract %slice3A[0] : i32 from vector<1xi32>
        %add3A_115 = arith.addi %scan3A_92, %squeeze3A : i32
        scf.yield %add3A_115 : i32
      }
      %scan3A_60 = arith.constant 800 : i32
      %add3A_61 = arith.constant 255 : i32
      %add3A_62 = arith.addi %scan3A_59, %add3A_61 : i32
      %jit3A = arith.constant 256 : i32
      %div3A = arith.divsi %add3A_62, %jit3A : i32
      %sign3A = arith.constant 0 : i32
      %sign3A_63 = arith.cmpi sgt, %add3A_62, %sign3A : i32
      %sign3A_64 = arith.extui %sign3A_63 : i1 to i32
      %sign3A_65 = arith.constant 0 : i32
      %sign3A_66 = arith.cmpi slt, %add3A_62, %sign3A_65 : i32
      %sign3A_67 = arith.extui %sign3A_66 : i1 to i32
      %sign3A_68 = arith.subi %sign3A_64, %sign3A_67 : i32
      %sign3A_69 = arith.constant 0 : i32
      %sign3A_70 = arith.cmpi sgt, %jit3A, %sign3A_69 : i32
      %sign3A_71 = arith.extui %sign3A_70 : i1 to i32
      %sign3A_72 = arith.constant 0 : i32
      %sign3A_73 = arith.cmpi slt, %jit3A, %sign3A_72 : i32
      %sign3A_74 = arith.extui %sign3A_73 : i1 to i32
      %sign3A_75 = arith.subi %sign3A_71, %sign3A_74 : i32
      %ne3A = arith.cmpi ne, %sign3A_68, %sign3A_75 : i32
      %rem3A = arith.remsi %add3A_62, %jit3A : i32
      %ne3A_76 = arith.constant 0 : i32
      %ne3A_77 = arith.cmpi ne, %rem3A, %ne3A_76 : i32
      %and3A = arith.andi %ne3A, %ne3A_77 : i1
      %sub3A = arith.constant 1 : i32
      %sub3A_78 = arith.subi %div3A, %sub3A : i32
      %select_n3A = arith.select %and3A, %sub3A_78, %div3A : i32
      %while3A = arith.constant 0 : i32
      %while3A_79 = arith.constant 0 : i32
      %while3A_80 = arith.subi %select_n3A, %while3A : i32
      %while3A_81 = arith.addi %while3A, %while3A_80 : i32
      %while3A_82 = arith.constant 1 : i32
      %while3A_83 = arith.divsi %while3A_80, %while3A_82 : i32
      %while3A_84 = arith.muli %while3A_83, %while3A_82 : i32
      %while3A_85 = arith.addi %while3A, %while3A_84 : i32
      %while3A_86 = arith.constant 1 : i32
      %while3A_87 = scf.for %while3A_91 = %while3A to %while3A_85 step %while3A_86 iter_args(%while3A_92 = %while3A_79) -> (i32)  : i32 {
        %mul3A_93 = arith.constant 2 : i32
        %mul3A_94 = arith.muli %while3A_91, %mul3A_93 : i32
        %mul3A_95 = arith.constant 128 : i32
        %mul3A_96 = arith.muli %mul3A_94, %mul3A_95 : i32
        %dma_start3A_97 = arith.constant 0 : i32
        %dma_start3A_98 = arith.constant 0 : i32
        %dma_start3A_99 = tpu.memref_slice %arg10[%dma_start3A_97, %dma_start3A_98] : memref<256x128xf32, #tpu.memory_space<vmem>> -> memref<128x128xf32, #tpu.memory_space<vmem>>
        %dma_start3A_100 = tpu.memref_slice %arg8[%mul3A_96] : memref<12816xi32, #tpu.memory_space<vmem>> -> memref<128xi32, #tpu.memory_space<vmem>>
        %dma_start3A_101 = arith.constant 0 : i32
        %dma_start3A_102 = arith.constant 0 : i32
        %dma_start3A_103 = tpu.memref_slice %arg2[%dma_start3A_101, %dma_start3A_102] : memref<10000x128xf32, #tpu.memory_space<hbm>> -> memref<10000x128xf32, #tpu.memory_space<hbm>>
        tpu.enqueue_indirect_dma source(%dma_start3A_103 : memref<10000x128xf32, #tpu.memory_space<hbm>>) target(%dma_start3A_99 : memref<128x128xf32, #tpu.memory_space<vmem>>) offsets(%dma_start3A_100 : memref<128xi32, #tpu.memory_space<vmem>>) semaphore(%arg14 : memref<!tpu.dma_semaphore, #tpu.memory_space<semaphore_mem>>)
        %add3A_104 = arith.constant 128 : i32
        %add3A_105 = arith.addi %mul3A_96, %add3A_104 : i32
        %dma_start3A_106 = arith.constant 128 : i32
        %dma_start3A_107 = arith.constant 0 : i32
        %dma_start3A_108 = tpu.memref_slice %arg10[%dma_start3A_106, %dma_start3A_107] : memref<256x128xf32, #tpu.memory_space<vmem>> -> memref<128x128xf32, #tpu.memory_space<vmem>>
        %dma_start3A_109 = tpu.memref_slice %arg8[%add3A_105] : memref<12816xi32, #tpu.memory_space<vmem>> -> memref<128xi32, #tpu.memory_space<vmem>>
        %dma_start3A_110 = arith.constant 0 : i32
        %dma_start3A_111 = arith.constant 0 : i32
        %dma_start3A_112 = tpu.memref_slice %arg2[%dma_start3A_110, %dma_start3A_111] : memref<10000x128xf32, #tpu.memory_space<hbm>> -> memref<10000x128xf32, #tpu.memory_space<hbm>>
        tpu.enqueue_indirect_dma source(%dma_start3A_112 : memref<10000x128xf32, #tpu.memory_space<hbm>>) target(%dma_start3A_108 : memref<128x128xf32, #tpu.memory_space<vmem>>) offsets(%dma_start3A_109 : memref<128xi32, #tpu.memory_space<vmem>>) semaphore(%arg14 : memref<!tpu.dma_semaphore, #tpu.memory_space<semaphore_mem>>)
        %dma_wait3A_113 = arith.constant 0 : i32
        %dma_wait3A_114 = arith.constant 0 : i32
        %dma_wait3A_115 = tpu.memref_slice %arg10[%dma_wait3A_113, %dma_wait3A_114] : memref<256x128xf32, #tpu.memory_space<vmem>> -> memref<128x128xf32, #tpu.memory_space<vmem>>
        %dma_wait3A_116 = tpu.memref_slice %arg8[%mul3A_96] : memref<12816xi32, #tpu.memory_space<vmem>> -> memref<128xi32, #tpu.memory_space<vmem>>
        %dma_wait3A_117 = arith.constant 0 : i32
        %dma_wait3A_118 = arith.constant 0 : i32
        %dma_wait3A_119 = tpu.memref_slice %arg2[%dma_wait3A_117, %dma_wait3A_118] : memref<10000x128xf32, #tpu.memory_space<hbm>> -> memref<10000x128xf32, #tpu.memory_space<hbm>>
        tpu.wait_indirect_dma semaphore(%arg14 : memref<!tpu.dma_semaphore, #tpu.memory_space<semaphore_mem>>) src(%dma_wait3A_119 : memref<10000x128xf32, #tpu.memory_space<hbm>>) dst(%dma_wait3A_115 : memref<128x128xf32, #tpu.memory_space<vmem>>)
        %add3A_120 = arith.constant 128 : i32
        %add3A_121 = arith.addi %mul3A_96, %add3A_120 : i32
        %dma_wait3A_122 = arith.constant 128 : i32
        %dma_wait3A_123 = arith.constant 0 : i32
        %dma_wait3A_124 = tpu.memref_slice %arg10[%dma_wait3A_122, %dma_wait3A_123] : memref<256x128xf32, #tpu.memory_space<vmem>> -> memref<128x128xf32, #tpu.memory_space<vmem>>
        %dma_wait3A_125 = tpu.memref_slice %arg8[%add3A_121] : memref<12816xi32, #tpu.memory_space<vmem>> -> memref<128xi32, #tpu.memory_space<vmem>>
        %dma_wait3A_126 = arith.constant 0 : i32
        %dma_wait3A_127 = arith.constant 0 : i32
        %dma_wait3A_128 = tpu.memref_slice %arg2[%dma_wait3A_126, %dma_wait3A_127] : memref<10000x128xf32, #tpu.memory_space<hbm>> -> memref<10000x128xf32, #tpu.memory_space<hbm>>
        tpu.wait_indirect_dma semaphore(%arg14 : memref<!tpu.dma_semaphore, #tpu.memory_space<semaphore_mem>>) src(%dma_wait3A_128 : memref<10000x128xf32, #tpu.memory_space<hbm>>) dst(%dma_wait3A_124 : memref<128x128xf32, #tpu.memory_space<vmem>>)
        %add3A_129 = arith.constant 256 : i32
        %add3A_130 = arith.addi %mul3A_96, %add3A_129 : i32
        %min3A_131 = arith.minsi %scan3A_59, %add3A_130 : i32
        %while3A_132 = arith.constant 0 : i32
        %while3A_133 = arith.subi %min3A_131, %mul3A_96 : i32
        %while3A_134 = arith.addi %mul3A_96, %while3A_133 : i32
        %while3A_135 = arith.constant 1 : i32
        %while3A_136 = arith.divsi %while3A_133, %while3A_135 : i32
        %while3A_137 = arith.muli %while3A_136, %while3A_135 : i32
        %while3A_138 = arith.addi %mul3A_96, %while3A_137 : i32
        %while3A_139 = arith.constant 1 : i32
        %while3A_140 = scf.for %while3A_144 = %mul3A_96 to %while3A_138 step %while3A_139 iter_args(%while3A_145 = %while3A_132) -> (i32)  : i32 {
          %sub3A_146 = arith.subi %while3A_144, %mul3A_96 : i32
          %get3A = arith.index_cast %while3A_144 : i32 to index
          %get3A_147 = tpu.vector_load %arg9[%get3A] {strides = array<i32>} : memref<12816xi32, #tpu.memory_space<vmem>>, vector<16xi32>,
          %slice3A = vector.extract_strided_slice %get3A_147 {offsets = [0], sizes = [1], strides = [1]} : vector<16xi32> to vector<1xi32>
          %squeeze3A = vector.extract %slice3A[0] : i32 from vector<1xi32>
          %get3A_148 = arith.constant 0 : i32
          %get3A_149 = tpu.memref_slice %arg11[%squeeze3A, %get3A_148] : memref<320x128xf32, #tpu.memory_space<vmem>> -> memref<1x128xf32, #tpu.memory_space<vmem>>
          %get3A_150 = tpu.memref_squeeze %get3A_149 : memref<1x128xf32, #tpu.memory_space<vmem>> -> memref<128xf32, #tpu.memory_space<vmem>>
          %get3A_151 = arith.constant 0 : index
          %get3A_152 = tpu.vector_load %get3A_150[%get3A_151] {strides = array<i32>} : memref<128xf32, #tpu.memory_space<vmem>>, vector<16xf32>,
          %get3A_153 = arith.constant 0 : i32
          %get3A_154 = tpu.memref_slice %arg10[%sub3A_146, %get3A_153] : memref<256x128xf32, #tpu.memory_space<vmem>> -> memref<1x128xf32, #tpu.memory_space<vmem>>
          %get3A_155 = tpu.memref_squeeze %get3A_154 : memref<1x128xf32, #tpu.memory_space<vmem>> -> memref<128xf32, #tpu.memory_space<vmem>>
          %get3A_156 = arith.constant 0 : index
          %get3A_157 = tpu.vector_load %get3A_155[%get3A_156] {strides = array<i32>} : memref<128xf32, #tpu.memory_space<vmem>>, vector<16xf32>,
          %max3A = arith.maximumf %get3A_152, %get3A_157 : vector<16xf32>
          %swap3A = arith.constant 0 : i32
          %swap3A_158 = tpu.memref_slice %arg11[%squeeze3A, %swap3A] : memref<320x128xf32, #tpu.memory_space<vmem>> -> memref<1x128xf32, #tpu.memory_space<vmem>>
          %swap3A_159 = tpu.memref_squeeze %swap3A_158 : memref<1x128xf32, #tpu.memory_space<vmem>> -> memref<128xf32, #tpu.memory_space<vmem>>
          %swap3A_160 = arith.constant 0 : index
          %swap3A_161 = tpu.vector_load %swap3A_159[%swap3A_160] {strides = array<i32>} : memref<128xf32, #tpu.memory_space<vmem>>, vector<16xf32>,
          tpu.vector_store %swap3A_159[%swap3A_160], %max3A {strides = array<i32>} : memref<128xf32, #tpu.memory_space<vmem>>, vector<16xf32>,
          %get3A_162 = arith.constant 0 : i32
          %get3A_163 = tpu.memref_slice %arg11[%squeeze3A, %get3A_162] : memref<320x128xf32, #tpu.memory_space<vmem>> -> memref<1x128xf32, #tpu.memory_space<vmem>>
          %get3A_164 = tpu.memref_squeeze %get3A_163 : memref<1x128xf32, #tpu.memory_space<vmem>> -> memref<128xf32, #tpu.memory_space<vmem>>
          %get3A_165 = arith.constant 16 : index
          %get3A_166 = tpu.vector_load %get3A_164[%get3A_165] {strides = array<i32>} : memref<128xf32, #tpu.memory_space<vmem>>, vector<16xf32>,
          %get3A_167 = arith.constant 0 : i32
          %get3A_168 = tpu.memref_slice %arg10[%sub3A_146, %get3A_167] : memref<256x128xf32, #tpu.memory_space<vmem>> -> memref<1x128xf32, #tpu.memory_space<vmem>>
          %get3A_169 = tpu.memref_squeeze %get3A_168 : memref<1x128xf32, #tpu.memory_space<vmem>> -> memref<128xf32, #tpu.memory_space<vmem>>
          %get3A_170 = arith.constant 16 : index
          %get3A_171 = tpu.vector_load %get3A_169[%get3A_170] {strides = array<i32>} : memref<128xf32, #tpu.memory_space<vmem>>, vector<16xf32>,
          %max3A_172 = arith.maximumf %get3A_166, %get3A_171 : vector<16xf32>
          %swap3A_173 = arith.constant 0 : i32
          %swap3A_174 = tpu.memref_slice %arg11[%squeeze3A, %swap3A_173] : memref<320x128xf32, #tpu.memory_space<vmem>> -> memref<1x128xf32, #tpu.memory_space<vmem>>
          %swap3A_175 = tpu.memref_squeeze %swap3A_174 : memref<1x128xf32, #tpu.memory_space<vmem>> -> memref<128xf32, #tpu.memory_space<vmem>>
          %swap3A_176 = arith.constant 16 : index
          %swap3A_177 = tpu.vector_load %swap3A_175[%swap3A_176] {strides = array<i32>} : memref<128xf32, #tpu.memory_space<vmem>>, vector<16xf32>,
          tpu.vector_store %swap3A_175[%swap3A_176], %max3A_172 {strides = array<i32>} : memref<128xf32, #tpu.memory_space<vmem>>, vector<16xf32>,
          %get3A_178 = arith.constant 0 : i32
          %get3A_179 = tpu.memref_slice %arg11[%squeeze3A, %get3A_178] : memref<320x128xf32, #tpu.memory_space<vmem>> -> memref<1x128xf32, #tpu.memory_space<vmem>>
          %get3A_180 = tpu.memref_squeeze %get3A_179 : memref<1x128xf32, #tpu.memory_space<vmem>> -> memref<128xf32, #tpu.memory_space<vmem>>
          %get3A_181 = arith.constant 32 : index
          %get3A_182 = tpu.vector_load %get3A_180[%get3A_181] {strides = array<i32>} : memref<128xf32, #tpu.memory_space<vmem>>, vector<16xf32>,
          %get3A_183 = arith.constant 0 : i32
          %get3A_184 = tpu.memref_slice %arg10[%sub3A_146, %get3A_183] : memref<256x128xf32, #tpu.memory_space<vmem>> -> memref<1x128xf32, #tpu.memory_space<vmem>>
          %get3A_185 = tpu.memref_squeeze %get3A_184 : memref<1x128xf32, #tpu.memory_space<vmem>> -> memref<128xf32, #tpu.memory_space<vmem>>
          %get3A_186 = arith.constant 32 : index
          %get3A_187 = tpu.vector_load %get3A_185[%get3A_186] {strides = array<i32>} : memref<128xf32, #tpu.memory_space<vmem>>, vector<16xf32>,
          %max3A_188 = arith.maximumf %get3A_182, %get3A_187 : vector<16xf32>
          %swap3A_189 = arith.constant 0 : i32
          %swap3A_190 = tpu.memref_slice %arg11[%squeeze3A, %swap3A_189] : memref<320x128xf32, #tpu.memory_space<vmem>> -> memref<1x128xf32, #tpu.memory_space<vmem>>
          %swap3A_191 = tpu.memref_squeeze %swap3A_190 : memref<1x128xf32, #tpu.memory_space<vmem>> -> memref<128xf32, #tpu.memory_space<vmem>>
          %swap3A_192 = arith.constant 32 : index
          %swap3A_193 = tpu.vector_load %swap3A_191[%swap3A_192] {strides = array<i32>} : memref<128xf32, #tpu.memory_space<vmem>>, vector<16xf32>,
          tpu.vector_store %swap3A_191[%swap3A_192], %max3A_188 {strides = array<i32>} : memref<128xf32, #tpu.memory_space<vmem>>, vector<16xf32>,
          %get3A_194 = arith.constant 0 : i32
          %get3A_195 = tpu.memref_slice %arg11[%squeeze3A, %get3A_194] : memref<320x128xf32, #tpu.memory_space<vmem>> -> memref<1x128xf32, #tpu.memory_space<vmem>>
          %get3A_196 = tpu.memref_squeeze %get3A_195 : memref<1x128xf32, #tpu.memory_space<vmem>> -> memref<128xf32, #tpu.memory_space<vmem>>
          %get3A_197 = arith.constant 48 : index
          %get3A_198 = tpu.vector_load %get3A_196[%get3A_197] {strides = array<i32>} : memref<128xf32, #tpu.memory_space<vmem>>, vector<16xf32>,
          %get3A_199 = arith.constant 0 : i32
          %get3A_200 = tpu.memref_slice %arg10[%sub3A_146, %get3A_199] : memref<256x128xf32, #tpu.memory_space<vmem>> -> memref<1x128xf32, #tpu.memory_space<vmem>>
          %get3A_201 = tpu.memref_squeeze %get3A_200 : memref<1x128xf32, #tpu.memory_space<vmem>> -> memref<128xf32, #tpu.memory_space<vmem>>
          %get3A_202 = arith.constant 48 : index
          %get3A_203 = tpu.vector_load %get3A_201[%get3A_202] {strides = array<i32>} : memref<128xf32, #tpu.memory_space<vmem>>, vector<16xf32>,
          %max3A_204 = arith.maximumf %get3A_198, %get3A_203 : vector<16xf32>
          %swap3A_205 = arith.constant 0 : i32
          %swap3A_206 = tpu.memref_slice %arg11[%squeeze3A, %swap3A_205] : memref<320x128xf32, #tpu.memory_space<vmem>> -> memref<1x128xf32, #tpu.memory_space<vmem>>
          %swap3A_207 = tpu.memref_squeeze %swap3A_206 : memref<1x128xf32, #tpu.memory_space<vmem>> -> memref<128xf32, #tpu.memory_space<vmem>>
          %swap3A_208 = arith.constant 48 : index
          %swap3A_209 = tpu.vector_load %swap3A_207[%swap3A_208] {strides = array<i32>} : memref<128xf32, #tpu.memory_space<vmem>>, vector<16xf32>,
          tpu.vector_store %swap3A_207[%swap3A_208], %max3A_204 {strides = array<i32>} : memref<128xf32, #tpu.memory_space<vmem>>, vector<16xf32>,
          %get3A_210 = arith.constant 0 : i32
          %get3A_211 = tpu.memref_slice %arg11[%squeeze3A, %get3A_210] : memref<320x128xf32, #tpu.memory_space<vmem>> -> memref<1x128xf32, #tpu.memory_space<vmem>>
          %get3A_212 = tpu.memref_squeeze %get3A_211 : memref<1x128xf32, #tpu.memory_space<vmem>> -> memref<128xf32, #tpu.memory_space<vmem>>
          %get3A_213 = arith.constant 64 : index
          %get3A_214 = tpu.vector_load %get3A_212[%get3A_213] {strides = array<i32>} : memref<128xf32, #tpu.memory_space<vmem>>, vector<16xf32>,
          %get3A_215 = arith.constant 0 : i32
          %get3A_216 = tpu.memref_slice %arg10[%sub3A_146, %get3A_215] : memref<256x128xf32, #tpu.memory_space<vmem>> -> memref<1x128xf32, #tpu.memory_space<vmem>>
          %get3A_217 = tpu.memref_squeeze %get3A_216 : memref<1x128xf32, #tpu.memory_space<vmem>> -> memref<128xf32, #tpu.memory_space<vmem>>
          %get3A_218 = arith.constant 64 : index
          %get3A_219 = tpu.vector_load %get3A_217[%get3A_218] {strides = array<i32>} : memref<128xf32, #tpu.memory_space<vmem>>, vector<16xf32>,
          %max3A_220 = arith.maximumf %get3A_214, %get3A_219 : vector<16xf32>
          %swap3A_221 = arith.constant 0 : i32
          %swap3A_222 = tpu.memref_slice %arg11[%squeeze3A, %swap3A_221] : memref<320x128xf32, #tpu.memory_space<vmem>> -> memref<1x128xf32, #tpu.memory_space<vmem>>
          %swap3A_223 = tpu.memref_squeeze %swap3A_222 : memref<1x128xf32, #tpu.memory_space<vmem>> -> memref<128xf32, #tpu.memory_space<vmem>>
          %swap3A_224 = arith.constant 64 : index
          %swap3A_225 = tpu.vector_load %swap3A_223[%swap3A_224] {strides = array<i32>} : memref<128xf32, #tpu.memory_space<vmem>>, vector<16xf32>,
          tpu.vector_store %swap3A_223[%swap3A_224], %max3A_220 {strides = array<i32>} : memref<128xf32, #tpu.memory_space<vmem>>, vector<16xf32>,
          %get3A_226 = arith.constant 0 : i32
          %get3A_227 = tpu.memref_slice %arg11[%squeeze3A, %get3A_226] : memref<320x128xf32, #tpu.memory_space<vmem>> -> memref<1x128xf32, #tpu.memory_space<vmem>>
          %get3A_228 = tpu.memref_squeeze %get3A_227 : memref<1x128xf32, #tpu.memory_space<vmem>> -> memref<128xf32, #tpu.memory_space<vmem>>
          %get3A_229 = arith.constant 80 : index
          %get3A_230 = tpu.vector_load %get3A_228[%get3A_229] {strides = array<i32>} : memref<128xf32, #tpu.memory_space<vmem>>, vector<16xf32>,
          %get3A_231 = arith.constant 0 : i32
          %get3A_232 = tpu.memref_slice %arg10[%sub3A_146, %get3A_231] : memref<256x128xf32, #tpu.memory_space<vmem>> -> memref<1x128xf32, #tpu.memory_space<vmem>>
          %get3A_233 = tpu.memref_squeeze %get3A_232 : memref<1x128xf32, #tpu.memory_space<vmem>> -> memref<128xf32, #tpu.memory_space<vmem>>
          %get3A_234 = arith.constant 80 : index
          %get3A_235 = tpu.vector_load %get3A_233[%get3A_234] {strides = array<i32>} : memref<128xf32, #tpu.memory_space<vmem>>, vector<16xf32>,
          %max3A_236 = arith.maximumf %get3A_230, %get3A_235 : vector<16xf32>
          %swap3A_237 = arith.constant 0 : i32
          %swap3A_238 = tpu.memref_slice %arg11[%squeeze3A, %swap3A_237] : memref<320x128xf32, #tpu.memory_space<vmem>> -> memref<1x128xf32, #tpu.memory_space<vmem>>
          %swap3A_239 = tpu.memref_squeeze %swap3A_238 : memref<1x128xf32, #tpu.memory_space<vmem>> -> memref<128xf32, #tpu.memory_space<vmem>>
          %swap3A_240 = arith.constant 80 : index
          %swap3A_241 = tpu.vector_load %swap3A_239[%swap3A_240] {strides = array<i32>} : memref<128xf32, #tpu.memory_space<vmem>>, vector<16xf32>,
          tpu.vector_store %swap3A_239[%swap3A_240], %max3A_236 {strides = array<i32>} : memref<128xf32, #tpu.memory_space<vmem>>, vector<16xf32>,
          %get3A_242 = arith.constant 0 : i32
          %get3A_243 = tpu.memref_slice %arg11[%squeeze3A, %get3A_242] : memref<320x128xf32, #tpu.memory_space<vmem>> -> memref<1x128xf32, #tpu.memory_space<vmem>>
          %get3A_244 = tpu.memref_squeeze %get3A_243 : memref<1x128xf32, #tpu.memory_space<vmem>> -> memref<128xf32, #tpu.memory_space<vmem>>
          %get3A_245 = arith.constant 96 : index
          %get3A_246 = tpu.vector_load %get3A_244[%get3A_245] {strides = array<i32>} : memref<128xf32, #tpu.memory_space<vmem>>, vector<16xf32>,
          %get3A_247 = arith.constant 0 : i32
          %get3A_248 = tpu.memref_slice %arg10[%sub3A_146, %get3A_247] : memref<256x128xf32, #tpu.memory_space<vmem>> -> memref<1x128xf32, #tpu.memory_space<vmem>>
          %get3A_249 = tpu.memref_squeeze %get3A_248 : memref<1x128xf32, #tpu.memory_space<vmem>> -> memref<128xf32, #tpu.memory_space<vmem>>
          %get3A_250 = arith.constant 96 : index
          %get3A_251 = tpu.vector_load %get3A_249[%get3A_250] {strides = array<i32>} : memref<128xf32, #tpu.memory_space<vmem>>, vector<16xf32>,
          %max3A_252 = arith.maximumf %get3A_246, %get3A_251 : vector<16xf32>
          %swap3A_253 = arith.constant 0 : i32
          %swap3A_254 = tpu.memref_slice %arg11[%squeeze3A, %swap3A_253] : memref<320x128xf32, #tpu.memory_space<vmem>> -> memref<1x128xf32, #tpu.memory_space<vmem>>
          %swap3A_255 = tpu.memref_squeeze %swap3A_254 : memref<1x128xf32, #tpu.memory_space<vmem>> -> memref<128xf32, #tpu.memory_space<vmem>>
          %swap3A_256 = arith.constant 96 : index
          %swap3A_257 = tpu.vector_load %swap3A_255[%swap3A_256] {strides = array<i32>} : memref<128xf32, #tpu.memory_space<vmem>>, vector<16xf32>,
          tpu.vector_store %swap3A_255[%swap3A_256], %max3A_252 {strides = array<i32>} : memref<128xf32, #tpu.memory_space<vmem>>, vector<16xf32>,
          %get3A_258 = arith.constant 0 : i32
          %get3A_259 = tpu.memref_slice %arg11[%squeeze3A, %get3A_258] : memref<320x128xf32, #tpu.memory_space<vmem>> -> memref<1x128xf32, #tpu.memory_space<vmem>>
          %get3A_260 = tpu.memref_squeeze %get3A_259 : memref<1x128xf32, #tpu.memory_space<vmem>> -> memref<128xf32, #tpu.memory_space<vmem>>
          %get3A_261 = arith.constant 112 : index
          %get3A_262 = tpu.vector_load %get3A_260[%get3A_261] {strides = array<i32>} : memref<128xf32, #tpu.memory_space<vmem>>, vector<16xf32>,
          %get3A_263 = arith.constant 0 : i32
          %get3A_264 = tpu.memref_slice %arg10[%sub3A_146, %get3A_263] : memref<256x128xf32, #tpu.memory_space<vmem>> -> memref<1x128xf32, #tpu.memory_space<vmem>>
          %get3A_265 = tpu.memref_squeeze %get3A_264 : memref<1x128xf32, #tpu.memory_space<vmem>> -> memref<128xf32, #tpu.memory_space<vmem>>
          %get3A_266 = arith.constant 112 : index
          %get3A_267 = tpu.vector_load %get3A_265[%get3A_266] {strides = array<i32>} : memref<128xf32, #tpu.memory_space<vmem>>, vector<16xf32>,
          %max3A_268 = arith.maximumf %get3A_262, %get3A_267 : vector<16xf32>
          %swap3A_269 = arith.constant 0 : i32
          %swap3A_270 = tpu.memref_slice %arg11[%squeeze3A, %swap3A_269] : memref<320x128xf32, #tpu.memory_space<vmem>> -> memref<1x128xf32, #tpu.memory_space<vmem>>
          %swap3A_271 = tpu.memref_squeeze %swap3A_270 : memref<1x128xf32, #tpu.memory_space<vmem>> -> memref<128xf32, #tpu.memory_space<vmem>>
          %swap3A_272 = arith.constant 112 : index
          %swap3A_273 = tpu.vector_load %swap3A_271[%swap3A_272] {strides = array<i32>} : memref<128xf32, #tpu.memory_space<vmem>>, vector<16xf32>,
          tpu.vector_store %swap3A_271[%swap3A_272], %max3A_268 {strides = array<i32>} : memref<128xf32, #tpu.memory_space<vmem>>, vector<16xf32>,
          %while3A_274 = arith.constant 0 : i32
          scf.yield %while3A_274 : i32
        }
        %while3A_141 = arith.constant 1 : i32
        %while3A_142 = scf.for %while3A_144 = %while3A_138 to %while3A_134 step %while3A_141 iter_args(%while3A_145 = %while3A_140) -> (i32)  : i32 {
          %sub3A_146 = arith.subi %while3A_144, %mul3A_96 : i32
          %get3A = arith.index_cast %while3A_144 : i32 to index
          %get3A_147 = tpu.vector_load %arg9[%get3A] {strides = array<i32>} : memref<12816xi32, #tpu.memory_space<vmem>>, vector<16xi32>,
          %slice3A = vector.extract_strided_slice %get3A_147 {offsets = [0], sizes = [1], strides = [1]} : vector<16xi32> to vector<1xi32>
          %squeeze3A = vector.extract %slice3A[0] : i32 from vector<1xi32>
          %get3A_148 = arith.constant 0 : i32
          %get3A_149 = tpu.memref_slice %arg11[%squeeze3A, %get3A_148] : memref<320x128xf32, #tpu.memory_space<vmem>> -> memref<1x128xf32, #tpu.memory_space<vmem>>
          %get3A_150 = tpu.memref_squeeze %get3A_149 : memref<1x128xf32, #tpu.memory_space<vmem>> -> memref<128xf32, #tpu.memory_space<vmem>>
          %get3A_151 = arith.constant 0 : index
          %get3A_152 = tpu.vector_load %get3A_150[%get3A_151] {strides = array<i32>} : memref<128xf32, #tpu.memory_space<vmem>>, vector<16xf32>,
          %get3A_153 = arith.constant 0 : i32
          %get3A_154 = tpu.memref_slice %arg10[%sub3A_146, %get3A_153] : memref<256x128xf32, #tpu.memory_space<vmem>> -> memref<1x128xf32, #tpu.memory_space<vmem>>
          %get3A_155 = tpu.memref_squeeze %get3A_154 : memref<1x128xf32, #tpu.memory_space<vmem>> -> memref<128xf32, #tpu.memory_space<vmem>>
          %get3A_156 = arith.constant 0 : index
          %get3A_157 = tpu.vector_load %get3A_155[%get3A_156] {strides = array<i32>} : memref<128xf32, #tpu.memory_space<vmem>>, vector<16xf32>,
          %max3A = arith.maximumf %get3A_152, %get3A_157 : vector<16xf32>
          %swap3A = arith.constant 0 : i32
          %swap3A_158 = tpu.memref_slice %arg11[%squeeze3A, %swap3A] : memref<320x128xf32, #tpu.memory_space<vmem>> -> memref<1x128xf32, #tpu.memory_space<vmem>>
          %swap3A_159 = tpu.memref_squeeze %swap3A_158 : memref<1x128xf32, #tpu.memory_space<vmem>> -> memref<128xf32, #tpu.memory_space<vmem>>
          %swap3A_160 = arith.constant 0 : index
          %swap3A_161 = tpu.vector_load %swap3A_159[%swap3A_160] {strides = array<i32>} : memref<128xf32, #tpu.memory_space<vmem>>, vector<16xf32>,
          tpu.vector_store %swap3A_159[%swap3A_160], %max3A {strides = array<i32>} : memref<128xf32, #tpu.memory_space<vmem>>, vector<16xf32>,
          %get3A_162 = arith.constant 0 : i32
          %get3A_163 = tpu.memref_slice %arg11[%squeeze3A, %get3A_162] : memref<320x128xf32, #tpu.memory_space<vmem>> -> memref<1x128xf32, #tpu.memory_space<vmem>>
          %get3A_164 = tpu.memref_squeeze %get3A_163 : memref<1x128xf32, #tpu.memory_space<vmem>> -> memref<128xf32, #tpu.memory_space<vmem>>
          %get3A_165 = arith.constant 16 : index
          %get3A_166 = tpu.vector_load %get3A_164[%get3A_165] {strides = array<i32>} : memref<128xf32, #tpu.memory_space<vmem>>, vector<16xf32>,
          %get3A_167 = arith.constant 0 : i32
          %get3A_168 = tpu.memref_slice %arg10[%sub3A_146, %get3A_167] : memref<256x128xf32, #tpu.memory_space<vmem>> -> memref<1x128xf32, #tpu.memory_space<vmem>>
          %get3A_169 = tpu.memref_squeeze %get3A_168 : memref<1x128xf32, #tpu.memory_space<vmem>> -> memref<128xf32, #tpu.memory_space<vmem>>
          %get3A_170 = arith.constant 16 : index
          %get3A_171 = tpu.vector_load %get3A_169[%get3A_170] {strides = array<i32>} : memref<128xf32, #tpu.memory_space<vmem>>, vector<16xf32>,
          %max3A_172 = arith.maximumf %get3A_166, %get3A_171 : vector<16xf32>
          %swap3A_173 = arith.constant 0 : i32
          %swap3A_174 = tpu.memref_slice %arg11[%squeeze3A, %swap3A_173] : memref<320x128xf32, #tpu.memory_space<vmem>> -> memref<1x128xf32, #tpu.memory_space<vmem>>
          %swap3A_175 = tpu.memref_squeeze %swap3A_174 : memref<1x128xf32, #tpu.memory_space<vmem>> -> memref<128xf32, #tpu.memory_space<vmem>>
          %swap3A_176 = arith.constant 16 : index
          %swap3A_177 = tpu.vector_load %swap3A_175[%swap3A_176] {strides = array<i32>} : memref<128xf32, #tpu.memory_space<vmem>>, vector<16xf32>,
          tpu.vector_store %swap3A_175[%swap3A_176], %max3A_172 {strides = array<i32>} : memref<128xf32, #tpu.memory_space<vmem>>, vector<16xf32>,
          %get3A_178 = arith.constant 0 : i32
          %get3A_179 = tpu.memref_slice %arg11[%squeeze3A, %get3A_178] : memref<320x128xf32, #tpu.memory_space<vmem>> -> memref<1x128xf32, #tpu.memory_space<vmem>>
          %get3A_180 = tpu.memref_squeeze %get3A_179 : memref<1x128xf32, #tpu.memory_space<vmem>> -> memref<128xf32, #tpu.memory_space<vmem>>
          %get3A_181 = arith.constant 32 : index
          %get3A_182 = tpu.vector_load %get3A_180[%get3A_181] {strides = array<i32>} : memref<128xf32, #tpu.memory_space<vmem>>, vector<16xf32>,
          %get3A_183 = arith.constant 0 : i32
          %get3A_184 = tpu.memref_slice %arg10[%sub3A_146, %get3A_183] : memref<256x128xf32, #tpu.memory_space<vmem>> -> memref<1x128xf32, #tpu.memory_space<vmem>>
          %get3A_185 = tpu.memref_squeeze %get3A_184 : memref<1x128xf32, #tpu.memory_space<vmem>> -> memref<128xf32, #tpu.memory_space<vmem>>
          %get3A_186 = arith.constant 32 : index
          %get3A_187 = tpu.vector_load %get3A_185[%get3A_186] {strides = array<i32>} : memref<128xf32, #tpu.memory_space<vmem>>, vector<16xf32>,
          %max3A_188 = arith.maximumf %get3A_182, %get3A_187 : vector<16xf32>
          %swap3A_189 = arith.constant 0 : i32
          %swap3A_190 = tpu.memref_slice %arg11[%squeeze3A, %swap3A_189] : memref<320x128xf32, #tpu.memory_space<vmem>> -> memref<1x128xf32, #tpu.memory_space<vmem>>
          %swap3A_191 = tpu.memref_squeeze %swap3A_190 : memref<1x128xf32, #tpu.memory_space<vmem>> -> memref<128xf32, #tpu.memory_space<vmem>>
          %swap3A_192 = arith.constant 32 : index
          %swap3A_193 = tpu.vector_load %swap3A_191[%swap3A_192] {strides = array<i32>} : memref<128xf32, #tpu.memory_space<vmem>>, vector<16xf32>,
          tpu.vector_store %swap3A_191[%swap3A_192], %max3A_188 {strides = array<i32>} : memref<128xf32, #tpu.memory_space<vmem>>, vector<16xf32>,
          %get3A_194 = arith.constant 0 : i32
          %get3A_195 = tpu.memref_slice %arg11[%squeeze3A, %get3A_194] : memref<320x128xf32, #tpu.memory_space<vmem>> -> memref<1x128xf32, #tpu.memory_space<vmem>>
          %get3A_196 = tpu.memref_squeeze %get3A_195 : memref<1x128xf32, #tpu.memory_space<vmem>> -> memref<128xf32, #tpu.memory_space<vmem>>
          %get3A_197 = arith.constant 48 : index
          %get3A_198 = tpu.vector_load %get3A_196[%get3A_197] {strides = array<i32>} : memref<128xf32, #tpu.memory_space<vmem>>, vector<16xf32>,
          %get3A_199 = arith.constant 0 : i32
          %get3A_200 = tpu.memref_slice %arg10[%sub3A_146, %get3A_199] : memref<256x128xf32, #tpu.memory_space<vmem>> -> memref<1x128xf32, #tpu.memory_space<vmem>>
          %get3A_201 = tpu.memref_squeeze %get3A_200 : memref<1x128xf32, #tpu.memory_space<vmem>> -> memref<128xf32, #tpu.memory_space<vmem>>
          %get3A_202 = arith.constant 48 : index
          %get3A_203 = tpu.vector_load %get3A_201[%get3A_202] {strides = array<i32>} : memref<128xf32, #tpu.memory_space<vmem>>, vector<16xf32>,
          %max3A_204 = arith.maximumf %get3A_198, %get3A_203 : vector<16xf32>
          %swap3A_205 = arith.constant 0 : i32
          %swap3A_206 = tpu.memref_slice %arg11[%squeeze3A, %swap3A_205] : memref<320x128xf32, #tpu.memory_space<vmem>> -> memref<1x128xf32, #tpu.memory_space<vmem>>
          %swap3A_207 = tpu.memref_squeeze %swap3A_206 : memref<1x128xf32, #tpu.memory_space<vmem>> -> memref<128xf32, #tpu.memory_space<vmem>>
          %swap3A_208 = arith.constant 48 : index
          %swap3A_209 = tpu.vector_load %swap3A_207[%swap3A_208] {strides = array<i32>} : memref<128xf32, #tpu.memory_space<vmem>>, vector<16xf32>,
          tpu.vector_store %swap3A_207[%swap3A_208], %max3A_204 {strides = array<i32>} : memref<128xf32, #tpu.memory_space<vmem>>, vector<16xf32>,
          %get3A_210 = arith.constant 0 : i32
          %get3A_211 = tpu.memref_slice %arg11[%squeeze3A, %get3A_210] : memref<320x128xf32, #tpu.memory_space<vmem>> -> memref<1x128xf32, #tpu.memory_space<vmem>>
          %get3A_212 = tpu.memref_squeeze %get3A_211 : memref<1x128xf32, #tpu.memory_space<vmem>> -> memref<128xf32, #tpu.memory_space<vmem>>
          %get3A_213 = arith.constant 64 : index
          %get3A_214 = tpu.vector_load %get3A_212[%get3A_213] {strides = array<i32>} : memref<128xf32, #tpu.memory_space<vmem>>, vector<16xf32>,
          %get3A_215 = arith.constant 0 : i32
          %get3A_216 = tpu.memref_slice %arg10[%sub3A_146, %get3A_215] : memref<256x128xf32, #tpu.memory_space<vmem>> -> memref<1x128xf32, #tpu.memory_space<vmem>>
          %get3A_217 = tpu.memref_squeeze %get3A_216 : memref<1x128xf32, #tpu.memory_space<vmem>> -> memref<128xf32, #tpu.memory_space<vmem>>
          %get3A_218 = arith.constant 64 : index
          %get3A_219 = tpu.vector_load %get3A_217[%get3A_218] {strides = array<i32>} : memref<128xf32, #tpu.memory_space<vmem>>, vector<16xf32>,
          %max3A_220 = arith.maximumf %get3A_214, %get3A_219 : vector<16xf32>
          %swap3A_221 = arith.constant 0 : i32
          %swap3A_222 = tpu.memref_slice %arg11[%squeeze3A, %swap3A_221] : memref<320x128xf32, #tpu.memory_space<vmem>> -> memref<1x128xf32, #tpu.memory_space<vmem>>
          %swap3A_223 = tpu.memref_squeeze %swap3A_222 : memref<1x128xf32, #tpu.memory_space<vmem>> -> memref<128xf32, #tpu.memory_space<vmem>>
          %swap3A_224 = arith.constant 64 : index
          %swap3A_225 = tpu.vector_load %swap3A_223[%swap3A_224] {strides = array<i32>} : memref<128xf32, #tpu.memory_space<vmem>>, vector<16xf32>,
          tpu.vector_store %swap3A_223[%swap3A_224], %max3A_220 {strides = array<i32>} : memref<128xf32, #tpu.memory_space<vmem>>, vector<16xf32>,
          %get3A_226 = arith.constant 0 : i32
          %get3A_227 = tpu.memref_slice %arg11[%squeeze3A, %get3A_226] : memref<320x128xf32, #tpu.memory_space<vmem>> -> memref<1x128xf32, #tpu.memory_space<vmem>>
          %get3A_228 = tpu.memref_squeeze %get3A_227 : memref<1x128xf32, #tpu.memory_space<vmem>> -> memref<128xf32, #tpu.memory_space<vmem>>
          %get3A_229 = arith.constant 80 : index
          %get3A_230 = tpu.vector_load %get3A_228[%get3A_229] {strides = array<i32>} : memref<128xf32, #tpu.memory_space<vmem>>, vector<16xf32>,
          %get3A_231 = arith.constant 0 : i32
          %get3A_232 = tpu.memref_slice %arg10[%sub3A_146, %get3A_231] : memref<256x128xf32, #tpu.memory_space<vmem>> -> memref<1x128xf32, #tpu.memory_space<vmem>>
          %get3A_233 = tpu.memref_squeeze %get3A_232 : memref<1x128xf32, #tpu.memory_space<vmem>> -> memref<128xf32, #tpu.memory_space<vmem>>
          %get3A_234 = arith.constant 80 : index
          %get3A_235 = tpu.vector_load %get3A_233[%get3A_234] {strides = array<i32>} : memref<128xf32, #tpu.memory_space<vmem>>, vector<16xf32>,
          %max3A_236 = arith.maximumf %get3A_230, %get3A_235 : vector<16xf32>
          %swap3A_237 = arith.constant 0 : i32
          %swap3A_238 = tpu.memref_slice %arg11[%squeeze3A, %swap3A_237] : memref<320x128xf32, #tpu.memory_space<vmem>> -> memref<1x128xf32, #tpu.memory_space<vmem>>
          %swap3A_239 = tpu.memref_squeeze %swap3A_238 : memref<1x128xf32, #tpu.memory_space<vmem>> -> memref<128xf32, #tpu.memory_space<vmem>>
          %swap3A_240 = arith.constant 80 : index
          %swap3A_241 = tpu.vector_load %swap3A_239[%swap3A_240] {strides = array<i32>} : memref<128xf32, #tpu.memory_space<vmem>>, vector<16xf32>,
          tpu.vector_store %swap3A_239[%swap3A_240], %max3A_236 {strides = array<i32>} : memref<128xf32, #tpu.memory_space<vmem>>, vector<16xf32>,
          %get3A_242 = arith.constant 0 : i32
          %get3A_243 = tpu.memref_slice %arg11[%squeeze3A, %get3A_242] : memref<320x128xf32, #tpu.memory_space<vmem>> -> memref<1x128xf32, #tpu.memory_space<vmem>>
          %get3A_244 = tpu.memref_squeeze %get3A_243 : memref<1x128xf32, #tpu.memory_space<vmem>> -> memref<128xf32, #tpu.memory_space<vmem>>
          %get3A_245 = arith.constant 96 : index
          %get3A_246 = tpu.vector_load %get3A_244[%get3A_245] {strides = array<i32>} : memref<128xf32, #tpu.memory_space<vmem>>, vector<16xf32>,
          %get3A_247 = arith.constant 0 : i32
          %get3A_248 = tpu.memref_slice %arg10[%sub3A_146, %get3A_247] : memref<256x128xf32, #tpu.memory_space<vmem>> -> memref<1x128xf32, #tpu.memory_space<vmem>>
          %get3A_249 = tpu.memref_squeeze %get3A_248 : memref<1x128xf32, #tpu.memory_space<vmem>> -> memref<128xf32, #tpu.memory_space<vmem>>
          %get3A_250 = arith.constant 96 : index
          %get3A_251 = tpu.vector_load %get3A_249[%get3A_250] {strides = array<i32>} : memref<128xf32, #tpu.memory_space<vmem>>, vector<16xf32>,
          %max3A_252 = arith.maximumf %get3A_246, %get3A_251 : vector<16xf32>
          %swap3A_253 = arith.constant 0 : i32
          %swap3A_254 = tpu.memref_slice %arg11[%squeeze3A, %swap3A_253] : memref<320x128xf32, #tpu.memory_space<vmem>> -> memref<1x128xf32, #tpu.memory_space<vmem>>
          %swap3A_255 = tpu.memref_squeeze %swap3A_254 : memref<1x128xf32, #tpu.memory_space<vmem>> -> memref<128xf32, #tpu.memory_space<vmem>>
          %swap3A_256 = arith.constant 96 : index
          %swap3A_257 = tpu.vector_load %swap3A_255[%swap3A_256] {strides = array<i32>} : memref<128xf32, #tpu.memory_space<vmem>>, vector<16xf32>,
          tpu.vector_store %swap3A_255[%swap3A_256], %max3A_252 {strides = array<i32>} : memref<128xf32, #tpu.memory_space<vmem>>, vector<16xf32>,
          %get3A_258 = arith.constant 0 : i32
          %get3A_259 = tpu.memref_slice %arg11[%squeeze3A, %get3A_258] : memref<320x128xf32, #tpu.memory_space<vmem>> -> memref<1x128xf32, #tpu.memory_space<vmem>>
          %get3A_260 = tpu.memref_squeeze %get3A_259 : memref<1x128xf32, #tpu.memory_space<vmem>> -> memref<128xf32, #tpu.memory_space<vmem>>
          %get3A_261 = arith.constant 112 : index
          %get3A_262 = tpu.vector_load %get3A_260[%get3A_261] {strides = array<i32>} : memref<128xf32, #tpu.memory_space<vmem>>, vector<16xf32>,
          %get3A_263 = arith.constant 0 : i32
          %get3A_264 = tpu.memref_slice %arg10[%sub3A_146, %get3A_263] : memref<256x128xf32, #tpu.memory_space<vmem>> -> memref<1x128xf32, #tpu.memory_space<vmem>>
          %get3A_265 = tpu.memref_squeeze %get3A_264 : memref<1x128xf32, #tpu.memory_space<vmem>> -> memref<128xf32, #tpu.memory_space<vmem>>
          %get3A_266 = arith.constant 112 : index
          %get3A_267 = tpu.vector_load %get3A_265[%get3A_266] {strides = array<i32>} : memref<128xf32, #tpu.memory_space<vmem>>, vector<16xf32>,
          %max3A_268 = arith.maximumf %get3A_262, %get3A_267 : vector<16xf32>
          %swap3A_269 = arith.constant 0 : i32
          %swap3A_270 = tpu.memref_slice %arg11[%squeeze3A, %swap3A_269] : memref<320x128xf32, #tpu.memory_space<vmem>> -> memref<1x128xf32, #tpu.memory_space<vmem>>
          %swap3A_271 = tpu.memref_squeeze %swap3A_270 : memref<1x128xf32, #tpu.memory_space<vmem>> -> memref<128xf32, #tpu.memory_space<vmem>>
          %swap3A_272 = arith.constant 112 : index
          %swap3A_273 = tpu.vector_load %swap3A_271[%swap3A_272] {strides = array<i32>} : memref<128xf32, #tpu.memory_space<vmem>>, vector<16xf32>,
          tpu.vector_store %swap3A_271[%swap3A_272], %max3A_268 {strides = array<i32>} : memref<128xf32, #tpu.memory_space<vmem>>, vector<16xf32>,
          %while3A_274 = arith.constant 0 : i32
          scf.yield %while3A_274 : i32
        }
        %while3A_143 = arith.constant 0 : i32
        scf.yield %while3A_143 : i32
      }
      %while3A_88 = arith.constant 1 : i32
      %while3A_89 = scf.for %while3A_91 = %while3A_85 to %while3A_81 step %while3A_88 iter_args(%while3A_92 = %while3A_87) -> (i32)  : i32 {
        %mul3A_93 = arith.constant 2 : i32
        %mul3A_94 = arith.muli %while3A_91, %mul3A_93 : i32
        %mul3A_95 = arith.constant 128 : i32
        %mul3A_96 = arith.muli %mul3A_94, %mul3A_95 : i32
        %dma_start3A_97 = arith.constant 0 : i32
        %dma_start3A_98 = arith.constant 0 : i32
        %dma_start3A_99 = tpu.memref_slice %arg10[%dma_start3A_97, %dma_start3A_98] : memref<256x128xf32, #tpu.memory_space<vmem>> -> memref<128x128xf32, #tpu.memory_space<vmem>>
        %dma_start3A_100 = tpu.memref_slice %arg8[%mul3A_96] : memref<12816xi32, #tpu.memory_space<vmem>> -> memref<128xi32, #tpu.memory_space<vmem>>
        %dma_start3A_101 = arith.constant 0 : i32
        %dma_start3A_102 = arith.constant 0 : i32
        %dma_start3A_103 = tpu.memref_slice %arg2[%dma_start3A_101, %dma_start3A_102] : memref<10000x128xf32, #tpu.memory_space<hbm>> -> memref<10000x128xf32, #tpu.memory_space<hbm>>
        tpu.enqueue_indirect_dma source(%dma_start3A_103 : memref<10000x128xf32, #tpu.memory_space<hbm>>) target(%dma_start3A_99 : memref<128x128xf32, #tpu.memory_space<vmem>>) offsets(%dma_start3A_100 : memref<128xi32, #tpu.memory_space<vmem>>) semaphore(%arg14 : memref<!tpu.dma_semaphore, #tpu.memory_space<semaphore_mem>>)
        %add3A_104 = arith.constant 128 : i32
        %add3A_105 = arith.addi %mul3A_96, %add3A_104 : i32
        %dma_start3A_106 = arith.constant 128 : i32
        %dma_start3A_107 = arith.constant 0 : i32
        %dma_start3A_108 = tpu.memref_slice %arg10[%dma_start3A_106, %dma_start3A_107] : memref<256x128xf32, #tpu.memory_space<vmem>> -> memref<128x128xf32, #tpu.memory_space<vmem>>
        %dma_start3A_109 = tpu.memref_slice %arg8[%add3A_105] : memref<12816xi32, #tpu.memory_space<vmem>> -> memref<128xi32, #tpu.memory_space<vmem>>
        %dma_start3A_110 = arith.constant 0 : i32
        %dma_start3A_111 = arith.constant 0 : i32
        %dma_start3A_112 = tpu.memref_slice %arg2[%dma_start3A_110, %dma_start3A_111] : memref<10000x128xf32, #tpu.memory_space<hbm>> -> memref<10000x128xf32, #tpu.memory_space<hbm>>
        tpu.enqueue_indirect_dma source(%dma_start3A_112 : memref<10000x128xf32, #tpu.memory_space<hbm>>) target(%dma_start3A_108 : memref<128x128xf32, #tpu.memory_space<vmem>>) offsets(%dma_start3A_109 : memref<128xi32, #tpu.memory_space<vmem>>) semaphore(%arg14 : memref<!tpu.dma_semaphore, #tpu.memory_space<semaphore_mem>>)
        %dma_wait3A_113 = arith.constant 0 : i32
        %dma_wait3A_114 = arith.constant 0 : i32
        %dma_wait3A_115 = tpu.memref_slice %arg10[%dma_wait3A_113, %dma_wait3A_114] : memref<256x128xf32, #tpu.memory_space<vmem>> -> memref<128x128xf32, #tpu.memory_space<vmem>>
        %dma_wait3A_116 = tpu.memref_slice %arg8[%mul3A_96] : memref<12816xi32, #tpu.memory_space<vmem>> -> memref<128xi32, #tpu.memory_space<vmem>>
        %dma_wait3A_117 = arith.constant 0 : i32
        %dma_wait3A_118 = arith.constant 0 : i32
        %dma_wait3A_119 = tpu.memref_slice %arg2[%dma_wait3A_117, %dma_wait3A_118] : memref<10000x128xf32, #tpu.memory_space<hbm>> -> memref<10000x128xf32, #tpu.memory_space<hbm>>
        tpu.wait_indirect_dma semaphore(%arg14 : memref<!tpu.dma_semaphore, #tpu.memory_space<semaphore_mem>>) src(%dma_wait3A_119 : memref<10000x128xf32, #tpu.memory_space<hbm>>) dst(%dma_wait3A_115 : memref<128x128xf32, #tpu.memory_space<vmem>>)
        %add3A_120 = arith.constant 128 : i32
        %add3A_121 = arith.addi %mul3A_96, %add3A_120 : i32
        %dma_wait3A_122 = arith.constant 128 : i32
        %dma_wait3A_123 = arith.constant 0 : i32
        %dma_wait3A_124 = tpu.memref_slice %arg10[%dma_wait3A_122, %dma_wait3A_123] : memref<256x128xf32, #tpu.memory_space<vmem>> -> memref<128x128xf32, #tpu.memory_space<vmem>>
        %dma_wait3A_125 = tpu.memref_slice %arg8[%add3A_121] : memref<12816xi32, #tpu.memory_space<vmem>> -> memref<128xi32, #tpu.memory_space<vmem>>
        %dma_wait3A_126 = arith.constant 0 : i32
        %dma_wait3A_127 = arith.constant 0 : i32
        %dma_wait3A_128 = tpu.memref_slice %arg2[%dma_wait3A_126, %dma_wait3A_127] : memref<10000x128xf32, #tpu.memory_space<hbm>> -> memref<10000x128xf32, #tpu.memory_space<hbm>>
        tpu.wait_indirect_dma semaphore(%arg14 : memref<!tpu.dma_semaphore, #tpu.memory_space<semaphore_mem>>) src(%dma_wait3A_128 : memref<10000x128xf32, #tpu.memory_space<hbm>>) dst(%dma_wait3A_124 : memref<128x128xf32, #tpu.memory_space<vmem>>)
        %add3A_129 = arith.constant 256 : i32
        %add3A_130 = arith.addi %mul3A_96, %add3A_129 : i32
        %min3A_131 = arith.minsi %scan3A_59, %add3A_130 : i32
        %while3A_132 = arith.constant 0 : i32
        %while3A_133 = arith.subi %min3A_131, %mul3A_96 : i32
        %while3A_134 = arith.addi %mul3A_96, %while3A_133 : i32
        %while3A_135 = arith.constant 1 : i32
        %while3A_136 = arith.divsi %while3A_133, %while3A_135 : i32
        %while3A_137 = arith.muli %while3A_136, %while3A_135 : i32
        %while3A_138 = arith.addi %mul3A_96, %while3A_137 : i32
        %while3A_139 = arith.constant 1 : i32
        %while3A_140 = scf.for %while3A_144 = %mul3A_96 to %while3A_138 step %while3A_139 iter_args(%while3A_145 = %while3A_132) -> (i32)  : i32 {
          %sub3A_146 = arith.subi %while3A_144, %mul3A_96 : i32
          %get3A = arith.index_cast %while3A_144 : i32 to index
          %get3A_147 = tpu.vector_load %arg9[%get3A] {strides = array<i32>} : memref<12816xi32, #tpu.memory_space<vmem>>, vector<16xi32>,
          %slice3A = vector.extract_strided_slice %get3A_147 {offsets = [0], sizes = [1], strides = [1]} : vector<16xi32> to vector<1xi32>
          %squeeze3A = vector.extract %slice3A[0] : i32 from vector<1xi32>
          %get3A_148 = arith.constant 0 : i32
          %get3A_149 = tpu.memref_slice %arg11[%squeeze3A, %get3A_148] : memref<320x128xf32, #tpu.memory_space<vmem>> -> memref<1x128xf32, #tpu.memory_space<vmem>>
          %get3A_150 = tpu.memref_squeeze %get3A_149 : memref<1x128xf32, #tpu.memory_space<vmem>> -> memref<128xf32, #tpu.memory_space<vmem>>
          %get3A_151 = arith.constant 0 : index
          %get3A_152 = tpu.vector_load %get3A_150[%get3A_151] {strides = array<i32>} : memref<128xf32, #tpu.memory_space<vmem>>, vector<16xf32>,
          %get3A_153 = arith.constant 0 : i32
          %get3A_154 = tpu.memref_slice %arg10[%sub3A_146, %get3A_153] : memref<256x128xf32, #tpu.memory_space<vmem>> -> memref<1x128xf32, #tpu.memory_space<vmem>>
          %get3A_155 = tpu.memref_squeeze %get3A_154 : memref<1x128xf32, #tpu.memory_space<vmem>> -> memref<128xf32, #tpu.memory_space<vmem>>
          %get3A_156 = arith.constant 0 : index
          %get3A_157 = tpu.vector_load %get3A_155[%get3A_156] {strides = array<i32>} : memref<128xf32, #tpu.memory_space<vmem>>, vector<16xf32>,
          %max3A = arith.maximumf %get3A_152, %get3A_157 : vector<16xf32>
          %swap3A = arith.constant 0 : i32
          %swap3A_158 = tpu.memref_slice %arg11[%squeeze3A, %swap3A] : memref<320x128xf32, #tpu.memory_space<vmem>> -> memref<1x128xf32, #tpu.memory_space<vmem>>
          %swap3A_159 = tpu.memref_squeeze %swap3A_158 : memref<1x128xf32, #tpu.memory_space<vmem>> -> memref<128xf32, #tpu.memory_space<vmem>>
          %swap3A_160 = arith.constant 0 : index
          %swap3A_161 = tpu.vector_load %swap3A_159[%swap3A_160] {strides = array<i32>} : memref<128xf32, #tpu.memory_space<vmem>>, vector<16xf32>,
          tpu.vector_store %swap3A_159[%swap3A_160], %max3A {strides = array<i32>} : memref<128xf32, #tpu.memory_space<vmem>>, vector<16xf32>,
          %get3A_162 = arith.constant 0 : i32
          %get3A_163 = tpu.memref_slice %arg11[%squeeze3A, %get3A_162] : memref<320x128xf32, #tpu.memory_space<vmem>> -> memref<1x128xf32, #tpu.memory_space<vmem>>
          %get3A_164 = tpu.memref_squeeze %get3A_163 : memref<1x128xf32, #tpu.memory_space<vmem>> -> memref<128xf32, #tpu.memory_space<vmem>>
          %get3A_165 = arith.constant 16 : index
          %get3A_166 = tpu.vector_load %get3A_164[%get3A_165] {strides = array<i32>} : memref<128xf32, #tpu.memory_space<vmem>>, vector<16xf32>,
          %get3A_167 = arith.constant 0 : i32
          %get3A_168 = tpu.memref_slice %arg10[%sub3A_146, %get3A_167] : memref<256x128xf32, #tpu.memory_space<vmem>> -> memref<1x128xf32, #tpu.memory_space<vmem>>
          %get3A_169 = tpu.memref_squeeze %get3A_168 : memref<1x128xf32, #tpu.memory_space<vmem>> -> memref<128xf32, #tpu.memory_space<vmem>>
          %get3A_170 = arith.constant 16 : index
          %get3A_171 = tpu.vector_load %get3A_169[%get3A_170] {strides = array<i32>} : memref<128xf32, #tpu.memory_space<vmem>>, vector<16xf32>,
          %max3A_172 = arith.maximumf %get3A_166, %get3A_171 : vector<16xf32>
          %swap3A_173 = arith.constant 0 : i32
          %swap3A_174 = tpu.memref_slice %arg11[%squeeze3A, %swap3A_173] : memref<320x128xf32, #tpu.memory_space<vmem>> -> memref<1x128xf32, #tpu.memory_space<vmem>>
          %swap3A_175 = tpu.memref_squeeze %swap3A_174 : memref<1x128xf32, #tpu.memory_space<vmem>> -> memref<128xf32, #tpu.memory_space<vmem>>
          %swap3A_176 = arith.constant 16 : index
          %swap3A_177 = tpu.vector_load %swap3A_175[%swap3A_176] {strides = array<i32>} : memref<128xf32, #tpu.memory_space<vmem>>, vector<16xf32>,
          tpu.vector_store %swap3A_175[%swap3A_176], %max3A_172 {strides = array<i32>} : memref<128xf32, #tpu.memory_space<vmem>>, vector<16xf32>,
          %get3A_178 = arith.constant 0 : i32
          %get3A_179 = tpu.memref_slice %arg11[%squeeze3A, %get3A_178] : memref<320x128xf32, #tpu.memory_space<vmem>> -> memref<1x128xf32, #tpu.memory_space<vmem>>
          %get3A_180 = tpu.memref_squeeze %get3A_179 : memref<1x128xf32, #tpu.memory_space<vmem>> -> memref<128xf32, #tpu.memory_space<vmem>>
          %get3A_181 = arith.constant 32 : index
          %get3A_182 = tpu.vector_load %get3A_180[%get3A_181] {strides = array<i32>} : memref<128xf32, #tpu.memory_space<vmem>>, vector<16xf32>,
          %get3A_183 = arith.constant 0 : i32
          %get3A_184 = tpu.memref_slice %arg10[%sub3A_146, %get3A_183] : memref<256x128xf32, #tpu.memory_space<vmem>> -> memref<1x128xf32, #tpu.memory_space<vmem>>
          %get3A_185 = tpu.memref_squeeze %get3A_184 : memref<1x128xf32, #tpu.memory_space<vmem>> -> memref<128xf32, #tpu.memory_space<vmem>>
          %get3A_186 = arith.constant 32 : index
          %get3A_187 = tpu.vector_load %get3A_185[%get3A_186] {strides = array<i32>} : memref<128xf32, #tpu.memory_space<vmem>>, vector<16xf32>,
          %max3A_188 = arith.maximumf %get3A_182, %get3A_187 : vector<16xf32>
          %swap3A_189 = arith.constant 0 : i32
          %swap3A_190 = tpu.memref_slice %arg11[%squeeze3A, %swap3A_189] : memref<320x128xf32, #tpu.memory_space<vmem>> -> memref<1x128xf32, #tpu.memory_space<vmem>>
          %swap3A_191 = tpu.memref_squeeze %swap3A_190 : memref<1x128xf32, #tpu.memory_space<vmem>> -> memref<128xf32, #tpu.memory_space<vmem>>
          %swap3A_192 = arith.constant 32 : index
          %swap3A_193 = tpu.vector_load %swap3A_191[%swap3A_192] {strides = array<i32>} : memref<128xf32, #tpu.memory_space<vmem>>, vector<16xf32>,
          tpu.vector_store %swap3A_191[%swap3A_192], %max3A_188 {strides = array<i32>} : memref<128xf32, #tpu.memory_space<vmem>>, vector<16xf32>,
          %get3A_194 = arith.constant 0 : i32
          %get3A_195 = tpu.memref_slice %arg11[%squeeze3A, %get3A_194] : memref<320x128xf32, #tpu.memory_space<vmem>> -> memref<1x128xf32, #tpu.memory_space<vmem>>
          %get3A_196 = tpu.memref_squeeze %get3A_195 : memref<1x128xf32, #tpu.memory_space<vmem>> -> memref<128xf32, #tpu.memory_space<vmem>>
          %get3A_197 = arith.constant 48 : index
          %get3A_198 = tpu.vector_load %get3A_196[%get3A_197] {strides = array<i32>} : memref<128xf32, #tpu.memory_space<vmem>>, vector<16xf32>,
          %get3A_199 = arith.constant 0 : i32
          %get3A_200 = tpu.memref_slice %arg10[%sub3A_146, %get3A_199] : memref<256x128xf32, #tpu.memory_space<vmem>> -> memref<1x128xf32, #tpu.memory_space<vmem>>
          %get3A_201 = tpu.memref_squeeze %get3A_200 : memref<1x128xf32, #tpu.memory_space<vmem>> -> memref<128xf32, #tpu.memory_space<vmem>>
          %get3A_202 = arith.constant 48 : index
          %get3A_203 = tpu.vector_load %get3A_201[%get3A_202] {strides = array<i32>} : memref<128xf32, #tpu.memory_space<vmem>>, vector<16xf32>,
          %max3A_204 = arith.maximumf %get3A_198, %get3A_203 : vector<16xf32>
          %swap3A_205 = arith.constant 0 : i32
          %swap3A_206 = tpu.memref_slice %arg11[%squeeze3A, %swap3A_205] : memref<320x128xf32, #tpu.memory_space<vmem>> -> memref<1x128xf32, #tpu.memory_space<vmem>>
          %swap3A_207 = tpu.memref_squeeze %swap3A_206 : memref<1x128xf32, #tpu.memory_space<vmem>> -> memref<128xf32, #tpu.memory_space<vmem>>
          %swap3A_208 = arith.constant 48 : index
          %swap3A_209 = tpu.vector_load %swap3A_207[%swap3A_208] {strides = array<i32>} : memref<128xf32, #tpu.memory_space<vmem>>, vector<16xf32>,
          tpu.vector_store %swap3A_207[%swap3A_208], %max3A_204 {strides = array<i32>} : memref<128xf32, #tpu.memory_space<vmem>>, vector<16xf32>,
          %get3A_210 = arith.constant 0 : i32
          %get3A_211 = tpu.memref_slice %arg11[%squeeze3A, %get3A_210] : memref<320x128xf32, #tpu.memory_space<vmem>> -> memref<1x128xf32, #tpu.memory_space<vmem>>
          %get3A_212 = tpu.memref_squeeze %get3A_211 : memref<1x128xf32, #tpu.memory_space<vmem>> -> memref<128xf32, #tpu.memory_space<vmem>>
          %get3A_213 = arith.constant 64 : index
          %get3A_214 = tpu.vector_load %get3A_212[%get3A_213] {strides = array<i32>} : memref<128xf32, #tpu.memory_space<vmem>>, vector<16xf32>,
          %get3A_215 = arith.constant 0 : i32
          %get3A_216 = tpu.memref_slice %arg10[%sub3A_146, %get3A_215] : memref<256x128xf32, #tpu.memory_space<vmem>> -> memref<1x128xf32, #tpu.memory_space<vmem>>
          %get3A_217 = tpu.memref_squeeze %get3A_216 : memref<1x128xf32, #tpu.memory_space<vmem>> -> memref<128xf32, #tpu.memory_space<vmem>>
          %get3A_218 = arith.constant 64 : index
          %get3A_219 = tpu.vector_load %get3A_217[%get3A_218] {strides = array<i32>} : memref<128xf32, #tpu.memory_space<vmem>>, vector<16xf32>,
          %max3A_220 = arith.maximumf %get3A_214, %get3A_219 : vector<16xf32>
          %swap3A_221 = arith.constant 0 : i32
          %swap3A_222 = tpu.memref_slice %arg11[%squeeze3A, %swap3A_221] : memref<320x128xf32, #tpu.memory_space<vmem>> -> memref<1x128xf32, #tpu.memory_space<vmem>>
          %swap3A_223 = tpu.memref_squeeze %swap3A_222 : memref<1x128xf32, #tpu.memory_space<vmem>> -> memref<128xf32, #tpu.memory_space<vmem>>
          %swap3A_224 = arith.constant 64 : index
          %swap3A_225 = tpu.vector_load %swap3A_223[%swap3A_224] {strides = array<i32>} : memref<128xf32, #tpu.memory_space<vmem>>, vector<16xf32>,
          tpu.vector_store %swap3A_223[%swap3A_224], %max3A_220 {strides = array<i32>} : memref<128xf32, #tpu.memory_space<vmem>>, vector<16xf32>,
          %get3A_226 = arith.constant 0 : i32
          %get3A_227 = tpu.memref_slice %arg11[%squeeze3A, %get3A_226] : memref<320x128xf32, #tpu.memory_space<vmem>> -> memref<1x128xf32, #tpu.memory_space<vmem>>
          %get3A_228 = tpu.memref_squeeze %get3A_227 : memref<1x128xf32, #tpu.memory_space<vmem>> -> memref<128xf32, #tpu.memory_space<vmem>>
          %get3A_229 = arith.constant 80 : index
          %get3A_230 = tpu.vector_load %get3A_228[%get3A_229] {strides = array<i32>} : memref<128xf32, #tpu.memory_space<vmem>>, vector<16xf32>,
          %get3A_231 = arith.constant 0 : i32
          %get3A_232 = tpu.memref_slice %arg10[%sub3A_146, %get3A_231] : memref<256x128xf32, #tpu.memory_space<vmem>> -> memref<1x128xf32, #tpu.memory_space<vmem>>
          %get3A_233 = tpu.memref_squeeze %get3A_232 : memref<1x128xf32, #tpu.memory_space<vmem>> -> memref<128xf32, #tpu.memory_space<vmem>>
          %get3A_234 = arith.constant 80 : index
          %get3A_235 = tpu.vector_load %get3A_233[%get3A_234] {strides = array<i32>} : memref<128xf32, #tpu.memory_space<vmem>>, vector<16xf32>,
          %max3A_236 = arith.maximumf %get3A_230, %get3A_235 : vector<16xf32>
          %swap3A_237 = arith.constant 0 : i32
          %swap3A_238 = tpu.memref_slice %arg11[%squeeze3A, %swap3A_237] : memref<320x128xf32, #tpu.memory_space<vmem>> -> memref<1x128xf32, #tpu.memory_space<vmem>>
          %swap3A_239 = tpu.memref_squeeze %swap3A_238 : memref<1x128xf32, #tpu.memory_space<vmem>> -> memref<128xf32, #tpu.memory_space<vmem>>
          %swap3A_240 = arith.constant 80 : index
          %swap3A_241 = tpu.vector_load %swap3A_239[%swap3A_240] {strides = array<i32>} : memref<128xf32, #tpu.memory_space<vmem>>, vector<16xf32>,
          tpu.vector_store %swap3A_239[%swap3A_240], %max3A_236 {strides = array<i32>} : memref<128xf32, #tpu.memory_space<vmem>>, vector<16xf32>,
          %get3A_242 = arith.constant 0 : i32
          %get3A_243 = tpu.memref_slice %arg11[%squeeze3A, %get3A_242] : memref<320x128xf32, #tpu.memory_space<vmem>> -> memref<1x128xf32, #tpu.memory_space<vmem>>
          %get3A_244 = tpu.memref_squeeze %get3A_243 : memref<1x128xf32, #tpu.memory_space<vmem>> -> memref<128xf32, #tpu.memory_space<vmem>>
          %get3A_245 = arith.constant 96 : index
          %get3A_246 = tpu.vector_load %get3A_244[%get3A_245] {strides = array<i32>} : memref<128xf32, #tpu.memory_space<vmem>>, vector<16xf32>,
          %get3A_247 = arith.constant 0 : i32
          %get3A_248 = tpu.memref_slice %arg10[%sub3A_146, %get3A_247] : memref<256x128xf32, #tpu.memory_space<vmem>> -> memref<1x128xf32, #tpu.memory_space<vmem>>
          %get3A_249 = tpu.memref_squeeze %get3A_248 : memref<1x128xf32, #tpu.memory_space<vmem>> -> memref<128xf32, #tpu.memory_space<vmem>>
          %get3A_250 = arith.constant 96 : index
          %get3A_251 = tpu.vector_load %get3A_249[%get3A_250] {strides = array<i32>} : memref<128xf32, #tpu.memory_space<vmem>>, vector<16xf32>,
          %max3A_252 = arith.maximumf %get3A_246, %get3A_251 : vector<16xf32>
          %swap3A_253 = arith.constant 0 : i32
          %swap3A_254 = tpu.memref_slice %arg11[%squeeze3A, %swap3A_253] : memref<320x128xf32, #tpu.memory_space<vmem>> -> memref<1x128xf32, #tpu.memory_space<vmem>>
          %swap3A_255 = tpu.memref_squeeze %swap3A_254 : memref<1x128xf32, #tpu.memory_space<vmem>> -> memref<128xf32, #tpu.memory_space<vmem>>
          %swap3A_256 = arith.constant 96 : index
          %swap3A_257 = tpu.vector_load %swap3A_255[%swap3A_256] {strides = array<i32>} : memref<128xf32, #tpu.memory_space<vmem>>, vector<16xf32>,
          tpu.vector_store %swap3A_255[%swap3A_256], %max3A_252 {strides = array<i32>} : memref<128xf32, #tpu.memory_space<vmem>>, vector<16xf32>,
          %get3A_258 = arith.constant 0 : i32
          %get3A_259 = tpu.memref_slice %arg11[%squeeze3A, %get3A_258] : memref<320x128xf32, #tpu.memory_space<vmem>> -> memref<1x128xf32, #tpu.memory_space<vmem>>
          %get3A_260 = tpu.memref_squeeze %get3A_259 : memref<1x128xf32, #tpu.memory_space<vmem>> -> memref<128xf32, #tpu.memory_space<vmem>>
          %get3A_261 = arith.constant 112 : index
          %get3A_262 = tpu.vector_load %get3A_260[%get3A_261] {strides = array<i32>} : memref<128xf32, #tpu.memory_space<vmem>>, vector<16xf32>,
          %get3A_263 = arith.constant 0 : i32
          %get3A_264 = tpu.memref_slice %arg10[%sub3A_146, %get3A_263] : memref<256x128xf32, #tpu.memory_space<vmem>> -> memref<1x128xf32, #tpu.memory_space<vmem>>
          %get3A_265 = tpu.memref_squeeze %get3A_264 : memref<1x128xf32, #tpu.memory_space<vmem>> -> memref<128xf32, #tpu.memory_space<vmem>>
          %get3A_266 = arith.constant 112 : index
          %get3A_267 = tpu.vector_load %get3A_265[%get3A_266] {strides = array<i32>} : memref<128xf32, #tpu.memory_space<vmem>>, vector<16xf32>,
          %max3A_268 = arith.maximumf %get3A_262, %get3A_267 : vector<16xf32>
          %swap3A_269 = arith.constant 0 : i32
          %swap3A_270 = tpu.memref_slice %arg11[%squeeze3A, %swap3A_269] : memref<320x128xf32, #tpu.memory_space<vmem>> -> memref<1x128xf32, #tpu.memory_space<vmem>>
          %swap3A_271 = tpu.memref_squeeze %swap3A_270 : memref<1x128xf32, #tpu.memory_space<vmem>> -> memref<128xf32, #tpu.memory_space<vmem>>
          %swap3A_272 = arith.constant 112 : index
          %swap3A_273 = tpu.vector_load %swap3A_271[%swap3A_272] {strides = array<i32>} : memref<128xf32, #tpu.memory_space<vmem>>, vector<16xf32>,
          tpu.vector_store %swap3A_271[%swap3A_272], %max3A_268 {strides = array<i32>} : memref<128xf32, #tpu.memory_space<vmem>>, vector<16xf32>,
          %while3A_274 = arith.constant 0 : i32
          scf.yield %while3A_274 : i32
        }
        %while3A_141 = arith.constant 1 : i32
        %while3A_142 = scf.for %while3A_144 = %while3A_138 to %while3A_134 step %while3A_141 iter_args(%while3A_145 = %while3A_140) -> (i32)  : i32 {
          %sub3A_146 = arith.subi %while3A_144, %mul3A_96 : i32
          %get3A = arith.index_cast %while3A_144 : i32 to index
          %get3A_147 = tpu.vector_load %arg9[%get3A] {strides = array<i32>} : memref<12816xi32, #tpu.memory_space<vmem>>, vector<16xi32>,
          %slice3A = vector.extract_strided_slice %get3A_147 {offsets = [0], sizes = [1], strides = [1]} : vector<16xi32> to vector<1xi32>
          %squeeze3A = vector.extract %slice3A[0] : i32 from vector<1xi32>
          %get3A_148 = arith.constant 0 : i32
          %get3A_149 = tpu.memref_slice %arg11[%squeeze3A, %get3A_148] : memref<320x128xf32, #tpu.memory_space<vmem>> -> memref<1x128xf32, #tpu.memory_space<vmem>>
          %get3A_150 = tpu.memref_squeeze %get3A_149 : memref<1x128xf32, #tpu.memory_space<vmem>> -> memref<128xf32, #tpu.memory_space<vmem>>
          %get3A_151 = arith.constant 0 : index
          %get3A_152 = tpu.vector_load %get3A_150[%get3A_151] {strides = array<i32>} : memref<128xf32, #tpu.memory_space<vmem>>, vector<16xf32>,
          %get3A_153 = arith.constant 0 : i32
          %get3A_154 = tpu.memref_slice %arg10[%sub3A_146, %get3A_153] : memref<256x128xf32, #tpu.memory_space<vmem>> -> memref<1x128xf32, #tpu.memory_space<vmem>>
          %get3A_155 = tpu.memref_squeeze %get3A_154 : memref<1x128xf32, #tpu.memory_space<vmem>> -> memref<128xf32, #tpu.memory_space<vmem>>
          %get3A_156 = arith.constant 0 : index
          %get3A_157 = tpu.vector_load %get3A_155[%get3A_156] {strides = array<i32>} : memref<128xf32, #tpu.memory_space<vmem>>, vector<16xf32>,
          %max3A = arith.maximumf %get3A_152, %get3A_157 : vector<16xf32>
          %swap3A = arith.constant 0 : i32
          %swap3A_158 = tpu.memref_slice %arg11[%squeeze3A, %swap3A] : memref<320x128xf32, #tpu.memory_space<vmem>> -> memref<1x128xf32, #tpu.memory_space<vmem>>
          %swap3A_159 = tpu.memref_squeeze %swap3A_158 : memref<1x128xf32, #tpu.memory_space<vmem>> -> memref<128xf32, #tpu.memory_space<vmem>>
          %swap3A_160 = arith.constant 0 : index
          %swap3A_161 = tpu.vector_load %swap3A_159[%swap3A_160] {strides = array<i32>} : memref<128xf32, #tpu.memory_space<vmem>>, vector<16xf32>,
          tpu.vector_store %swap3A_159[%swap3A_160], %max3A {strides = array<i32>} : memref<128xf32, #tpu.memory_space<vmem>>, vector<16xf32>,
          %get3A_162 = arith.constant 0 : i32
          %get3A_163 = tpu.memref_slice %arg11[%squeeze3A, %get3A_162] : memref<320x128xf32, #tpu.memory_space<vmem>> -> memref<1x128xf32, #tpu.memory_space<vmem>>
          %get3A_164 = tpu.memref_squeeze %get3A_163 : memref<1x128xf32, #tpu.memory_space<vmem>> -> memref<128xf32, #tpu.memory_space<vmem>>
          %get3A_165 = arith.constant 16 : index
          %get3A_166 = tpu.vector_load %get3A_164[%get3A_165] {strides = array<i32>} : memref<128xf32, #tpu.memory_space<vmem>>, vector<16xf32>,
          %get3A_167 = arith.constant 0 : i32
          %get3A_168 = tpu.memref_slice %arg10[%sub3A_146, %get3A_167] : memref<256x128xf32, #tpu.memory_space<vmem>> -> memref<1x128xf32, #tpu.memory_space<vmem>>
          %get3A_169 = tpu.memref_squeeze %get3A_168 : memref<1x128xf32, #tpu.memory_space<vmem>> -> memref<128xf32, #tpu.memory_space<vmem>>
          %get3A_170 = arith.constant 16 : index
          %get3A_171 = tpu.vector_load %get3A_169[%get3A_170] {strides = array<i32>} : memref<128xf32, #tpu.memory_space<vmem>>, vector<16xf32>,
          %max3A_172 = arith.maximumf %get3A_166, %get3A_171 : vector<16xf32>
          %swap3A_173 = arith.constant 0 : i32
          %swap3A_174 = tpu.memref_slice %arg11[%squeeze3A, %swap3A_173] : memref<320x128xf32, #tpu.memory_space<vmem>> -> memref<1x128xf32, #tpu.memory_space<vmem>>
          %swap3A_175 = tpu.memref_squeeze %swap3A_174 : memref<1x128xf32, #tpu.memory_space<vmem>> -> memref<128xf32, #tpu.memory_space<vmem>>
          %swap3A_176 = arith.constant 16 : index
          %swap3A_177 = tpu.vector_load %swap3A_175[%swap3A_176] {strides = array<i32>} : memref<128xf32, #tpu.memory_space<vmem>>, vector<16xf32>,
          tpu.vector_store %swap3A_175[%swap3A_176], %max3A_172 {strides = array<i32>} : memref<128xf32, #tpu.memory_space<vmem>>, vector<16xf32>,
          %get3A_178 = arith.constant 0 : i32
          %get3A_179 = tpu.memref_slice %arg11[%squeeze3A, %get3A_178] : memref<320x128xf32, #tpu.memory_space<vmem>> -> memref<1x128xf32, #tpu.memory_space<vmem>>
          %get3A_180 = tpu.memref_squeeze %get3A_179 : memref<1x128xf32, #tpu.memory_space<vmem>> -> memref<128xf32, #tpu.memory_space<vmem>>
          %get3A_181 = arith.constant 32 : index
          %get3A_182 = tpu.vector_load %get3A_180[%get3A_181] {strides = array<i32>} : memref<128xf32, #tpu.memory_space<vmem>>, vector<16xf32>,
          %get3A_183 = arith.constant 0 : i32
          %get3A_184 = tpu.memref_slice %arg10[%sub3A_146, %get3A_183] : memref<256x128xf32, #tpu.memory_space<vmem>> -> memref<1x128xf32, #tpu.memory_space<vmem>>
          %get3A_185 = tpu.memref_squeeze %get3A_184 : memref<1x128xf32, #tpu.memory_space<vmem>> -> memref<128xf32, #tpu.memory_space<vmem>>
          %get3A_186 = arith.constant 32 : index
          %get3A_187 = tpu.vector_load %get3A_185[%get3A_186] {strides = array<i32>} : memref<128xf32, #tpu.memory_space<vmem>>, vector<16xf32>,
          %max3A_188 = arith.maximumf %get3A_182, %get3A_187 : vector<16xf32>
          %swap3A_189 = arith.constant 0 : i32
          %swap3A_190 = tpu.memref_slice %arg11[%squeeze3A, %swap3A_189] : memref<320x128xf32, #tpu.memory_space<vmem>> -> memref<1x128xf32, #tpu.memory_space<vmem>>
          %swap3A_191 = tpu.memref_squeeze %swap3A_190 : memref<1x128xf32, #tpu.memory_space<vmem>> -> memref<128xf32, #tpu.memory_space<vmem>>
          %swap3A_192 = arith.constant 32 : index
          %swap3A_193 = tpu.vector_load %swap3A_191[%swap3A_192] {strides = array<i32>} : memref<128xf32, #tpu.memory_space<vmem>>, vector<16xf32>,
          tpu.vector_store %swap3A_191[%swap3A_192], %max3A_188 {strides = array<i32>} : memref<128xf32, #tpu.memory_space<vmem>>, vector<16xf32>,
          %get3A_194 = arith.constant 0 : i32
          %get3A_195 = tpu.memref_slice %arg11[%squeeze3A, %get3A_194] : memref<320x128xf32, #tpu.memory_space<vmem>> -> memref<1x128xf32, #tpu.memory_space<vmem>>
          %get3A_196 = tpu.memref_squeeze %get3A_195 : memref<1x128xf32, #tpu.memory_space<vmem>> -> memref<128xf32, #tpu.memory_space<vmem>>
          %get3A_197 = arith.constant 48 : index
          %get3A_198 = tpu.vector_load %get3A_196[%get3A_197] {strides = array<i32>} : memref<128xf32, #tpu.memory_space<vmem>>, vector<16xf32>,
          %get3A_199 = arith.constant 0 : i32
          %get3A_200 = tpu.memref_slice %arg10[%sub3A_146, %get3A_199] : memref<256x128xf32, #tpu.memory_space<vmem>> -> memref<1x128xf32, #tpu.memory_space<vmem>>
          %get3A_201 = tpu.memref_squeeze %get3A_200 : memref<1x128xf32, #tpu.memory_space<vmem>> -> memref<128xf32, #tpu.memory_space<vmem>>
          %get3A_202 = arith.constant 48 : index
          %get3A_203 = tpu.vector_load %get3A_201[%get3A_202] {strides = array<i32>} : memref<128xf32, #tpu.memory_space<vmem>>, vector<16xf32>,
          %max3A_204 = arith.maximumf %get3A_198, %get3A_203 : vector<16xf32>
          %swap3A_205 = arith.constant 0 : i32
          %swap3A_206 = tpu.memref_slice %arg11[%squeeze3A, %swap3A_205] : memref<320x128xf32, #tpu.memory_space<vmem>> -> memref<1x128xf32, #tpu.memory_space<vmem>>
          %swap3A_207 = tpu.memref_squeeze %swap3A_206 : memref<1x128xf32, #tpu.memory_space<vmem>> -> memref<128xf32, #tpu.memory_space<vmem>>
          %swap3A_208 = arith.constant 48 : index
          %swap3A_209 = tpu.vector_load %swap3A_207[%swap3A_208] {strides = array<i32>} : memref<128xf32, #tpu.memory_space<vmem>>, vector<16xf32>,
          tpu.vector_store %swap3A_207[%swap3A_208], %max3A_204 {strides = array<i32>} : memref<128xf32, #tpu.memory_space<vmem>>, vector<16xf32>,
          %get3A_210 = arith.constant 0 : i32
          %get3A_211 = tpu.memref_slice %arg11[%squeeze3A, %get3A_210] : memref<320x128xf32, #tpu.memory_space<vmem>> -> memref<1x128xf32, #tpu.memory_space<vmem>>
          %get3A_212 = tpu.memref_squeeze %get3A_211 : memref<1x128xf32, #tpu.memory_space<vmem>> -> memref<128xf32, #tpu.memory_space<vmem>>
          %get3A_213 = arith.constant 64 : index
          %get3A_214 = tpu.vector_load %get3A_212[%get3A_213] {strides = array<i32>} : memref<128xf32, #tpu.memory_space<vmem>>, vector<16xf32>,
          %get3A_215 = arith.constant 0 : i32
          %get3A_216 = tpu.memref_slice %arg10[%sub3A_146, %get3A_215] : memref<256x128xf32, #tpu.memory_space<vmem>> -> memref<1x128xf32, #tpu.memory_space<vmem>>
          %get3A_217 = tpu.memref_squeeze %get3A_216 : memref<1x128xf32, #tpu.memory_space<vmem>> -> memref<128xf32, #tpu.memory_space<vmem>>
          %get3A_218 = arith.constant 64 : index
          %get3A_219 = tpu.vector_load %get3A_217[%get3A_218] {strides = array<i32>} : memref<128xf32, #tpu.memory_space<vmem>>, vector<16xf32>,
          %max3A_220 = arith.maximumf %get3A_214, %get3A_219 : vector<16xf32>
          %swap3A_221 = arith.constant 0 : i32
          %swap3A_222 = tpu.memref_slice %arg11[%squeeze3A, %swap3A_221] : memref<320x128xf32, #tpu.memory_space<vmem>> -> memref<1x128xf32, #tpu.memory_space<vmem>>
          %swap3A_223 = tpu.memref_squeeze %swap3A_222 : memref<1x128xf32, #tpu.memory_space<vmem>> -> memref<128xf32, #tpu.memory_space<vmem>>
          %swap3A_224 = arith.constant 64 : index
          %swap3A_225 = tpu.vector_load %swap3A_223[%swap3A_224] {strides = array<i32>} : memref<128xf32, #tpu.memory_space<vmem>>, vector<16xf32>,
          tpu.vector_store %swap3A_223[%swap3A_224], %max3A_220 {strides = array<i32>} : memref<128xf32, #tpu.memory_space<vmem>>, vector<16xf32>,
          %get3A_226 = arith.constant 0 : i32
          %get3A_227 = tpu.memref_slice %arg11[%squeeze3A, %get3A_226] : memref<320x128xf32, #tpu.memory_space<vmem>> -> memref<1x128xf32, #tpu.memory_space<vmem>>
          %get3A_228 = tpu.memref_squeeze %get3A_227 : memref<1x128xf32, #tpu.memory_space<vmem>> -> memref<128xf32, #tpu.memory_space<vmem>>
          %get3A_229 = arith.constant 80 : index
          %get3A_230 = tpu.vector_load %get3A_228[%get3A_229] {strides = array<i32>} : memref<128xf32, #tpu.memory_space<vmem>>, vector<16xf32>,
          %get3A_231 = arith.constant 0 : i32
          %get3A_232 = tpu.memref_slice %arg10[%sub3A_146, %get3A_231] : memref<256x128xf32, #tpu.memory_space<vmem>> -> memref<1x128xf32, #tpu.memory_space<vmem>>
          %get3A_233 = tpu.memref_squeeze %get3A_232 : memref<1x128xf32, #tpu.memory_space<vmem>> -> memref<128xf32, #tpu.memory_space<vmem>>
          %get3A_234 = arith.constant 80 : index
          %get3A_235 = tpu.vector_load %get3A_233[%get3A_234] {strides = array<i32>} : memref<128xf32, #tpu.memory_space<vmem>>, vector<16xf32>,
          %max3A_236 = arith.maximumf %get3A_230, %get3A_235 : vector<16xf32>
          %swap3A_237 = arith.constant 0 : i32
          %swap3A_238 = tpu.memref_slice %arg11[%squeeze3A, %swap3A_237] : memref<320x128xf32, #tpu.memory_space<vmem>> -> memref<1x128xf32, #tpu.memory_space<vmem>>
          %swap3A_239 = tpu.memref_squeeze %swap3A_238 : memref<1x128xf32, #tpu.memory_space<vmem>> -> memref<128xf32, #tpu.memory_space<vmem>>
          %swap3A_240 = arith.constant 80 : index
          %swap3A_241 = tpu.vector_load %swap3A_239[%swap3A_240] {strides = array<i32>} : memref<128xf32, #tpu.memory_space<vmem>>, vector<16xf32>,
          tpu.vector_store %swap3A_239[%swap3A_240], %max3A_236 {strides = array<i32>} : memref<128xf32, #tpu.memory_space<vmem>>, vector<16xf32>,
          %get3A_242 = arith.constant 0 : i32
          %get3A_243 = tpu.memref_slice %arg11[%squeeze3A, %get3A_242] : memref<320x128xf32, #tpu.memory_space<vmem>> -> memref<1x128xf32, #tpu.memory_space<vmem>>
          %get3A_244 = tpu.memref_squeeze %get3A_243 : memref<1x128xf32, #tpu.memory_space<vmem>> -> memref<128xf32, #tpu.memory_space<vmem>>
          %get3A_245 = arith.constant 96 : index
          %get3A_246 = tpu.vector_load %get3A_244[%get3A_245] {strides = array<i32>} : memref<128xf32, #tpu.memory_space<vmem>>, vector<16xf32>,
          %get3A_247 = arith.constant 0 : i32
          %get3A_248 = tpu.memref_slice %arg10[%sub3A_146, %get3A_247] : memref<256x128xf32, #tpu.memory_space<vmem>> -> memref<1x128xf32, #tpu.memory_space<vmem>>
          %get3A_249 = tpu.memref_squeeze %get3A_248 : memref<1x128xf32, #tpu.memory_space<vmem>> -> memref<128xf32, #tpu.memory_space<vmem>>
          %get3A_250 = arith.constant 96 : index
          %get3A_251 = tpu.vector_load %get3A_249[%get3A_250] {strides = array<i32>} : memref<128xf32, #tpu.memory_space<vmem>>, vector<16xf32>,
          %max3A_252 = arith.maximumf %get3A_246, %get3A_251 : vector<16xf32>
          %swap3A_253 = arith.constant 0 : i32
          %swap3A_254 = tpu.memref_slice %arg11[%squeeze3A, %swap3A_253] : memref<320x128xf32, #tpu.memory_space<vmem>> -> memref<1x128xf32, #tpu.memory_space<vmem>>
          %swap3A_255 = tpu.memref_squeeze %swap3A_254 : memref<1x128xf32, #tpu.memory_space<vmem>> -> memref<128xf32, #tpu.memory_space<vmem>>
          %swap3A_256 = arith.constant 96 : index
          %swap3A_257 = tpu.vector_load %swap3A_255[%swap3A_256] {strides = array<i32>} : memref<128xf32, #tpu.memory_space<vmem>>, vector<16xf32>,
          tpu.vector_store %swap3A_255[%swap3A_256], %max3A_252 {strides = array<i32>} : memref<128xf32, #tpu.memory_space<vmem>>, vector<16xf32>,
          %get3A_258 = arith.constant 0 : i32
          %get3A_259 = tpu.memref_slice %arg11[%squeeze3A, %get3A_258] : memref<320x128xf32, #tpu.memory_space<vmem>> -> memref<1x128xf32, #tpu.memory_space<vmem>>
          %get3A_260 = tpu.memref_squeeze %get3A_259 : memref<1x128xf32, #tpu.memory_space<vmem>> -> memref<128xf32, #tpu.memory_space<vmem>>
          %get3A_261 = arith.constant 112 : index
          %get3A_262 = tpu.vector_load %get3A_260[%get3A_261] {strides = array<i32>} : memref<128xf32, #tpu.memory_space<vmem>>, vector<16xf32>,
          %get3A_263 = arith.constant 0 : i32
          %get3A_264 = tpu.memref_slice %arg10[%sub3A_146, %get3A_263] : memref<256x128xf32, #tpu.memory_space<vmem>> -> memref<1x128xf32, #tpu.memory_space<vmem>>
          %get3A_265 = tpu.memref_squeeze %get3A_264 : memref<1x128xf32, #tpu.memory_space<vmem>> -> memref<128xf32, #tpu.memory_space<vmem>>
          %get3A_266 = arith.constant 112 : index
          %get3A_267 = tpu.vector_load %get3A_265[%get3A_266] {strides = array<i32>} : memref<128xf32, #tpu.memory_space<vmem>>, vector<16xf32>,
          %max3A_268 = arith.maximumf %get3A_262, %get3A_267 : vector<16xf32>
          %swap3A_269 = arith.constant 0 : i32
          %swap3A_270 = tpu.memref_slice %arg11[%squeeze3A, %swap3A_269] : memref<320x128xf32, #tpu.memory_space<vmem>> -> memref<1x128xf32, #tpu.memory_space<vmem>>
          %swap3A_271 = tpu.memref_squeeze %swap3A_270 : memref<1x128xf32, #tpu.memory_space<vmem>> -> memref<128xf32, #tpu.memory_space<vmem>>
          %swap3A_272 = arith.constant 112 : index
          %swap3A_273 = tpu.vector_load %swap3A_271[%swap3A_272] {strides = array<i32>} : memref<128xf32, #tpu.memory_space<vmem>>, vector<16xf32>,
          tpu.vector_store %swap3A_271[%swap3A_272], %max3A_268 {strides = array<i32>} : memref<128xf32, #tpu.memory_space<vmem>>, vector<16xf32>,
          %while3A_274 = arith.constant 0 : i32
          scf.yield %while3A_274 : i32
        }
        %while3A_143 = arith.constant 0 : i32
        scf.yield %while3A_143 : i32
      }
      %scan3A_90 = arith.constant 0 : i32
      scf.yield %scan3A_90 : i32
    }
    %scan3A_25 = arith.constant 25 : i32
    "tpu.region"() ({
      %run_scoped3A = tpu.sem_alloc : memref<!tpu.dma_semaphore, #tpu.memory_space<semaphore_mem>>
      %dma_start3A = arith.constant 0 : i32
      %dma_start3A_26 = tpu.memref_slice %arg5[%mul3A_2, %dma_start3A] : memref<10240x128xf32, #tpu.memory_space<hbm>> -> memref<320x128xf32, #tpu.memory_space<hbm>>
      %dma_start3A_27 = arith.constant 0 : i32
      %dma_start3A_28 = tpu.memref_slice %arg5[%mul3A_2, %dma_start3A_27] : memref<10240x128xf32, #tpu.memory_space<hbm>> -> memref<320x128xf32, #tpu.memory_space<hbm>>
      tpu.enqueue_dma source(%arg11 : memref<320x128xf32, #tpu.memory_space<vmem>>) target(%dma_start3A_28 : memref<320x128xf32, #tpu.memory_space<hbm>>) target_semaphore(%run_scoped3A : memref<!tpu.dma_semaphore, #tpu.memory_space<semaphore_mem>>)
      %dma_wait3A = arith.constant 0 : i32
      %dma_wait3A_29 = tpu.memref_slice %arg5[%mul3A_2, %dma_wait3A] : memref<10240x128xf32, #tpu.memory_space<hbm>> -> memref<320x128xf32, #tpu.memory_space<hbm>>
      %dma_wait3A_30 = arith.constant 0 : i32
      %dma_wait3A_31 = tpu.memref_slice %arg5[%mul3A_2, %dma_wait3A_30] : memref<10240x128xf32, #tpu.memory_space<hbm>> -> memref<320x128xf32, #tpu.memory_space<hbm>>
      tpu.wait_dma2 semaphore(%run_scoped3A : memref<!tpu.dma_semaphore, #tpu.memory_space<semaphore_mem>>) src(%arg11 : memref<320x128xf32, #tpu.memory_space<vmem>>) dst(%dma_wait3A_31 : memref<320x128xf32, #tpu.memory_space<hbm>>)
      tpu.yield
    }) : () -> ()
    return
  }
}

module attributes {stable_mosaic.version = 14 : i64} {
  func.func @_tc_layer_kernel(%arg0: i32, %arg1: memref<2000x128xf32, #tpu.memory_space<vmem>>, %arg2: memref<2000x128xf32, #tpu.memory_space<vmem>>, %arg3: memref<128x128xf32, #tpu.memory_space<vmem>>, %arg4: memref<1x128xf32, #tpu.memory_space<vmem>>, %arg5: memref<128x128xf32, #tpu.memory_space<vmem>>, %arg6: memref<2000x128xf32, #tpu.memory_space<vmem>>) attributes {dimension_semantics = [#tpu.dimension_semantics<arbitrary>], iteration_bounds = array<i64: 5>, scalar_prefetch = 0 : i64, scratch_operands = 0 : i64, tpu.core_type = #tpu.core_type<tc>, window_params = [{transform_indices = @transform_0, window_bounds = array<i64: 2000, 128>}, {transform_indices = @transform_1, window_bounds = array<i64: 2000, 128>}, {pipeline_mode = #tpu.pipeline_mode<synchronous>, transform_indices = @transform_2, window_bounds = array<i64: 128, 128>}, {pipeline_mode = #tpu.pipeline_mode<synchronous>, transform_indices = @transform_3, window_bounds = array<i64: 1, 128>}, {pipeline_mode = #tpu.pipeline_mode<synchronous>, transform_indices = @transform_4, window_bounds = array<i64: 128, 128>}, {transform_indices = @transform_5, window_bounds = array<i64: 2000, 128>}]} {
    %get3A = arith.constant 0 : index
    %get3A_0 = arith.constant 0 : index
    %get3A_1 = vector.load %arg2[%get3A, %get3A_0] : memref<2000x128xf32, #tpu.memory_space<vmem>>, vector<2000x128xf32>
    %is_finite3A = tpu.weird %get3A_1 : vector<2000x128xf32> -> vector<2000x128xi1>
    %is_finite3A_2 = arith.constant dense<true> : vector<2000x128xi1>
    %is_finite3A_3 = arith.xori %is_finite3A, %is_finite3A_2 : vector<2000x128xi1>
    %jit3A = arith.constant 0.000000e+00 : f32
    %broadcast_in_dim3A = vector.broadcast %jit3A : f32 to vector<2000x128xf32>
    %select_n3A = arith.select %is_finite3A_3, %get3A_1, %broadcast_in_dim3A : vector<2000x128xi1>, vector<2000x128xf32>
    %get3A_4 = arith.constant 0 : index
    %get3A_5 = arith.constant 0 : index
    %get3A_6 = vector.load %arg3[%get3A_4, %get3A_5] : memref<128x128xf32, #tpu.memory_space<vmem>>, vector<128x128xf32>
    %dot_general3A = arith.constant dense<0.000000e+00> : vector<2000x128xf32>
    %dot_general3A_7 = tpu.matmul %select_n3A, %get3A_6, %dot_general3A {dimension_numbers = #tpu.dot_dimension_numbers<[1], [0], [0], [1], [0, 0, 1, 1], [], []>, transpose_lhs_hint = false} : vector<2000x128xf32>, vector<128x128xf32>, vector<2000x128xf32> -> vector<2000x128xf32>
    %get3A_8 = arith.constant 0 : index
    %get3A_9 = arith.constant 0 : index
    %get3A_10 = vector.load %arg1[%get3A_8, %get3A_9] : memref<2000x128xf32, #tpu.memory_space<vmem>>, vector<2000x128xf32>
    %get3A_11 = arith.constant 0 : index
    %get3A_12 = arith.constant 0 : index
    %get3A_13 = vector.load %arg5[%get3A_11, %get3A_12] : memref<128x128xf32, #tpu.memory_space<vmem>>, vector<128x128xf32>
    %dot_general3A_14 = arith.constant dense<0.000000e+00> : vector<2000x128xf32>
    %dot_general3A_15 = tpu.matmul %get3A_10, %get3A_13, %dot_general3A_14 {dimension_numbers = #tpu.dot_dimension_numbers<[1], [0], [0], [1], [0, 0, 1, 1], [], []>, transpose_lhs_hint = false} : vector<2000x128xf32>, vector<128x128xf32>, vector<2000x128xf32> -> vector<2000x128xf32>
    %add3A = arith.addf %dot_general3A_7, %dot_general3A_15 : vector<2000x128xf32>
    %get3A_16 = arith.constant 0 : index
    %get3A_17 = arith.constant 0 : index
    %get3A_18 = vector.load %arg4[%get3A_16, %get3A_17] : memref<1x128xf32, #tpu.memory_space<vmem>>, vector<1x128xf32>
    %add3A_19 = vector.broadcast %get3A_18 : vector<1x128xf32> to vector<2000x128xf32>
    %add3A_20 = arith.addf %add3A, %add3A_19 : vector<2000x128xf32>
    %max3A = arith.constant 0.000000e+00 : f32
    %max3A_21 = vector.broadcast %max3A : f32 to vector<2000x128xf32>
    %max3A_22 = arith.maximumf %add3A_20, %max3A_21 : vector<2000x128xf32>
    %swap3A = arith.constant 0 : index
    %swap3A_23 = arith.constant 0 : index
    %swap3A_24 = vector.load %arg6[%swap3A, %swap3A_23] : memref<2000x128xf32, #tpu.memory_space<vmem>>, vector<2000x128xf32>
    tpu.vector_store %arg6[%swap3A, %swap3A_23], %max3A_22 {strides = array<i32>} : memref<2000x128xf32, #tpu.memory_space<vmem>>, vector<2000x128xf32>,
    return
  }
  func.func @transform_0(%arg0: i32) -> (i32, i32) {
    %c0_i32 = arith.constant 0 : i32
    %c0_i32_0 = arith.constant 0 : i32
    return %arg0, %c0_i32 : i32, i32
  }
  func.func @transform_1(%arg0: i32) -> (i32, i32) {
    %c0_i32 = arith.constant 0 : i32
    %c0_i32_0 = arith.constant 0 : i32
    return %arg0, %c0_i32 : i32, i32
  }
  func.func @transform_2(%arg0: i32) -> (i32, i32) {
    %c0_i32 = arith.constant 0 : i32
    %c0_i32_0 = arith.constant 0 : i32
    %c0_i32_1 = arith.constant 0 : i32
    return %c0_i32, %c0_i32_0 : i32, i32
  }
  func.func @transform_3(%arg0: i32) -> (i32, i32) {
    %c0_i32 = arith.constant 0 : i32
    %c0_i32_0 = arith.constant 0 : i32
    %c0_i32_1 = arith.constant 0 : i32
    return %c0_i32, %c0_i32_0 : i32, i32
  }
  func.func @transform_4(%arg0: i32) -> (i32, i32) {
    %c0_i32 = arith.constant 0 : i32
    %c0_i32_0 = arith.constant 0 : i32
    %c0_i32_1 = arith.constant 0 : i32
    return %c0_i32, %c0_i32_0 : i32, i32
  }
  func.func @transform_5(%arg0: i32) -> (i32, i32) {
    %c0_i32 = arith.constant 0 : i32
    %c0_i32_0 = arith.constant 0 : i32
    return %arg0, %c0_i32 : i32, i32
  }
}

module attributes {stable_mosaic.version = 14 : i64} {
  func.func @_tc_final_kernel(%arg0: i32, %arg1: memref<2000x128xf32, #tpu.memory_space<vmem>>, %arg2: memref<128x128xf32, #tpu.memory_space<vmem>>, %arg3: memref<1x128xf32, #tpu.memory_space<vmem>>, %arg4: memref<1x128xf32, #tpu.memory_space<vmem>>, %arg5: memref<2000x1xf32, #tpu.memory_space<vmem>>) attributes {dimension_semantics = [#tpu.dimension_semantics<arbitrary>], iteration_bounds = array<i64: 5>, scalar_prefetch = 0 : i64, scratch_operands = 0 : i64, tpu.core_type = #tpu.core_type<tc>, window_params = [{transform_indices = @transform_0, window_bounds = array<i64: 2000, 128>}, {pipeline_mode = #tpu.pipeline_mode<synchronous>, transform_indices = @transform_1, window_bounds = array<i64: 128, 128>}, {pipeline_mode = #tpu.pipeline_mode<synchronous>, transform_indices = @transform_2, window_bounds = array<i64: 1, 128>}, {pipeline_mode = #tpu.pipeline_mode<synchronous>, transform_indices = @transform_3, window_bounds = array<i64: 1, 128>}, {transform_indices = @transform_4, window_bounds = array<i64: 2000, 1>}]} {
    %get3A = arith.constant 0 : index
    %get3A_0 = arith.constant 0 : index
    %get3A_1 = vector.load %arg1[%get3A, %get3A_0] : memref<2000x128xf32, #tpu.memory_space<vmem>>, vector<2000x128xf32>
    %get3A_2 = arith.constant 0 : index
    %get3A_3 = arith.constant 0 : index
    %get3A_4 = vector.load %arg2[%get3A_2, %get3A_3] : memref<128x128xf32, #tpu.memory_space<vmem>>, vector<128x128xf32>
    %dot_general3A = arith.constant dense<0.000000e+00> : vector<2000x128xf32>
    %dot_general3A_5 = tpu.matmul %get3A_1, %get3A_4, %dot_general3A {dimension_numbers = #tpu.dot_dimension_numbers<[1], [0], [0], [1], [0, 0, 1, 1], [], []>, transpose_lhs_hint = false} : vector<2000x128xf32>, vector<128x128xf32>, vector<2000x128xf32> -> vector<2000x128xf32>
    %get3A_6 = arith.constant 0 : index
    %get3A_7 = arith.constant 0 : index
    %get3A_8 = vector.load %arg3[%get3A_6, %get3A_7] : memref<1x128xf32, #tpu.memory_space<vmem>>, vector<1x128xf32>
    %add3A = vector.broadcast %get3A_8 : vector<1x128xf32> to vector<2000x128xf32>
    %add3A_9 = arith.addf %dot_general3A_5, %add3A : vector<2000x128xf32>
    %get3A_10 = arith.constant 0 : index
    %get3A_11 = arith.constant 0 : index
    %get3A_12 = vector.load %arg4[%get3A_10, %get3A_11] : memref<1x128xf32, #tpu.memory_space<vmem>>, vector<1x128xf32>
    %mul3A = arith.mulf %get3A_12, %get3A_12 : vector<1x128xf32>
    %reduce_sum3A = vector.shape_cast %mul3A : vector<1x128xf32> to vector<1x1x128xf32>
    %reduce_sum3A_13 = arith.constant dense<0.000000e+00> : vector<1xf32>
    %reduce_sum3A_14 = vector.multi_reduction <add>, %reduce_sum3A, %reduce_sum3A_13 [1, 2] : vector<1x1x128xf32> to vector<1xf32>
    %reduce_sum3A_15 = vector.shape_cast %reduce_sum3A_14 : vector<1xf32> to vector<1x1x1xf32>
    %reduce_sum3A_16 = vector.extract %reduce_sum3A_15[0, 0, 0] : f32 from vector<1x1x1xf32>
    %sqrt3A = math.sqrt %reduce_sum3A_16 : f32
    %mul3A_17 = arith.mulf %add3A_9, %add3A_9 : vector<2000x128xf32>
    %reduce_sum3A_18 = arith.constant dense<0.000000e+00> : vector<2000xf32>
    %reduce_sum3A_19 = vector.multi_reduction <add>, %mul3A_17, %reduce_sum3A_18 [1] : vector<2000x128xf32> to vector<2000xf32>
    %broadcast_in_dim3A = vector.shape_cast %reduce_sum3A_19 : vector<2000xf32> to vector<2000x1xf32>
    %sqrt3A_20 = math.sqrt %broadcast_in_dim3A : vector<2000x1xf32>
    %transpose3A = tpu.transpose %get3A_12, [1, 0] : vector<1x128xf32> -> vector<128x1xf32>
    %dot_general3A_21 = arith.constant dense<0.000000e+00> : vector<2000x1xf32>
    %dot_general3A_22 = tpu.matmul %add3A_9, %transpose3A, %dot_general3A_21 {dimension_numbers = #tpu.dot_dimension_numbers<[1], [0], [0], [1], [0, 0, 1, 1], [], []>, transpose_lhs_hint = false} : vector<2000x128xf32>, vector<128x1xf32>, vector<2000x1xf32> -> vector<2000x1xf32>
    %max3A = arith.constant 9.99999996E-13 : f32
    %max3A_23 = vector.broadcast %max3A : f32 to vector<2000x1xf32>
    %max3A_24 = arith.maximumf %sqrt3A_20, %max3A_23 : vector<2000x1xf32>
    %max3A_25 = arith.constant 9.99999996E-13 : f32
    %max3A_26 = arith.maximumf %sqrt3A, %max3A_25 : f32
    %mul3A_27 = vector.broadcast %max3A_26 : f32 to vector<2000x1xf32>
    %mul3A_28 = arith.mulf %max3A_24, %mul3A_27 : vector<2000x1xf32>
    %div3A = arith.divf %dot_general3A_22, %mul3A_28 : vector<2000x1xf32>
    %swap3A = arith.constant 0 : index
    %swap3A_29 = arith.constant 0 : index
    %swap3A_30 = vector.load %arg5[%swap3A, %swap3A_29] : memref<2000x1xf32, #tpu.memory_space<vmem>>, vector<2000x1xf32>
    tpu.vector_store %arg5[%swap3A, %swap3A_29], %div3A {strides = array<i32>} : memref<2000x1xf32, #tpu.memory_space<vmem>>, vector<2000x1xf32>,
    return
  }
  func.func @transform_0(%arg0: i32) -> (i32, i32) {
    %c0_i32 = arith.constant 0 : i32
    %c0_i32_0 = arith.constant 0 : i32
    return %arg0, %c0_i32 : i32, i32
  }
  func.func @transform_1(%arg0: i32) -> (i32, i32) {
    %c0_i32 = arith.constant 0 : i32
    %c0_i32_0 = arith.constant 0 : i32
    %c0_i32_1 = arith.constant 0 : i32
    return %c0_i32, %c0_i32_0 : i32, i32
  }
  func.func @transform_2(%arg0: i32) -> (i32, i32) {
    %c0_i32 = arith.constant 0 : i32
    %c0_i32_0 = arith.constant 0 : i32
    %c0_i32_1 = arith.constant 0 : i32
    return %c0_i32, %c0_i32_0 : i32, i32
  }
  func.func @transform_3(%arg0: i32) -> (i32, i32) {
    %c0_i32 = arith.constant 0 : i32
    %c0_i32_0 = arith.constant 0 : i32
    %c0_i32_1 = arith.constant 0 : i32
    return %c0_i32, %c0_i32_0 : i32, i32
  }
  func.func @transform_4(%arg0: i32) -> (i32, i32) {
    %c0_i32 = arith.constant 0 : i32
    %c0_i32_0 = arith.constant 0 : i32
    return %arg0, %c0_i32 : i32, i32
  }
}

</mosaic_0001>

<sc_bundles>
// kernel: kernel.12.cloned.1.call-start
scs
__scs_entry_jumppad:
0x0: {  	(pc) =	sbr.rel $0x88, $3  }
0x1: {  	(tag) =	ssettag $0x0;
	lr =	simm.s32 $0x1  }
0x2: {  	[smem:$0x3F93] =	sst lr;
	_ =	strace $0xD0000000  }
0x3: {  	_ = 	snop  }
0x4: {  	_ = 	snop  }
0x5: {  	_ = 	snop  }
0x6: {  	_ = 	snop  }
0x7: {  	_ = 	snop  }
__scs_overlays_trampoline_lowered:
0x8: {  	[smem:$0x3FA2] =	sst s0  }
0x9: {  	[smem:$0x3FA3] =	sst s1  }
0xa: {  	[smem:$0x3FA4] =	sst s2  }
0xb: {  	[smem:$0x3FA5] =	sst s3  }
0xc: {  	[smem:$0x3FA6] =	sst s4  }
0xd: {  	[smem:$0x3FA7] =	sst s5  }
0xe: {  	[smem:$0x3FA8] =	sst s6  }
0xf: {  	[smem:$0x3FA9] =	sst s7  }
0x10: {  	[smem:$0x3FAA] =	sst s8  }
0x11: {  	[smem:$0x3FAB] =	sst s9;
	s0 =	simm.s32 @!p0 $0x0  }
0x12: {  	s1 =	sld [smem:$0x3F91];
	s0 =	simm.s32 @p0 $0x1  }
0x13: {  	[smem:$0x3FAC] =	sst s0;
	s0 =	simm.s32 @!p1 $0x0  }
0x14: {  	s2 =	sld [smem:$0x3F90];
	s0 =	simm.s32 @p1 $0x1  }
0x15: {  	[smem:$0x3FAD] =	sst s0;
	s0 =	simm.s32 @!p2 $0x0  }
0x16: {  	s3 =	sld [smem:$0x3FDB];
	s0 =	simm.s32 @p2 $0x1  }
0x17: {  	s4 =	simm.s32 $0x1BF5;
	[smem:$0x3FAF] =	sst s0  }
0x18: {  	s0 =	sld [smem:$0x3F92];
	_ =	swait.ge [sflag:s4], $0x0  }
0x19: {  	s7 =	sld [smem:$0x3F93]  }
0x1a: {  	s8 =	sadd.s32 $0xFFFFE003, lr  }
0x1b: {  	s9 =	sadd.s32 $0xFFFFFEF7, lr;
	s5 =	simm.s32 $0xFFFFFFFF;
	p2 =	slt.u32 s8, $0xFFFFF086  }
0x1c: {  	p1 =	slt.u32 s9, $0xF7A;
	s5 =	simm.s32 @!p2 $0x0  }
0x1d: {  	s5 =	simm.s32 @p1 $0x1;
	p0 =	seq.s32 s7, s2  }
0x1e: {  	s7 =	smul.u32 @!p0 $0xF7A, s2;
	p2 =	seq.s32 @!p0 s5, $0x0  }
0x1f: {  	s9 =	smul.u32 $0xF7A, s1;
	s8 =	simm.s32 @!p0 $0x1BF5;
	p2 =	por !p2, p0  }
0x20: {  	[sflag:s8] =	ssyncset.s32 @!p0 $0xFFFFF086;
	s6 =	sadd.s32 @!p0 s3, s7;
	s7 =	simm.s32 @!p0 $0x108  }
0x21: {  	s3 =	sadd.s32 s3, s9;
	s6 =	sadd.s32 @!p0 $0x88, s6;
	s7 =	simm.s32 @p2 $0x1082  }
0x22: {  	[simem:s7], [sflag:s8] =	dma.local @!p0 [hbm:s6], $0xF7A  }
0x23: {  	s9 =	sor.u32 $0xD0000000, s2;
	s6 =	simm.s32 $0x108;
	_ =	swait.ge @!p0 [sflag:s8], $0x0  }
0x24: {  	s3 =	sadd.s32 $0x88, s3;
	s6 =	simm.s32 @!p1 $0x1082;
	[sflag:s4] =	ssyncset.s32 $0xFFFFF086  }
0x25: {  	[simem:s6], [sflag:s4] =	dma.local [hbm:s3], $0xF7A  }
0x26: {  	[smem:$0x3F93] =	sst s1;
	(tag) =	ssettag s2;
	_ =	strace s9  }
0x27: {  	s1 =	sld [smem:$0x3FA3]  }
0x28: {  	s2 =	sld [smem:$0x3FA4]  }
0x29: {  	s4 =	sld [smem:$0x3FA6]  }
0x2a: {  	p0 =	seq.s32 s5, $0x0;
	s5 =	sld [smem:$0x3FA7]  }
0x2b: {  	s6 =	sld [smem:$0x3FA8]  }
0x2c: {  	s7 =	sld [smem:$0x3FA9]  }
0x2d: {  	s3 =	simm.s32 $0x108;
	s8 =	sld [smem:$0x3FAA]  }
0x2e: {  	s3 =	simm.s32 @!p0 $0x1082;
	s9 =	sld [smem:$0x3FAB]  }
0x2f: {  	lr =	sadd.s32 s0, s3;
	s0 =	sld [smem:$0x3FA2]  }
0x30: {  	s3 =	sld [smem:$0x3FA5]  }
0x31: {  	[smem:$0x3FAE] =	sst s10  }
0x32: {  	s10 =	sld [smem:$0x3FAC];
	_ =	sdelay $0x3  }
0x33: {  	p0 =	seq.s32 s10, $0x1;
	s10 =	sld [smem:$0x3FAE];
	_ =	sdelay $0x3  }
0x34: {  	[smem:$0x3FAE] =	sst s10  }
0x35: {  	s10 =	sld [smem:$0x3FAD];
	_ =	sdelay $0x3  }
0x36: {  	p1 =	seq.s32 s10, $0x1;
	s10 =	sld [smem:$0x3FAE];
	_ =	sdelay $0x3  }
0x37: {  	[smem:$0x3FAE] =	sst s10  }
0x38: {  	s10 =	sld [smem:$0x3FAF]  }
0x39: {  	_ = 	snop;
	(pc) =	sbr.ind lr, $3  }
0x3a: {  	_ = 	snop  }
0x3b: {  	_ = 	snop  }
0x3c: {  	p2 =	seq.s32 s10, $0x1;
	s10 =	sld [smem:$0x3FAE]  }
0x3d: {  	_ =	shalt  }
0x3e: {  	_ =	shalt  }
0x3f: {  	_ =	shalt  }
0x40: {  	_ =	shalt  }
0x41: {  	_ =	shalt  }
0x42: {  	_ =	shalt  }
0x43: {  	_ =	shalt  }
0x44: {  	_ =	shalt  }
0x45: {  	_ =	shalt  }
0x46: {  	_ =	shalt  }
0x47: {  	_ =	shalt  }
0x48: {  	_ =	shalt  }
0x49: {  	_ =	shalt  }
0x4a: {  	_ =	shalt  }
0x4b: {  	_ =	shalt  }
0x4c: {  	_ =	shalt  }
0x4d: {  	_ =	shalt  }
0x4e: {  	_ =	shalt  }
0x4f: {  	_ =	shalt  }
0x50: {  	_ =	shalt  }
0x51: {  	_ =	shalt  }
0x52: {  	_ =	shalt  }
0x53: {  	_ =	shalt  }
0x54: {  	_ =	shalt  }
0x55: {  	_ =	shalt  }
0x56: {  	_ =	shalt  }
0x57: {  	_ =	shalt  }
0x58: {  	_ =	shalt  }
0x59: {  	_ =	shalt  }
0x5a: {  	_ =	shalt  }
0x5b: {  	_ =	shalt  }
0x5c: {  	_ =	shalt  }
0x5d: {  	_ =	shalt  }
0x5e: {  	_ =	shalt  }
0x5f: {  	_ =	shalt  }
0x60: {  	_ =	shalt  }
0x61: {  	_ =	shalt  }
0x62: {  	_ =	shalt  }
0x63: {  	_ =	shalt  }
0x64: {  	_ =	shalt  }
0x65: {  	_ =	shalt  }
0x66: {  	_ =	shalt  }
0x67: {  	_ =	shalt  }
0x68: {  	_ =	shalt  }
0x69: {  	_ =	shalt  }
0x6a: {  	_ =	shalt  }
0x6b: {  	_ =	shalt  }
0x6c: {  	_ =	shalt  }
0x6d: {  	_ =	shalt  }
0x6e: {  	_ =	shalt  }
0x6f: {  	_ =	shalt  }
0x70: {  	_ =	shalt  }
0x71: {  	_ =	shalt  }
0x72: {  	_ =	shalt  }
0x73: {  	_ =	shalt  }
0x74: {  	_ =	shalt  }
0x75: {  	_ =	shalt  }
0x76: {  	_ =	shalt  }
0x77: {  	_ =	shalt  }
0x78: {  	_ =	shalt  }
0x79: {  	_ =	shalt  }
0x7a: {  	_ =	shalt  }
0x7b: {  	_ =	shalt  }
0x7c: {  	_ =	shalt  }
0x7d: {  	_ =	shalt  }
0x7e: {  	_ =	shalt  }
0x7f: {  	_ =	shalt  }
0x80: {  	_ =	shalt  }
0x81: {  	_ =	shalt  }
0x82: {  	_ =	shalt  }
0x83: {  	_ =	shalt  }
0x84: {  	_ =	shalt  }
0x85: {  	_ =	shalt  }
0x86: {  	_ =	shalt  }
0x87: {  	_ =	shalt  }
.Lfunc_end0:
.L_simem_size_0:
called_computation.1_lowered:
.L_overlay_start_0:
0x88: {  	s2 =	sld [smem:$0x3FD9]  }
0x89: {  	s3 =	sld [smem:$0x3FFE];
	_ =	sdelay $0x1  }
0x8a: {  	s1 =	srdreg.scid  }
0x8b: {  	s0 =	sand.u32 $0x1, s1  }
0x8c: {  	s16 =	sshll.u32 s0, $0xA;
	s2 =	sadd.s32 s3, s2  }
0x8d: {  	s2 =	sadd.s32 s2, s16  }
0x8e: {  	[smem:$0x3FBA] =	sst s2  }
0x8f: {  	_ = 	snop  }
0x90: {  	(tm) =	ssettm $0x1  }
0x91: {  	s17 =	sld [smem:$0x3FFB];
	_ =	sdelay $0x3  }
0x92: {  	_ =	strace s17  }
0x93: {  	s2 =	sld [smem:$0x3FFC];
	_ =	sdelay $0x3  }
0x94: {  	_ =	strace s2  }
0x95: {  	s2 =	sld [smem:$0x3FFD];
	_ =	sdelay $0x3  }
0x96: {  	_ =	strace s2  }
0x97: {  	_ =	strace $0x8FFFFFFF  }
0x98: {  	s18 =	sld [smem:$0x3FDB];
	_ =	sdelay $0x1  }
0x99: {  	s19 =	simm.s32 $_scs_section_size  }
0x9a: {  	s4 =	simm.s32 $_size__tile_overlayer_lowered;
	s5 =	simm.s32 $_tile_overlayer_lowered  }
0x9b: {  	s22 =	simm.s32 $0x1BFF;
	s21 =	sshll.u32 s5, $0x1;
	s2 =	sadd.s32 s19, s18  }
0x9c: {  	s6 =	simm.s32 $0x0;
	s20 =	sshll.u32 s4, $0x1;
	s4 =	sadd.s32 s21, s2  }
0x9d: {  	[timem:s6], [sflag:s22] =	dma.local [hbm:s4], s20  }
0x9e: {  	_ =	swait.ge [sflag:s22], s20  }
0x9f: {  	s3 =	ssub.s32 $0x0, s20;
	[sflag:s22] =	ssyncset.done $0x0  }
0xa0: {  	[sflag:s22] =	ssyncadd.s32 s3;
	_ =	sdelay $0x1  }
0xa1: {  	s23 =	simm.s32 $0x1B8B  }
0xa2: {  	_ =	swait.ge [sflag:s23], $0x1  }
0xa3: {  	[sflag:s23] =	ssyncset.done $0x0  }
0xa4: {  	s25 =	simm.s32 $0x1B8E;
	s24 =	sld [smem:$0x3FFE];
	[sflag:s23] =	ssyncadd.s32 $0xFFFFFFFF  }
0xa5: {  	s26 =	simm.s32 $execute0_lowered;
	[smem:$0x3FD2] =	sst s25  }
0xa6: {  	s4 =	sshll.u32 s26, $0x1;
	_ =	strace $0x80000049;
	[dreg:$0x1] =	wrdreg $0xFFFFFFFF  }
0xa7: {  	s28 =	simm.s32 $_size_execute0_lowered;
	s2 =	sadd.s32 s2, s4;
	[dreg:$0x0] =	wrdreg $0x0  }
0xa8: {  	s4 =	sshll.u32 s28, $0x1;
	[dreg:$0x2] =	wrdreg s2  }
0xa9: {  	[dreg:$0x3] =	wrdreg s4  }
0xaa: {  	[dreg:$0x4] =	wrdreg $0xC0  }
0xab: {  	_ =	task [dreg:s6], $0x5FFFF  }
0xac: {  	[dreg:$0x1] =	wrdreg $0xFFFFFFFF  }
0xad: {  	[dreg:$0x0] =	wrdreg $0x60  }
0xae: {  	[dreg:$0x2] =	wrdreg s24  }
0xaf: {  	[dreg:$0x3] =	wrdreg $0x9  }
0xb0: {  	_ =	task.clear_ibuf [dreg:s6], $0x4FFFF;
	_ =	strace $0x90000049  }
0xb1: {  	s29 =	simm.s32 $0x9;
	_ =	strace $0x8000004B  }
0xb2: {  	_ =	swait.ge [sflag:s29], $0x1  }
0xb3: {  	[sflag:s29] =	ssyncadd.s32 $0xFFFFFFFF  }
0xb4: {  	_ =	strace $0x9000004B  }
0xb5: {  	_ =	sfence  }
0xb6: {  	s30 =	sld [smem:$0x0];
	_ =	sdelay $0x2  }
0xb7: {  	s31 =	sshll.u32 s1, $0xD;
	s1 =	sshrl.u32 s1, $0x2  }
0xb8: {  	s3 =	sand.u32 $0x4000, s31;
	s1 =	sadd.s32 s1, s30  }
0xb9: {  	s0 =	sor.u32 s3, s0;
	s1 =	sshll.u32 s1, $0x11  }
0xba: {  	s0 =	sor.u32 s1, s0  }
0xbb: {  	s0 =	sadd.s32 $0x8F2B, s0  }
0xbc: {  	[sflag:s0] =	ssyncadd.remote.s32 $0x1  }
0xbd: {  	_ =	sfence.sel $0xFFFF  }
0xbe: {  	[dreg:$0x0] =	wrdreg $0xFFFFFFFF;
	(pc) =	sbr.abs _section_cstart, $3  }
0xbf: {  	[dreg:$0x1] =	wrdreg $0xFFFFFFFF  }
0xc0: {  	_ =	task.clear_ibuf [dreg:s6], $0x2FFFF;
	_ =	strace $0x9FFFFFFF  }
0xc1: {  	(tm) =	ssettm $0x7FFFFFFF  }
tec
execute0_lowered:
.L_overlay_start_1:
0x0: {  	(tag) =	ssettag $0x1  }
0x1: {  	s1 =	srdreg.scid;
	s0 =	stileid.u32  }
0x2: {  	s6 =	rddreg [dreg:$0x0];
	s2 =	simm.s32 $0x0;
	s10 =	simm.s32 $0x6400  }
0x3: {  	s11 =	simm.s32 $0x9680;
	s12 =	simm.s32 $0x80;
	s14 =	simm.s32 $0x10900  }
0x4: {  	s15 =	simm.s32 $0x2;
	s7 =	sand.u32 $0x1, s1;
	s3 =	sshll.u32 s0, $0x1  }
0x5: {  	s17 =	simm.s32 $0x3;
	s1 =	rddreg [dreg:$0x1];
	s4 =	sor.u32 s7, s3  }
0x6: {  	s18 =	simm.s32 $0x0;
	[smem:$0x7FF] =	sst s2;
	s8 =	smul.u32 $0x1400, s4  }
0x7: {  	s5 =	sadd.s32 $0x3200, s6;
	s7 =	ssub.s32 $0x2, s7;
	s13 =	smul.u32 $0x140, s4  }
.Ltmp0:
0x8: {  	_ =	strace $0x8000004A;
	s31 =	sshrl.u32 s7, $0x1;
	(pc) =	sbr.rel .LBB2_1-.Ltmp0, $4  }
0x9: {  	s3 =	sadd.s32 $0x16E00, s6;
	s4 =	sadd.s32 $0xD000, s6;
	s7 =	ssub.s32 s7, s31  }
0xa: {  	s6 =	sadd.s32 s8, s6;
	s9 =	smin.u32 s13, $0x25D0;
	s7 =	smax.u32 s7, $0x1  }
0xb: {  	s8 =	simm.s32 $0x3200;
	v0 =	vmov s13;
	s13 =	simm.s32 $0xC900;
	s16 =	sadd.s32 $0x140, s9  }
0xc: {  	v2 =	vimm.f32 $-Inf;
	v3 =	vimm.s32 $0x0;
	s6 =	sadd.s32 $0x3E000, s6;
	s9 =	simm.s32 $0x1;
	v1 =	vmov s16;
	s16 =	simm.s32 $0x14900  }
.LBB2_16:
0xd: {  	s18 =	sadd.s32 $0x1, s18  }
0xe: {  	p0 =	sne.s32 s18, s7  }
.Ltmp1:
0xf: {  	_ = 	snop;
	(pc) =	sbr.rel @!p0 .LBB2_17-.Ltmp1, $4  }
0x10: {  	[hbm4b:s6+s2] =	stream.linear.scatter [tilespmem:s16], [sflag:$0x3], $0xA000, $0x38;
	[tilespmem:$0x1E900] =	vst v63  }
0x11: {  	_ =	swait.ge [sflag:s17], $0xA000  }
0x12: {  	[sflag:s17] =	ssyncset.done $0x0  }
0x13: {  	[sflag:s17] =	ssyncadd.s32 $0xFFFF6000  }
.LBB2_1:
0x14: {  	s20 =	simm.s32 $0x0;
	s19 =	simm.s32 $0x200  }
.LBB2_2:
0x15: {  	p0 =	sne.s32 s19, $0x27E00;
	[tilespmem:s20+$0x14970] =	vst v2  }
0x16: {  	[tilespmem:s20+$0x14900] =	vst v2  }
0x17: {  	[tilespmem:s20+$0x14910] =	vst v2  }
.Ltmp2:
0x18: {  	[tilespmem:s20+$0x14920] =	vst v2;
	(pc) =	sbr.rel @p0 .LBB2_2-.Ltmp2, $4  }
0x19: {  	[tilespmem:s20+$0x14930] =	vst v2  }
0x1a: {  	[tilespmem:s20+$0x14940] =	vst v2  }
0x1b: {  	[tilespmem:s20+$0x14950] =	vst v2  }
0x1c: {  	[tilespmem:s20+$0x14960] =	vst v2;
	s20 =	sshra.s32 s19, $0x2;
	s19 =	sadd.s32 $0x200, s19  }
0x1d: {  	[tilespmem:s20+$0x14970] =	vst v2  }
0x1e: {  	[tilespmem:s20+$0x14900] =	vst v2  }
0x1f: {  	[tilespmem:s20+$0x14910] =	vst v2  }
0x20: {  	[tilespmem:s20+$0x14920] =	vst v2  }
0x21: {  	[tilespmem:s20+$0x14930] =	vst v2  }
0x22: {  	[tilespmem:s20+$0x14940] =	vst v2  }
0x23: {  	[tilespmem:s20+$0x14950] =	vst v2  }
0x24: {  	s19 =	simm.s32 $0x0;
	[tilespmem:s20+$0x14960] =	vst v2;
	s20 =	simm.s32 $0x40;
	s21 =	simm.s32 $0x0  }
.LBB2_4:
0x25: {  	p0 =	sne.s32 s20, $0xC800;
	[tilespmem:s21+$0x6400] =	vst v3;
	s21 =	smov.u32 s20;
	s20 =	sadd.s32 $0x40, s20  }
.Ltmp3:
0x26: {  	(pc) =	sbr.rel @p0 .LBB2_4-.Ltmp3, $2  }
0x27: {  	_ =	sdelay $0x2  }
0x28: {  	s21 =	sshra.s32 s21, $0x2  }
.Ltmp4:
0x29: {  	(pc) =	sbr.rel .LBB2_6-.Ltmp4, $2  }
0x2a: {  	_ =	sdelay $0x2  }
0x2b: {  	[tilespmem:s21+$0x6400] =	vst v3  }
.LBB2_15:
0x2c: {  	s19 =	sadd.s32 $0x1, s19  }
0x2d: {  	p0 =	sne.s32 s19, $0x19  }
.Ltmp5:
0x2e: {  	_ = 	snop;
	(pc) =	sbr.rel @!p0 .LBB2_16-.Ltmp5, $1  }
0x2f: {  	_ =	sdelay $0x3  }
.LBB2_6:
0x30: {  	s21 =	smul.u32 $0x640, s19;
	_ =	sdelay $0x1  }
0x31: {  	s20 =	simm.s32 $0x0;
	s22 =	sadd.s32 s5, s21  }
0x32: {  	[tilespmem:s20], [sflag:$0x1] =	stream.linear.gather [hbm4b:s22+s20], $0x3200, $0x38;
	[tilespmem:$0x1E900] =	vst v63  }
0x33: {  	s21 =	sadd.s32 s4, s21  }
0x34: {  	[tilespmem:s8], [sflag:$0x1] =	stream.linear.gather [hbm4b:s21+s20], $0x3200, $0x38;
	[tilespmem:$0x1E900] =	vst v63  }
0x35: {  	_ =	swait.ge [sflag:s9], $0x3200  }
0x36: {  	[sflag:s9] =	ssyncset.done $0x0  }
0x37: {  	[sflag:s9] =	ssyncadd.s32 $0xFFFFCE00  }
0x38: {  	_ =	swait.ge [sflag:s9], $0x3200  }
0x39: {  	[sflag:s9] =	ssyncset.done $0x0  }
0x3a: {  	s31 =	simm.s32 $0x0;
	[sflag:s9] =	ssyncadd.s32 $0xFFFFCE00  }
0x3b: {  	v4 =	vld [tilespmem:s31+$0x0];
	_ =	sdelay $0x4  }
0x3c: {  	vm0 =	vge.s32 v4, v0;
	vm1 =	vlt.s32 v4, v1  }
0x3d: {  	vm0 =	vmand vm0, vm1  }
0x3e: {  	v5 =	vmpcnt.ones.xlane vm0  }
0x3f: {  	v6 =	vsel vm0, $0x1, v3  }
0x40: {  	(xrf0) =	vadd.scan.msk.s32 $0xffff, v6;
	(v2sf) =	vpush v5, $0x0;
	_ =	sdelay $0x2  }
0x41: {  	v5 =	vmov s20  }
0x42: {  	v5 =	vadd.s32 $0xFFFFFFFF, v5  }
0x43: {  	v5 =	vbroadcast v5, $0x0  }
0x44: {  	v6, _, _ =	vpop (xrf0)  }
0x45: {  	v7 =	vld [tilespmem:s31+$0x3200];
	v5 =	vadd.s32 v6, v5;
	_ =	sdelay $0x4  }
0x46: {  	v4 =	vsub.s32 v4, v0;
	[tilespmem:v5+s10+$0x0] =	vst.idx.msk vm0, v7  }
0x47: {  	s21 =	simm.s32 $0x10;
	[tilespmem:v5+s11+$0x0] =	vst.idx.msk vm0, v4  }
0x48: {  	v4 =	vld [tilespmem:s21+$0x0]  }
0x49: {  	s22 =	simm.s32 $0x80;
	s23 =	spop (v2sf)  }
.LBB2_7:
0x4a: {  	p0 =	sne.s32 s22, $0xC7C0  }
0x4b: {  	s20 =	sadd.s32 s20, s23;
	s23 =	smov.u32 s22;
	s22 =	sadd.s32 $0x40, s22  }
0x4c: {  	v5 =	vmov s20  }
0x4d: {  	vm0 =	vge.s32 v4, v0;
	vm1 =	vlt.s32 v4, v1;
	v5 =	vadd.s32 $0xFFFFFFFF, v5  }
0x4e: {  	vm0 =	vmand vm0, vm1  }
0x4f: {  	v6 =	vsel vm0, $0x1, v3;
	v7 =	vmpcnt.ones.xlane vm0  }
0x50: {  	(xrf0) =	vadd.scan.msk.s32 $0xffff, v6  }
0x51: {  	(v2sf) =	vpush v7, $0x0;
	_ =	sdelay $0x3  }
0x52: {  	v5 =	vbroadcast v5, $0x0  }
0x53: {  	v6, _, _ =	vpop (xrf0)  }
0x54: {  	v7 =	vld [tilespmem:s21+$0x3200];
	v5 =	vadd.s32 v6, v5;
	_ =	sdelay $0x4  }
.Ltmp6:
0x55: {  	v4 =	vsub.s32 v4, v0;
	[tilespmem:v5+s10+$0x0] =	vst.idx.msk vm0, v7;
	(pc) =	sbr.rel @p0 .LBB2_7-.Ltmp6, $3  }
0x56: {  	s21 =	sshra.s32 s23, $0x2;
	[tilespmem:v5+s11+$0x0] =	vst.idx.msk vm0, v4  }
0x57: {  	v4 =	vld [tilespmem:s21+$0x0];
	_ =	sdelay $0x1  }
0x58: {  	s23 =	spop (v2sf)  }
0x59: {  	_ =	sdelay $0x1  }
0x5a: {  	vm0 =	vge.s32 v4, v0;
	vm1 =	vlt.s32 v4, v1  }
0x5b: {  	vm0 =	vmand vm0, vm1  }
0x5c: {  	v5 =	vmpcnt.ones.xlane vm0;
	_ =	sdelay $0x1  }
0x5d: {  	(v2sf) =	vpush v5, $0x0;
	_ =	sdelay $0xe  }
0x5e: {  	s22 =	sadd.s32 s20, s23;
	v5 =	vsel vm0, $0x1, v3;
	s23 =	spop (v2sf)  }
0x5f: {  	(xrf0) =	vadd.scan.msk.s32 $0xffff, v5;
	s20 =	sadd.s32 s22, s23  }
0x60: {  	s24 =	sadd.s32 $0xFF, s20  }
0x61: {  	s25 =	sand.u32 $0xFF, s24  }
0x62: {  	v5 =	vmov s22;
	s31 =	sshra.s32 s24, $0x1F;
	p1 =	slt.s32 s24, $0x1;
	p0 =	sne.s32 s25, $0x0  }
0x63: {  	v7 =	vld [tilespmem:s21+$0x3200];
	v5 =	vadd.s32 $0xFFFFFFFF, v5;
	s21 =	sshrl.u32 s31, $0x18;
	p0 =	por !p1, !p0  }
0x64: {  	v5 =	vbroadcast v5, $0x0;
	s21 =	sadd.s32 s21, s24;
	s24 =	simm.s32 $0x1;
	p0 =	por !p0, !p0  }
0x65: {  	v6, _, _ =	vpop (xrf0);
	s21 =	sshra.s32 s21, $0x8;
	s24 =	simm.s32 @!p0 $0x0  }
0x66: {  	v5 =	vadd.s32 v6, v5;
	s21 =	ssub.s32 s21, s24  }
0x67: {  	p0 =	slt.s32 s21, $0x1  }
.Ltmp7:
0x68: {  	_ = 	snop;
	(pc) =	sbr.rel @p0 .LBB2_15-.Ltmp7, $3  }
0x69: {  	_ =	sdelay $0x1  }
0x6a: {  	v4 =	vsub.s32 v4, v0;
	[tilespmem:v5+s10+$0x0] =	vst.idx.msk vm0, v7  }
0x6b: {  	[tilespmem:v5+s11+$0x0] =	vst.idx.msk vm0, v4  }
.Ltmp8:
0x6c: {  	(pc) =	sbr.rel .LBB2_10-.Ltmp8, $3  }
0x6d: {  	_ =	sdelay $0x1  }
0x6e: {  	s22 =	sadd.s32 s22, s23;
	s23 =	simm.s32 $0x100  }
0x6f: {  	s24 =	simm.s32 $0x0;
	s25 =	simm.s32 $0x9680;
	s26 =	simm.s32 $0x0  }
.LBB2_13:
0x70: {  	[tilespmem:s29+$0x14970] =	vst v4  }
.LBB2_14:
0x71: {  	s26 =	sadd.s32 $0x1, s26  }
0x72: {  	p0 =	sne.s32 s26, s21  }
.Ltmp9:
0x73: {  	_ = 	snop;
	(pc) =	sbr.rel @!p0 .LBB2_15-.Ltmp9, $2  }
0x74: {  	_ =	sdelay $0x2  }
0x75: {  	s23 =	sadd.s32 $0x100, s23;
	s24 =	sadd.s32 $0xFFFFFF00, s24;
	s25 =	sadd.s32 $0x100, s25  }
.LBB2_10:
0x76: {  	s28 =	sshll.u32 s26, $0x8  }
0x77: {  	s29 =	sadd.s32 $0x6400, s28  }
0x78: {  	[tilespmem:s13], [sflag:$0x2] =	stream.indirect.gather [hbm4b:s3+s12], $0x80, s29, s12, $0xb8;
	[tilespmem:$0x1E900] =	vst v63  }
0x79: {  	s31 =	sadd.s32 $0x6480, s28  }
0x7a: {  	[tilespmem:s14], [sflag:$0x2] =	stream.indirect.gather [hbm4b:s3+s12], $0x80, s31, s12, $0xb8;
	[tilespmem:$0x1E900] =	vst v63  }
0x7b: {  	p0 =	sle.s32 s20, s28;
	_ =	swait.ge [sflag:s15], $0x4000  }
.Ltmp10:
0x7c: {  	[sflag:s15] =	ssyncset.done $0x0;
	(pc) =	sbr.rel @p0 .LBB2_14-.Ltmp10, $4  }
0x7d: {  	[sflag:s15] =	ssyncadd.s32 $0xFFFFC000  }
0x7e: {  	_ =	swait.ge [sflag:s15], $0x4000  }
0x7f: {  	[sflag:s15] =	ssyncset.done $0x0  }
0x80: {  	[sflag:s15] =	ssyncadd.s32 $0xFFFFC000  }
0x81: {  	v4 =	vld [tilespmem:s25+$0x0];
	_ =	sdelay $0x4  }
0x82: {  	(v2sf) =	vpush v4, $0x0;
	_ =	sdelay $0xe  }
0x83: {  	s29 =	spop (v2sf)  }
0x84: {  	s28 =	simm.s32 $0xC940;
	s29 =	sshll.u32 s29, $0x9  }
0x85: {  	v4 =	vld [tilespmem:s28+$0xFFFFFFC0];
	s29 =	sshra.s32 s29, $0x2  }
0x86: {  	v5 =	vld [tilespmem:s29+$0x14900];
	_ =	sdelay $0x4  }
0x87: {  	v4 =	vmax.f32 v5, v4  }
0x88: {  	[tilespmem:s29+$0x14900] =	vst v4;
	v4 =	vld [tilespmem:s29+$0x14910]  }
0x89: {  	v5 =	vld [tilespmem:s28+$0xFFFFFFD0];
	_ =	sdelay $0x4  }
0x8a: {  	v4 =	vmax.f32 v4, v5  }
0x8b: {  	[tilespmem:s29+$0x14910] =	vst v4;
	v4 =	vld [tilespmem:s29+$0x14920]  }
0x8c: {  	v5 =	vld [tilespmem:s28+$0xFFFFFFE0];
	_ =	sdelay $0x4  }
0x8d: {  	v4 =	vmax.f32 v4, v5  }
0x8e: {  	[tilespmem:s29+$0x14920] =	vst v4;
	v4 =	vld [tilespmem:s29+$0x14930]  }
0x8f: {  	v5 =	vld [tilespmem:s28+$0xFFFFFFF0];
	_ =	sdelay $0x4  }
0x90: {  	v4 =	vmax.f32 v4, v5  }
0x91: {  	[tilespmem:s29+$0x14930] =	vst v4;
	v4 =	vld [tilespmem:s29+$0x14940]  }
0x92: {  	v5 =	vld [tilespmem:s28+$0x0];
	_ =	sdelay $0x4  }
0x93: {  	v4 =	vmax.f32 v4, v5  }
0x94: {  	[tilespmem:s29+$0x14940] =	vst v4;
	v4 =	vld [tilespmem:s29+$0x14950]  }
0x95: {  	v5 =	vld [tilespmem:s28+$0x10];
	_ =	sdelay $0x4  }
0x96: {  	v4 =	vmax.f32 v4, v5  }
0x97: {  	[tilespmem:s29+$0x14950] =	vst v4;
	v4 =	vld [tilespmem:s29+$0x14960]  }
0x98: {  	v5 =	vld [tilespmem:s28+$0x20];
	_ =	sdelay $0x3  }
0x99: {  	p0 =	slt.s32 s23, s22;
	s30 =	smov.u32 s22  }
0x9a: {  	s30 =	smov.u32 @p0 s23;
	v4 =	vmax.f32 v4, v5  }
0x9b: {  	s30 =	sadd.s32 s24, s30;
	[tilespmem:s29+$0x14960] =	vst v4;
	v4 =	vld [tilespmem:s29+$0x14970]  }
0x9c: {  	p0 =	sne.s32 s30, $0x1;
	v5 =	vld [tilespmem:s28+$0x30]  }
.Ltmp11:
0x9d: {  	_ = 	snop;
	(pc) =	sbr.rel @!p0 .LBB2_13-.Ltmp11, $2  }
0x9e: {  	_ =	sdelay $0x2  }
0x9f: {  	s31 =	smov.u32 s25;
	s30 =	sadd.s32 $0xFFFFFFFF, s30;
	v4 =	vmax.f32 v4, v5  }
.LBB2_12:
0xa0: {  	p0 =	sne.s32 s30, $0x1;
	[tilespmem:s29+$0x14970] =	vst v4;
	s31 =	sadd.s32 $0x1, s31;
	s28 =	sadd.s32 $0x80, s28  }
0xa1: {  	s30 =	sadd.s32 $0xFFFFFFFF, s30;
	v4 =	vld [tilespmem:s31+$0x0];
	_ =	sdelay $0x4  }
0xa2: {  	(v2sf) =	vpush v4, $0x0;
	_ =	sdelay $0xe  }
0xa3: {  	s29 =	spop (v2sf)  }
0xa4: {  	s29 =	sshll.u32 s29, $0x9  }
0xa5: {  	s29 =	sshra.s32 s29, $0x2;
	v4 =	vld [tilespmem:s28+$0xFFFFFFC0]  }
0xa6: {  	v5 =	vld [tilespmem:s29+$0x14900];
	_ =	sdelay $0x4  }
0xa7: {  	v4 =	vmax.f32 v5, v4  }
0xa8: {  	[tilespmem:s29+$0x14900] =	vst v4;
	v4 =	vld [tilespmem:s29+$0x14910]  }
0xa9: {  	v5 =	vld [tilespmem:s28+$0xFFFFFFD0];
	_ =	sdelay $0x4  }
0xaa: {  	v4 =	vmax.f32 v4, v5  }
0xab: {  	[tilespmem:s29+$0x14910] =	vst v4;
	v4 =	vld [tilespmem:s29+$0x14920]  }
0xac: {  	v5 =	vld [tilespmem:s28+$0xFFFFFFE0];
	_ =	sdelay $0x4  }
0xad: {  	v4 =	vmax.f32 v4, v5  }
0xae: {  	[tilespmem:s29+$0x14920] =	vst v4;
	v4 =	vld [tilespmem:s29+$0x14930]  }
0xaf: {  	v5 =	vld [tilespmem:s28+$0xFFFFFFF0];
	_ =	sdelay $0x4  }
0xb0: {  	v4 =	vmax.f32 v4, v5  }
0xb1: {  	[tilespmem:s29+$0x14930] =	vst v4;
	v4 =	vld [tilespmem:s29+$0x14940]  }
0xb2: {  	v5 =	vld [tilespmem:s28+$0x0];
	_ =	sdelay $0x4  }
0xb3: {  	v4 =	vmax.f32 v4, v5  }
0xb4: {  	[tilespmem:s29+$0x14940] =	vst v4;
	v4 =	vld [tilespmem:s29+$0x14950]  }
0xb5: {  	v5 =	vld [tilespmem:s28+$0x10];
	_ =	sdelay $0x4  }
0xb6: {  	v4 =	vmax.f32 v4, v5  }
0xb7: {  	[tilespmem:s29+$0x14950] =	vst v4;
	v4 =	vld [tilespmem:s29+$0x14960]  }
0xb8: {  	v5 =	vld [tilespmem:s28+$0x20];
	_ =	sdelay $0x4  }
0xb9: {  	v4 =	vmax.f32 v4, v5  }
0xba: {  	[tilespmem:s29+$0x14960] =	vst v4;
	v4 =	vld [tilespmem:s29+$0x14970]  }
0xbb: {  	v5 =	vld [tilespmem:s28+$0x30]  }
.Ltmp12:
0xbc: {  	(pc) =	sbr.rel @p0 .LBB2_12-.Ltmp12, $2  }
0xbd: {  	_ =	sdelay $0x2  }
0xbe: {  	v4 =	vmax.f32 v4, v5  }
.Ltmp13:
0xbf: {  	_ = 	snop;
	(pc) =	sbr.rel .LBB2_13-.Ltmp13, $1  }
0xc0: {  	_ =	sdelay $0x3  }
.LBB2_17:
0xc1: {  	_ =	sfence.sel $0x180000  }
0xc2: {  	[bflag:$0x0] =	sbarrier.arrive $0xFFFF  }
0xc3: {  	p0 =	sne.s32 s0, $0x0;
	_ =	strace $0x9000004A  }
0xc4: {  	s0 =	sadd.s32 @!p0 $0x100000, s1;
	[bflag:$0x2] =	sbarrier.arrive $0xFFFF  }
0xc5: {  	[sflag:s0] =	ssyncadd.tile.s32 @!p0 $0x1;
	_ =	shalt  }
.Lfunc_end2:
_tile_overlayer_lowered:
.L_overlay_start_2:
0xc6: {  	(tag) =	ssettag $0x2  }
0xc7: {  	s0 =	rddreg [dreg:$0x0];
	s2 =	stileid.u32  }
0xc8: {  	s1 =	rddreg [dreg:$0x1];
	p0 =	sne.s32 s2, $0x0  }
0xc9: {  	s3 =	rddreg [dreg:$0x2];
	[bflag:$0x3] =	sbarrier.arrive $0xFFFF;
	s2 =	simm.s32 @!p0 $0x1C03  }
0xca: {  	[timem:s3], [sflag:s2] =	dma.local @!p0 [hbm:s0], s1  }
0xcb: {  	s0 =	simm.s32 @!p0 $0x3  }
0xcc: {  	_ =	swait.ge @!p0 [sflag:s0], s1  }
0xcd: {  	s1 =	ssub.s32 @!p0 $0x0, s1;
	[sflag:s0] =	ssyncset.done @!p0 $0x0  }
0xce: {  	[sflag:s0] =	ssyncadd.s32 @!p0 s1  }
0xcf: {  	[bflag:$0x3] =	sbarrier.arrive $0xFFFF  }
0xd0: {  	_ =	shalt  }

// kernel: kernel.15.cloned.1.call-start
scs
__scs_entry_jumppad:
0x0: {  	(pc) =	sbr.rel $0x88, $3  }
0x1: {  	(tag) =	ssettag $0x0;
	lr =	simm.s32 $0x1  }
0x2: {  	[smem:$0x3F93] =	sst lr;
	_ =	strace $0xD0000000  }
0x3: {  	_ = 	snop  }
0x4: {  	_ = 	snop  }
0x5: {  	_ = 	snop  }
0x6: {  	_ = 	snop  }
0x7: {  	_ = 	snop  }
__scs_overlays_trampoline_lowered:
0x8: {  	[smem:$0x3FA2] =	sst s0  }
0x9: {  	[smem:$0x3FA3] =	sst s1  }
0xa: {  	[smem:$0x3FA4] =	sst s2  }
0xb: {  	[smem:$0x3FA5] =	sst s3  }
0xc: {  	[smem:$0x3FA6] =	sst s4  }
0xd: {  	[smem:$0x3FA7] =	sst s5  }
0xe: {  	[smem:$0x3FA8] =	sst s6  }
0xf: {  	[smem:$0x3FA9] =	sst s7  }
0x10: {  	[smem:$0x3FAA] =	sst s8  }
0x11: {  	[smem:$0x3FAB] =	sst s9;
	s0 =	simm.s32 @!p0 $0x0  }
0x12: {  	s1 =	sld [smem:$0x3F91];
	s0 =	simm.s32 @p0 $0x1  }
0x13: {  	[smem:$0x3FAC] =	sst s0;
	s0 =	simm.s32 @!p1 $0x0  }
0x14: {  	s2 =	sld [smem:$0x3F90];
	s0 =	simm.s32 @p1 $0x1  }
0x15: {  	[smem:$0x3FAD] =	sst s0;
	s0 =	simm.s32 @!p2 $0x0  }
0x16: {  	s3 =	sld [smem:$0x3FDB];
	s0 =	simm.s32 @p2 $0x1  }
0x17: {  	s4 =	simm.s32 $0x1BF5;
	[smem:$0x3FAF] =	sst s0  }
0x18: {  	s0 =	sld [smem:$0x3F92];
	_ =	swait.ge [sflag:s4], $0x0  }
0x19: {  	s7 =	sld [smem:$0x3F93]  }
0x1a: {  	s8 =	sadd.s32 $0xFFFFE003, lr  }
0x1b: {  	s9 =	sadd.s32 $0xFFFFFEF7, lr;
	s5 =	simm.s32 $0xFFFFFFFF;
	p2 =	slt.u32 s8, $0xFFFFF086  }
0x1c: {  	p1 =	slt.u32 s9, $0xF7A;
	s5 =	simm.s32 @!p2 $0x0  }
0x1d: {  	s5 =	simm.s32 @p1 $0x1;
	p0 =	seq.s32 s7, s2  }
0x1e: {  	s7 =	smul.u32 @!p0 $0xF7A, s2;
	p2 =	seq.s32 @!p0 s5, $0x0  }
0x1f: {  	s9 =	smul.u32 $0xF7A, s1;
	s8 =	simm.s32 @!p0 $0x1BF5;
	p2 =	por !p2, p0  }
0x20: {  	[sflag:s8] =	ssyncset.s32 @!p0 $0xFFFFF086;
	s6 =	sadd.s32 @!p0 s3, s7;
	s7 =	simm.s32 @!p0 $0x108  }
0x21: {  	s3 =	sadd.s32 s3, s9;
	s6 =	sadd.s32 @!p0 $0x88, s6;
	s7 =	simm.s32 @p2 $0x1082  }
0x22: {  	[simem:s7], [sflag:s8] =	dma.local @!p0 [hbm:s6], $0xF7A  }
0x23: {  	s9 =	sor.u32 $0xD0000000, s2;
	s6 =	simm.s32 $0x108;
	_ =	swait.ge @!p0 [sflag:s8], $0x0  }
0x24: {  	s3 =	sadd.s32 $0x88, s3;
	s6 =	simm.s32 @!p1 $0x1082;
	[sflag:s4] =	ssyncset.s32 $0xFFFFF086  }
0x25: {  	[simem:s6], [sflag:s4] =	dma.local [hbm:s3], $0xF7A  }
0x26: {  	[smem:$0x3F93] =	sst s1;
	(tag) =	ssettag s2;
	_ =	strace s9  }
0x27: {  	s1 =	sld [smem:$0x3FA3]  }
0x28: {  	s2 =	sld [smem:$0x3FA4]  }
0x29: {  	s4 =	sld [smem:$0x3FA6]  }
0x2a: {  	p0 =	seq.s32 s5, $0x0;
	s5 =	sld [smem:$0x3FA7]  }
0x2b: {  	s6 =	sld [smem:$0x3FA8]  }
0x2c: {  	s7 =	sld [smem:$0x3FA9]  }
0x2d: {  	s3 =	simm.s32 $0x108;
	s8 =	sld [smem:$0x3FAA]  }
0x2e: {  	s3 =	simm.s32 @!p0 $0x1082;
	s9 =	sld [smem:$0x3FAB]  }
0x2f: {  	lr =	sadd.s32 s0, s3;
	s0 =	sld [smem:$0x3FA2]  }
0x30: {  	s3 =	sld [smem:$0x3FA5]  }
0x31: {  	[smem:$0x3FAE] =	sst s10  }
0x32: {  	s10 =	sld [smem:$0x3FAC];
	_ =	sdelay $0x3  }
0x33: {  	p0 =	seq.s32 s10, $0x1;
	s10 =	sld [smem:$0x3FAE];
	_ =	sdelay $0x3  }
0x34: {  	[smem:$0x3FAE] =	sst s10  }
0x35: {  	s10 =	sld [smem:$0x3FAD];
	_ =	sdelay $0x3  }
0x36: {  	p1 =	seq.s32 s10, $0x1;
	s10 =	sld [smem:$0x3FAE];
	_ =	sdelay $0x3  }
0x37: {  	[smem:$0x3FAE] =	sst s10  }
0x38: {  	s10 =	sld [smem:$0x3FAF]  }
0x39: {  	_ = 	snop;
	(pc) =	sbr.ind lr, $3  }
0x3a: {  	_ = 	snop  }
0x3b: {  	_ = 	snop  }
0x3c: {  	p2 =	seq.s32 s10, $0x1;
	s10 =	sld [smem:$0x3FAE]  }
0x3d: {  	_ =	shalt  }
0x3e: {  	_ =	shalt  }
0x3f: {  	_ =	shalt  }
0x40: {  	_ =	shalt  }
0x41: {  	_ =	shalt  }
0x42: {  	_ =	shalt  }
0x43: {  	_ =	shalt  }
0x44: {  	_ =	shalt  }
0x45: {  	_ =	shalt  }
0x46: {  	_ =	shalt  }
0x47: {  	_ =	shalt  }
0x48: {  	_ =	shalt  }
0x49: {  	_ =	shalt  }
0x4a: {  	_ =	shalt  }
0x4b: {  	_ =	shalt  }
0x4c: {  	_ =	shalt  }
0x4d: {  	_ =	shalt  }
0x4e: {  	_ =	shalt  }
0x4f: {  	_ =	shalt  }
0x50: {  	_ =	shalt  }
0x51: {  	_ =	shalt  }
0x52: {  	_ =	shalt  }
0x53: {  	_ =	shalt  }
0x54: {  	_ =	shalt  }
0x55: {  	_ =	shalt  }
0x56: {  	_ =	shalt  }
0x57: {  	_ =	shalt  }
0x58: {  	_ =	shalt  }
0x59: {  	_ =	shalt  }
0x5a: {  	_ =	shalt  }
0x5b: {  	_ =	shalt  }
0x5c: {  	_ =	shalt  }
0x5d: {  	_ =	shalt  }
0x5e: {  	_ =	shalt  }
0x5f: {  	_ =	shalt  }
0x60: {  	_ =	shalt  }
0x61: {  	_ =	shalt  }
0x62: {  	_ =	shalt  }
0x63: {  	_ =	shalt  }
0x64: {  	_ =	shalt  }
0x65: {  	_ =	shalt  }
0x66: {  	_ =	shalt  }
0x67: {  	_ =	shalt  }
0x68: {  	_ =	shalt  }
0x69: {  	_ =	shalt  }
0x6a: {  	_ =	shalt  }
0x6b: {  	_ =	shalt  }
0x6c: {  	_ =	shalt  }
0x6d: {  	_ =	shalt  }
0x6e: {  	_ =	shalt  }
0x6f: {  	_ =	shalt  }
0x70: {  	_ =	shalt  }
0x71: {  	_ =	shalt  }
0x72: {  	_ =	shalt  }
0x73: {  	_ =	shalt  }
0x74: {  	_ =	shalt  }
0x75: {  	_ =	shalt  }
0x76: {  	_ =	shalt  }
0x77: {  	_ =	shalt  }
0x78: {  	_ =	shalt  }
0x79: {  	_ =	shalt  }
0x7a: {  	_ =	shalt  }
0x7b: {  	_ =	shalt  }
0x7c: {  	_ =	shalt  }
0x7d: {  	_ =	shalt  }
0x7e: {  	_ =	shalt  }
0x7f: {  	_ =	shalt  }
0x80: {  	_ =	shalt  }
0x81: {  	_ =	shalt  }
0x82: {  	_ =	shalt  }
0x83: {  	_ =	shalt  }
0x84: {  	_ =	shalt  }
0x85: {  	_ =	shalt  }
0x86: {  	_ =	shalt  }
0x87: {  	_ =	shalt  }
.Lfunc_end0:
.L_simem_size_0:
called_computation.2_lowered:
.L_overlay_start_0:
0x88: {  	s2 =	sld [smem:$0x3FD9]  }
0x89: {  	s3 =	sld [smem:$0x3FFE];
	_ =	sdelay $0x1  }
0x8a: {  	s1 =	srdreg.scid  }
0x8b: {  	s0 =	sand.u32 $0x1, s1  }
0x8c: {  	s16 =	sshll.u32 s0, $0xA;
	s2 =	sadd.s32 s3, s2  }
0x8d: {  	s2 =	sadd.s32 s2, s16  }
0x8e: {  	[smem:$0x3FBA] =	sst s2  }
0x8f: {  	_ = 	snop  }
0x90: {  	(tm) =	ssettm $0x1  }
0x91: {  	s17 =	sld [smem:$0x3FFB];
	_ =	sdelay $0x3  }
0x92: {  	_ =	strace s17  }
0x93: {  	s2 =	sld [smem:$0x3FFC];
	_ =	sdelay $0x3  }
0x94: {  	_ =	strace s2  }
0x95: {  	s2 =	sld [smem:$0x3FFD];
	_ =	sdelay $0x3  }
0x96: {  	_ =	strace s2  }
0x97: {  	_ =	strace $0x8FFFFFFF  }
0x98: {  	s18 =	sld [smem:$0x3FDB];
	_ =	sdelay $0x1  }
0x99: {  	s19 =	simm.s32 $_scs_section_size  }
0x9a: {  	s4 =	simm.s32 $_size__tile_overlayer_lowered;
	s5 =	simm.s32 $_tile_overlayer_lowered  }
0x9b: {  	s22 =	simm.s32 $0x1BFF;
	s21 =	sshll.u32 s5, $0x1;
	s2 =	sadd.s32 s19, s18  }
0x9c: {  	s6 =	simm.s32 $0x0;
	s20 =	sshll.u32 s4, $0x1;
	s4 =	sadd.s32 s21, s2  }
0x9d: {  	[timem:s6], [sflag:s22] =	dma.local [hbm:s4], s20  }
0x9e: {  	_ =	swait.ge [sflag:s22], s20  }
0x9f: {  	s3 =	ssub.s32 $0x0, s20;
	[sflag:s22] =	ssyncset.done $0x0  }
0xa0: {  	[sflag:s22] =	ssyncadd.s32 s3;
	_ =	sdelay $0x1  }
0xa1: {  	s23 =	simm.s32 $0x1B8B  }
0xa2: {  	_ =	swait.ge [sflag:s23], $0x1  }
0xa3: {  	[sflag:s23] =	ssyncset.done $0x0  }
0xa4: {  	s25 =	simm.s32 $0x1B8E;
	s24 =	sld [smem:$0x3FFE];
	[sflag:s23] =	ssyncadd.s32 $0xFFFFFFFF  }
0xa5: {  	s26 =	simm.s32 $execute0_lowered;
	[smem:$0x3FD2] =	sst s25  }
0xa6: {  	s4 =	sshll.u32 s26, $0x1;
	_ =	strace $0x8000004C;
	[dreg:$0x1] =	wrdreg $0xFFFFFFFF  }
0xa7: {  	s28 =	simm.s32 $_size_execute0_lowered;
	s2 =	sadd.s32 s2, s4;
	[dreg:$0x0] =	wrdreg $0x0  }
0xa8: {  	s4 =	sshll.u32 s28, $0x1;
	[dreg:$0x2] =	wrdreg s2  }
0xa9: {  	[dreg:$0x3] =	wrdreg s4  }
0xaa: {  	[dreg:$0x4] =	wrdreg $0xC0  }
0xab: {  	_ =	task [dreg:s6], $0x5FFFF  }
0xac: {  	[dreg:$0x1] =	wrdreg $0xFFFFFFFF  }
0xad: {  	[dreg:$0x0] =	wrdreg $0x60  }
0xae: {  	[dreg:$0x2] =	wrdreg s24  }
0xaf: {  	[dreg:$0x3] =	wrdreg $0x9  }
0xb0: {  	_ =	task.clear_ibuf [dreg:s6], $0x4FFFF;
	_ =	strace $0x9000004C  }
0xb1: {  	s29 =	simm.s32 $0x9;
	_ =	strace $0x8000004E  }
0xb2: {  	_ =	swait.ge [sflag:s29], $0x1  }
0xb3: {  	[sflag:s29] =	ssyncadd.s32 $0xFFFFFFFF  }
0xb4: {  	_ =	strace $0x9000004E  }
0xb5: {  	_ =	sfence  }
0xb6: {  	s30 =	sld [smem:$0x0];
	_ =	sdelay $0x2  }
0xb7: {  	s31 =	sshll.u32 s1, $0xD;
	s1 =	sshrl.u32 s1, $0x2  }
0xb8: {  	s3 =	sand.u32 $0x4000, s31;
	s1 =	sadd.s32 s1, s30  }
0xb9: {  	s0 =	sor.u32 s3, s0;
	s1 =	sshll.u32 s1, $0x11  }
0xba: {  	s0 =	sor.u32 s1, s0  }
0xbb: {  	s0 =	sadd.s32 $0x8F2B, s0  }
0xbc: {  	[sflag:s0] =	ssyncadd.remote.s32 $0x1  }
0xbd: {  	_ =	sfence.sel $0xFFFF  }
0xbe: {  	[dreg:$0x0] =	wrdreg $0xFFFFFFFF;
	(pc) =	sbr.abs _section_cstart, $3  }
0xbf: {  	[dreg:$0x1] =	wrdreg $0xFFFFFFFF  }
0xc0: {  	_ =	task.clear_ibuf [dreg:s6], $0x2FFFF;
	_ =	strace $0x9FFFFFFF  }
0xc1: {  	(tm) =	ssettm $0x7FFFFFFF  }
tec
execute0_lowered:
.L_overlay_start_1:
0x0: {  	(tag) =	ssettag $0x1  }
0x1: {  	s1 =	srdreg.scid;
	s0 =	stileid.u32  }
0x2: {  	s6 =	rddreg [dreg:$0x0];
	s2 =	simm.s32 $0x0;
	s10 =	simm.s32 $0x6400  }
0x3: {  	s11 =	simm.s32 $0x9680;
	s12 =	simm.s32 $0x80;
	s14 =	simm.s32 $0x10900  }
0x4: {  	s15 =	simm.s32 $0x2;
	s7 =	sand.u32 $0x1, s1;
	s3 =	sshll.u32 s0, $0x1  }
0x5: {  	s17 =	simm.s32 $0x3;
	s1 =	rddreg [dreg:$0x1];
	s4 =	sor.u32 s7, s3  }
0x6: {  	s18 =	simm.s32 $0x0;
	[smem:$0x7FF] =	sst s2;
	s8 =	smul.u32 $0x1400, s4  }
0x7: {  	s5 =	sadd.s32 $0x3200, s6;
	s7 =	ssub.s32 $0x2, s7;
	s13 =	smul.u32 $0x140, s4  }
.Ltmp0:
0x8: {  	_ =	strace $0x8000004D;
	s31 =	sshrl.u32 s7, $0x1;
	(pc) =	sbr.rel .LBB2_1-.Ltmp0, $4  }
0x9: {  	s3 =	sadd.s32 $0x16E00, s6;
	s4 =	sadd.s32 $0xD000, s6;
	s7 =	ssub.s32 s7, s31  }
0xa: {  	s6 =	sadd.s32 s8, s6;
	s9 =	smin.u32 s13, $0x25D0;
	s7 =	smax.u32 s7, $0x1  }
0xb: {  	s8 =	simm.s32 $0x3200;
	v0 =	vmov s13;
	s13 =	simm.s32 $0xC900;
	s16 =	sadd.s32 $0x140, s9  }
0xc: {  	v2 =	vimm.f32 $-Inf;
	v3 =	vimm.s32 $0x0;
	s6 =	sadd.s32 $0x3E000, s6;
	s9 =	simm.s32 $0x1;
	v1 =	vmov s16;
	s16 =	simm.s32 $0x14900  }
.LBB2_16:
0xd: {  	s18 =	sadd.s32 $0x1, s18  }
0xe: {  	p0 =	sne.s32 s18, s7  }
.Ltmp1:
0xf: {  	_ = 	snop;
	(pc) =	sbr.rel @!p0 .LBB2_17-.Ltmp1, $4  }
0x10: {  	[hbm4b:s6+s2] =	stream.linear.scatter [tilespmem:s16], [sflag:$0x3], $0xA000, $0x38;
	[tilespmem:$0x1E900] =	vst v63  }
0x11: {  	_ =	swait.ge [sflag:s17], $0xA000  }
0x12: {  	[sflag:s17] =	ssyncset.done $0x0  }
0x13: {  	[sflag:s17] =	ssyncadd.s32 $0xFFFF6000  }
.LBB2_1:
0x14: {  	s20 =	simm.s32 $0x0;
	s19 =	simm.s32 $0x200  }
.LBB2_2:
0x15: {  	p0 =	sne.s32 s19, $0x27E00;
	[tilespmem:s20+$0x14970] =	vst v2  }
0x16: {  	[tilespmem:s20+$0x14900] =	vst v2  }
0x17: {  	[tilespmem:s20+$0x14910] =	vst v2  }
.Ltmp2:
0x18: {  	[tilespmem:s20+$0x14920] =	vst v2;
	(pc) =	sbr.rel @p0 .LBB2_2-.Ltmp2, $4  }
0x19: {  	[tilespmem:s20+$0x14930] =	vst v2  }
0x1a: {  	[tilespmem:s20+$0x14940] =	vst v2  }
0x1b: {  	[tilespmem:s20+$0x14950] =	vst v2  }
0x1c: {  	[tilespmem:s20+$0x14960] =	vst v2;
	s20 =	sshra.s32 s19, $0x2;
	s19 =	sadd.s32 $0x200, s19  }
0x1d: {  	[tilespmem:s20+$0x14970] =	vst v2  }
0x1e: {  	[tilespmem:s20+$0x14900] =	vst v2  }
0x1f: {  	[tilespmem:s20+$0x14910] =	vst v2  }
0x20: {  	[tilespmem:s20+$0x14920] =	vst v2  }
0x21: {  	[tilespmem:s20+$0x14930] =	vst v2  }
0x22: {  	[tilespmem:s20+$0x14940] =	vst v2  }
0x23: {  	[tilespmem:s20+$0x14950] =	vst v2  }
0x24: {  	s19 =	simm.s32 $0x0;
	[tilespmem:s20+$0x14960] =	vst v2;
	s20 =	simm.s32 $0x40;
	s21 =	simm.s32 $0x0  }
.LBB2_4:
0x25: {  	p0 =	sne.s32 s20, $0xC800;
	[tilespmem:s21+$0x6400] =	vst v3;
	s21 =	smov.u32 s20;
	s20 =	sadd.s32 $0x40, s20  }
.Ltmp3:
0x26: {  	(pc) =	sbr.rel @p0 .LBB2_4-.Ltmp3, $2  }
0x27: {  	_ =	sdelay $0x2  }
0x28: {  	s21 =	sshra.s32 s21, $0x2  }
.Ltmp4:
0x29: {  	(pc) =	sbr.rel .LBB2_6-.Ltmp4, $2  }
0x2a: {  	_ =	sdelay $0x2  }
0x2b: {  	[tilespmem:s21+$0x6400] =	vst v3  }
.LBB2_15:
0x2c: {  	s19 =	sadd.s32 $0x1, s19  }
0x2d: {  	p0 =	sne.s32 s19, $0x19  }
.Ltmp5:
0x2e: {  	_ = 	snop;
	(pc) =	sbr.rel @!p0 .LBB2_16-.Ltmp5, $1  }
0x2f: {  	_ =	sdelay $0x3  }
.LBB2_6:
0x30: {  	s21 =	smul.u32 $0x640, s19;
	_ =	sdelay $0x1  }
0x31: {  	s20 =	simm.s32 $0x0;
	s22 =	sadd.s32 s5, s21  }
0x32: {  	[tilespmem:s20], [sflag:$0x1] =	stream.linear.gather [hbm4b:s22+s20], $0x3200, $0x38;
	[tilespmem:$0x1E900] =	vst v63  }
0x33: {  	s21 =	sadd.s32 s4, s21  }
0x34: {  	[tilespmem:s8], [sflag:$0x1] =	stream.linear.gather [hbm4b:s21+s20], $0x3200, $0x38;
	[tilespmem:$0x1E900] =	vst v63  }
0x35: {  	_ =	swait.ge [sflag:s9], $0x3200  }
0x36: {  	[sflag:s9] =	ssyncset.done $0x0  }
0x37: {  	[sflag:s9] =	ssyncadd.s32 $0xFFFFCE00  }
0x38: {  	_ =	swait.ge [sflag:s9], $0x3200  }
0x39: {  	[sflag:s9] =	ssyncset.done $0x0  }
0x3a: {  	s31 =	simm.s32 $0x0;
	[sflag:s9] =	ssyncadd.s32 $0xFFFFCE00  }
0x3b: {  	v4 =	vld [tilespmem:s31+$0x0];
	_ =	sdelay $0x4  }
0x3c: {  	vm0 =	vge.s32 v4, v0;
	vm1 =	vlt.s32 v4, v1  }
0x3d: {  	vm0 =	vmand vm0, vm1  }
0x3e: {  	v5 =	vmpcnt.ones.xlane vm0  }
0x3f: {  	v6 =	vsel vm0, $0x1, v3  }
0x40: {  	(xrf0) =	vadd.scan.msk.s32 $0xffff, v6;
	(v2sf) =	vpush v5, $0x0;
	_ =	sdelay $0x2  }
0x41: {  	v5 =	vmov s20  }
0x42: {  	v5 =	vadd.s32 $0xFFFFFFFF, v5  }
0x43: {  	v5 =	vbroadcast v5, $0x0  }
0x44: {  	v6, _, _ =	vpop (xrf0)  }
0x45: {  	v7 =	vld [tilespmem:s31+$0x3200];
	v5 =	vadd.s32 v6, v5;
	_ =	sdelay $0x4  }
0x46: {  	v4 =	vsub.s32 v4, v0;
	[tilespmem:v5+s10+$0x0] =	vst.idx.msk vm0, v7  }
0x47: {  	s21 =	simm.s32 $0x10;
	[tilespmem:v5+s11+$0x0] =	vst.idx.msk vm0, v4  }
0x48: {  	v4 =	vld [tilespmem:s21+$0x0]  }
0x49: {  	s22 =	simm.s32 $0x80;
	s23 =	spop (v2sf)  }
.LBB2_7:
0x4a: {  	p0 =	sne.s32 s22, $0xC7C0  }
0x4b: {  	s20 =	sadd.s32 s20, s23;
	s23 =	smov.u32 s22;
	s22 =	sadd.s32 $0x40, s22  }
0x4c: {  	v5 =	vmov s20  }
0x4d: {  	vm0 =	vge.s32 v4, v0;
	vm1 =	vlt.s32 v4, v1;
	v5 =	vadd.s32 $0xFFFFFFFF, v5  }
0x4e: {  	vm0 =	vmand vm0, vm1  }
0x4f: {  	v6 =	vsel vm0, $0x1, v3;
	v7 =	vmpcnt.ones.xlane vm0  }
0x50: {  	(xrf0) =	vadd.scan.msk.s32 $0xffff, v6  }
0x51: {  	(v2sf) =	vpush v7, $0x0;
	_ =	sdelay $0x3  }
0x52: {  	v5 =	vbroadcast v5, $0x0  }
0x53: {  	v6, _, _ =	vpop (xrf0)  }
0x54: {  	v7 =	vld [tilespmem:s21+$0x3200];
	v5 =	vadd.s32 v6, v5;
	_ =	sdelay $0x4  }
.Ltmp6:
0x55: {  	v4 =	vsub.s32 v4, v0;
	[tilespmem:v5+s10+$0x0] =	vst.idx.msk vm0, v7;
	(pc) =	sbr.rel @p0 .LBB2_7-.Ltmp6, $3  }
0x56: {  	s21 =	sshra.s32 s23, $0x2;
	[tilespmem:v5+s11+$0x0] =	vst.idx.msk vm0, v4  }
0x57: {  	v4 =	vld [tilespmem:s21+$0x0];
	_ =	sdelay $0x1  }
0x58: {  	s23 =	spop (v2sf)  }
0x59: {  	_ =	sdelay $0x1  }
0x5a: {  	vm0 =	vge.s32 v4, v0;
	vm1 =	vlt.s32 v4, v1  }
0x5b: {  	vm0 =	vmand vm0, vm1  }
0x5c: {  	v5 =	vmpcnt.ones.xlane vm0;
	_ =	sdelay $0x1  }
0x5d: {  	(v2sf) =	vpush v5, $0x0;
	_ =	sdelay $0xe  }
0x5e: {  	s22 =	sadd.s32 s20, s23;
	v5 =	vsel vm0, $0x1, v3;
	s23 =	spop (v2sf)  }
0x5f: {  	(xrf0) =	vadd.scan.msk.s32 $0xffff, v5;
	s20 =	sadd.s32 s22, s23  }
0x60: {  	s24 =	sadd.s32 $0xFF, s20  }
0x61: {  	s25 =	sand.u32 $0xFF, s24  }
0x62: {  	v5 =	vmov s22;
	s31 =	sshra.s32 s24, $0x1F;
	p1 =	slt.s32 s24, $0x1;
	p0 =	sne.s32 s25, $0x0  }
0x63: {  	v7 =	vld [tilespmem:s21+$0x3200];
	v5 =	vadd.s32 $0xFFFFFFFF, v5;
	s21 =	sshrl.u32 s31, $0x18;
	p0 =	por !p1, !p0  }
0x64: {  	v5 =	vbroadcast v5, $0x0;
	s21 =	sadd.s32 s21, s24;
	s24 =	simm.s32 $0x1;
	p0 =	por !p0, !p0  }
0x65: {  	v6, _, _ =	vpop (xrf0);
	s21 =	sshra.s32 s21, $0x8;
	s24 =	simm.s32 @!p0 $0x0  }
0x66: {  	v5 =	vadd.s32 v6, v5;
	s21 =	ssub.s32 s21, s24  }
0x67: {  	p0 =	slt.s32 s21, $0x1  }
.Ltmp7:
0x68: {  	_ = 	snop;
	(pc) =	sbr.rel @p0 .LBB2_15-.Ltmp7, $3  }
0x69: {  	_ =	sdelay $0x1  }
0x6a: {  	v4 =	vsub.s32 v4, v0;
	[tilespmem:v5+s10+$0x0] =	vst.idx.msk vm0, v7  }
0x6b: {  	[tilespmem:v5+s11+$0x0] =	vst.idx.msk vm0, v4  }
.Ltmp8:
0x6c: {  	(pc) =	sbr.rel .LBB2_10-.Ltmp8, $3  }
0x6d: {  	_ =	sdelay $0x1  }
0x6e: {  	s22 =	sadd.s32 s22, s23;
	s23 =	simm.s32 $0x100  }
0x6f: {  	s24 =	simm.s32 $0x0;
	s25 =	simm.s32 $0x9680;
	s26 =	simm.s32 $0x0  }
.LBB2_13:
0x70: {  	[tilespmem:s29+$0x14970] =	vst v4  }
.LBB2_14:
0x71: {  	s26 =	sadd.s32 $0x1, s26  }
0x72: {  	p0 =	sne.s32 s26, s21  }
.Ltmp9:
0x73: {  	_ = 	snop;
	(pc) =	sbr.rel @!p0 .LBB2_15-.Ltmp9, $2  }
0x74: {  	_ =	sdelay $0x2  }
0x75: {  	s23 =	sadd.s32 $0x100, s23;
	s24 =	sadd.s32 $0xFFFFFF00, s24;
	s25 =	sadd.s32 $0x100, s25  }
.LBB2_10:
0x76: {  	s28 =	sshll.u32 s26, $0x8  }
0x77: {  	s29 =	sadd.s32 $0x6400, s28  }
0x78: {  	[tilespmem:s13], [sflag:$0x2] =	stream.indirect.gather [hbm4b:s3+s12], $0x80, s29, s12, $0xb8;
	[tilespmem:$0x1E900] =	vst v63  }
0x79: {  	s31 =	sadd.s32 $0x6480, s28  }
0x7a: {  	[tilespmem:s14], [sflag:$0x2] =	stream.indirect.gather [hbm4b:s3+s12], $0x80, s31, s12, $0xb8;
	[tilespmem:$0x1E900] =	vst v63  }
0x7b: {  	p0 =	sle.s32 s20, s28;
	_ =	swait.ge [sflag:s15], $0x4000  }
.Ltmp10:
0x7c: {  	[sflag:s15] =	ssyncset.done $0x0;
	(pc) =	sbr.rel @p0 .LBB2_14-.Ltmp10, $4  }
0x7d: {  	[sflag:s15] =	ssyncadd.s32 $0xFFFFC000  }
0x7e: {  	_ =	swait.ge [sflag:s15], $0x4000  }
0x7f: {  	[sflag:s15] =	ssyncset.done $0x0  }
0x80: {  	[sflag:s15] =	ssyncadd.s32 $0xFFFFC000  }
0x81: {  	v4 =	vld [tilespmem:s25+$0x0];
	_ =	sdelay $0x4  }
0x82: {  	(v2sf) =	vpush v4, $0x0;
	_ =	sdelay $0xe  }
0x83: {  	s29 =	spop (v2sf)  }
0x84: {  	s28 =	simm.s32 $0xC940;
	s29 =	sshll.u32 s29, $0x9  }
0x85: {  	v4 =	vld [tilespmem:s28+$0xFFFFFFC0];
	s29 =	sshra.s32 s29, $0x2  }
0x86: {  	v5 =	vld [tilespmem:s29+$0x14900];
	_ =	sdelay $0x4  }
0x87: {  	v4 =	vmax.f32 v5, v4  }
0x88: {  	[tilespmem:s29+$0x14900] =	vst v4;
	v4 =	vld [tilespmem:s29+$0x14910]  }
0x89: {  	v5 =	vld [tilespmem:s28+$0xFFFFFFD0];
	_ =	sdelay $0x4  }
0x8a: {  	v4 =	vmax.f32 v4, v5  }
0x8b: {  	[tilespmem:s29+$0x14910] =	vst v4;
	v4 =	vld [tilespmem:s29+$0x14920]  }
0x8c: {  	v5 =	vld [tilespmem:s28+$0xFFFFFFE0];
	_ =	sdelay $0x4  }
0x8d: {  	v4 =	vmax.f32 v4, v5  }
0x8e: {  	[tilespmem:s29+$0x14920] =	vst v4;
	v4 =	vld [tilespmem:s29+$0x14930]  }
0x8f: {  	v5 =	vld [tilespmem:s28+$0xFFFFFFF0];
	_ =	sdelay $0x4  }
0x90: {  	v4 =	vmax.f32 v4, v5  }
0x91: {  	[tilespmem:s29+$0x14930] =	vst v4;
	v4 =	vld [tilespmem:s29+$0x14940]  }
0x92: {  	v5 =	vld [tilespmem:s28+$0x0];
	_ =	sdelay $0x4  }
0x93: {  	v4 =	vmax.f32 v4, v5  }
0x94: {  	[tilespmem:s29+$0x14940] =	vst v4;
	v4 =	vld [tilespmem:s29+$0x14950]  }
0x95: {  	v5 =	vld [tilespmem:s28+$0x10];
	_ =	sdelay $0x4  }
0x96: {  	v4 =	vmax.f32 v4, v5  }
0x97: {  	[tilespmem:s29+$0x14950] =	vst v4;
	v4 =	vld [tilespmem:s29+$0x14960]  }
0x98: {  	v5 =	vld [tilespmem:s28+$0x20];
	_ =	sdelay $0x3  }
0x99: {  	p0 =	slt.s32 s23, s22;
	s30 =	smov.u32 s22  }
0x9a: {  	s30 =	smov.u32 @p0 s23;
	v4 =	vmax.f32 v4, v5  }
0x9b: {  	s30 =	sadd.s32 s24, s30;
	[tilespmem:s29+$0x14960] =	vst v4;
	v4 =	vld [tilespmem:s29+$0x14970]  }
0x9c: {  	p0 =	sne.s32 s30, $0x1;
	v5 =	vld [tilespmem:s28+$0x30]  }
.Ltmp11:
0x9d: {  	_ = 	snop;
	(pc) =	sbr.rel @!p0 .LBB2_13-.Ltmp11, $2  }
0x9e: {  	_ =	sdelay $0x2  }
0x9f: {  	s31 =	smov.u32 s25;
	s30 =	sadd.s32 $0xFFFFFFFF, s30;
	v4 =	vmax.f32 v4, v5  }
.LBB2_12:
0xa0: {  	p0 =	sne.s32 s30, $0x1;
	[tilespmem:s29+$0x14970] =	vst v4;
	s31 =	sadd.s32 $0x1, s31;
	s28 =	sadd.s32 $0x80, s28  }
0xa1: {  	s30 =	sadd.s32 $0xFFFFFFFF, s30;
	v4 =	vld [tilespmem:s31+$0x0];
	_ =	sdelay $0x4  }
0xa2: {  	(v2sf) =	vpush v4, $0x0;
	_ =	sdelay $0xe  }
0xa3: {  	s29 =	spop (v2sf)  }
0xa4: {  	s29 =	sshll.u32 s29, $0x9  }
0xa5: {  	s29 =	sshra.s32 s29, $0x2;
	v4 =	vld [tilespmem:s28+$0xFFFFFFC0]  }
0xa6: {  	v5 =	vld [tilespmem:s29+$0x14900];
	_ =	sdelay $0x4  }
0xa7: {  	v4 =	vmax.f32 v5, v4  }
0xa8: {  	[tilespmem:s29+$0x14900] =	vst v4;
	v4 =	vld [tilespmem:s29+$0x14910]  }
0xa9: {  	v5 =	vld [tilespmem:s28+$0xFFFFFFD0];
	_ =	sdelay $0x4  }
0xaa: {  	v4 =	vmax.f32 v4, v5  }
0xab: {  	[tilespmem:s29+$0x14910] =	vst v4;
	v4 =	vld [tilespmem:s29+$0x14920]  }
0xac: {  	v5 =	vld [tilespmem:s28+$0xFFFFFFE0];
	_ =	sdelay $0x4  }
0xad: {  	v4 =	vmax.f32 v4, v5  }
0xae: {  	[tilespmem:s29+$0x14920] =	vst v4;
	v4 =	vld [tilespmem:s29+$0x14930]  }
0xaf: {  	v5 =	vld [tilespmem:s28+$0xFFFFFFF0];
	_ =	sdelay $0x4  }
0xb0: {  	v4 =	vmax.f32 v4, v5  }
0xb1: {  	[tilespmem:s29+$0x14930] =	vst v4;
	v4 =	vld [tilespmem:s29+$0x14940]  }
0xb2: {  	v5 =	vld [tilespmem:s28+$0x0];
	_ =	sdelay $0x4  }
0xb3: {  	v4 =	vmax.f32 v4, v5  }
0xb4: {  	[tilespmem:s29+$0x14940] =	vst v4;
	v4 =	vld [tilespmem:s29+$0x14950]  }
0xb5: {  	v5 =	vld [tilespmem:s28+$0x10];
	_ =	sdelay $0x4  }
0xb6: {  	v4 =	vmax.f32 v4, v5  }
0xb7: {  	[tilespmem:s29+$0x14950] =	vst v4;
	v4 =	vld [tilespmem:s29+$0x14960]  }
0xb8: {  	v5 =	vld [tilespmem:s28+$0x20];
	_ =	sdelay $0x4  }
0xb9: {  	v4 =	vmax.f32 v4, v5  }
0xba: {  	[tilespmem:s29+$0x14960] =	vst v4;
	v4 =	vld [tilespmem:s29+$0x14970]  }
0xbb: {  	v5 =	vld [tilespmem:s28+$0x30]  }
.Ltmp12:
0xbc: {  	(pc) =	sbr.rel @p0 .LBB2_12-.Ltmp12, $2  }
0xbd: {  	_ =	sdelay $0x2  }
0xbe: {  	v4 =	vmax.f32 v4, v5  }
.Ltmp13:
0xbf: {  	_ = 	snop;
	(pc) =	sbr.rel .LBB2_13-.Ltmp13, $1  }
0xc0: {  	_ =	sdelay $0x3  }
.LBB2_17:
0xc1: {  	_ =	sfence.sel $0x180000  }
0xc2: {  	[bflag:$0x0] =	sbarrier.arrive $0xFFFF  }
0xc3: {  	p0 =	sne.s32 s0, $0x0;
	_ =	strace $0x9000004D  }
0xc4: {  	s0 =	sadd.s32 @!p0 $0x100000, s1;
	[bflag:$0x2] =	sbarrier.arrive $0xFFFF  }
0xc5: {  	[sflag:s0] =	ssyncadd.tile.s32 @!p0 $0x1;
	_ =	shalt  }
.Lfunc_end2:
_tile_overlayer_lowered:
.L_overlay_start_2:
0xc6: {  	(tag) =	ssettag $0x2  }
0xc7: {  	s0 =	rddreg [dreg:$0x0];
	s2 =	stileid.u32  }
0xc8: {  	s1 =	rddreg [dreg:$0x1];
	p0 =	sne.s32 s2, $0x0  }
0xc9: {  	s3 =	rddreg [dreg:$0x2];
	[bflag:$0x3] =	sbarrier.arrive $0xFFFF;
	s2 =	simm.s32 @!p0 $0x1C03  }
0xca: {  	[timem:s3], [sflag:s2] =	dma.local @!p0 [hbm:s0], s1  }
0xcb: {  	s0 =	simm.s32 @!p0 $0x3  }
0xcc: {  	_ =	swait.ge @!p0 [sflag:s0], s1  }
0xcd: {  	s1 =	ssub.s32 @!p0 $0x0, s1;
	[sflag:s0] =	ssyncset.done @!p0 $0x0  }
0xce: {  	[sflag:s0] =	ssyncadd.s32 @!p0 s1  }
0xcf: {  	[bflag:$0x3] =	sbarrier.arrive $0xFFFF  }
0xd0: {  	_ =	shalt  }

// kernel: kernel.9.cloned.1.call-start
scs
__scs_entry_jumppad:
0x0: {  	(pc) =	sbr.rel $0x88, $3  }
0x1: {  	(tag) =	ssettag $0x0;
	lr =	simm.s32 $0x1  }
0x2: {  	[smem:$0x3F93] =	sst lr;
	_ =	strace $0xD0000000  }
0x3: {  	_ = 	snop  }
0x4: {  	_ = 	snop  }
0x5: {  	_ = 	snop  }
0x6: {  	_ = 	snop  }
0x7: {  	_ = 	snop  }
__scs_overlays_trampoline_lowered:
0x8: {  	[smem:$0x3FA2] =	sst s0  }
0x9: {  	[smem:$0x3FA3] =	sst s1  }
0xa: {  	[smem:$0x3FA4] =	sst s2  }
0xb: {  	[smem:$0x3FA5] =	sst s3  }
0xc: {  	[smem:$0x3FA6] =	sst s4  }
0xd: {  	[smem:$0x3FA7] =	sst s5  }
0xe: {  	[smem:$0x3FA8] =	sst s6  }
0xf: {  	[smem:$0x3FA9] =	sst s7  }
0x10: {  	[smem:$0x3FAA] =	sst s8  }
0x11: {  	[smem:$0x3FAB] =	sst s9;
	s0 =	simm.s32 @!p0 $0x0  }
0x12: {  	s1 =	sld [smem:$0x3F91];
	s0 =	simm.s32 @p0 $0x1  }
0x13: {  	[smem:$0x3FAC] =	sst s0;
	s0 =	simm.s32 @!p1 $0x0  }
0x14: {  	s2 =	sld [smem:$0x3F90];
	s0 =	simm.s32 @p1 $0x1  }
0x15: {  	[smem:$0x3FAD] =	sst s0;
	s0 =	simm.s32 @!p2 $0x0  }
0x16: {  	s3 =	sld [smem:$0x3FDB];
	s0 =	simm.s32 @p2 $0x1  }
0x17: {  	s4 =	simm.s32 $0x1BF5;
	[smem:$0x3FAF] =	sst s0  }
0x18: {  	s0 =	sld [smem:$0x3F92];
	_ =	swait.ge [sflag:s4], $0x0  }
0x19: {  	s7 =	sld [smem:$0x3F93]  }
0x1a: {  	s8 =	sadd.s32 $0xFFFFE003, lr  }
0x1b: {  	s9 =	sadd.s32 $0xFFFFFEF7, lr;
	s5 =	simm.s32 $0xFFFFFFFF;
	p2 =	slt.u32 s8, $0xFFFFF086  }
0x1c: {  	p1 =	slt.u32 s9, $0xF7A;
	s5 =	simm.s32 @!p2 $0x0  }
0x1d: {  	s5 =	simm.s32 @p1 $0x1;
	p0 =	seq.s32 s7, s2  }
0x1e: {  	s7 =	smul.u32 @!p0 $0xF7A, s2;
	p2 =	seq.s32 @!p0 s5, $0x0  }
0x1f: {  	s9 =	smul.u32 $0xF7A, s1;
	s8 =	simm.s32 @!p0 $0x1BF5;
	p2 =	por !p2, p0  }
0x20: {  	[sflag:s8] =	ssyncset.s32 @!p0 $0xFFFFF086;
	s6 =	sadd.s32 @!p0 s3, s7;
	s7 =	simm.s32 @!p0 $0x108  }
0x21: {  	s3 =	sadd.s32 s3, s9;
	s6 =	sadd.s32 @!p0 $0x88, s6;
	s7 =	simm.s32 @p2 $0x1082  }
0x22: {  	[simem:s7], [sflag:s8] =	dma.local @!p0 [hbm:s6], $0xF7A  }
0x23: {  	s9 =	sor.u32 $0xD0000000, s2;
	s6 =	simm.s32 $0x108;
	_ =	swait.ge @!p0 [sflag:s8], $0x0  }
0x24: {  	s3 =	sadd.s32 $0x88, s3;
	s6 =	simm.s32 @!p1 $0x1082;
	[sflag:s4] =	ssyncset.s32 $0xFFFFF086  }
0x25: {  	[simem:s6], [sflag:s4] =	dma.local [hbm:s3], $0xF7A  }
0x26: {  	[smem:$0x3F93] =	sst s1;
	(tag) =	ssettag s2;
	_ =	strace s9  }
0x27: {  	s1 =	sld [smem:$0x3FA3]  }
0x28: {  	s2 =	sld [smem:$0x3FA4]  }
0x29: {  	s4 =	sld [smem:$0x3FA6]  }
0x2a: {  	p0 =	seq.s32 s5, $0x0;
	s5 =	sld [smem:$0x3FA7]  }
0x2b: {  	s6 =	sld [smem:$0x3FA8]  }
0x2c: {  	s7 =	sld [smem:$0x3FA9]  }
0x2d: {  	s3 =	simm.s32 $0x108;
	s8 =	sld [smem:$0x3FAA]  }
0x2e: {  	s3 =	simm.s32 @!p0 $0x1082;
	s9 =	sld [smem:$0x3FAB]  }
0x2f: {  	lr =	sadd.s32 s0, s3;
	s0 =	sld [smem:$0x3FA2]  }
0x30: {  	s3 =	sld [smem:$0x3FA5]  }
0x31: {  	[smem:$0x3FAE] =	sst s10  }
0x32: {  	s10 =	sld [smem:$0x3FAC];
	_ =	sdelay $0x3  }
0x33: {  	p0 =	seq.s32 s10, $0x1;
	s10 =	sld [smem:$0x3FAE];
	_ =	sdelay $0x3  }
0x34: {  	[smem:$0x3FAE] =	sst s10  }
0x35: {  	s10 =	sld [smem:$0x3FAD];
	_ =	sdelay $0x3  }
0x36: {  	p1 =	seq.s32 s10, $0x1;
	s10 =	sld [smem:$0x3FAE];
	_ =	sdelay $0x3  }
0x37: {  	[smem:$0x3FAE] =	sst s10  }
0x38: {  	s10 =	sld [smem:$0x3FAF]  }
0x39: {  	_ = 	snop;
	(pc) =	sbr.ind lr, $3  }
0x3a: {  	_ = 	snop  }
0x3b: {  	_ = 	snop  }
0x3c: {  	p2 =	seq.s32 s10, $0x1;
	s10 =	sld [smem:$0x3FAE]  }
0x3d: {  	_ =	shalt  }
0x3e: {  	_ =	shalt  }
0x3f: {  	_ =	shalt  }
0x40: {  	_ =	shalt  }
0x41: {  	_ =	shalt  }
0x42: {  	_ =	shalt  }
0x43: {  	_ =	shalt  }
0x44: {  	_ =	shalt  }
0x45: {  	_ =	shalt  }
0x46: {  	_ =	shalt  }
0x47: {  	_ =	shalt  }
0x48: {  	_ =	shalt  }
0x49: {  	_ =	shalt  }
0x4a: {  	_ =	shalt  }
0x4b: {  	_ =	shalt  }
0x4c: {  	_ =	shalt  }
0x4d: {  	_ =	shalt  }
0x4e: {  	_ =	shalt  }
0x4f: {  	_ =	shalt  }
0x50: {  	_ =	shalt  }
0x51: {  	_ =	shalt  }
0x52: {  	_ =	shalt  }
0x53: {  	_ =	shalt  }
0x54: {  	_ =	shalt  }
0x55: {  	_ =	shalt  }
0x56: {  	_ =	shalt  }
0x57: {  	_ =	shalt  }
0x58: {  	_ =	shalt  }
0x59: {  	_ =	shalt  }
0x5a: {  	_ =	shalt  }
0x5b: {  	_ =	shalt  }
0x5c: {  	_ =	shalt  }
0x5d: {  	_ =	shalt  }
0x5e: {  	_ =	shalt  }
0x5f: {  	_ =	shalt  }
0x60: {  	_ =	shalt  }
0x61: {  	_ =	shalt  }
0x62: {  	_ =	shalt  }
0x63: {  	_ =	shalt  }
0x64: {  	_ =	shalt  }
0x65: {  	_ =	shalt  }
0x66: {  	_ =	shalt  }
0x67: {  	_ =	shalt  }
0x68: {  	_ =	shalt  }
0x69: {  	_ =	shalt  }
0x6a: {  	_ =	shalt  }
0x6b: {  	_ =	shalt  }
0x6c: {  	_ =	shalt  }
0x6d: {  	_ =	shalt  }
0x6e: {  	_ =	shalt  }
0x6f: {  	_ =	shalt  }
0x70: {  	_ =	shalt  }
0x71: {  	_ =	shalt  }
0x72: {  	_ =	shalt  }
0x73: {  	_ =	shalt  }
0x74: {  	_ =	shalt  }
0x75: {  	_ =	shalt  }
0x76: {  	_ =	shalt  }
0x77: {  	_ =	shalt  }
0x78: {  	_ =	shalt  }
0x79: {  	_ =	shalt  }
0x7a: {  	_ =	shalt  }
0x7b: {  	_ =	shalt  }
0x7c: {  	_ =	shalt  }
0x7d: {  	_ =	shalt  }
0x7e: {  	_ =	shalt  }
0x7f: {  	_ =	shalt  }
0x80: {  	_ =	shalt  }
0x81: {  	_ =	shalt  }
0x82: {  	_ =	shalt  }
0x83: {  	_ =	shalt  }
0x84: {  	_ =	shalt  }
0x85: {  	_ =	shalt  }
0x86: {  	_ =	shalt  }
0x87: {  	_ =	shalt  }
.Lfunc_end0:
.L_simem_size_0:
called_computation_lowered:
.L_overlay_start_0:
0x88: {  	s2 =	sld [smem:$0x3FD9]  }
0x89: {  	s3 =	sld [smem:$0x3FFE];
	_ =	sdelay $0x1  }
0x8a: {  	s1 =	srdreg.scid  }
0x8b: {  	s0 =	sand.u32 $0x1, s1  }
0x8c: {  	s17 =	sshll.u32 s0, $0xA;
	s2 =	sadd.s32 s3, s2  }
0x8d: {  	s2 =	sadd.s32 s2, s17  }
0x8e: {  	[smem:$0x3FBA] =	sst s2  }
0x8f: {  	_ = 	snop  }
0x90: {  	s2 =	sld [smem:$0x3FC9];
	(tm) =	ssettm $0x1  }
0x91: {  	s18 =	sld [smem:$0x3FFB];
	_ =	sdelay $0x3  }
0x92: {  	_ =	strace s18  }
0x93: {  	s3 =	sld [smem:$0x3FFC];
	_ =	sdelay $0x3  }
0x94: {  	_ =	strace s3  }
0x95: {  	s3 =	sld [smem:$0x3FFD];
	_ =	sdelay $0x3  }
0x96: {  	_ =	strace s3  }
0x97: {  	_ =	strace $0x8FFFFFFF  }
0x98: {  	s19 =	sld [smem:$0x3FDB];
	_ =	sdelay $0x1  }
0x99: {  	s4 =	simm.s32 $_scs_section_size  }
0x9a: {  	s5 =	simm.s32 $_size__tile_overlayer_lowered;
	s6 =	simm.s32 $_tile_overlayer_lowered  }
0x9b: {  	s22 =	simm.s32 $0x1BFF;
	s21 =	sshll.u32 s6, $0x1;
	s3 =	sadd.s32 s4, s19  }
0x9c: {  	s7 =	simm.s32 $0x0;
	s20 =	sshll.u32 s5, $0x1;
	s5 =	sadd.s32 s21, s3  }
0x9d: {  	[timem:s7], [sflag:s22] =	dma.local [hbm:s5], s20  }
0x9e: {  	_ =	swait.ge [sflag:s22], s20  }
0x9f: {  	s4 =	ssub.s32 $0x0, s20;
	[sflag:s22] =	ssyncset.done $0x0  }
0xa0: {  	[sflag:s22] =	ssyncadd.s32 s4;
	_ =	sdelay $0x1  }
0xa1: {  	s23 =	simm.s32 $0x1B8B  }
0xa2: {  	_ =	swait.ge [sflag:s23], $0x1  }
0xa3: {  	[sflag:s23] =	ssyncset.done $0x0  }
0xa4: {  	s25 =	simm.s32 $0x1B8E;
	s24 =	sld [smem:$0x3FFE];
	[sflag:s23] =	ssyncadd.s32 $0xFFFFFFFF  }
0xa5: {  	s26 =	simm.s32 $execute0_lowered;
	[smem:$0x3FD2] =	sst s25  }
0xa6: {  	s5 =	sshll.u32 s26, $0x1;
	_ =	strace $0x80000046;
	[dreg:$0x1] =	wrdreg $0xFFFFFFFF  }
0xa7: {  	s28 =	simm.s32 $_size_execute0_lowered;
	s3 =	sadd.s32 s3, s5;
	[dreg:$0x0] =	wrdreg $0x0  }
0xa8: {  	s5 =	sshll.u32 s28, $0x1;
	[dreg:$0x2] =	wrdreg s3  }
0xa9: {  	[dreg:$0x3] =	wrdreg s5  }
0xaa: {  	[dreg:$0x4] =	wrdreg $0xC0  }
0xab: {  	_ =	task [dreg:s7], $0x5FFFF  }
0xac: {  	[dreg:$0x1] =	wrdreg $0xFFFFFFFF  }
0xad: {  	[dreg:$0x0] =	wrdreg $0x60  }
0xae: {  	[dreg:$0x2] =	wrdreg s2  }
0xaf: {  	[dreg:$0x3] =	wrdreg s24  }
0xb0: {  	[dreg:$0x4] =	wrdreg $0x9  }
0xb1: {  	_ =	task.clear_ibuf [dreg:s7], $0x5FFFF;
	_ =	strace $0x90000046  }
0xb2: {  	s29 =	simm.s32 $0x9;
	_ =	strace $0x80000048  }
0xb3: {  	_ =	swait.ge [sflag:s29], $0x1  }
0xb4: {  	[sflag:s29] =	ssyncadd.s32 $0xFFFFFFFF  }
0xb5: {  	_ =	strace $0x90000048  }
0xb6: {  	_ =	sfence  }
0xb7: {  	s30 =	sld [smem:$0x0];
	_ =	sdelay $0x2  }
0xb8: {  	s31 =	sshll.u32 s1, $0xD;
	s1 =	sshrl.u32 s1, $0x2  }
0xb9: {  	s3 =	sand.u32 $0x4000, s31;
	s1 =	sadd.s32 s1, s30  }
0xba: {  	s0 =	sor.u32 s3, s0;
	s1 =	sshll.u32 s1, $0x11  }
0xbb: {  	s0 =	sor.u32 s1, s0  }
0xbc: {  	s0 =	sadd.s32 $0x8F2B, s0  }
0xbd: {  	[sflag:s0] =	ssyncadd.remote.s32 $0x1  }
0xbe: {  	_ =	sfence.sel $0xFFFF  }
0xbf: {  	[dreg:$0x0] =	wrdreg $0xFFFFFFFF;
	(pc) =	sbr.abs _section_cstart, $3  }
0xc0: {  	[dreg:$0x1] =	wrdreg $0xFFFFFFFF  }
0xc1: {  	_ =	task.clear_ibuf [dreg:s7], $0x2FFFF;
	_ =	strace $0x9FFFFFFF  }
0xc2: {  	(tm) =	ssettm $0x7FFFFFFF  }
0xc3: {  	_ =	shalt  }
tec
execute0_lowered:
.L_overlay_start_1:
0x0: {  	(tag) =	ssettag $0x1  }
0x1: {  	s2 =	rddreg [dreg:$0x0];
	s1 =	srdreg.scid  }
0x2: {  	s0 =	stileid.u32;
	s6 =	rddreg [dreg:$0x1];
	s3 =	simm.s32 $0x0  }
0x3: {  	s10 =	simm.s32 $0x6400;
	s11 =	simm.s32 $0x9680;
	s12 =	simm.s32 $0x80  }
0x4: {  	s14 =	simm.s32 $0x10900;
	s7 =	sand.u32 $0x1, s1;
	s4 =	sshll.u32 s0, $0x1  }
0x5: {  	s15 =	simm.s32 $0x2;
	s17 =	simm.s32 $0x3;
	s4 =	sor.u32 s7, s4  }
0x6: {  	s18 =	simm.s32 $0x0;
	s1 =	rddreg [dreg:$0x2];
	s8 =	smul.u32 $0x1400, s4  }
0x7: {  	[smem:$0x7FF] =	sst s3;
	s7 =	ssub.s32 $0x2, s7;
	s13 =	smul.u32 $0x140, s4  }
.Ltmp0:
0x8: {  	s5 =	sadd.s32 $0x3200, s6;
	s31 =	sshrl.u32 s7, $0x1;
	(pc) =	sbr.rel .LBB2_1-.Ltmp0, $4  }
0x9: {  	_ =	strace $0x80000047;
	s4 =	sadd.s32 $0xD000, s6;
	s7 =	ssub.s32 s7, s31  }
0xa: {  	s6 =	sadd.s32 s8, s6;
	s9 =	smin.u32 s13, $0x25D0;
	s7 =	smax.u32 s7, $0x1  }
0xb: {  	s8 =	simm.s32 $0x3200;
	v0 =	vmov s13;
	s13 =	simm.s32 $0xC900;
	s16 =	sadd.s32 $0x140, s9  }
0xc: {  	v2 =	vimm.f32 $-Inf;
	v3 =	vimm.s32 $0x0;
	s6 =	sadd.s32 $0x16E00, s6;
	s9 =	simm.s32 $0x1;
	v1 =	vmov s16;
	s16 =	simm.s32 $0x14900  }
.LBB2_16:
0xd: {  	s18 =	sadd.s32 $0x1, s18  }
0xe: {  	p0 =	sne.s32 s18, s7  }
.Ltmp1:
0xf: {  	_ = 	snop;
	(pc) =	sbr.rel @!p0 .LBB2_17-.Ltmp1, $4  }
0x10: {  	[hbm4b:s6+s3] =	stream.linear.scatter [tilespmem:s16], [sflag:$0x3], $0xA000, $0x38;
	[tilespmem:$0x1E900] =	vst v63  }
0x11: {  	_ =	swait.ge [sflag:s17], $0xA000  }
0x12: {  	[sflag:s17] =	ssyncset.done $0x0  }
0x13: {  	[sflag:s17] =	ssyncadd.s32 $0xFFFF6000  }
.LBB2_1:
0x14: {  	s20 =	simm.s32 $0x0;
	s19 =	simm.s32 $0x200  }
.LBB2_2:
0x15: {  	p0 =	sne.s32 s19, $0x27E00;
	[tilespmem:s20+$0x14970] =	vst v2  }
0x16: {  	[tilespmem:s20+$0x14900] =	vst v2  }
0x17: {  	[tilespmem:s20+$0x14910] =	vst v2  }
.Ltmp2:
0x18: {  	[tilespmem:s20+$0x14920] =	vst v2;
	(pc) =	sbr.rel @p0 .LBB2_2-.Ltmp2, $4  }
0x19: {  	[tilespmem:s20+$0x14930] =	vst v2  }
0x1a: {  	[tilespmem:s20+$0x14940] =	vst v2  }
0x1b: {  	[tilespmem:s20+$0x14950] =	vst v2  }
0x1c: {  	[tilespmem:s20+$0x14960] =	vst v2;
	s20 =	sshra.s32 s19, $0x2;
	s19 =	sadd.s32 $0x200, s19  }
0x1d: {  	[tilespmem:s20+$0x14970] =	vst v2  }
0x1e: {  	[tilespmem:s20+$0x14900] =	vst v2  }
0x1f: {  	[tilespmem:s20+$0x14910] =	vst v2  }
0x20: {  	[tilespmem:s20+$0x14920] =	vst v2  }
0x21: {  	[tilespmem:s20+$0x14930] =	vst v2  }
0x22: {  	[tilespmem:s20+$0x14940] =	vst v2  }
0x23: {  	[tilespmem:s20+$0x14950] =	vst v2  }
0x24: {  	s19 =	simm.s32 $0x0;
	[tilespmem:s20+$0x14960] =	vst v2;
	s20 =	simm.s32 $0x40;
	s21 =	simm.s32 $0x0  }
.LBB2_4:
0x25: {  	p0 =	sne.s32 s20, $0xC800;
	[tilespmem:s21+$0x6400] =	vst v3;
	s21 =	smov.u32 s20;
	s20 =	sadd.s32 $0x40, s20  }
.Ltmp3:
0x26: {  	(pc) =	sbr.rel @p0 .LBB2_4-.Ltmp3, $2  }
0x27: {  	_ =	sdelay $0x2  }
0x28: {  	s21 =	sshra.s32 s21, $0x2  }
.Ltmp4:
0x29: {  	(pc) =	sbr.rel .LBB2_6-.Ltmp4, $2  }
0x2a: {  	_ =	sdelay $0x2  }
0x2b: {  	[tilespmem:s21+$0x6400] =	vst v3  }
.LBB2_15:
0x2c: {  	s19 =	sadd.s32 $0x1, s19  }
0x2d: {  	p0 =	sne.s32 s19, $0x19  }
.Ltmp5:
0x2e: {  	_ = 	snop;
	(pc) =	sbr.rel @!p0 .LBB2_16-.Ltmp5, $1  }
0x2f: {  	_ =	sdelay $0x3  }
.LBB2_6:
0x30: {  	s21 =	smul.u32 $0x640, s19;
	_ =	sdelay $0x1  }
0x31: {  	s20 =	simm.s32 $0x0;
	s22 =	sadd.s32 s5, s21  }
0x32: {  	[tilespmem:s20], [sflag:$0x1] =	stream.linear.gather [hbm4b:s22+s20], $0x3200, $0x38;
	[tilespmem:$0x1E900] =	vst v63  }
0x33: {  	s21 =	sadd.s32 s4, s21  }
0x34: {  	[tilespmem:s8], [sflag:$0x1] =	stream.linear.gather [hbm4b:s21+s20], $0x3200, $0x38;
	[tilespmem:$0x1E900] =	vst v63  }
0x35: {  	_ =	swait.ge [sflag:s9], $0x3200  }
0x36: {  	[sflag:s9] =	ssyncset.done $0x0  }
0x37: {  	[sflag:s9] =	ssyncadd.s32 $0xFFFFCE00  }
0x38: {  	_ =	swait.ge [sflag:s9], $0x3200  }
0x39: {  	[sflag:s9] =	ssyncset.done $0x0  }
0x3a: {  	s31 =	simm.s32 $0x0;
	[sflag:s9] =	ssyncadd.s32 $0xFFFFCE00  }
0x3b: {  	v4 =	vld [tilespmem:s31+$0x0];
	_ =	sdelay $0x4  }
0x3c: {  	vm0 =	vge.s32 v4, v0;
	vm1 =	vlt.s32 v4, v1  }
0x3d: {  	vm0 =	vmand vm0, vm1  }
0x3e: {  	v5 =	vmpcnt.ones.xlane vm0  }
0x3f: {  	v6 =	vsel vm0, $0x1, v3  }
0x40: {  	(xrf0) =	vadd.scan.msk.s32 $0xffff, v6;
	(v2sf) =	vpush v5, $0x0;
	_ =	sdelay $0x2  }
0x41: {  	v5 =	vmov s20  }
0x42: {  	v5 =	vadd.s32 $0xFFFFFFFF, v5  }
0x43: {  	v5 =	vbroadcast v5, $0x0  }
0x44: {  	v6, _, _ =	vpop (xrf0)  }
0x45: {  	v7 =	vld [tilespmem:s31+$0x3200];
	v5 =	vadd.s32 v6, v5;
	_ =	sdelay $0x4  }
0x46: {  	v4 =	vsub.s32 v4, v0;
	[tilespmem:v5+s10+$0x0] =	vst.idx.msk vm0, v7  }
0x47: {  	s21 =	simm.s32 $0x10;
	[tilespmem:v5+s11+$0x0] =	vst.idx.msk vm0, v4  }
0x48: {  	v4 =	vld [tilespmem:s21+$0x0]  }
0x49: {  	s22 =	simm.s32 $0x80;
	s23 =	spop (v2sf)  }
.LBB2_7:
0x4a: {  	p0 =	sne.s32 s22, $0xC7C0  }
0x4b: {  	s20 =	sadd.s32 s20, s23;
	s23 =	smov.u32 s22;
	s22 =	sadd.s32 $0x40, s22  }
0x4c: {  	v5 =	vmov s20  }
0x4d: {  	vm0 =	vge.s32 v4, v0;
	vm1 =	vlt.s32 v4, v1;
	v5 =	vadd.s32 $0xFFFFFFFF, v5  }
0x4e: {  	vm0 =	vmand vm0, vm1  }
0x4f: {  	v6 =	vsel vm0, $0x1, v3;
	v7 =	vmpcnt.ones.xlane vm0  }
0x50: {  	(xrf0) =	vadd.scan.msk.s32 $0xffff, v6  }
0x51: {  	(v2sf) =	vpush v7, $0x0;
	_ =	sdelay $0x3  }
0x52: {  	v5 =	vbroadcast v5, $0x0  }
0x53: {  	v6, _, _ =	vpop (xrf0)  }
0x54: {  	v7 =	vld [tilespmem:s21+$0x3200];
	v5 =	vadd.s32 v6, v5;
	_ =	sdelay $0x4  }
.Ltmp6:
0x55: {  	v4 =	vsub.s32 v4, v0;
	[tilespmem:v5+s10+$0x0] =	vst.idx.msk vm0, v7;
	(pc) =	sbr.rel @p0 .LBB2_7-.Ltmp6, $3  }
0x56: {  	s21 =	sshra.s32 s23, $0x2;
	[tilespmem:v5+s11+$0x0] =	vst.idx.msk vm0, v4  }
0x57: {  	v4 =	vld [tilespmem:s21+$0x0];
	_ =	sdelay $0x1  }
0x58: {  	s23 =	spop (v2sf)  }
0x59: {  	_ =	sdelay $0x1  }
0x5a: {  	vm0 =	vge.s32 v4, v0;
	vm1 =	vlt.s32 v4, v1  }
0x5b: {  	vm0 =	vmand vm0, vm1  }
0x5c: {  	v5 =	vmpcnt.ones.xlane vm0;
	_ =	sdelay $0x1  }
0x5d: {  	(v2sf) =	vpush v5, $0x0;
	_ =	sdelay $0xe  }
0x5e: {  	s22 =	sadd.s32 s20, s23;
	v5 =	vsel vm0, $0x1, v3;
	s23 =	spop (v2sf)  }
0x5f: {  	(xrf0) =	vadd.scan.msk.s32 $0xffff, v5;
	s20 =	sadd.s32 s22, s23  }
0x60: {  	s24 =	sadd.s32 $0xFF, s20  }
0x61: {  	s25 =	sand.u32 $0xFF, s24  }
0x62: {  	v5 =	vmov s22;
	s31 =	sshra.s32 s24, $0x1F;
	p1 =	slt.s32 s24, $0x1;
	p0 =	sne.s32 s25, $0x0  }
0x63: {  	v7 =	vld [tilespmem:s21+$0x3200];
	v5 =	vadd.s32 $0xFFFFFFFF, v5;
	s21 =	sshrl.u32 s31, $0x18;
	p0 =	por !p1, !p0  }
0x64: {  	v5 =	vbroadcast v5, $0x0;
	s21 =	sadd.s32 s21, s24;
	s24 =	simm.s32 $0x1;
	p0 =	por !p0, !p0  }
0x65: {  	v6, _, _ =	vpop (xrf0);
	s21 =	sshra.s32 s21, $0x8;
	s24 =	simm.s32 @!p0 $0x0  }
0x66: {  	v5 =	vadd.s32 v6, v5;
	s21 =	ssub.s32 s21, s24  }
0x67: {  	p0 =	slt.s32 s21, $0x1  }
.Ltmp7:
0x68: {  	_ = 	snop;
	(pc) =	sbr.rel @p0 .LBB2_15-.Ltmp7, $3  }
0x69: {  	_ =	sdelay $0x1  }
0x6a: {  	v4 =	vsub.s32 v4, v0;
	[tilespmem:v5+s10+$0x0] =	vst.idx.msk vm0, v7  }
0x6b: {  	[tilespmem:v5+s11+$0x0] =	vst.idx.msk vm0, v4  }
.Ltmp8:
0x6c: {  	(pc) =	sbr.rel .LBB2_10-.Ltmp8, $3  }
0x6d: {  	_ =	sdelay $0x1  }
0x6e: {  	s22 =	sadd.s32 s22, s23;
	s23 =	simm.s32 $0x100  }
0x6f: {  	s24 =	simm.s32 $0x0;
	s25 =	simm.s32 $0x9680;
	s26 =	simm.s32 $0x0  }
.LBB2_13:
0x70: {  	[tilespmem:s29+$0x14970] =	vst v4  }
.LBB2_14:
0x71: {  	s26 =	sadd.s32 $0x1, s26  }
0x72: {  	p0 =	sne.s32 s26, s21  }
.Ltmp9:
0x73: {  	_ = 	snop;
	(pc) =	sbr.rel @!p0 .LBB2_15-.Ltmp9, $2  }
0x74: {  	_ =	sdelay $0x2  }
0x75: {  	s23 =	sadd.s32 $0x100, s23;
	s24 =	sadd.s32 $0xFFFFFF00, s24;
	s25 =	sadd.s32 $0x100, s25  }
.LBB2_10:
0x76: {  	s28 =	sshll.u32 s26, $0x8  }
0x77: {  	s29 =	sadd.s32 $0x6400, s28  }
0x78: {  	[tilespmem:s13], [sflag:$0x2] =	stream.indirect.gather [hbm4b:s2+s12], $0x80, s29, s12, $0xb8;
	[tilespmem:$0x1E900] =	vst v63  }
0x79: {  	s31 =	sadd.s32 $0x6480, s28  }
0x7a: {  	[tilespmem:s14], [sflag:$0x2] =	stream.indirect.gather [hbm4b:s2+s12], $0x80, s31, s12, $0xb8;
	[tilespmem:$0x1E900] =	vst v63  }
0x7b: {  	p0 =	sle.s32 s20, s28;
	_ =	swait.ge [sflag:s15], $0x4000  }
.Ltmp10:
0x7c: {  	[sflag:s15] =	ssyncset.done $0x0;
	(pc) =	sbr.rel @p0 .LBB2_14-.Ltmp10, $4  }
0x7d: {  	[sflag:s15] =	ssyncadd.s32 $0xFFFFC000  }
0x7e: {  	_ =	swait.ge [sflag:s15], $0x4000  }
0x7f: {  	[sflag:s15] =	ssyncset.done $0x0  }
0x80: {  	[sflag:s15] =	ssyncadd.s32 $0xFFFFC000  }
0x81: {  	v4 =	vld [tilespmem:s25+$0x0];
	_ =	sdelay $0x4  }
0x82: {  	(v2sf) =	vpush v4, $0x0;
	_ =	sdelay $0xe  }
0x83: {  	s29 =	spop (v2sf)  }
0x84: {  	s28 =	simm.s32 $0xC940;
	s29 =	sshll.u32 s29, $0x9  }
0x85: {  	v4 =	vld [tilespmem:s28+$0xFFFFFFC0];
	s29 =	sshra.s32 s29, $0x2  }
0x86: {  	v5 =	vld [tilespmem:s29+$0x14900];
	_ =	sdelay $0x4  }
0x87: {  	v4 =	vmax.f32 v5, v4  }
0x88: {  	[tilespmem:s29+$0x14900] =	vst v4;
	v4 =	vld [tilespmem:s29+$0x14910]  }
0x89: {  	v5 =	vld [tilespmem:s28+$0xFFFFFFD0];
	_ =	sdelay $0x4  }
0x8a: {  	v4 =	vmax.f32 v4, v5  }
0x8b: {  	[tilespmem:s29+$0x14910] =	vst v4;
	v4 =	vld [tilespmem:s29+$0x14920]  }
0x8c: {  	v5 =	vld [tilespmem:s28+$0xFFFFFFE0];
	_ =	sdelay $0x4  }
0x8d: {  	v4 =	vmax.f32 v4, v5  }
0x8e: {  	[tilespmem:s29+$0x14920] =	vst v4;
	v4 =	vld [tilespmem:s29+$0x14930]  }
0x8f: {  	v5 =	vld [tilespmem:s28+$0xFFFFFFF0];
	_ =	sdelay $0x4  }
0x90: {  	v4 =	vmax.f32 v4, v5  }
0x91: {  	[tilespmem:s29+$0x14930] =	vst v4;
	v4 =	vld [tilespmem:s29+$0x14940]  }
0x92: {  	v5 =	vld [tilespmem:s28+$0x0];
	_ =	sdelay $0x4  }
0x93: {  	v4 =	vmax.f32 v4, v5  }
0x94: {  	[tilespmem:s29+$0x14940] =	vst v4;
	v4 =	vld [tilespmem:s29+$0x14950]  }
0x95: {  	v5 =	vld [tilespmem:s28+$0x10];
	_ =	sdelay $0x4  }
0x96: {  	v4 =	vmax.f32 v4, v5  }
0x97: {  	[tilespmem:s29+$0x14950] =	vst v4;
	v4 =	vld [tilespmem:s29+$0x14960]  }
0x98: {  	v5 =	vld [tilespmem:s28+$0x20];
	_ =	sdelay $0x3  }
0x99: {  	p0 =	slt.s32 s23, s22;
	s30 =	smov.u32 s22  }
0x9a: {  	s30 =	smov.u32 @p0 s23;
	v4 =	vmax.f32 v4, v5  }
0x9b: {  	s30 =	sadd.s32 s24, s30;
	[tilespmem:s29+$0x14960] =	vst v4;
	v4 =	vld [tilespmem:s29+$0x14970]  }
0x9c: {  	p0 =	sne.s32 s30, $0x1;
	v5 =	vld [tilespmem:s28+$0x30]  }
.Ltmp11:
0x9d: {  	_ = 	snop;
	(pc) =	sbr.rel @!p0 .LBB2_13-.Ltmp11, $2  }
0x9e: {  	_ =	sdelay $0x2  }
0x9f: {  	s31 =	smov.u32 s25;
	s30 =	sadd.s32 $0xFFFFFFFF, s30;
	v4 =	vmax.f32 v4, v5  }
.LBB2_12:
0xa0: {  	p0 =	sne.s32 s30, $0x1;
	[tilespmem:s29+$0x14970] =	vst v4;
	s31 =	sadd.s32 $0x1, s31;
	s28 =	sadd.s32 $0x80, s28  }
0xa1: {  	s30 =	sadd.s32 $0xFFFFFFFF, s30;
	v4 =	vld [tilespmem:s31+$0x0];
	_ =	sdelay $0x4  }
0xa2: {  	(v2sf) =	vpush v4, $0x0;
	_ =	sdelay $0xe  }
0xa3: {  	s29 =	spop (v2sf)  }
0xa4: {  	s29 =	sshll.u32 s29, $0x9  }
0xa5: {  	s29 =	sshra.s32 s29, $0x2;
	v4 =	vld [tilespmem:s28+$0xFFFFFFC0]  }
0xa6: {  	v5 =	vld [tilespmem:s29+$0x14900];
	_ =	sdelay $0x4  }
0xa7: {  	v4 =	vmax.f32 v5, v4  }
0xa8: {  	[tilespmem:s29+$0x14900] =	vst v4;
	v4 =	vld [tilespmem:s29+$0x14910]  }
0xa9: {  	v5 =	vld [tilespmem:s28+$0xFFFFFFD0];
	_ =	sdelay $0x4  }
0xaa: {  	v4 =	vmax.f32 v4, v5  }
0xab: {  	[tilespmem:s29+$0x14910] =	vst v4;
	v4 =	vld [tilespmem:s29+$0x14920]  }
0xac: {  	v5 =	vld [tilespmem:s28+$0xFFFFFFE0];
	_ =	sdelay $0x4  }
0xad: {  	v4 =	vmax.f32 v4, v5  }
0xae: {  	[tilespmem:s29+$0x14920] =	vst v4;
	v4 =	vld [tilespmem:s29+$0x14930]  }
0xaf: {  	v5 =	vld [tilespmem:s28+$0xFFFFFFF0];
	_ =	sdelay $0x4  }
0xb0: {  	v4 =	vmax.f32 v4, v5  }
0xb1: {  	[tilespmem:s29+$0x14930] =	vst v4;
	v4 =	vld [tilespmem:s29+$0x14940]  }
0xb2: {  	v5 =	vld [tilespmem:s28+$0x0];
	_ =	sdelay $0x4  }
0xb3: {  	v4 =	vmax.f32 v4, v5  }
0xb4: {  	[tilespmem:s29+$0x14940] =	vst v4;
	v4 =	vld [tilespmem:s29+$0x14950]  }
0xb5: {  	v5 =	vld [tilespmem:s28+$0x10];
	_ =	sdelay $0x4  }
0xb6: {  	v4 =	vmax.f32 v4, v5  }
0xb7: {  	[tilespmem:s29+$0x14950] =	vst v4;
	v4 =	vld [tilespmem:s29+$0x14960]  }
0xb8: {  	v5 =	vld [tilespmem:s28+$0x20];
	_ =	sdelay $0x4  }
0xb9: {  	v4 =	vmax.f32 v4, v5  }
0xba: {  	[tilespmem:s29+$0x14960] =	vst v4;
	v4 =	vld [tilespmem:s29+$0x14970]  }
0xbb: {  	v5 =	vld [tilespmem:s28+$0x30]  }
.Ltmp12:
0xbc: {  	(pc) =	sbr.rel @p0 .LBB2_12-.Ltmp12, $2  }
0xbd: {  	_ =	sdelay $0x2  }
0xbe: {  	v4 =	vmax.f32 v4, v5  }
.Ltmp13:
0xbf: {  	_ = 	snop;
	(pc) =	sbr.rel .LBB2_13-.Ltmp13, $1  }
0xc0: {  	_ =	sdelay $0x3  }
.LBB2_17:
0xc1: {  	_ =	sfence.sel $0x180000  }
0xc2: {  	[bflag:$0x0] =	sbarrier.arrive $0xFFFF  }
0xc3: {  	p0 =	sne.s32 s0, $0x0;
	_ =	strace $0x90000047  }
0xc4: {  	s0 =	sadd.s32 @!p0 $0x100000, s1;
	[bflag:$0x2] =	sbarrier.arrive $0xFFFF  }
0xc5: {  	[sflag:s0] =	ssyncadd.tile.s32 @!p0 $0x1;
	_ =	shalt  }
.Lfunc_end2:
_tile_overlayer_lowered:
.L_overlay_start_2:
0xc6: {  	(tag) =	ssettag $0x2  }
0xc7: {  	s0 =	rddreg [dreg:$0x0];
	s2 =	stileid.u32  }
0xc8: {  	s1 =	rddreg [dreg:$0x1];
	p0 =	sne.s32 s2, $0x0  }
0xc9: {  	s3 =	rddreg [dreg:$0x2];
	[bflag:$0x3] =	sbarrier.arrive $0xFFFF;
	s2 =	simm.s32 @!p0 $0x1C03  }
0xca: {  	[timem:s3], [sflag:s2] =	dma.local @!p0 [hbm:s0], s1  }
0xcb: {  	s0 =	simm.s32 @!p0 $0x3  }
0xcc: {  	_ =	swait.ge @!p0 [sflag:s0], s1  }
0xcd: {  	s1 =	ssub.s32 @!p0 $0x0, s1;
	[sflag:s0] =	ssyncset.done @!p0 $0x0  }
0xce: {  	[sflag:s0] =	ssyncadd.s32 @!p0 s1  }
0xcf: {  	[bflag:$0x3] =	sbarrier.arrive $0xFFFF  }
0xd0: {  	_ =	shalt  }

</sc_bundles>
